<compile_context>
chip_gen: v7x
topology: tpu7x:2x2x1
jax: 0.10.2.dev20260603
libtpu: 0.0.44.dev20260713+nightly
codegen_flags: <defaults>
</compile_context>

<pallas_src>
import functools
import math

import jax
import jax.numpy as jnp
from jax import lax
from jax.experimental import pallas as pl
from jax.experimental.pallas import tpu as pltpu
from jax.experimental.pallas import tpu_sc as plsc

_NC = 2
_NS = 16
_NW = _NC * _NS
_BLK = 64
_ROWB = 1000
_BCAST_DNUMS = lax.GatherDimensionNumbers(
    offset_dims=(), collapsed_slice_dims=(0,), start_index_map=(0,))


def _leaky(x):
    return jnp.where(x >= 0, x, 0.01 * x)



def _proj(h, wq, bq, wk, bk, wv, bv, wsk, bsk, we2,
          qx_o, qe_o, k_o, v_o, sk_o, d):
    q = jnp.dot(h, wq[...], preferred_element_type=jnp.float32) + bq[...]
    qx_o[...] = q.astype(jnp.bfloat16)
    qe_o[...] = lax.dot_general(q, we2[...], (((1,), (1,)), ((), ())),
                                preferred_element_type=jnp.float32)
    k_o[...] = (jnp.dot(h, wk[...], preferred_element_type=jnp.float32)
                + bk[...]).astype(jnp.bfloat16)
    v_o[...] = jnp.dot(h, wv[...], preferred_element_type=jnp.float32) + bv[...]
    sk_o[...] = jnp.dot(h, wsk[...], preferred_element_type=jnp.float32) + bsk[...]


def _tc_pre_body(x_ref, wq, bq, wk, bk, wv, bv, wsk, bsk, we,
                 qx_o, qe_o, k_o, v_o, sk_o):
    d = x_ref.shape[1]
    _proj(x_ref[...], wq, bq, wk, bk, wv, bv, wsk, bsk, we,
          qx_o, qe_o, k_o, v_o, sk_o, d)


def _tc_pre(x, p):
    n, d = x.shape
    hc = p['Wq'].shape[1]
    ed = p['We'].shape[0]
    grid = (n // _ROWB,)
    full = lambda *s: pl.BlockSpec(s, lambda i: (0,) * len(s))
    rb = pl.BlockSpec((_ROWB, d), lambda i: (i, 0))
    out_rb = pl.BlockSpec((_ROWB, hc), lambda i: (i, 0))
    return pl.pallas_call(
        _tc_pre_body,
        grid=grid,
        in_specs=[rb, full(d, hc), full(1, hc), full(d, hc), full(1, hc),
                  full(d, hc), full(1, hc), full(d, hc), full(1, hc),
                  full(ed, hc)],
        out_specs=[out_rb, pl.BlockSpec((_ROWB, ed), lambda i: (i, 0)),
                   out_rb, out_rb, out_rb],
        out_shape=[jax.ShapeDtypeStruct((n, hc), jnp.bfloat16),
                   jax.ShapeDtypeStruct((n, ed), jnp.float32),
                   jax.ShapeDtypeStruct((n, hc), jnp.bfloat16)]
        + [jax.ShapeDtypeStruct((n, hc), jnp.float32)] * 2,
    )(x, p['Wq'], p['bq'].reshape(1, -1), p['Wk'], p['bk'].reshape(1, -1),
      p['Wv'], p['bv'].reshape(1, -1), p['Wskip'], p['bskip'].reshape(1, -1),
      p['We'])


def _combine(acc_ref, sk_ref, we_ref):
    d = sk_ref.shape[1]
    ed = we_ref.shape[0]
    a = acc_ref[0] + acc_ref[1]
    den = a[:, d + ed:d + ed + 1] + 1e-16
    h = (a[:, :d] + jnp.dot(a[:, d:d + ed], we_ref[...],
                            preferred_element_type=jnp.float32)) / den
    return _leaky(h + sk_ref[...])


def _tc_mid_body(acc_ref, sk_ref, we_ref,
                 wq, bq, wk, bk, wv, bv, wsk, bsk, we2,
                 h_o, qx_o, qe_o, k_o, v_o, sk_o):
    h = _combine(acc_ref, sk_ref, we_ref)
    h_o[...] = h
    _proj(h, wq, bq, wk, bk, wv, bv, wsk, bsk, we2,
          qx_o, qe_o, k_o, v_o, sk_o, sk_ref.shape[1])


def _tc_mid(acc, sk, we_prev, p, aw):
    n = sk.shape[0]
    d = sk.shape[1]
    hc = p['Wq'].shape[1]
    ed = we_prev.shape[0]
    grid = (n // _ROWB,)
    full = lambda *s: pl.BlockSpec(s, lambda i: (0,) * len(s))
    rb = pl.BlockSpec((_ROWB, d), lambda i: (i, 0))
    out_rb = pl.BlockSpec((_ROWB, hc), lambda i: (i, 0))
    return pl.pallas_call(
        _tc_mid_body,
        grid=grid,
        in_specs=[pl.BlockSpec((_NC, _ROWB, aw), lambda i: (0, i, 0)),
                  rb, full(ed, d),
                  full(d, hc), full(1, hc), full(d, hc), full(1, hc),
                  full(d, hc), full(1, hc), full(d, hc), full(1, hc),
                  full(ed, hc)],
        out_specs=[rb, out_rb, pl.BlockSpec((_ROWB, ed), lambda i: (i, 0)),
                   out_rb, out_rb, out_rb],
        out_shape=[jax.ShapeDtypeStruct((n, d), jnp.float32),
                   jax.ShapeDtypeStruct((n, hc), jnp.bfloat16),
                   jax.ShapeDtypeStruct((n, ed), jnp.float32),
                   jax.ShapeDtypeStruct((n, hc), jnp.bfloat16)]
        + [jax.ShapeDtypeStruct((n, hc), jnp.float32)] * 2,
    )(acc, sk, we_prev, p['Wq'], p['bq'].reshape(1, -1),
      p['Wk'], p['bk'].reshape(1, -1), p['Wv'], p['bv'].reshape(1, -1),
      p['Wskip'], p['bskip'].reshape(1, -1), p['We'])


def _tc_mlp_body(h_ref, w1, b1, w2, b2, y_o):
    h = _leaky(jnp.dot(h_ref[...], w1[...],
                       preferred_element_type=jnp.float32) + b1[...])
    y_o[...] = jnp.dot(h, w2[...], preferred_element_type=jnp.float32) + b2[...]


def _tc_mlp(h, mlp):
    n, d = h.shape
    hid = mlp['W1'].shape[1]
    out = mlp['W2'].shape[1]
    grid = (n // _ROWB,)
    full = lambda *s: pl.BlockSpec(s, lambda i: (0,) * len(s))
    return pl.pallas_call(
        _tc_mlp_body,
        grid=grid,
        in_specs=[pl.BlockSpec((_ROWB, d), lambda i: (i, 0)),
                  full(d, hid), full(1, hid), full(hid, out), full(1, out)],
        out_specs=pl.BlockSpec((_ROWB, out), lambda i: (i, 0)),
        out_shape=jax.ShapeDtypeStruct((n, out), jnp.float32),
    )(h, mlp['W1'], mlp['b1'].reshape(1, -1),
      mlp['W2'], mlp['b2'].reshape(1, -1))



@functools.cache
def _make_edge_kernel(n, d, ed, e, ec_pad):
    nblk = ec_pad // _BLK
    half = n // 2
    aw = d + ed + 8
    rpt = (half // _NS) // 8 * 8
    rem = half - rpt * _NS
    mesh = plsc.VectorSubcoreMesh(core_axis_name="c", subcore_axis_name="s",
                                  num_cores=_NC, num_subcores=_NS)
    inv = 1.0 / math.sqrt(d)

    @functools.partial(
        pl.kernel,
        out_type=jax.ShapeDtypeStruct((_NC, n, aw), jnp.float32),
        mesh=mesh,
        compiler_params=pltpu.CompilerParams(needs_layout_passes=False,
                                             use_tc_tiling_on_sc=False),
        scratch_types=[
            pltpu.VMEM((8, _BLK), jnp.int32),
            pltpu.VMEM((2, _BLK, d), jnp.bfloat16),
            pltpu.VMEM((2, _BLK, ed), jnp.float32),
            pltpu.VMEM((2, _BLK, d), jnp.bfloat16),
            pltpu.VMEM((2, _BLK, d), jnp.float32),
            pltpu.VMEM((2, _BLK, aw), jnp.float32),
            pltpu.VMEM((nblk, _BLK), jnp.float32),
            pltpu.VMEM((16, 17), jnp.float32),
            pltpu.VMEM_SHARED((half, aw), jnp.float32),
            pltpu.SemaphoreType.DMA,
            pltpu.SemaphoreType.DMA,
            pltpu.SemaphoreType.DMA,
            pltpu.SemaphoreType.DMA,
            pltpu.SemaphoreType.DMA,
            pltpu.SemaphoreType.DMA,
            pltpu.SemaphoreType.DMA,
        ],
    )
    def edge_kernel(qx_hbm, qe_hbm, k_hbm, v_hbm, ea_hbm, src_hbm, dst_hbm,
                    zv_hbm, acc_out,
                    idx6, qxr, qer, kr, vr, vw, sbuf, pbuf,
                    acc_sp, smq, smk, smv, smea, smsc, smsi, smdi):
        cid = lax.axis_index("c")
        sid = lax.axis_index("s")
        wid = cid * _NS + sid
        ebase = wid * ec_pad
        lane = lax.iota(jnp.int32, 16)
        zf = jnp.zeros((16,), jnp.float32)
        ngrp = _BLK // 16

        def zrow(i, c):
            p2v = jnp.full((16,), lax.div(i, ngrp), jnp.int32)
            rowi = lax.rem(i, ngrp) * 16 + lane
            for t in range(d + ed + 1, aw):
                plsc.store_scatter(
                    vw, [p2v, rowi, jnp.full((16,), t, jnp.int32)], zf)
            return c
        lax.fori_loop(0, 2 * ngrp, zrow, 0)

        def issue_gathers(jj, p):
            slot = lax.rem(jj, 2)
            isl = lax.rem(jj, 3)
            pltpu.async_copy(v_hbm.at[idx6.at[isl]], vr.at[slot], smv)
            if p == 0:
                pltpu.async_copy(qx_hbm.at[idx6.at[3 + isl]], qxr.at[slot], smq)
                pltpu.async_copy(qe_hbm.at[idx6.at[3 + isl]], qer.at[slot], smq)
                pltpu.async_copy(k_hbm.at[idx6.at[isl]], kr.at[slot], smk)
            pltpu.async_copy(ea_hbm.at[pl.ds(ebase + jj * _BLK, _BLK)],
                             vw.at[slot, :, pl.ds(d, ed)], smea)

        def drain_gathers(p):
            pltpu.make_async_copy(v_hbm.at[pl.ds(0, _BLK)],
                                  vr.at[0], smv).wait()
            if p == 0:
                pltpu.make_async_copy(qx_hbm.at[pl.ds(0, _BLK)],
                                      qxr.at[0], smq).wait()
                pltpu.make_async_copy(qe_hbm.at[pl.ds(0, _BLK)],
                                      qer.at[0], smq).wait()
                pltpu.make_async_copy(k_hbm.at[pl.ds(0, _BLK)],
                                      kr.at[0], smk).wait()
            pltpu.make_async_copy(ea_hbm.at[pl.ds(0, _BLK)],
                                  vw.at[0, :, pl.ds(d, ed)], smea).wait()

        def drain_scatter():
            pltpu.make_async_copy(zv_hbm.at[pl.ds(0, _BLK)],
                                  vw.at[0], smsc).wait()

        for p in range(2):
            lo = p * half
            pltpu.sync_copy(zv_hbm.at[pl.ds(sid * rpt, rpt)],
                            acc_sp.at[pl.ds(sid * rpt, rpt)])
            if rem:
                @pl.when(sid == _NS - 1)
                def _zero_tail():
                    pltpu.sync_copy(zv_hbm.at[pl.ds(rpt * _NS, rem)],
                                    acc_sp.at[pl.ds(rpt * _NS, rem)])
            plsc.subcore_barrier()
            pltpu.sync_copy(src_hbm.at[wid, pl.ds(0, 3)], idx6.at[pl.ds(0, 3)])
            pltpu.sync_copy(dst_hbm.at[wid, pl.ds(0, 3)], idx6.at[pl.ds(3, 3)])
            issue_gathers(0, p)

            def block(j, carry):
                par = lax.rem(j, 2)
                fpar = jnp.full((16,), par, jnp.int32)
                drain_gathers(p)

                @pl.when(j >= 2)
                def _drain_sc():
                    drain_scatter()

                @pl.when((j >= 2) & (j + 1 < nblk))
                def _drain_idx():
                    pltpu.make_async_copy(src_hbm.at[wid, 0],
                                          idx6.at[0], smsi).wait()
                    pltpu.make_async_copy(dst_hbm.at[wid, 0],
                                          idx6.at[0], smdi).wait()

                @pl.when(j + 1 < nblk)
                def _issue_next():
                    issue_gathers(j + 1, p)

                gid0 = ebase + j * _BLK

                def grp(g, carry2):
                    g16 = g * 16
                    rowi = g16 + lane
                    dstg = idx6[3 + lax.rem(j, 3), pl.ds(g16, 16)]
                    if p == 0:
                        @plsc.parallel_loop(0, 16, step=2, carry=jnp.int32(0))
                        def dotl(i0, c3):
                            for t in range(2):
                                i = i0 + t
                                r = g16 + i
                                a0 = zf
                                a1 = zf
                                for c in range(d // 32):
                                    pr = (qxr[par, r, pl.ds(c * 32, 32)]
                                          * kr[par, r, pl.ds(c * 32, 32)])
                                    e0, e1 = plsc.unpack(
                                        pr, format=plsc.PackFormat.INTERLEAVED)
                                    a0 = a0 + e0
                                    a1 = a1 + e1
                                a0 = a0 + (qer[par, r, :]
                                           * vw[par, r, pl.ds(d, 16)])
                                pbuf[i, pl.ds(0, 16)] = a0 + a1
                            return c3
                        sv0 = zf
                        sv1 = zf
                        for l in range(0, 16, 2):
                            sv0 = sv0 + plsc.load_gather(
                                pbuf, [lane, jnp.full((16,), l, jnp.int32)])
                            sv1 = sv1 + plsc.load_gather(
                                pbuf, [lane, jnp.full((16,), l + 1, jnp.int32)])
                        ids = gid0 + rowi
                        sv = jnp.where(ids < e,
                                       jnp.exp((sv0 + sv1) * inv), 0.0)
                        sbuf[j, pl.ds(g16, 16)] = sv
                    else:
                        sv = sbuf[j, pl.ds(g16, 16)]
                    inb = (dstg >= lo) & (dstg < lo + half)
                    svp = jnp.where(inb, sv, 0.0)
                    idx6[6 + par, pl.ds(g16, 16)] = jnp.where(inb, dstg - lo, 0)

                    @plsc.parallel_loop(0, 16, step=2, carry=jnp.int32(0))
                    def scl(i0, c3):
                        for t in range(2):
                            i = i0 + t
                            r = g16 + i
                            bc = lax.gather(
                                svp, jnp.full((16, 1), i, jnp.int32),
                                _BCAST_DNUMS, (1,),
                                mode=lax.GatherScatterMode.PROMISE_IN_BOUNDS)
                            for c in range(d // 16):
                                vw[par, r, pl.ds(c * 16, 16)] = (
                                    vr[par, r, pl.ds(c * 16, 16)] * bc)
                            vw[par, r, pl.ds(d, 16)] = (
                                vw[par, r, pl.ds(d, 16)] * bc)
                        return c3
                    plsc.store_scatter(
                        vw, [fpar, rowi, jnp.full((16,), d + ed, jnp.int32)],
                        svp)
                    return carry2
                lax.fori_loop(0, ngrp, grp, 0)

                pltpu.async_copy(vw.at[par], acc_sp.at[idx6.at[6 + par]], smsc,
                                 add=True)
                @pl.when(j + 3 < nblk)
                def _load_next():
                    nsl = lax.rem(j, 3)
                    pltpu.async_copy(src_hbm.at[wid, j + 3],
                                     idx6.at[nsl], smsi)
                    pltpu.async_copy(dst_hbm.at[wid, j + 3],
                                     idx6.at[3 + nsl], smdi)
                return carry
            lax.fori_loop(0, nblk, block, 0)
            drain_scatter()
            drain_scatter()
            plsc.subcore_barrier()
            pltpu.sync_copy(acc_sp.at[pl.ds(sid * rpt, rpt)],
                            acc_out.at[cid, pl.ds(lo + sid * rpt, rpt)])
            if rem:
                @pl.when(sid == _NS - 1)
                def _spill_tail():
                    pltpu.sync_copy(
                        acc_sp.at[pl.ds(rpt * _NS, rem)],
                        acc_out.at[cid, pl.ds(lo + rpt * _NS, rem)])

    return edge_kernel



def kernel(x, pe, edge_index, edge_attr, batch, params):
    n, d = x.shape
    e = edge_index.shape[1]
    ed = edge_attr.shape[1]
    aw = d + ed + 8
    layers = params['layers']
    ec_pad = -(-e // (_NW * 2 * _BLK)) * 2 * _BLK
    pad = ec_pad * _NW - e

    src_r = jnp.pad(edge_index[0], (0, pad)).reshape(_NW, ec_pad // _BLK, _BLK)
    dst_r = jnp.pad(edge_index[1], (0, pad)).reshape(_NW, ec_pad // _BLK, _BLK)
    ea_pad = jnp.pad(edge_attr, ((0, pad), (0, 0)))
    zv = jnp.zeros((n, aw), jnp.float32)

    edge_fn = _make_edge_kernel(n, d, ed, e, ec_pad)

    p1, p2 = layers[0], layers[1]
    qx, qe, k, v, sk = _tc_pre(x, p1)
    ws = {'We_comb': jnp.stack([p1['We'], p2['We']])}
    for name in ('Wq', 'bq', 'Wk', 'bk', 'Wv', 'bv', 'Wskip', 'bskip', 'We'):
        ws[name] = jnp.stack([p2[name], p2[name]])

    def step(carry, w):
        qx, qe, k, v, sk, _ = carry
        acc = edge_fn(qx, qe, k, v, ea_pad, src_r, dst_r, zv)
        h, qx2, qe2, k2, v2, sk2 = _tc_mid(acc, sk, w['We_comb'], w, aw)
        return (qx2, qe2, k2, v2, sk2, h), None

    carry, _ = lax.scan(step, (qx, qe, k, v, sk, x), ws)
    return _tc_mlp(carry[5], params['mlp'])

# --- scband reference (transcript-rebuilt; emitter-appended) ---
"""Pipeline reference for scband-gnn-transformer-conv-14963666059756 (READ-ONLY COPY).

The authoritative reference and input builder live on the scoring server;
editing this copy changes nothing except your own understanding.
"""

import jax, jax.numpy as jnp
import numpy as np
import math

N = 10000
E = 320000
D = 128
ED = 16
H = 1
HID = 128
OUT = 128
L = 2


def _lin(k, i, o):
    return jax.random.normal(k, (i, o), dtype=jnp.float32) * 0.05


def setup_inputs(seed: int = 0) -> dict:
    key = jax.random.key(seed)
    ks = jax.random.split(key, 40)
    x = jax.random.normal(ks[0], (N, D), dtype=jnp.float32)
    pe = jax.random.normal(ks[1], (N, 16), dtype=jnp.float32)
    edge_index = jax.random.randint(ks[2], (2, E), 0, N, dtype=jnp.int32)
    edge_attr = jax.random.normal(ks[3], (E, ED), dtype=jnp.float32)
    batch = jnp.zeros((N,), dtype=jnp.int32)
    layers = []
    cur = D
    ki = 4
    for _ in range(L):
        hc = HID * H
        layer = {
            'Wq': _lin(ks[ki + 0], cur, hc), 'bq': jnp.zeros((hc,), jnp.float32),
            'Wk': _lin(ks[ki + 1], cur, hc), 'bk': jnp.zeros((hc,), jnp.float32),
            'Wv': _lin(ks[ki + 2], cur, hc), 'bv': jnp.zeros((hc,), jnp.float32),
            'We': _lin(ks[ki + 3], ED, hc),
            'Wskip': _lin(ks[ki + 4], cur, hc), 'bskip': jnp.zeros((hc,), jnp.float32),
        }
        layers.append(layer)
        ki += 5
        cur = hc
    mlp = {
        'W1': _lin(ks[ki + 0], HID * H, HID), 'b1': jnp.zeros((HID,), jnp.float32),
        'W2': _lin(ks[ki + 1], HID, OUT), 'b2': jnp.zeros((OUT,), jnp.float32),
    }
    params = {'layers': layers, 'mlp': mlp}
    return {'x': x, 'pe': pe, 'edge_index': edge_index, 'edge_attr': edge_attr, 'batch': batch, 'params': params}


def _leaky_relu(x):
    return jnp.where(x >= 0, x, 0.01 * x)


def _transformer_conv(x, edge_index, edge_attr, p):
    # PyG TransformerConv semantics: source_to_target flow, concat=True,
    # root_weight=True, beta=False, softmax over edges incident to each dst node.
    src = edge_index[0]
    dst = edge_index[1]
    hc = p['Wq'].shape[1]
    C = hc // H
    q = x @ p['Wq'] + p['bq']
    k = x @ p['Wk'] + p['bk']
    v = x @ p['Wv'] + p['bv']
    e = edge_attr @ p['We']
    q_i = q[dst].reshape(-1, H, C)
    k_j = (k[src] + e).reshape(-1, H, C)
    v_j = (v[src] + e).reshape(-1, H, C)
    alpha = (q_i * k_j).sum(axis=-1) / math.sqrt(C)  # [E, H]
    m = jax.ops.segment_max(alpha, dst, num_segments=N)
    m = jnp.where(jnp.isfinite(m), m, 0.0)
    alpha = jnp.exp(alpha - m[dst])
    denom = jax.ops.segment_sum(alpha, dst, num_segments=N)
    alpha = alpha / (denom[dst] + 1e-16)
    msg = (v_j * alpha[:, :, None]).reshape(-1, hc)
    out = jax.ops.segment_sum(msg, dst, num_segments=N)
    out = out + (x @ p['Wskip'] + p['bskip'])
    return out


def reference(x, pe, edge_index, edge_attr, batch, params):
    h = x
    for p in params['layers']:
        h = _transformer_conv(h, edge_index, edge_attr, p)
        h = _leaky_relu(h)
    mlp = params['mlp']
    h = h @ mlp['W1'] + mlp['b1']
    h = _leaky_relu(h)
    h = h @ mlp['W2'] + mlp['b2']
    return h

if __name__ == "__main__":
    import jax
    _d = setup_inputs()
    print(jax.jit(kernel)(*tuple(_d.values())))

</pallas_src>

<mosaic_0001>
#map = affine_map<(d0, d1) -> (0, 0)>
#map1 = affine_map<(d0, d1) -> (0, 0, 0)>
module attributes {stable_mosaic.version = 14 : i64} {
  func.func @edge_kernel(%arg0: i32, %arg1: i32, %arg2: memref<10000x128xbf16, #tpu.memory_space<hbm>>, %arg3: memref<10000x16xf32, #tpu.memory_space<hbm>>, %arg4: memref<10000x128xbf16, #tpu.memory_space<hbm>>, %arg5: memref<10000x128xf32, #tpu.memory_space<hbm>>, %arg6: memref<323584x16xf32, #tpu.memory_space<hbm>>, %arg7: memref<32x158x64xi32, #tpu.memory_space<hbm>>, %arg8: memref<32x158x64xi32, #tpu.memory_space<hbm>>, %arg9: memref<10000x152xf32, #tpu.memory_space<hbm>>, %arg10: memref<2x10000x152xf32, #tpu.memory_space<hbm>>, %arg11: memref<8x64xi32, #tpu.memory_space<vmem>>, %arg12: memref<2x64x128xbf16, #tpu.memory_space<vmem>>, %arg13: memref<2x64x16xf32, #tpu.memory_space<vmem>>, %arg14: memref<2x64x128xbf16, #tpu.memory_space<vmem>>, %arg15: memref<2x64x128xf32, #tpu.memory_space<vmem>>, %arg16: memref<2x64x152xf32, #tpu.memory_space<vmem>>, %arg17: memref<158x64xf32, #tpu.memory_space<vmem>>, %arg18: memref<16x17xf32, #tpu.memory_space<vmem>>, %arg19: memref<5000x152xf32, #tpu.memory_space<vmem_shared>>, %arg20: memref<!tpu.dma_semaphore, #tpu.memory_space<semaphore_mem>>, %arg21: memref<!tpu.dma_semaphore, #tpu.memory_space<semaphore_mem>>, %arg22: memref<!tpu.dma_semaphore, #tpu.memory_space<semaphore_mem>>, %arg23: memref<!tpu.dma_semaphore, #tpu.memory_space<semaphore_mem>>, %arg24: memref<!tpu.dma_semaphore, #tpu.memory_space<semaphore_mem>>, %arg25: memref<!tpu.dma_semaphore, #tpu.memory_space<semaphore_mem>>, %arg26: memref<!tpu.dma_semaphore, #tpu.memory_space<semaphore_mem>>) attributes {dimension_semantics = [#tpu.dimension_semantics<core_parallel>, #tpu.dimension_semantics<subcore_parallel>], iteration_bounds = array<i64: 2, 16>, scalar_prefetch = 0 : i64, scratch_operands = 16 : i64, tpu.core_type = #tpu.core_type<sc_vector_subcore>, window_params = [{transform_indices = #map}, {transform_indices = #map}, {transform_indices = #map}, {transform_indices = #map}, {transform_indices = #map}, {transform_indices = #map1}, {transform_indices = #map1}, {transform_indices = #map}, {transform_indices = #map1}]} {
    %mul3A = arith.constant 16 : i32
    %mul3A_0 = arith.muli %arg0, %mul3A : i32
    %add3A = arith.addi %mul3A_0, %arg1 : i32
    %mul3A_1 = arith.constant 10112 : i32
    %mul3A_2 = arith.muli %add3A, %mul3A_1 : i32
    %iota3A = tpu.iota {dimensions = array<i32: 0>} : vector<16xi32>
    %broadcast_in_dim3A = arith.constant 0.000000e+00 : f32
    %broadcast_in_dim3A_3 = vector.broadcast %broadcast_in_dim3A : f32 to vector<16xf32>
    %scan3A = arith.constant 0 : i32
    %scan3A_4 = arith.constant 0 : i32
    %scan3A_5 = arith.constant 8 : i32
    %scan3A_6 = arith.addi %scan3A_4, %scan3A_5 : i32
    %scan3A_7 = arith.constant 1 : i32
    scf.for %scan3A_212 = %scan3A_4 to %scan3A_6 step %scan3A_7  : i32 {
      %div3A = arith.constant 4 : i32
      %div3A_213 = arith.divsi %scan3A_212, %div3A : i32
      %broadcast_in_dim3A_214 = vector.broadcast %div3A_213 : i32 to vector<16xi32>
      %rem3A_215 = arith.constant 4 : i32
      %rem3A_216 = arith.remsi %scan3A_212, %rem3A_215 : i32
      %mul3A_217 = arith.constant 16 : i32
      %mul3A_218 = arith.muli %rem3A_216, %mul3A_217 : i32
      %add3A_219 = vector.broadcast %mul3A_218 : i32 to vector<16xi32>
      %add3A_220 = arith.addi %add3A_219, %iota3A : vector<16xi32>
      %broadcast_in_dim3A_221 = arith.constant 145 : i32
      %broadcast_in_dim3A_222 = vector.broadcast %broadcast_in_dim3A_221 : i32 to vector<16xi32>
      tpu.vector_store_idx %arg16[%broadcast_in_dim3A_214, %add3A_220, %broadcast_in_dim3A_222], %broadcast_in_dim3A_3 : memref<2x64x152xf32, #tpu.memory_space<vmem>>[vector<16xi32>, vector<16xi32>, vector<16xi32>], vector<16xf32>,
      %broadcast_in_dim3A_223 = arith.constant 146 : i32
      %broadcast_in_dim3A_224 = vector.broadcast %broadcast_in_dim3A_223 : i32 to vector<16xi32>
      tpu.vector_store_idx %arg16[%broadcast_in_dim3A_214, %add3A_220, %broadcast_in_dim3A_224], %broadcast_in_dim3A_3 : memref<2x64x152xf32, #tpu.memory_space<vmem>>[vector<16xi32>, vector<16xi32>, vector<16xi32>], vector<16xf32>,
      %broadcast_in_dim3A_225 = arith.constant 147 : i32
      %broadcast_in_dim3A_226 = vector.broadcast %broadcast_in_dim3A_225 : i32 to vector<16xi32>
      tpu.vector_store_idx %arg16[%broadcast_in_dim3A_214, %add3A_220, %broadcast_in_dim3A_226], %broadcast_in_dim3A_3 : memref<2x64x152xf32, #tpu.memory_space<vmem>>[vector<16xi32>, vector<16xi32>, vector<16xi32>], vector<16xf32>,
      %broadcast_in_dim3A_227 = arith.constant 148 : i32
      %broadcast_in_dim3A_228 = vector.broadcast %broadcast_in_dim3A_227 : i32 to vector<16xi32>
      tpu.vector_store_idx %arg16[%broadcast_in_dim3A_214, %add3A_220, %broadcast_in_dim3A_228], %broadcast_in_dim3A_3 : memref<2x64x152xf32, #tpu.memory_space<vmem>>[vector<16xi32>, vector<16xi32>, vector<16xi32>], vector<16xf32>,
      %broadcast_in_dim3A_229 = arith.constant 149 : i32
      %broadcast_in_dim3A_230 = vector.broadcast %broadcast_in_dim3A_229 : i32 to vector<16xi32>
      tpu.vector_store_idx %arg16[%broadcast_in_dim3A_214, %add3A_220, %broadcast_in_dim3A_230], %broadcast_in_dim3A_3 : memref<2x64x152xf32, #tpu.memory_space<vmem>>[vector<16xi32>, vector<16xi32>, vector<16xi32>], vector<16xf32>,
      %broadcast_in_dim3A_231 = arith.constant 150 : i32
      %broadcast_in_dim3A_232 = vector.broadcast %broadcast_in_dim3A_231 : i32 to vector<16xi32>
      tpu.vector_store_idx %arg16[%broadcast_in_dim3A_214, %add3A_220, %broadcast_in_dim3A_232], %broadcast_in_dim3A_3 : memref<2x64x152xf32, #tpu.memory_space<vmem>>[vector<16xi32>, vector<16xi32>, vector<16xi32>], vector<16xf32>,
      %broadcast_in_dim3A_233 = arith.constant 151 : i32
      %broadcast_in_dim3A_234 = vector.broadcast %broadcast_in_dim3A_233 : i32 to vector<16xi32>
      tpu.vector_store_idx %arg16[%broadcast_in_dim3A_214, %add3A_220, %broadcast_in_dim3A_234], %broadcast_in_dim3A_3 : memref<2x64x152xf32, #tpu.memory_space<vmem>>[vector<16xi32>, vector<16xi32>, vector<16xi32>], vector<16xf32>,
    }
    %scan3A_8 = arith.constant 8 : i32
    %mul3A_9 = arith.constant 312 : i32
    %mul3A_10 = arith.muli %arg1, %mul3A_9 : i32
    %mul3A_11 = arith.constant 312 : i32
    %mul3A_12 = arith.muli %arg1, %mul3A_11 : i32
    "tpu.region"() ({
      %run_scoped3A = tpu.sem_alloc : memref<!tpu.dma_semaphore, #tpu.memory_space<semaphore_mem>>
      %dma_start3A_212 = arith.constant 0 : i32
      %dma_start3A_213 = tpu.memref_slice %arg19[%mul3A_12, %dma_start3A_212] : memref<5000x152xf32, #tpu.memory_space<vmem_shared>> -> memref<312x152xf32, #tpu.memory_space<vmem_shared>>
      %dma_start3A_214 = arith.constant 0 : i32
      %dma_start3A_215 = tpu.memref_slice %arg9[%mul3A_10, %dma_start3A_214] : memref<10000x152xf32, #tpu.memory_space<hbm>> -> memref<312x152xf32, #tpu.memory_space<hbm>>
      tpu.enqueue_dma source(%dma_start3A_215 : memref<312x152xf32, #tpu.memory_space<hbm>>) target(%dma_start3A_213 : memref<312x152xf32, #tpu.memory_space<vmem_shared>>) target_semaphore(%run_scoped3A : memref<!tpu.dma_semaphore, #tpu.memory_space<semaphore_mem>>)
      %dma_wait3A_216 = arith.constant 0 : i32
      %dma_wait3A_217 = tpu.memref_slice %arg19[%mul3A_12, %dma_wait3A_216] : memref<5000x152xf32, #tpu.memory_space<vmem_shared>> -> memref<312x152xf32, #tpu.memory_space<vmem_shared>>
      %dma_wait3A_218 = arith.constant 0 : i32
      %dma_wait3A_219 = tpu.memref_slice %arg9[%mul3A_10, %dma_wait3A_218] : memref<10000x152xf32, #tpu.memory_space<hbm>> -> memref<312x152xf32, #tpu.memory_space<hbm>>
      tpu.wait_dma2 semaphore(%run_scoped3A : memref<!tpu.dma_semaphore, #tpu.memory_space<semaphore_mem>>) src(%dma_wait3A_219 : memref<312x152xf32, #tpu.memory_space<hbm>>) dst(%dma_wait3A_217 : memref<312x152xf32, #tpu.memory_space<vmem_shared>>)
      tpu.yield
    }) : () -> ()
    %eq3A = arith.constant 15 : i32
    %eq3A_13 = arith.cmpi eq, %arg1, %eq3A : i32
    %convert_element_type3A = arith.extui %eq3A_13 : i1 to i32
    %cond3A = arith.constant 0 : i32
    %cond3A_14 = arith.cmpi ne, %convert_element_type3A, %cond3A : i32
    scf.if %cond3A_14 {
      "tpu.region"() ({
        %run_scoped3A = tpu.sem_alloc : memref<!tpu.dma_semaphore, #tpu.memory_space<semaphore_mem>>
        %dma_start3A_212 = arith.constant 4992 : i32
        %dma_start3A_213 = arith.constant 0 : i32
        %dma_start3A_214 = tpu.memref_slice %arg19[%dma_start3A_212, %dma_start3A_213] : memref<5000x152xf32, #tpu.memory_space<vmem_shared>> -> memref<8x152xf32, #tpu.memory_space<vmem_shared>>
        %dma_start3A_215 = arith.constant 4992 : i32
        %dma_start3A_216 = arith.constant 0 : i32
        %dma_start3A_217 = tpu.memref_slice %arg9[%dma_start3A_215, %dma_start3A_216] : memref<10000x152xf32, #tpu.memory_space<hbm>> -> memref<8x152xf32, #tpu.memory_space<hbm>>
        tpu.enqueue_dma source(%dma_start3A_217 : memref<8x152xf32, #tpu.memory_space<hbm>>) target(%dma_start3A_214 : memref<8x152xf32, #tpu.memory_space<vmem_shared>>) target_semaphore(%run_scoped3A : memref<!tpu.dma_semaphore, #tpu.memory_space<semaphore_mem>>)
        %dma_wait3A_218 = arith.constant 4992 : i32
        %dma_wait3A_219 = arith.constant 0 : i32
        %dma_wait3A_220 = tpu.memref_slice %arg19[%dma_wait3A_218, %dma_wait3A_219] : memref<5000x152xf32, #tpu.memory_space<vmem_shared>> -> memref<8x152xf32, #tpu.memory_space<vmem_shared>>
        %dma_wait3A_221 = arith.constant 4992 : i32
        %dma_wait3A_222 = arith.constant 0 : i32
        %dma_wait3A_223 = tpu.memref_slice %arg9[%dma_wait3A_221, %dma_wait3A_222] : memref<10000x152xf32, #tpu.memory_space<hbm>> -> memref<8x152xf32, #tpu.memory_space<hbm>>
        tpu.wait_dma2 semaphore(%run_scoped3A : memref<!tpu.dma_semaphore, #tpu.memory_space<semaphore_mem>>) src(%dma_wait3A_223 : memref<8x152xf32, #tpu.memory_space<hbm>>) dst(%dma_wait3A_220 : memref<8x152xf32, #tpu.memory_space<vmem_shared>>)
        tpu.yield
      }) : () -> ()
    } else {
    }
    %barrier3A = arith.constant 0 : index
    tpu.barrier barrier_id(%barrier3A)
    "tpu.region"() ({
      %run_scoped3A = tpu.sem_alloc : memref<!tpu.dma_semaphore, #tpu.memory_space<semaphore_mem>>
      %dma_start3A_212 = arith.constant 0 : i32
      %dma_start3A_213 = arith.constant 0 : i32
      %dma_start3A_214 = tpu.memref_slice %arg11[%dma_start3A_212, %dma_start3A_213] : memref<8x64xi32, #tpu.memory_space<vmem>> -> memref<3x64xi32, #tpu.memory_space<vmem>>
      %dma_start3A_215 = arith.constant 0 : i32
      %dma_start3A_216 = arith.constant 0 : i32
      %dma_start3A_217 = tpu.memref_slice %arg7[%add3A, %dma_start3A_215, %dma_start3A_216] : memref<32x158x64xi32, #tpu.memory_space<hbm>> -> memref<1x3x64xi32, #tpu.memory_space<hbm>>
      %dma_start3A_218 = tpu.memref_squeeze %dma_start3A_217 : memref<1x3x64xi32, #tpu.memory_space<hbm>> -> memref<3x64xi32, #tpu.memory_space<hbm>>
      %dma_start3A_219 = arith.constant 0 : i32
      %dma_start3A_220 = arith.constant 0 : i32
      %dma_start3A_221 = tpu.memref_slice %arg11[%dma_start3A_219, %dma_start3A_220] : memref<8x64xi32, #tpu.memory_space<vmem>> -> memref<3x64xi32, #tpu.memory_space<vmem>>
      %dma_start3A_222 = arith.constant 0 : i32
      %dma_start3A_223 = arith.constant 0 : i32
      %dma_start3A_224 = tpu.memref_slice %arg7[%add3A, %dma_start3A_222, %dma_start3A_223] : memref<32x158x64xi32, #tpu.memory_space<hbm>> -> memref<1x3x64xi32, #tpu.memory_space<hbm>>
      %dma_start3A_225 = tpu.memref_squeeze %dma_start3A_224 : memref<1x3x64xi32, #tpu.memory_space<hbm>> -> memref<3x64xi32, #tpu.memory_space<hbm>>
      tpu.enqueue_dma source(%dma_start3A_225 : memref<3x64xi32, #tpu.memory_space<hbm>>) target(%dma_start3A_221 : memref<3x64xi32, #tpu.memory_space<vmem>>) target_semaphore(%run_scoped3A : memref<!tpu.dma_semaphore, #tpu.memory_space<semaphore_mem>>)
      %dma_wait3A_226 = arith.constant 0 : i32
      %dma_wait3A_227 = arith.constant 0 : i32
      %dma_wait3A_228 = tpu.memref_slice %arg11[%dma_wait3A_226, %dma_wait3A_227] : memref<8x64xi32, #tpu.memory_space<vmem>> -> memref<3x64xi32, #tpu.memory_space<vmem>>
      %dma_wait3A_229 = arith.constant 0 : i32
      %dma_wait3A_230 = arith.constant 0 : i32
      %dma_wait3A_231 = tpu.memref_slice %arg7[%add3A, %dma_wait3A_229, %dma_wait3A_230] : memref<32x158x64xi32, #tpu.memory_space<hbm>> -> memref<1x3x64xi32, #tpu.memory_space<hbm>>
      %dma_wait3A_232 = tpu.memref_squeeze %dma_wait3A_231 : memref<1x3x64xi32, #tpu.memory_space<hbm>> -> memref<3x64xi32, #tpu.memory_space<hbm>>
      %dma_wait3A_233 = arith.constant 0 : i32
      %dma_wait3A_234 = arith.constant 0 : i32
      %dma_wait3A_235 = tpu.memref_slice %arg11[%dma_wait3A_233, %dma_wait3A_234] : memref<8x64xi32, #tpu.memory_space<vmem>> -> memref<3x64xi32, #tpu.memory_space<vmem>>
      %dma_wait3A_236 = arith.constant 0 : i32
      %dma_wait3A_237 = arith.constant 0 : i32
      %dma_wait3A_238 = tpu.memref_slice %arg7[%add3A, %dma_wait3A_236, %dma_wait3A_237] : memref<32x158x64xi32, #tpu.memory_space<hbm>> -> memref<1x3x64xi32, #tpu.memory_space<hbm>>
      %dma_wait3A_239 = tpu.memref_squeeze %dma_wait3A_238 : memref<1x3x64xi32, #tpu.memory_space<hbm>> -> memref<3x64xi32, #tpu.memory_space<hbm>>
      tpu.wait_dma2 semaphore(%run_scoped3A : memref<!tpu.dma_semaphore, #tpu.memory_space<semaphore_mem>>) src(%dma_wait3A_239 : memref<3x64xi32, #tpu.memory_space<hbm>>) dst(%dma_wait3A_235 : memref<3x64xi32, #tpu.memory_space<vmem>>)
      tpu.yield
    }) : () -> ()
    "tpu.region"() ({
      %run_scoped3A = tpu.sem_alloc : memref<!tpu.dma_semaphore, #tpu.memory_space<semaphore_mem>>
      %dma_start3A_212 = arith.constant 3 : i32
      %dma_start3A_213 = arith.constant 0 : i32
      %dma_start3A_214 = tpu.memref_slice %arg11[%dma_start3A_212, %dma_start3A_213] : memref<8x64xi32, #tpu.memory_space<vmem>> -> memref<3x64xi32, #tpu.memory_space<vmem>>
      %dma_start3A_215 = arith.constant 0 : i32
      %dma_start3A_216 = arith.constant 0 : i32
      %dma_start3A_217 = tpu.memref_slice %arg8[%add3A, %dma_start3A_215, %dma_start3A_216] : memref<32x158x64xi32, #tpu.memory_space<hbm>> -> memref<1x3x64xi32, #tpu.memory_space<hbm>>
      %dma_start3A_218 = tpu.memref_squeeze %dma_start3A_217 : memref<1x3x64xi32, #tpu.memory_space<hbm>> -> memref<3x64xi32, #tpu.memory_space<hbm>>
      %dma_start3A_219 = arith.constant 3 : i32
      %dma_start3A_220 = arith.constant 0 : i32
      %dma_start3A_221 = tpu.memref_slice %arg11[%dma_start3A_219, %dma_start3A_220] : memref<8x64xi32, #tpu.memory_space<vmem>> -> memref<3x64xi32, #tpu.memory_space<vmem>>
      %dma_start3A_222 = arith.constant 0 : i32
      %dma_start3A_223 = arith.constant 0 : i32
      %dma_start3A_224 = tpu.memref_slice %arg8[%add3A, %dma_start3A_222, %dma_start3A_223] : memref<32x158x64xi32, #tpu.memory_space<hbm>> -> memref<1x3x64xi32, #tpu.memory_space<hbm>>
      %dma_start3A_225 = tpu.memref_squeeze %dma_start3A_224 : memref<1x3x64xi32, #tpu.memory_space<hbm>> -> memref<3x64xi32, #tpu.memory_space<hbm>>
      tpu.enqueue_dma source(%dma_start3A_225 : memref<3x64xi32, #tpu.memory_space<hbm>>) target(%dma_start3A_221 : memref<3x64xi32, #tpu.memory_space<vmem>>) target_semaphore(%run_scoped3A : memref<!tpu.dma_semaphore, #tpu.memory_space<semaphore_mem>>)
      %dma_wait3A_226 = arith.constant 3 : i32
      %dma_wait3A_227 = arith.constant 0 : i32
      %dma_wait3A_228 = tpu.memref_slice %arg11[%dma_wait3A_226, %dma_wait3A_227] : memref<8x64xi32, #tpu.memory_space<vmem>> -> memref<3x64xi32, #tpu.memory_space<vmem>>
      %dma_wait3A_229 = arith.constant 0 : i32
      %dma_wait3A_230 = arith.constant 0 : i32
      %dma_wait3A_231 = tpu.memref_slice %arg8[%add3A, %dma_wait3A_229, %dma_wait3A_230] : memref<32x158x64xi32, #tpu.memory_space<hbm>> -> memref<1x3x64xi32, #tpu.memory_space<hbm>>
      %dma_wait3A_232 = tpu.memref_squeeze %dma_wait3A_231 : memref<1x3x64xi32, #tpu.memory_space<hbm>> -> memref<3x64xi32, #tpu.memory_space<hbm>>
      %dma_wait3A_233 = arith.constant 3 : i32
      %dma_wait3A_234 = arith.constant 0 : i32
      %dma_wait3A_235 = tpu.memref_slice %arg11[%dma_wait3A_233, %dma_wait3A_234] : memref<8x64xi32, #tpu.memory_space<vmem>> -> memref<3x64xi32, #tpu.memory_space<vmem>>
      %dma_wait3A_236 = arith.constant 0 : i32
      %dma_wait3A_237 = arith.constant 0 : i32
      %dma_wait3A_238 = tpu.memref_slice %arg8[%add3A, %dma_wait3A_236, %dma_wait3A_237] : memref<32x158x64xi32, #tpu.memory_space<hbm>> -> memref<1x3x64xi32, #tpu.memory_space<hbm>>
      %dma_wait3A_239 = tpu.memref_squeeze %dma_wait3A_238 : memref<1x3x64xi32, #tpu.memory_space<hbm>> -> memref<3x64xi32, #tpu.memory_space<hbm>>
      tpu.wait_dma2 semaphore(%run_scoped3A : memref<!tpu.dma_semaphore, #tpu.memory_space<semaphore_mem>>) src(%dma_wait3A_239 : memref<3x64xi32, #tpu.memory_space<hbm>>) dst(%dma_wait3A_235 : memref<3x64xi32, #tpu.memory_space<vmem>>)
      tpu.yield
    }) : () -> ()
    %rem3A = arith.constant 0 : i32
    %rem3A_15 = arith.constant 2 : i32
    %rem3A_16 = arith.remsi %rem3A, %rem3A_15 : i32
    %rem3A_17 = arith.constant 0 : i32
    %rem3A_18 = arith.constant 3 : i32
    %rem3A_19 = arith.remsi %rem3A_17, %rem3A_18 : i32
    %dma_start3A = arith.constant 0 : i32
    %dma_start3A_20 = arith.constant 0 : i32
    %dma_start3A_21 = tpu.memref_slice %arg15[%rem3A_16, %dma_start3A, %dma_start3A_20] : memref<2x64x128xf32, #tpu.memory_space<vmem>> -> memref<1x64x128xf32, #tpu.memory_space<vmem>>
    %dma_start3A_22 = tpu.memref_squeeze %dma_start3A_21 : memref<1x64x128xf32, #tpu.memory_space<vmem>> -> memref<64x128xf32, #tpu.memory_space<vmem>>
    %dma_start3A_23 = arith.constant 0 : i32
    %dma_start3A_24 = tpu.memref_slice %arg11[%rem3A_19, %dma_start3A_23] : memref<8x64xi32, #tpu.memory_space<vmem>> -> memref<1x64xi32, #tpu.memory_space<vmem>>
    %dma_start3A_25 = tpu.memref_squeeze %dma_start3A_24 : memref<1x64xi32, #tpu.memory_space<vmem>> -> memref<64xi32, #tpu.memory_space<vmem>>
    %dma_start3A_26 = arith.constant 0 : i32
    %dma_start3A_27 = arith.constant 0 : i32
    %dma_start3A_28 = tpu.memref_slice %arg5[%dma_start3A_26, %dma_start3A_27] : memref<10000x128xf32, #tpu.memory_space<hbm>> -> memref<10000x128xf32, #tpu.memory_space<hbm>>
    tpu.enqueue_indirect_dma source(%dma_start3A_28 : memref<10000x128xf32, #tpu.memory_space<hbm>>) target(%dma_start3A_22 : memref<64x128xf32, #tpu.memory_space<vmem>>) offsets(%dma_start3A_25 : memref<64xi32, #tpu.memory_space<vmem>>) semaphore(%arg22 : memref<!tpu.dma_semaphore, #tpu.memory_space<semaphore_mem>>)
    %add3A_29 = arith.constant 3 : i32
    %add3A_30 = arith.addi %add3A_29, %rem3A_19 : i32
    %dma_start3A_31 = arith.constant 0 : i32
    %dma_start3A_32 = arith.constant 0 : i32
    %dma_start3A_33 = tpu.memref_slice %arg12[%rem3A_16, %dma_start3A_31, %dma_start3A_32] : memref<2x64x128xbf16, #tpu.memory_space<vmem>> -> memref<1x64x128xbf16, #tpu.memory_space<vmem>>
    %dma_start3A_34 = tpu.memref_squeeze %dma_start3A_33 : memref<1x64x128xbf16, #tpu.memory_space<vmem>> -> memref<64x128xbf16, #tpu.memory_space<vmem>>
    %dma_start3A_35 = arith.constant 0 : i32
    %dma_start3A_36 = tpu.memref_slice %arg11[%add3A_30, %dma_start3A_35] : memref<8x64xi32, #tpu.memory_space<vmem>> -> memref<1x64xi32, #tpu.memory_space<vmem>>
    %dma_start3A_37 = tpu.memref_squeeze %dma_start3A_36 : memref<1x64xi32, #tpu.memory_space<vmem>> -> memref<64xi32, #tpu.memory_space<vmem>>
    %dma_start3A_38 = arith.constant 0 : i32
    %dma_start3A_39 = arith.constant 0 : i32
    %dma_start3A_40 = tpu.memref_slice %arg2[%dma_start3A_38, %dma_start3A_39] : memref<10000x128xbf16, #tpu.memory_space<hbm>> -> memref<10000x128xbf16, #tpu.memory_space<hbm>>
    tpu.enqueue_indirect_dma source(%dma_start3A_40 : memref<10000x128xbf16, #tpu.memory_space<hbm>>) target(%dma_start3A_34 : memref<64x128xbf16, #tpu.memory_space<vmem>>) offsets(%dma_start3A_37 : memref<64xi32, #tpu.memory_space<vmem>>) semaphore(%arg20 : memref<!tpu.dma_semaphore, #tpu.memory_space<semaphore_mem>>)
    %add3A_41 = arith.constant 3 : i32
    %add3A_42 = arith.addi %add3A_41, %rem3A_19 : i32
    %dma_start3A_43 = arith.constant 0 : i32
    %dma_start3A_44 = arith.constant 0 : i32
    %dma_start3A_45 = tpu.memref_slice %arg13[%rem3A_16, %dma_start3A_43, %dma_start3A_44] : memref<2x64x16xf32, #tpu.memory_space<vmem>> -> memref<1x64x16xf32, #tpu.memory_space<vmem>>
    %dma_start3A_46 = tpu.memref_squeeze %dma_start3A_45 : memref<1x64x16xf32, #tpu.memory_space<vmem>> -> memref<64x16xf32, #tpu.memory_space<vmem>>
    %dma_start3A_47 = arith.constant 0 : i32
    %dma_start3A_48 = tpu.memref_slice %arg11[%add3A_42, %dma_start3A_47] : memref<8x64xi32, #tpu.memory_space<vmem>> -> memref<1x64xi32, #tpu.memory_space<vmem>>
    %dma_start3A_49 = tpu.memref_squeeze %dma_start3A_48 : memref<1x64xi32, #tpu.memory_space<vmem>> -> memref<64xi32, #tpu.memory_space<vmem>>
    %dma_start3A_50 = arith.constant 0 : i32
    %dma_start3A_51 = arith.constant 0 : i32
    %dma_start3A_52 = tpu.memref_slice %arg3[%dma_start3A_50, %dma_start3A_51] : memref<10000x16xf32, #tpu.memory_space<hbm>> -> memref<10000x16xf32, #tpu.memory_space<hbm>>
    tpu.enqueue_indirect_dma source(%dma_start3A_52 : memref<10000x16xf32, #tpu.memory_space<hbm>>) target(%dma_start3A_46 : memref<64x16xf32, #tpu.memory_space<vmem>>) offsets(%dma_start3A_49 : memref<64xi32, #tpu.memory_space<vmem>>) semaphore(%arg20 : memref<!tpu.dma_semaphore, #tpu.memory_space<semaphore_mem>>)
    %dma_start3A_53 = arith.constant 0 : i32
    %dma_start3A_54 = arith.constant 0 : i32
    %dma_start3A_55 = tpu.memref_slice %arg14[%rem3A_16, %dma_start3A_53, %dma_start3A_54] : memref<2x64x128xbf16, #tpu.memory_space<vmem>> -> memref<1x64x128xbf16, #tpu.memory_space<vmem>>
    %dma_start3A_56 = tpu.memref_squeeze %dma_start3A_55 : memref<1x64x128xbf16, #tpu.memory_space<vmem>> -> memref<64x128xbf16, #tpu.memory_space<vmem>>
    %dma_start3A_57 = arith.constant 0 : i32
    %dma_start3A_58 = tpu.memref_slice %arg11[%rem3A_19, %dma_start3A_57] : memref<8x64xi32, #tpu.memory_space<vmem>> -> memref<1x64xi32, #tpu.memory_space<vmem>>
    %dma_start3A_59 = tpu.memref_squeeze %dma_start3A_58 : memref<1x64xi32, #tpu.memory_space<vmem>> -> memref<64xi32, #tpu.memory_space<vmem>>
    %dma_start3A_60 = arith.constant 0 : i32
    %dma_start3A_61 = arith.constant 0 : i32
    %dma_start3A_62 = tpu.memref_slice %arg4[%dma_start3A_60, %dma_start3A_61] : memref<10000x128xbf16, #tpu.memory_space<hbm>> -> memref<10000x128xbf16, #tpu.memory_space<hbm>>
    tpu.enqueue_indirect_dma source(%dma_start3A_62 : memref<10000x128xbf16, #tpu.memory_space<hbm>>) target(%dma_start3A_56 : memref<64x128xbf16, #tpu.memory_space<vmem>>) offsets(%dma_start3A_59 : memref<64xi32, #tpu.memory_space<vmem>>) semaphore(%arg21 : memref<!tpu.dma_semaphore, #tpu.memory_space<semaphore_mem>>)
    %add3A_63 = arith.constant 0 : i32
    %add3A_64 = arith.addi %mul3A_2, %add3A_63 : i32
    %dma_start3A_65 = arith.constant 0 : i32
    %dma_start3A_66 = arith.constant 128 : i32
    %dma_start3A_67 = tpu.memref_slice %arg16[%rem3A_16, %dma_start3A_65, %dma_start3A_66] : memref<2x64x152xf32, #tpu.memory_space<vmem>> -> memref<1x64x16xf32, #tpu.memory_space<vmem>>
    %dma_start3A_68 = tpu.memref_squeeze %dma_start3A_67 : memref<1x64x16xf32, #tpu.memory_space<vmem>> -> memref<64x16xf32, #tpu.memory_space<vmem>>
    %dma_start3A_69 = arith.constant 0 : i32
    %dma_start3A_70 = tpu.memref_slice %arg6[%add3A_64, %dma_start3A_69] : memref<323584x16xf32, #tpu.memory_space<hbm>> -> memref<64x16xf32, #tpu.memory_space<hbm>>
    %dma_start3A_71 = arith.constant 0 : i32
    %dma_start3A_72 = arith.constant 128 : i32
    %dma_start3A_73 = tpu.memref_slice %arg16[%rem3A_16, %dma_start3A_71, %dma_start3A_72] : memref<2x64x152xf32, #tpu.memory_space<vmem>> -> memref<1x64x16xf32, #tpu.memory_space<vmem>>
    %dma_start3A_74 = tpu.memref_squeeze %dma_start3A_73 : memref<1x64x16xf32, #tpu.memory_space<vmem>> -> memref<64x16xf32, #tpu.memory_space<vmem>>
    %dma_start3A_75 = arith.constant 0 : i32
    %dma_start3A_76 = tpu.memref_slice %arg6[%add3A_64, %dma_start3A_75] : memref<323584x16xf32, #tpu.memory_space<hbm>> -> memref<64x16xf32, #tpu.memory_space<hbm>>
    tpu.enqueue_dma source(%dma_start3A_76 : memref<64x16xf32, #tpu.memory_space<hbm>>) target(%dma_start3A_74 : memref<64x16xf32, #tpu.memory_space<vmem>>) target_semaphore(%arg23 : memref<!tpu.dma_semaphore, #tpu.memory_space<semaphore_mem>>)
    %scan3A_77 = arith.constant 0 : i32
    %scan3A_78 = arith.constant 0 : i32
    %scan3A_79 = arith.constant 158 : i32
    %scan3A_80 = arith.addi %scan3A_78, %scan3A_79 : i32
    %scan3A_81 = arith.constant 1 : i32
    scf.for %scan3A_212 = %scan3A_78 to %scan3A_80 step %scan3A_81  : i32 {
      %rem3A_213 = arith.constant 2 : i32
      %rem3A_214 = arith.remsi %scan3A_212, %rem3A_213 : i32
      %broadcast_in_dim3A_215 = vector.broadcast %rem3A_214 : i32 to vector<16xi32>
      %dma_wait3A_216 = arith.constant 0 : i32
      %dma_wait3A_217 = arith.constant 0 : i32
      %dma_wait3A_218 = arith.constant 0 : i32
      %dma_wait3A_219 = tpu.memref_slice %arg15[%dma_wait3A_216, %dma_wait3A_217, %dma_wait3A_218] : memref<2x64x128xf32, #tpu.memory_space<vmem>> -> memref<1x64x128xf32, #tpu.memory_space<vmem>>
      %dma_wait3A_220 = tpu.memref_squeeze %dma_wait3A_219 : memref<1x64x128xf32, #tpu.memory_space<vmem>> -> memref<64x128xf32, #tpu.memory_space<vmem>>
      %dma_wait3A_221 = arith.constant 0 : i32
      %dma_wait3A_222 = arith.constant 0 : i32
      %dma_wait3A_223 = tpu.memref_slice %arg5[%dma_wait3A_221, %dma_wait3A_222] : memref<10000x128xf32, #tpu.memory_space<hbm>> -> memref<64x128xf32, #tpu.memory_space<hbm>>
      %dma_wait3A_224 = arith.constant 0 : i32
      %dma_wait3A_225 = arith.constant 0 : i32
      %dma_wait3A_226 = tpu.memref_slice %arg15[%dma_wait3A_216, %dma_wait3A_224, %dma_wait3A_225] : memref<2x64x128xf32, #tpu.memory_space<vmem>> -> memref<1x64x128xf32, #tpu.memory_space<vmem>>
      %dma_wait3A_227 = tpu.memref_squeeze %dma_wait3A_226 : memref<1x64x128xf32, #tpu.memory_space<vmem>> -> memref<64x128xf32, #tpu.memory_space<vmem>>
      %dma_wait3A_228 = arith.constant 0 : i32
      %dma_wait3A_229 = arith.constant 0 : i32
      %dma_wait3A_230 = tpu.memref_slice %arg5[%dma_wait3A_228, %dma_wait3A_229] : memref<10000x128xf32, #tpu.memory_space<hbm>> -> memref<64x128xf32, #tpu.memory_space<hbm>>
      tpu.wait_dma2 semaphore(%arg22 : memref<!tpu.dma_semaphore, #tpu.memory_space<semaphore_mem>>) src(%dma_wait3A_230 : memref<64x128xf32, #tpu.memory_space<hbm>>) dst(%dma_wait3A_227 : memref<64x128xf32, #tpu.memory_space<vmem>>)
      %dma_wait3A_231 = arith.constant 0 : i32
      %dma_wait3A_232 = arith.constant 0 : i32
      %dma_wait3A_233 = arith.constant 0 : i32
      %dma_wait3A_234 = tpu.memref_slice %arg12[%dma_wait3A_231, %dma_wait3A_232, %dma_wait3A_233] : memref<2x64x128xbf16, #tpu.memory_space<vmem>> -> memref<1x64x128xbf16, #tpu.memory_space<vmem>>
      %dma_wait3A_235 = tpu.memref_squeeze %dma_wait3A_234 : memref<1x64x128xbf16, #tpu.memory_space<vmem>> -> memref<64x128xbf16, #tpu.memory_space<vmem>>
      %dma_wait3A_236 = arith.constant 0 : i32
      %dma_wait3A_237 = arith.constant 0 : i32
      %dma_wait3A_238 = tpu.memref_slice %arg2[%dma_wait3A_236, %dma_wait3A_237] : memref<10000x128xbf16, #tpu.memory_space<hbm>> -> memref<64x128xbf16, #tpu.memory_space<hbm>>
      %dma_wait3A_239 = arith.constant 0 : i32
      %dma_wait3A_240 = arith.constant 0 : i32
      %dma_wait3A_241 = tpu.memref_slice %arg12[%dma_wait3A_231, %dma_wait3A_239, %dma_wait3A_240] : memref<2x64x128xbf16, #tpu.memory_space<vmem>> -> memref<1x64x128xbf16, #tpu.memory_space<vmem>>
      %dma_wait3A_242 = tpu.memref_squeeze %dma_wait3A_241 : memref<1x64x128xbf16, #tpu.memory_space<vmem>> -> memref<64x128xbf16, #tpu.memory_space<vmem>>
      %dma_wait3A_243 = arith.constant 0 : i32
      %dma_wait3A_244 = arith.constant 0 : i32
      %dma_wait3A_245 = tpu.memref_slice %arg2[%dma_wait3A_243, %dma_wait3A_244] : memref<10000x128xbf16, #tpu.memory_space<hbm>> -> memref<64x128xbf16, #tpu.memory_space<hbm>>
      tpu.wait_dma2 semaphore(%arg20 : memref<!tpu.dma_semaphore, #tpu.memory_space<semaphore_mem>>) src(%dma_wait3A_245 : memref<64x128xbf16, #tpu.memory_space<hbm>>) dst(%dma_wait3A_242 : memref<64x128xbf16, #tpu.memory_space<vmem>>)
      %dma_wait3A_246 = arith.constant 0 : i32
      %dma_wait3A_247 = arith.constant 0 : i32
      %dma_wait3A_248 = arith.constant 0 : i32
      %dma_wait3A_249 = tpu.memref_slice %arg13[%dma_wait3A_246, %dma_wait3A_247, %dma_wait3A_248] : memref<2x64x16xf32, #tpu.memory_space<vmem>> -> memref<1x64x16xf32, #tpu.memory_space<vmem>>
      %dma_wait3A_250 = tpu.memref_squeeze %dma_wait3A_249 : memref<1x64x16xf32, #tpu.memory_space<vmem>> -> memref<64x16xf32, #tpu.memory_space<vmem>>
      %dma_wait3A_251 = arith.constant 0 : i32
      %dma_wait3A_252 = arith.constant 0 : i32
      %dma_wait3A_253 = tpu.memref_slice %arg3[%dma_wait3A_251, %dma_wait3A_252] : memref<10000x16xf32, #tpu.memory_space<hbm>> -> memref<64x16xf32, #tpu.memory_space<hbm>>
      %dma_wait3A_254 = arith.constant 0 : i32
      %dma_wait3A_255 = arith.constant 0 : i32
      %dma_wait3A_256 = tpu.memref_slice %arg13[%dma_wait3A_246, %dma_wait3A_254, %dma_wait3A_255] : memref<2x64x16xf32, #tpu.memory_space<vmem>> -> memref<1x64x16xf32, #tpu.memory_space<vmem>>
      %dma_wait3A_257 = tpu.memref_squeeze %dma_wait3A_256 : memref<1x64x16xf32, #tpu.memory_space<vmem>> -> memref<64x16xf32, #tpu.memory_space<vmem>>
      %dma_wait3A_258 = arith.constant 0 : i32
      %dma_wait3A_259 = arith.constant 0 : i32
      %dma_wait3A_260 = tpu.memref_slice %arg3[%dma_wait3A_258, %dma_wait3A_259] : memref<10000x16xf32, #tpu.memory_space<hbm>> -> memref<64x16xf32, #tpu.memory_space<hbm>>
      tpu.wait_dma2 semaphore(%arg20 : memref<!tpu.dma_semaphore, #tpu.memory_space<semaphore_mem>>) src(%dma_wait3A_260 : memref<64x16xf32, #tpu.memory_space<hbm>>) dst(%dma_wait3A_257 : memref<64x16xf32, #tpu.memory_space<vmem>>)
      %dma_wait3A_261 = arith.constant 0 : i32
      %dma_wait3A_262 = arith.constant 0 : i32
      %dma_wait3A_263 = arith.constant 0 : i32
      %dma_wait3A_264 = tpu.memref_slice %arg14[%dma_wait3A_261, %dma_wait3A_262, %dma_wait3A_263] : memref<2x64x128xbf16, #tpu.memory_space<vmem>> -> memref<1x64x128xbf16, #tpu.memory_space<vmem>>
      %dma_wait3A_265 = tpu.memref_squeeze %dma_wait3A_264 : memref<1x64x128xbf16, #tpu.memory_space<vmem>> -> memref<64x128xbf16, #tpu.memory_space<vmem>>
      %dma_wait3A_266 = arith.constant 0 : i32
      %dma_wait3A_267 = arith.constant 0 : i32
      %dma_wait3A_268 = tpu.memref_slice %arg4[%dma_wait3A_266, %dma_wait3A_267] : memref<10000x128xbf16, #tpu.memory_space<hbm>> -> memref<64x128xbf16, #tpu.memory_space<hbm>>
      %dma_wait3A_269 = arith.constant 0 : i32
      %dma_wait3A_270 = arith.constant 0 : i32
      %dma_wait3A_271 = tpu.memref_slice %arg14[%dma_wait3A_261, %dma_wait3A_269, %dma_wait3A_270] : memref<2x64x128xbf16, #tpu.memory_space<vmem>> -> memref<1x64x128xbf16, #tpu.memory_space<vmem>>
      %dma_wait3A_272 = tpu.memref_squeeze %dma_wait3A_271 : memref<1x64x128xbf16, #tpu.memory_space<vmem>> -> memref<64x128xbf16, #tpu.memory_space<vmem>>
      %dma_wait3A_273 = arith.constant 0 : i32
      %dma_wait3A_274 = arith.constant 0 : i32
      %dma_wait3A_275 = tpu.memref_slice %arg4[%dma_wait3A_273, %dma_wait3A_274] : memref<10000x128xbf16, #tpu.memory_space<hbm>> -> memref<64x128xbf16, #tpu.memory_space<hbm>>
      tpu.wait_dma2 semaphore(%arg21 : memref<!tpu.dma_semaphore, #tpu.memory_space<semaphore_mem>>) src(%dma_wait3A_275 : memref<64x128xbf16, #tpu.memory_space<hbm>>) dst(%dma_wait3A_272 : memref<64x128xbf16, #tpu.memory_space<vmem>>)
      %dma_wait3A_276 = arith.constant 0 : i32
      %dma_wait3A_277 = arith.constant 0 : i32
      %dma_wait3A_278 = arith.constant 128 : i32
      %dma_wait3A_279 = tpu.memref_slice %arg16[%dma_wait3A_276, %dma_wait3A_277, %dma_wait3A_278] : memref<2x64x152xf32, #tpu.memory_space<vmem>> -> memref<1x64x16xf32, #tpu.memory_space<vmem>>
      %dma_wait3A_280 = tpu.memref_squeeze %dma_wait3A_279 : memref<1x64x16xf32, #tpu.memory_space<vmem>> -> memref<64x16xf32, #tpu.memory_space<vmem>>
      %dma_wait3A_281 = arith.constant 0 : i32
      %dma_wait3A_282 = arith.constant 0 : i32
      %dma_wait3A_283 = tpu.memref_slice %arg6[%dma_wait3A_281, %dma_wait3A_282] : memref<323584x16xf32, #tpu.memory_space<hbm>> -> memref<64x16xf32, #tpu.memory_space<hbm>>
      %dma_wait3A_284 = arith.constant 0 : i32
      %dma_wait3A_285 = arith.constant 128 : i32
      %dma_wait3A_286 = tpu.memref_slice %arg16[%dma_wait3A_276, %dma_wait3A_284, %dma_wait3A_285] : memref<2x64x152xf32, #tpu.memory_space<vmem>> -> memref<1x64x16xf32, #tpu.memory_space<vmem>>
      %dma_wait3A_287 = tpu.memref_squeeze %dma_wait3A_286 : memref<1x64x16xf32, #tpu.memory_space<vmem>> -> memref<64x16xf32, #tpu.memory_space<vmem>>
      %dma_wait3A_288 = arith.constant 0 : i32
      %dma_wait3A_289 = arith.constant 0 : i32
      %dma_wait3A_290 = tpu.memref_slice %arg6[%dma_wait3A_288, %dma_wait3A_289] : memref<323584x16xf32, #tpu.memory_space<hbm>> -> memref<64x16xf32, #tpu.memory_space<hbm>>
      tpu.wait_dma2 semaphore(%arg23 : memref<!tpu.dma_semaphore, #tpu.memory_space<semaphore_mem>>) src(%dma_wait3A_290 : memref<64x16xf32, #tpu.memory_space<hbm>>) dst(%dma_wait3A_287 : memref<64x16xf32, #tpu.memory_space<vmem>>)
      %ge3A = arith.constant 2 : i32
      %ge3A_291 = arith.cmpi sge, %scan3A_212, %ge3A : i32
      %convert_element_type3A_292 = arith.extui %ge3A_291 : i1 to i32
      %cond3A_293 = arith.constant 0 : i32
      %cond3A_294 = arith.cmpi ne, %convert_element_type3A_292, %cond3A_293 : i32
      scf.if %cond3A_294 {
        %dma_wait3A_338 = arith.constant 0 : i32
        %dma_wait3A_339 = arith.constant 0 : i32
        %dma_wait3A_340 = arith.constant 0 : i32
        %dma_wait3A_341 = tpu.memref_slice %arg16[%dma_wait3A_338, %dma_wait3A_339, %dma_wait3A_340] : memref<2x64x152xf32, #tpu.memory_space<vmem>> -> memref<1x64x152xf32, #tpu.memory_space<vmem>>
        %dma_wait3A_342 = tpu.memref_squeeze %dma_wait3A_341 : memref<1x64x152xf32, #tpu.memory_space<vmem>> -> memref<64x152xf32, #tpu.memory_space<vmem>>
        %dma_wait3A_343 = arith.constant 0 : i32
        %dma_wait3A_344 = arith.constant 0 : i32
        %dma_wait3A_345 = tpu.memref_slice %arg9[%dma_wait3A_343, %dma_wait3A_344] : memref<10000x152xf32, #tpu.memory_space<hbm>> -> memref<64x152xf32, #tpu.memory_space<hbm>>
        %dma_wait3A_346 = arith.constant 0 : i32
        %dma_wait3A_347 = arith.constant 0 : i32
        %dma_wait3A_348 = tpu.memref_slice %arg16[%dma_wait3A_338, %dma_wait3A_346, %dma_wait3A_347] : memref<2x64x152xf32, #tpu.memory_space<vmem>> -> memref<1x64x152xf32, #tpu.memory_space<vmem>>
        %dma_wait3A_349 = tpu.memref_squeeze %dma_wait3A_348 : memref<1x64x152xf32, #tpu.memory_space<vmem>> -> memref<64x152xf32, #tpu.memory_space<vmem>>
        %dma_wait3A_350 = arith.constant 0 : i32
        %dma_wait3A_351 = arith.constant 0 : i32
        %dma_wait3A_352 = tpu.memref_slice %arg9[%dma_wait3A_350, %dma_wait3A_351] : memref<10000x152xf32, #tpu.memory_space<hbm>> -> memref<64x152xf32, #tpu.memory_space<hbm>>
        tpu.wait_dma2 semaphore(%arg24 : memref<!tpu.dma_semaphore, #tpu.memory_space<semaphore_mem>>) src(%dma_wait3A_352 : memref<64x152xf32, #tpu.memory_space<hbm>>) dst(%dma_wait3A_349 : memref<64x152xf32, #tpu.memory_space<vmem>>)
      } else {
      }
      %ge3A_295 = arith.constant 2 : i32
      %ge3A_296 = arith.cmpi sge, %scan3A_212, %ge3A_295 : i32
      %add3A_297 = arith.constant 1 : i32
      %add3A_298 = arith.addi %scan3A_212, %add3A_297 : i32
      %lt3A = arith.constant 158 : i32
      %lt3A_299 = arith.cmpi slt, %add3A_298, %lt3A : i32
      %and3A = arith.andi %ge3A_296, %lt3A_299 : i1
      %convert_element_type3A_300 = arith.extui %and3A : i1 to i32
      %cond3A_301 = arith.constant 0 : i32
      %cond3A_302 = arith.cmpi ne, %convert_element_type3A_300, %cond3A_301 : i32
      scf.if %cond3A_302 {
        %dma_wait3A_338 = arith.constant 0 : i32
        %dma_wait3A_339 = arith.constant 0 : i32
        %dma_wait3A_340 = arith.constant 0 : i32
        %dma_wait3A_341 = tpu.memref_slice %arg11[%dma_wait3A_339, %dma_wait3A_340] : memref<8x64xi32, #tpu.memory_space<vmem>> -> memref<1x64xi32, #tpu.memory_space<vmem>>
        %dma_wait3A_342 = tpu.memref_squeeze %dma_wait3A_341 : memref<1x64xi32, #tpu.memory_space<vmem>> -> memref<64xi32, #tpu.memory_space<vmem>>
        %dma_wait3A_343 = arith.constant 0 : i32
        %dma_wait3A_344 = tpu.memref_slice %arg7[%add3A, %dma_wait3A_338, %dma_wait3A_343] : memref<32x158x64xi32, #tpu.memory_space<hbm>> -> memref<1x1x64xi32, #tpu.memory_space<hbm>>
        %dma_wait3A_345 = tpu.memref_squeeze %dma_wait3A_344 : memref<1x1x64xi32, #tpu.memory_space<hbm>> -> memref<64xi32, #tpu.memory_space<hbm>>
        %dma_wait3A_346 = arith.constant 0 : i32
        %dma_wait3A_347 = tpu.memref_slice %arg11[%dma_wait3A_339, %dma_wait3A_346] : memref<8x64xi32, #tpu.memory_space<vmem>> -> memref<1x64xi32, #tpu.memory_space<vmem>>
        %dma_wait3A_348 = tpu.memref_squeeze %dma_wait3A_347 : memref<1x64xi32, #tpu.memory_space<vmem>> -> memref<64xi32, #tpu.memory_space<vmem>>
        %dma_wait3A_349 = arith.constant 0 : i32
        %dma_wait3A_350 = tpu.memref_slice %arg7[%add3A, %dma_wait3A_338, %dma_wait3A_349] : memref<32x158x64xi32, #tpu.memory_space<hbm>> -> memref<1x1x64xi32, #tpu.memory_space<hbm>>
        %dma_wait3A_351 = tpu.memref_squeeze %dma_wait3A_350 : memref<1x1x64xi32, #tpu.memory_space<hbm>> -> memref<64xi32, #tpu.memory_space<hbm>>
        tpu.wait_dma2 semaphore(%arg25 : memref<!tpu.dma_semaphore, #tpu.memory_space<semaphore_mem>>) src(%dma_wait3A_351 : memref<64xi32, #tpu.memory_space<hbm>>) dst(%dma_wait3A_348 : memref<64xi32, #tpu.memory_space<vmem>>)
        %dma_wait3A_352 = arith.constant 0 : i32
        %dma_wait3A_353 = arith.constant 0 : i32
        %dma_wait3A_354 = arith.constant 0 : i32
        %dma_wait3A_355 = tpu.memref_slice %arg11[%dma_wait3A_353, %dma_wait3A_354] : memref<8x64xi32, #tpu.memory_space<vmem>> -> memref<1x64xi32, #tpu.memory_space<vmem>>
        %dma_wait3A_356 = tpu.memref_squeeze %dma_wait3A_355 : memref<1x64xi32, #tpu.memory_space<vmem>> -> memref<64xi32, #tpu.memory_space<vmem>>
        %dma_wait3A_357 = arith.constant 0 : i32
        %dma_wait3A_358 = tpu.memref_slice %arg8[%add3A, %dma_wait3A_352, %dma_wait3A_357] : memref<32x158x64xi32, #tpu.memory_space<hbm>> -> memref<1x1x64xi32, #tpu.memory_space<hbm>>
        %dma_wait3A_359 = tpu.memref_squeeze %dma_wait3A_358 : memref<1x1x64xi32, #tpu.memory_space<hbm>> -> memref<64xi32, #tpu.memory_space<hbm>>
        %dma_wait3A_360 = arith.constant 0 : i32
        %dma_wait3A_361 = tpu.memref_slice %arg11[%dma_wait3A_353, %dma_wait3A_360] : memref<8x64xi32, #tpu.memory_space<vmem>> -> memref<1x64xi32, #tpu.memory_space<vmem>>
        %dma_wait3A_362 = tpu.memref_squeeze %dma_wait3A_361 : memref<1x64xi32, #tpu.memory_space<vmem>> -> memref<64xi32, #tpu.memory_space<vmem>>
        %dma_wait3A_363 = arith.constant 0 : i32
        %dma_wait3A_364 = tpu.memref_slice %arg8[%add3A, %dma_wait3A_352, %dma_wait3A_363] : memref<32x158x64xi32, #tpu.memory_space<hbm>> -> memref<1x1x64xi32, #tpu.memory_space<hbm>>
        %dma_wait3A_365 = tpu.memref_squeeze %dma_wait3A_364 : memref<1x1x64xi32, #tpu.memory_space<hbm>> -> memref<64xi32, #tpu.memory_space<hbm>>
        tpu.wait_dma2 semaphore(%arg26 : memref<!tpu.dma_semaphore, #tpu.memory_space<semaphore_mem>>) src(%dma_wait3A_365 : memref<64xi32, #tpu.memory_space<hbm>>) dst(%dma_wait3A_362 : memref<64xi32, #tpu.memory_space<vmem>>)
      } else {
      }
      %add3A_303 = arith.constant 1 : i32
      %add3A_304 = arith.addi %scan3A_212, %add3A_303 : i32
      %lt3A_305 = arith.constant 158 : i32
      %lt3A_306 = arith.cmpi slt, %add3A_304, %lt3A_305 : i32
      %convert_element_type3A_307 = arith.extui %lt3A_306 : i1 to i32
      %cond3A_308 = arith.constant 0 : i32
      %cond3A_309 = arith.cmpi ne, %convert_element_type3A_307, %cond3A_308 : i32
      scf.if %cond3A_309 {
        %add3A_338 = arith.constant 1 : i32
        %add3A_339 = arith.addi %scan3A_212, %add3A_338 : i32
        %rem3A_340 = arith.constant 2 : i32
        %rem3A_341 = arith.remsi %add3A_339, %rem3A_340 : i32
        %rem3A_342 = arith.constant 3 : i32
        %rem3A_343 = arith.remsi %add3A_339, %rem3A_342 : i32
        %dma_start3A_344 = arith.constant 0 : i32
        %dma_start3A_345 = arith.constant 0 : i32
        %dma_start3A_346 = tpu.memref_slice %arg15[%rem3A_341, %dma_start3A_344, %dma_start3A_345] : memref<2x64x128xf32, #tpu.memory_space<vmem>> -> memref<1x64x128xf32, #tpu.memory_space<vmem>>
        %dma_start3A_347 = tpu.memref_squeeze %dma_start3A_346 : memref<1x64x128xf32, #tpu.memory_space<vmem>> -> memref<64x128xf32, #tpu.memory_space<vmem>>
        %dma_start3A_348 = arith.constant 0 : i32
        %dma_start3A_349 = tpu.memref_slice %arg11[%rem3A_343, %dma_start3A_348] : memref<8x64xi32, #tpu.memory_space<vmem>> -> memref<1x64xi32, #tpu.memory_space<vmem>>
        %dma_start3A_350 = tpu.memref_squeeze %dma_start3A_349 : memref<1x64xi32, #tpu.memory_space<vmem>> -> memref<64xi32, #tpu.memory_space<vmem>>
        %dma_start3A_351 = arith.constant 0 : i32
        %dma_start3A_352 = arith.constant 0 : i32
        %dma_start3A_353 = tpu.memref_slice %arg5[%dma_start3A_351, %dma_start3A_352] : memref<10000x128xf32, #tpu.memory_space<hbm>> -> memref<10000x128xf32, #tpu.memory_space<hbm>>
        tpu.enqueue_indirect_dma source(%dma_start3A_353 : memref<10000x128xf32, #tpu.memory_space<hbm>>) target(%dma_start3A_347 : memref<64x128xf32, #tpu.memory_space<vmem>>) offsets(%dma_start3A_350 : memref<64xi32, #tpu.memory_space<vmem>>) semaphore(%arg22 : memref<!tpu.dma_semaphore, #tpu.memory_space<semaphore_mem>>)
        %add3A_354 = arith.constant 3 : i32
        %add3A_355 = arith.addi %add3A_354, %rem3A_343 : i32
        %dma_start3A_356 = arith.constant 0 : i32
        %dma_start3A_357 = arith.constant 0 : i32
        %dma_start3A_358 = tpu.memref_slice %arg12[%rem3A_341, %dma_start3A_356, %dma_start3A_357] : memref<2x64x128xbf16, #tpu.memory_space<vmem>> -> memref<1x64x128xbf16, #tpu.memory_space<vmem>>
        %dma_start3A_359 = tpu.memref_squeeze %dma_start3A_358 : memref<1x64x128xbf16, #tpu.memory_space<vmem>> -> memref<64x128xbf16, #tpu.memory_space<vmem>>
        %dma_start3A_360 = arith.constant 0 : i32
        %dma_start3A_361 = tpu.memref_slice %arg11[%add3A_355, %dma_start3A_360] : memref<8x64xi32, #tpu.memory_space<vmem>> -> memref<1x64xi32, #tpu.memory_space<vmem>>
        %dma_start3A_362 = tpu.memref_squeeze %dma_start3A_361 : memref<1x64xi32, #tpu.memory_space<vmem>> -> memref<64xi32, #tpu.memory_space<vmem>>
        %dma_start3A_363 = arith.constant 0 : i32
        %dma_start3A_364 = arith.constant 0 : i32
        %dma_start3A_365 = tpu.memref_slice %arg2[%dma_start3A_363, %dma_start3A_364] : memref<10000x128xbf16, #tpu.memory_space<hbm>> -> memref<10000x128xbf16, #tpu.memory_space<hbm>>
        tpu.enqueue_indirect_dma source(%dma_start3A_365 : memref<10000x128xbf16, #tpu.memory_space<hbm>>) target(%dma_start3A_359 : memref<64x128xbf16, #tpu.memory_space<vmem>>) offsets(%dma_start3A_362 : memref<64xi32, #tpu.memory_space<vmem>>) semaphore(%arg20 : memref<!tpu.dma_semaphore, #tpu.memory_space<semaphore_mem>>)
        %add3A_366 = arith.constant 3 : i32
        %add3A_367 = arith.addi %add3A_366, %rem3A_343 : i32
        %dma_start3A_368 = arith.constant 0 : i32
        %dma_start3A_369 = arith.constant 0 : i32
        %dma_start3A_370 = tpu.memref_slice %arg13[%rem3A_341, %dma_start3A_368, %dma_start3A_369] : memref<2x64x16xf32, #tpu.memory_space<vmem>> -> memref<1x64x16xf32, #tpu.memory_space<vmem>>
        %dma_start3A_371 = tpu.memref_squeeze %dma_start3A_370 : memref<1x64x16xf32, #tpu.memory_space<vmem>> -> memref<64x16xf32, #tpu.memory_space<vmem>>
        %dma_start3A_372 = arith.constant 0 : i32
        %dma_start3A_373 = tpu.memref_slice %arg11[%add3A_367, %dma_start3A_372] : memref<8x64xi32, #tpu.memory_space<vmem>> -> memref<1x64xi32, #tpu.memory_space<vmem>>
        %dma_start3A_374 = tpu.memref_squeeze %dma_start3A_373 : memref<1x64xi32, #tpu.memory_space<vmem>> -> memref<64xi32, #tpu.memory_space<vmem>>
        %dma_start3A_375 = arith.constant 0 : i32
        %dma_start3A_376 = arith.constant 0 : i32
        %dma_start3A_377 = tpu.memref_slice %arg3[%dma_start3A_375, %dma_start3A_376] : memref<10000x16xf32, #tpu.memory_space<hbm>> -> memref<10000x16xf32, #tpu.memory_space<hbm>>
        tpu.enqueue_indirect_dma source(%dma_start3A_377 : memref<10000x16xf32, #tpu.memory_space<hbm>>) target(%dma_start3A_371 : memref<64x16xf32, #tpu.memory_space<vmem>>) offsets(%dma_start3A_374 : memref<64xi32, #tpu.memory_space<vmem>>) semaphore(%arg20 : memref<!tpu.dma_semaphore, #tpu.memory_space<semaphore_mem>>)
        %dma_start3A_378 = arith.constant 0 : i32
        %dma_start3A_379 = arith.constant 0 : i32
        %dma_start3A_380 = tpu.memref_slice %arg14[%rem3A_341, %dma_start3A_378, %dma_start3A_379] : memref<2x64x128xbf16, #tpu.memory_space<vmem>> -> memref<1x64x128xbf16, #tpu.memory_space<vmem>>
        %dma_start3A_381 = tpu.memref_squeeze %dma_start3A_380 : memref<1x64x128xbf16, #tpu.memory_space<vmem>> -> memref<64x128xbf16, #tpu.memory_space<vmem>>
        %dma_start3A_382 = arith.constant 0 : i32
        %dma_start3A_383 = tpu.memref_slice %arg11[%rem3A_343, %dma_start3A_382] : memref<8x64xi32, #tpu.memory_space<vmem>> -> memref<1x64xi32, #tpu.memory_space<vmem>>
        %dma_start3A_384 = tpu.memref_squeeze %dma_start3A_383 : memref<1x64xi32, #tpu.memory_space<vmem>> -> memref<64xi32, #tpu.memory_space<vmem>>
        %dma_start3A_385 = arith.constant 0 : i32
        %dma_start3A_386 = arith.constant 0 : i32
        %dma_start3A_387 = tpu.memref_slice %arg4[%dma_start3A_385, %dma_start3A_386] : memref<10000x128xbf16, #tpu.memory_space<hbm>> -> memref<10000x128xbf16, #tpu.memory_space<hbm>>
        tpu.enqueue_indirect_dma source(%dma_start3A_387 : memref<10000x128xbf16, #tpu.memory_space<hbm>>) target(%dma_start3A_381 : memref<64x128xbf16, #tpu.memory_space<vmem>>) offsets(%dma_start3A_384 : memref<64xi32, #tpu.memory_space<vmem>>) semaphore(%arg21 : memref<!tpu.dma_semaphore, #tpu.memory_space<semaphore_mem>>)
        %mul3A_388 = arith.constant 64 : i32
        %mul3A_389 = arith.muli %add3A_339, %mul3A_388 : i32
        %add3A_390 = arith.addi %mul3A_2, %mul3A_389 : i32
        %dma_start3A_391 = arith.constant 0 : i32
        %dma_start3A_392 = arith.constant 128 : i32
        %dma_start3A_393 = tpu.memref_slice %arg16[%rem3A_341, %dma_start3A_391, %dma_start3A_392] : memref<2x64x152xf32, #tpu.memory_space<vmem>> -> memref<1x64x16xf32, #tpu.memory_space<vmem>>
        %dma_start3A_394 = tpu.memref_squeeze %dma_start3A_393 : memref<1x64x16xf32, #tpu.memory_space<vmem>> -> memref<64x16xf32, #tpu.memory_space<vmem>>
        %dma_start3A_395 = arith.constant 0 : i32
        %dma_start3A_396 = tpu.memref_slice %arg6[%add3A_390, %dma_start3A_395] : memref<323584x16xf32, #tpu.memory_space<hbm>> -> memref<64x16xf32, #tpu.memory_space<hbm>>
        %dma_start3A_397 = arith.constant 0 : i32
        %dma_start3A_398 = arith.constant 128 : i32
        %dma_start3A_399 = tpu.memref_slice %arg16[%rem3A_341, %dma_start3A_397, %dma_start3A_398] : memref<2x64x152xf32, #tpu.memory_space<vmem>> -> memref<1x64x16xf32, #tpu.memory_space<vmem>>
        %dma_start3A_400 = tpu.memref_squeeze %dma_start3A_399 : memref<1x64x16xf32, #tpu.memory_space<vmem>> -> memref<64x16xf32, #tpu.memory_space<vmem>>
        %dma_start3A_401 = arith.constant 0 : i32
        %dma_start3A_402 = tpu.memref_slice %arg6[%add3A_390, %dma_start3A_401] : memref<323584x16xf32, #tpu.memory_space<hbm>> -> memref<64x16xf32, #tpu.memory_space<hbm>>
        tpu.enqueue_dma source(%dma_start3A_402 : memref<64x16xf32, #tpu.memory_space<hbm>>) target(%dma_start3A_400 : memref<64x16xf32, #tpu.memory_space<vmem>>) target_semaphore(%arg23 : memref<!tpu.dma_semaphore, #tpu.memory_space<semaphore_mem>>)
      } else {
      }
      %mul3A_310 = arith.constant 64 : i32
      %mul3A_311 = arith.muli %scan3A_212, %mul3A_310 : i32
      %add3A_312 = arith.addi %mul3A_2, %mul3A_311 : i32
      %scan3A_313 = arith.constant 0 : i32
      %scan3A_314 = arith.constant 0 : i32
      %scan3A_315 = arith.constant 4 : i32
      %scan3A_316 = arith.addi %scan3A_314, %scan3A_315 : i32
      %scan3A_317 = arith.constant 1 : i32
      scf.for %scan3A_338 = %scan3A_314 to %scan3A_316 step %scan3A_317  : i32 {
        %mul3A_339 = arith.constant 16 : i32
        %mul3A_340 = arith.muli %scan3A_338, %mul3A_339 : i32
        %add3A_341 = vector.broadcast %mul3A_340 : i32 to vector<16xi32>
        %add3A_342 = arith.addi %add3A_341, %iota3A : vector<16xi32>
        %rem3A_343 = arith.constant 3 : i32
        %rem3A_344 = arith.remsi %scan3A_212, %rem3A_343 : i32
        %add3A_345 = arith.constant 3 : i32
        %add3A_346 = arith.addi %add3A_345, %rem3A_344 : i32
        %get3A = arith.index_cast %add3A_346 : i32 to index
        %get3A_347 = arith.index_cast %mul3A_340 : i32 to index
        %get3A_348 = tpu.vector_load %arg11[%get3A, %get3A_347] {strides = array<i32>} : memref<8x64xi32, #tpu.memory_space<vmem>>, vector<16xi32>,
        %parallel_loop3A = arith.constant 0 : i32
        %parallel_loop3A_349 = arith.constant 16 : i32
        %parallel_loop3A_350 = arith.constant 2 : i32
        %parallel_loop3A_351 = arith.constant 0 : i32
        %parallel_loop3A_352 = scf.for %parallel_loop3A_455 = %parallel_loop3A to %parallel_loop3A_349 step %parallel_loop3A_350 iter_args(%parallel_loop3A_456 = %parallel_loop3A_351) -> (i32)  : i32 {
          %parallel_loop3A_457 = arith.constant 0 : i32
          %parallel_loop3A_458 = arith.addi %parallel_loop3A_455, %parallel_loop3A_457 : i32
          %parallel_loop3A_459 = arith.addi %mul3A_340, %parallel_loop3A_458 : i32
          %parallel_loop3A_460 = arith.index_cast %rem3A_214 : i32 to index
          %parallel_loop3A_461 = arith.index_cast %parallel_loop3A_459 : i32 to index
          %parallel_loop3A_462 = arith.constant 0 : index
          %parallel_loop3A_463 = tpu.vector_load %arg12[%parallel_loop3A_460, %parallel_loop3A_461, %parallel_loop3A_462] {strides = array<i32>} : memref<2x64x128xbf16, #tpu.memory_space<vmem>>, vector<32xbf16>,
          %parallel_loop3A_464 = arith.index_cast %rem3A_214 : i32 to index
          %parallel_loop3A_465 = arith.index_cast %parallel_loop3A_459 : i32 to index
          %parallel_loop3A_466 = arith.constant 0 : index
          %parallel_loop3A_467 = tpu.vector_load %arg14[%parallel_loop3A_464, %parallel_loop3A_465, %parallel_loop3A_466] {strides = array<i32>} : memref<2x64x128xbf16, #tpu.memory_space<vmem>>, vector<32xbf16>,
          %parallel_loop3A_468 = arith.mulf %parallel_loop3A_463, %parallel_loop3A_467 : vector<32xbf16>
          %parallel_loop3A_469 = tpu.unpack_subelements %parallel_loop3A_468, 0 {pack_format = #tpu.pack_format<interleaved>} : vector<32xbf16> -> vector<16xf32>
          %parallel_loop3A_470 = tpu.unpack_subelements %parallel_loop3A_468, 1 {pack_format = #tpu.pack_format<interleaved>} : vector<32xbf16> -> vector<16xf32>
          %parallel_loop3A_471 = arith.addf %broadcast_in_dim3A_3, %parallel_loop3A_469 : vector<16xf32>
          %parallel_loop3A_472 = arith.addf %broadcast_in_dim3A_3, %parallel_loop3A_470 : vector<16xf32>
          %parallel_loop3A_473 = arith.index_cast %rem3A_214 : i32 to index
          %parallel_loop3A_474 = arith.index_cast %parallel_loop3A_459 : i32 to index
          %parallel_loop3A_475 = arith.constant 32 : index
          %parallel_loop3A_476 = tpu.vector_load %arg12[%parallel_loop3A_473, %parallel_loop3A_474, %parallel_loop3A_475] {strides = array<i32>} : memref<2x64x128xbf16, #tpu.memory_space<vmem>>, vector<32xbf16>,
          %parallel_loop3A_477 = arith.index_cast %rem3A_214 : i32 to index
          %parallel_loop3A_478 = arith.index_cast %parallel_loop3A_459 : i32 to index
          %parallel_loop3A_479 = arith.constant 32 : index
          %parallel_loop3A_480 = tpu.vector_load %arg14[%parallel_loop3A_477, %parallel_loop3A_478, %parallel_loop3A_479] {strides = array<i32>} : memref<2x64x128xbf16, #tpu.memory_space<vmem>>, vector<32xbf16>,
          %parallel_loop3A_481 = arith.mulf %parallel_loop3A_476, %parallel_loop3A_480 : vector<32xbf16>
          %parallel_loop3A_482 = tpu.unpack_subelements %parallel_loop3A_481, 0 {pack_format = #tpu.pack_format<interleaved>} : vector<32xbf16> -> vector<16xf32>
          %parallel_loop3A_483 = tpu.unpack_subelements %parallel_loop3A_481, 1 {pack_format = #tpu.pack_format<interleaved>} : vector<32xbf16> -> vector<16xf32>
          %parallel_loop3A_484 = arith.addf %parallel_loop3A_471, %parallel_loop3A_482 : vector<16xf32>
          %parallel_loop3A_485 = arith.addf %parallel_loop3A_472, %parallel_loop3A_483 : vector<16xf32>
          %parallel_loop3A_486 = arith.index_cast %rem3A_214 : i32 to index
          %parallel_loop3A_487 = arith.index_cast %parallel_loop3A_459 : i32 to index
          %parallel_loop3A_488 = arith.constant 64 : index
          %parallel_loop3A_489 = tpu.vector_load %arg12[%parallel_loop3A_486, %parallel_loop3A_487, %parallel_loop3A_488] {strides = array<i32>} : memref<2x64x128xbf16, #tpu.memory_space<vmem>>, vector<32xbf16>,
          %parallel_loop3A_490 = arith.index_cast %rem3A_214 : i32 to index
          %parallel_loop3A_491 = arith.index_cast %parallel_loop3A_459 : i32 to index
          %parallel_loop3A_492 = arith.constant 64 : index
          %parallel_loop3A_493 = tpu.vector_load %arg14[%parallel_loop3A_490, %parallel_loop3A_491, %parallel_loop3A_492] {strides = array<i32>} : memref<2x64x128xbf16, #tpu.memory_space<vmem>>, vector<32xbf16>,
          %parallel_loop3A_494 = arith.mulf %parallel_loop3A_489, %parallel_loop3A_493 : vector<32xbf16>
          %parallel_loop3A_495 = tpu.unpack_subelements %parallel_loop3A_494, 0 {pack_format = #tpu.pack_format<interleaved>} : vector<32xbf16> -> vector<16xf32>
          %parallel_loop3A_496 = tpu.unpack_subelements %parallel_loop3A_494, 1 {pack_format = #tpu.pack_format<interleaved>} : vector<32xbf16> -> vector<16xf32>
          %parallel_loop3A_497 = arith.addf %parallel_loop3A_484, %parallel_loop3A_495 : vector<16xf32>
          %parallel_loop3A_498 = arith.addf %parallel_loop3A_485, %parallel_loop3A_496 : vector<16xf32>
          %parallel_loop3A_499 = arith.index_cast %rem3A_214 : i32 to index
          %parallel_loop3A_500 = arith.index_cast %parallel_loop3A_459 : i32 to index
          %parallel_loop3A_501 = arith.constant 96 : index
          %parallel_loop3A_502 = tpu.vector_load %arg12[%parallel_loop3A_499, %parallel_loop3A_500, %parallel_loop3A_501] {strides = array<i32>} : memref<2x64x128xbf16, #tpu.memory_space<vmem>>, vector<32xbf16>,
          %parallel_loop3A_503 = arith.index_cast %rem3A_214 : i32 to index
          %parallel_loop3A_504 = arith.index_cast %parallel_loop3A_459 : i32 to index
          %parallel_loop3A_505 = arith.constant 96 : index
          %parallel_loop3A_506 = tpu.vector_load %arg14[%parallel_loop3A_503, %parallel_loop3A_504, %parallel_loop3A_505] {strides = array<i32>} : memref<2x64x128xbf16, #tpu.memory_space<vmem>>, vector<32xbf16>,
          %parallel_loop3A_507 = arith.mulf %parallel_loop3A_502, %parallel_loop3A_506 : vector<32xbf16>
          %parallel_loop3A_508 = tpu.unpack_subelements %parallel_loop3A_507, 0 {pack_format = #tpu.pack_format<interleaved>} : vector<32xbf16> -> vector<16xf32>
          %parallel_loop3A_509 = tpu.unpack_subelements %parallel_loop3A_507, 1 {pack_format = #tpu.pack_format<interleaved>} : vector<32xbf16> -> vector<16xf32>
          %parallel_loop3A_510 = arith.addf %parallel_loop3A_497, %parallel_loop3A_508 : vector<16xf32>
          %parallel_loop3A_511 = arith.addf %parallel_loop3A_498, %parallel_loop3A_509 : vector<16xf32>
          %parallel_loop3A_512 = arith.index_cast %rem3A_214 : i32 to index
          %parallel_loop3A_513 = arith.index_cast %parallel_loop3A_459 : i32 to index
          %parallel_loop3A_514 = arith.constant 0 : index
          %parallel_loop3A_515 = tpu.vector_load %arg13[%parallel_loop3A_512, %parallel_loop3A_513, %parallel_loop3A_514] {strides = array<i32>} : memref<2x64x16xf32, #tpu.memory_space<vmem>>, vector<16xf32>,
          %parallel_loop3A_516 = arith.index_cast %rem3A_214 : i32 to index
          %parallel_loop3A_517 = arith.index_cast %parallel_loop3A_459 : i32 to index
          %parallel_loop3A_518 = arith.constant 128 : index
          %parallel_loop3A_519 = tpu.vector_load %arg16[%parallel_loop3A_516, %parallel_loop3A_517, %parallel_loop3A_518] {strides = array<i32>} : memref<2x64x152xf32, #tpu.memory_space<vmem>>, vector<16xf32>,
          %parallel_loop3A_520 = arith.mulf %parallel_loop3A_515, %parallel_loop3A_519 : vector<16xf32>
          %parallel_loop3A_521 = arith.addf %parallel_loop3A_510, %parallel_loop3A_520 : vector<16xf32>
          %parallel_loop3A_522 = arith.addf %parallel_loop3A_521, %parallel_loop3A_511 : vector<16xf32>
          %parallel_loop3A_523 = arith.index_cast %parallel_loop3A_458 : i32 to index
          %parallel_loop3A_524 = arith.constant 0 : index
          %parallel_loop3A_525 = tpu.vector_load %arg18[%parallel_loop3A_523, %parallel_loop3A_524] {strides = array<i32>} : memref<16x17xf32, #tpu.memory_space<vmem>>, vector<16xf32>,
          tpu.vector_store %arg18[%parallel_loop3A_523, %parallel_loop3A_524], %parallel_loop3A_522 {strides = array<i32>} : memref<16x17xf32, #tpu.memory_space<vmem>>, vector<16xf32>,
          %parallel_loop3A_526 = arith.constant 1 : i32
          %parallel_loop3A_527 = arith.addi %parallel_loop3A_455, %parallel_loop3A_526 : i32
          %parallel_loop3A_528 = arith.addi %mul3A_340, %parallel_loop3A_527 : i32
          %parallel_loop3A_529 = arith.index_cast %rem3A_214 : i32 to index
          %parallel_loop3A_530 = arith.index_cast %parallel_loop3A_528 : i32 to index
          %parallel_loop3A_531 = arith.constant 0 : index
          %parallel_loop3A_532 = tpu.vector_load %arg12[%parallel_loop3A_529, %parallel_loop3A_530, %parallel_loop3A_531] {strides = array<i32>} : memref<2x64x128xbf16, #tpu.memory_space<vmem>>, vector<32xbf16>,
          %parallel_loop3A_533 = arith.index_cast %rem3A_214 : i32 to index
          %parallel_loop3A_534 = arith.index_cast %parallel_loop3A_528 : i32 to index
          %parallel_loop3A_535 = arith.constant 0 : index
          %parallel_loop3A_536 = tpu.vector_load %arg14[%parallel_loop3A_533, %parallel_loop3A_534, %parallel_loop3A_535] {strides = array<i32>} : memref<2x64x128xbf16, #tpu.memory_space<vmem>>, vector<32xbf16>,
          %parallel_loop3A_537 = arith.mulf %parallel_loop3A_532, %parallel_loop3A_536 : vector<32xbf16>
          %parallel_loop3A_538 = tpu.unpack_subelements %parallel_loop3A_537, 0 {pack_format = #tpu.pack_format<interleaved>} : vector<32xbf16> -> vector<16xf32>
          %parallel_loop3A_539 = tpu.unpack_subelements %parallel_loop3A_537, 1 {pack_format = #tpu.pack_format<interleaved>} : vector<32xbf16> -> vector<16xf32>
          %parallel_loop3A_540 = arith.addf %broadcast_in_dim3A_3, %parallel_loop3A_538 : vector<16xf32>
          %parallel_loop3A_541 = arith.addf %broadcast_in_dim3A_3, %parallel_loop3A_539 : vector<16xf32>
          %parallel_loop3A_542 = arith.index_cast %rem3A_214 : i32 to index
          %parallel_loop3A_543 = arith.index_cast %parallel_loop3A_528 : i32 to index
          %parallel_loop3A_544 = arith.constant 32 : index
          %parallel_loop3A_545 = tpu.vector_load %arg12[%parallel_loop3A_542, %parallel_loop3A_543, %parallel_loop3A_544] {strides = array<i32>} : memref<2x64x128xbf16, #tpu.memory_space<vmem>>, vector<32xbf16>,
          %parallel_loop3A_546 = arith.index_cast %rem3A_214 : i32 to index
          %parallel_loop3A_547 = arith.index_cast %parallel_loop3A_528 : i32 to index
          %parallel_loop3A_548 = arith.constant 32 : index
          %parallel_loop3A_549 = tpu.vector_load %arg14[%parallel_loop3A_546, %parallel_loop3A_547, %parallel_loop3A_548] {strides = array<i32>} : memref<2x64x128xbf16, #tpu.memory_space<vmem>>, vector<32xbf16>,
          %parallel_loop3A_550 = arith.mulf %parallel_loop3A_545, %parallel_loop3A_549 : vector<32xbf16>
          %parallel_loop3A_551 = tpu.unpack_subelements %parallel_loop3A_550, 0 {pack_format = #tpu.pack_format<interleaved>} : vector<32xbf16> -> vector<16xf32>
          %parallel_loop3A_552 = tpu.unpack_subelements %parallel_loop3A_550, 1 {pack_format = #tpu.pack_format<interleaved>} : vector<32xbf16> -> vector<16xf32>
          %parallel_loop3A_553 = arith.addf %parallel_loop3A_540, %parallel_loop3A_551 : vector<16xf32>
          %parallel_loop3A_554 = arith.addf %parallel_loop3A_541, %parallel_loop3A_552 : vector<16xf32>
          %parallel_loop3A_555 = arith.index_cast %rem3A_214 : i32 to index
          %parallel_loop3A_556 = arith.index_cast %parallel_loop3A_528 : i32 to index
          %parallel_loop3A_557 = arith.constant 64 : index
          %parallel_loop3A_558 = tpu.vector_load %arg12[%parallel_loop3A_555, %parallel_loop3A_556, %parallel_loop3A_557] {strides = array<i32>} : memref<2x64x128xbf16, #tpu.memory_space<vmem>>, vector<32xbf16>,
          %parallel_loop3A_559 = arith.index_cast %rem3A_214 : i32 to index
          %parallel_loop3A_560 = arith.index_cast %parallel_loop3A_528 : i32 to index
          %parallel_loop3A_561 = arith.constant 64 : index
          %parallel_loop3A_562 = tpu.vector_load %arg14[%parallel_loop3A_559, %parallel_loop3A_560, %parallel_loop3A_561] {strides = array<i32>} : memref<2x64x128xbf16, #tpu.memory_space<vmem>>, vector<32xbf16>,
          %parallel_loop3A_563 = arith.mulf %parallel_loop3A_558, %parallel_loop3A_562 : vector<32xbf16>
          %parallel_loop3A_564 = tpu.unpack_subelements %parallel_loop3A_563, 0 {pack_format = #tpu.pack_format<interleaved>} : vector<32xbf16> -> vector<16xf32>
          %parallel_loop3A_565 = tpu.unpack_subelements %parallel_loop3A_563, 1 {pack_format = #tpu.pack_format<interleaved>} : vector<32xbf16> -> vector<16xf32>
          %parallel_loop3A_566 = arith.addf %parallel_loop3A_553, %parallel_loop3A_564 : vector<16xf32>
          %parallel_loop3A_567 = arith.addf %parallel_loop3A_554, %parallel_loop3A_565 : vector<16xf32>
          %parallel_loop3A_568 = arith.index_cast %rem3A_214 : i32 to index
          %parallel_loop3A_569 = arith.index_cast %parallel_loop3A_528 : i32 to index
          %parallel_loop3A_570 = arith.constant 96 : index
          %parallel_loop3A_571 = tpu.vector_load %arg12[%parallel_loop3A_568, %parallel_loop3A_569, %parallel_loop3A_570] {strides = array<i32>} : memref<2x64x128xbf16, #tpu.memory_space<vmem>>, vector<32xbf16>,
          %parallel_loop3A_572 = arith.index_cast %rem3A_214 : i32 to index
          %parallel_loop3A_573 = arith.index_cast %parallel_loop3A_528 : i32 to index
          %parallel_loop3A_574 = arith.constant 96 : index
          %parallel_loop3A_575 = tpu.vector_load %arg14[%parallel_loop3A_572, %parallel_loop3A_573, %parallel_loop3A_574] {strides = array<i32>} : memref<2x64x128xbf16, #tpu.memory_space<vmem>>, vector<32xbf16>,
          %parallel_loop3A_576 = arith.mulf %parallel_loop3A_571, %parallel_loop3A_575 : vector<32xbf16>
          %parallel_loop3A_577 = tpu.unpack_subelements %parallel_loop3A_576, 0 {pack_format = #tpu.pack_format<interleaved>} : vector<32xbf16> -> vector<16xf32>
          %parallel_loop3A_578 = tpu.unpack_subelements %parallel_loop3A_576, 1 {pack_format = #tpu.pack_format<interleaved>} : vector<32xbf16> -> vector<16xf32>
          %parallel_loop3A_579 = arith.addf %parallel_loop3A_566, %parallel_loop3A_577 : vector<16xf32>
          %parallel_loop3A_580 = arith.addf %parallel_loop3A_567, %parallel_loop3A_578 : vector<16xf32>
          %parallel_loop3A_581 = arith.index_cast %rem3A_214 : i32 to index
          %parallel_loop3A_582 = arith.index_cast %parallel_loop3A_528 : i32 to index
          %parallel_loop3A_583 = arith.constant 0 : index
          %parallel_loop3A_584 = tpu.vector_load %arg13[%parallel_loop3A_581, %parallel_loop3A_582, %parallel_loop3A_583] {strides = array<i32>} : memref<2x64x16xf32, #tpu.memory_space<vmem>>, vector<16xf32>,
          %parallel_loop3A_585 = arith.index_cast %rem3A_214 : i32 to index
          %parallel_loop3A_586 = arith.index_cast %parallel_loop3A_528 : i32 to index
          %parallel_loop3A_587 = arith.constant 128 : index
          %parallel_loop3A_588 = tpu.vector_load %arg16[%parallel_loop3A_585, %parallel_loop3A_586, %parallel_loop3A_587] {strides = array<i32>} : memref<2x64x152xf32, #tpu.memory_space<vmem>>, vector<16xf32>,
          %parallel_loop3A_589 = arith.mulf %parallel_loop3A_584, %parallel_loop3A_588 : vector<16xf32>
          %parallel_loop3A_590 = arith.addf %parallel_loop3A_579, %parallel_loop3A_589 : vector<16xf32>
          %parallel_loop3A_591 = arith.addf %parallel_loop3A_590, %parallel_loop3A_580 : vector<16xf32>
          %parallel_loop3A_592 = arith.index_cast %parallel_loop3A_527 : i32 to index
          %parallel_loop3A_593 = arith.constant 0 : index
          %parallel_loop3A_594 = tpu.vector_load %arg18[%parallel_loop3A_592, %parallel_loop3A_593] {strides = array<i32>} : memref<16x17xf32, #tpu.memory_space<vmem>>, vector<16xf32>,
          tpu.vector_store %arg18[%parallel_loop3A_592, %parallel_loop3A_593], %parallel_loop3A_591 {strides = array<i32>} : memref<16x17xf32, #tpu.memory_space<vmem>>, vector<16xf32>,
          scf.yield %parallel_loop3A_456 : i32
        } {sc.loop_unroll_factor = 1 : i64, sc.parallel_access}
        %broadcast_in_dim3A_353 = arith.constant 0 : i32
        %broadcast_in_dim3A_354 = vector.broadcast %broadcast_in_dim3A_353 : i32 to vector<16xi32>
        %gather3A = tpu.vector_load_idx %arg18[%iota3A, %broadcast_in_dim3A_354] : memref<16x17xf32, #tpu.memory_space<vmem>>[vector<16xi32>, vector<16xi32>], vector<16xf32>,
        %add3A_355 = arith.addf %broadcast_in_dim3A_3, %gather3A : vector<16xf32>
        %broadcast_in_dim3A_356 = arith.constant 1 : i32
        %broadcast_in_dim3A_357 = vector.broadcast %broadcast_in_dim3A_356 : i32 to vector<16xi32>
        %gather3A_358 = tpu.vector_load_idx %arg18[%iota3A, %broadcast_in_dim3A_357] : memref<16x17xf32, #tpu.memory_space<vmem>>[vector<16xi32>, vector<16xi32>], vector<16xf32>,
        %add3A_359 = arith.addf %broadcast_in_dim3A_3, %gather3A_358 : vector<16xf32>
        %broadcast_in_dim3A_360 = arith.constant 2 : i32
        %broadcast_in_dim3A_361 = vector.broadcast %broadcast_in_dim3A_360 : i32 to vector<16xi32>
        %gather3A_362 = tpu.vector_load_idx %arg18[%iota3A, %broadcast_in_dim3A_361] : memref<16x17xf32, #tpu.memory_space<vmem>>[vector<16xi32>, vector<16xi32>], vector<16xf32>,
        %add3A_363 = arith.addf %add3A_355, %gather3A_362 : vector<16xf32>
        %broadcast_in_dim3A_364 = arith.constant 3 : i32
        %broadcast_in_dim3A_365 = vector.broadcast %broadcast_in_dim3A_364 : i32 to vector<16xi32>
        %gather3A_366 = tpu.vector_load_idx %arg18[%iota3A, %broadcast_in_dim3A_365] : memref<16x17xf32, #tpu.memory_space<vmem>>[vector<16xi32>, vector<16xi32>], vector<16xf32>,
        %add3A_367 = arith.addf %add3A_359, %gather3A_366 : vector<16xf32>
        %broadcast_in_dim3A_368 = arith.constant 4 : i32
        %broadcast_in_dim3A_369 = vector.broadcast %broadcast_in_dim3A_368 : i32 to vector<16xi32>
        %gather3A_370 = tpu.vector_load_idx %arg18[%iota3A, %broadcast_in_dim3A_369] : memref<16x17xf32, #tpu.memory_space<vmem>>[vector<16xi32>, vector<16xi32>], vector<16xf32>,
        %add3A_371 = arith.addf %add3A_363, %gather3A_370 : vector<16xf32>
        %broadcast_in_dim3A_372 = arith.constant 5 : i32
        %broadcast_in_dim3A_373 = vector.broadcast %broadcast_in_dim3A_372 : i32 to vector<16xi32>
        %gather3A_374 = tpu.vector_load_idx %arg18[%iota3A, %broadcast_in_dim3A_373] : memref<16x17xf32, #tpu.memory_space<vmem>>[vector<16xi32>, vector<16xi32>], vector<16xf32>,
        %add3A_375 = arith.addf %add3A_367, %gather3A_374 : vector<16xf32>
        %broadcast_in_dim3A_376 = arith.constant 6 : i32
        %broadcast_in_dim3A_377 = vector.broadcast %broadcast_in_dim3A_376 : i32 to vector<16xi32>
        %gather3A_378 = tpu.vector_load_idx %arg18[%iota3A, %broadcast_in_dim3A_377] : memref<16x17xf32, #tpu.memory_space<vmem>>[vector<16xi32>, vector<16xi32>], vector<16xf32>,
        %add3A_379 = arith.addf %add3A_371, %gather3A_378 : vector<16xf32>
        %broadcast_in_dim3A_380 = arith.constant 7 : i32
        %broadcast_in_dim3A_381 = vector.broadcast %broadcast_in_dim3A_380 : i32 to vector<16xi32>
        %gather3A_382 = tpu.vector_load_idx %arg18[%iota3A, %broadcast_in_dim3A_381] : memref<16x17xf32, #tpu.memory_space<vmem>>[vector<16xi32>, vector<16xi32>], vector<16xf32>,
        %add3A_383 = arith.addf %add3A_375, %gather3A_382 : vector<16xf32>
        %broadcast_in_dim3A_384 = arith.constant 8 : i32
        %broadcast_in_dim3A_385 = vector.broadcast %broadcast_in_dim3A_384 : i32 to vector<16xi32>
        %gather3A_386 = tpu.vector_load_idx %arg18[%iota3A, %broadcast_in_dim3A_385] : memref<16x17xf32, #tpu.memory_space<vmem>>[vector<16xi32>, vector<16xi32>], vector<16xf32>,
        %add3A_387 = arith.addf %add3A_379, %gather3A_386 : vector<16xf32>
        %broadcast_in_dim3A_388 = arith.constant 9 : i32
        %broadcast_in_dim3A_389 = vector.broadcast %broadcast_in_dim3A_388 : i32 to vector<16xi32>
        %gather3A_390 = tpu.vector_load_idx %arg18[%iota3A, %broadcast_in_dim3A_389] : memref<16x17xf32, #tpu.memory_space<vmem>>[vector<16xi32>, vector<16xi32>], vector<16xf32>,
        %add3A_391 = arith.addf %add3A_383, %gather3A_390 : vector<16xf32>
        %broadcast_in_dim3A_392 = arith.constant 10 : i32
        %broadcast_in_dim3A_393 = vector.broadcast %broadcast_in_dim3A_392 : i32 to vector<16xi32>
        %gather3A_394 = tpu.vector_load_idx %arg18[%iota3A, %broadcast_in_dim3A_393] : memref<16x17xf32, #tpu.memory_space<vmem>>[vector<16xi32>, vector<16xi32>], vector<16xf32>,
        %add3A_395 = arith.addf %add3A_387, %gather3A_394 : vector<16xf32>
        %broadcast_in_dim3A_396 = arith.constant 11 : i32
        %broadcast_in_dim3A_397 = vector.broadcast %broadcast_in_dim3A_396 : i32 to vector<16xi32>
        %gather3A_398 = tpu.vector_load_idx %arg18[%iota3A, %broadcast_in_dim3A_397] : memref<16x17xf32, #tpu.memory_space<vmem>>[vector<16xi32>, vector<16xi32>], vector<16xf32>,
        %add3A_399 = arith.addf %add3A_391, %gather3A_398 : vector<16xf32>
        %broadcast_in_dim3A_400 = arith.constant 12 : i32
        %broadcast_in_dim3A_401 = vector.broadcast %broadcast_in_dim3A_400 : i32 to vector<16xi32>
        %gather3A_402 = tpu.vector_load_idx %arg18[%iota3A, %broadcast_in_dim3A_401] : memref<16x17xf32, #tpu.memory_space<vmem>>[vector<16xi32>, vector<16xi32>], vector<16xf32>,
        %add3A_403 = arith.addf %add3A_395, %gather3A_402 : vector<16xf32>
        %broadcast_in_dim3A_404 = arith.constant 13 : i32
        %broadcast_in_dim3A_405 = vector.broadcast %broadcast_in_dim3A_404 : i32 to vector<16xi32>
        %gather3A_406 = tpu.vector_load_idx %arg18[%iota3A, %broadcast_in_dim3A_405] : memref<16x17xf32, #tpu.memory_space<vmem>>[vector<16xi32>, vector<16xi32>], vector<16xf32>,
        %add3A_407 = arith.addf %add3A_399, %gather3A_406 : vector<16xf32>
        %broadcast_in_dim3A_408 = arith.constant 14 : i32
        %broadcast_in_dim3A_409 = vector.broadcast %broadcast_in_dim3A_408 : i32 to vector<16xi32>
        %gather3A_410 = tpu.vector_load_idx %arg18[%iota3A, %broadcast_in_dim3A_409] : memref<16x17xf32, #tpu.memory_space<vmem>>[vector<16xi32>, vector<16xi32>], vector<16xf32>,
        %add3A_411 = arith.addf %add3A_403, %gather3A_410 : vector<16xf32>
        %broadcast_in_dim3A_412 = arith.constant 15 : i32
        %broadcast_in_dim3A_413 = vector.broadcast %broadcast_in_dim3A_412 : i32 to vector<16xi32>
        %gather3A_414 = tpu.vector_load_idx %arg18[%iota3A, %broadcast_in_dim3A_413] : memref<16x17xf32, #tpu.memory_space<vmem>>[vector<16xi32>, vector<16xi32>], vector<16xf32>,
        %add3A_415 = arith.addf %add3A_407, %gather3A_414 : vector<16xf32>
        %add3A_416 = vector.broadcast %add3A_312 : i32 to vector<16xi32>
        %add3A_417 = arith.addi %add3A_416, %add3A_342 : vector<16xi32>
        %lt3A_418 = arith.constant 320000 : i32
        %lt3A_419 = vector.broadcast %lt3A_418 : i32 to vector<16xi32>
        %lt3A_420 = arith.cmpi slt, %add3A_417, %lt3A_419 : vector<16xi32>
        %add3A_421 = arith.addf %add3A_411, %add3A_415 : vector<16xf32>
        %mul3A_422 = arith.constant 0.0883883461 : f32
        %mul3A_423 = vector.broadcast %mul3A_422 : f32 to vector<16xf32>
        %mul3A_424 = arith.mulf %add3A_421, %mul3A_423 : vector<16xf32>
        %exp3A = math.exp %mul3A_424 : vector<16xf32>
        %jit3A = arith.constant 0.000000e+00 : f32
        %broadcast_in_dim3A_425 = vector.broadcast %jit3A : f32 to vector<16xf32>
        %select_n3A = arith.select %lt3A_420, %exp3A, %broadcast_in_dim3A_425 : vector<16xi1>, vector<16xf32>
        %swap3A = arith.index_cast %scan3A_212 : i32 to index
        %swap3A_426 = arith.index_cast %mul3A_340 : i32 to index
        %swap3A_427 = tpu.vector_load %arg17[%swap3A, %swap3A_426] {strides = array<i32>} : memref<158x64xf32, #tpu.memory_space<vmem>>, vector<16xf32>,
        tpu.vector_store %arg17[%swap3A, %swap3A_426], %select_n3A {strides = array<i32>} : memref<158x64xf32, #tpu.memory_space<vmem>>, vector<16xf32>,
        %ge3A_428 = arith.constant 0 : i32
        %ge3A_429 = vector.broadcast %ge3A_428 : i32 to vector<16xi32>
        %ge3A_430 = arith.cmpi sge, %get3A_348, %ge3A_429 : vector<16xi32>
        %lt3A_431 = arith.constant 5000 : i32
        %lt3A_432 = vector.broadcast %lt3A_431 : i32 to vector<16xi32>
        %lt3A_433 = arith.cmpi slt, %get3A_348, %lt3A_432 : vector<16xi32>
        %and3A_434 = arith.andi %ge3A_430, %lt3A_433 : vector<16xi1>
        %jit3A_435 = arith.constant 0.000000e+00 : f32
        %broadcast_in_dim3A_436 = vector.broadcast %jit3A_435 : f32 to vector<16xf32>
        %select_n3A_437 = arith.select %and3A_434, %select_n3A, %broadcast_in_dim3A_436 : vector<16xi1>, vector<16xf32>
        %sub3A = arith.constant 0 : i32
        %sub3A_438 = vector.broadcast %sub3A : i32 to vector<16xi32>
        %sub3A_439 = arith.subi %get3A_348, %sub3A_438 : vector<16xi32>
        %jit3A_440 = arith.constant 0 : i32
        %broadcast_in_dim3A_441 = vector.broadcast %jit3A_440 : i32 to vector<16xi32>
        %select_n3A_442 = arith.select %and3A_434, %sub3A_439, %broadcast_in_dim3A_441 : vector<16xi1>, vector<16xi32>
        %add3A_443 = arith.constant 6 : i32
        %add3A_444 = arith.addi %add3A_443, %rem3A_214 : i32
        %swap3A_445 = arith.index_cast %add3A_444 : i32 to index
        %swap3A_446 = arith.index_cast %mul3A_340 : i32 to index
        %swap3A_447 = tpu.vector_load %arg11[%swap3A_445, %swap3A_446] {strides = array<i32>} : memref<8x64xi32, #tpu.memory_space<vmem>>, vector<16xi32>,
        tpu.vector_store %arg11[%swap3A_445, %swap3A_446], %select_n3A_442 {strides = array<i32>} : memref<8x64xi32, #tpu.memory_space<vmem>>, vector<16xi32>,
        %parallel_loop3A_448 = arith.constant 0 : i32
        %parallel_loop3A_449 = arith.constant 16 : i32
        %parallel_loop3A_450 = arith.constant 2 : i32
        %parallel_loop3A_451 = arith.constant 0 : i32
        %parallel_loop3A_452 = scf.for %parallel_loop3A_455 = %parallel_loop3A_448 to %parallel_loop3A_449 step %parallel_loop3A_450 iter_args(%parallel_loop3A_456 = %parallel_loop3A_451) -> (i32)  : i32 {
          %parallel_loop3A_457 = arith.constant 0 : i32
          %parallel_loop3A_458 = arith.addi %parallel_loop3A_455, %parallel_loop3A_457 : i32
          %parallel_loop3A_459 = arith.addi %mul3A_340, %parallel_loop3A_458 : i32
          %parallel_loop3A_460 = vector.broadcast %parallel_loop3A_458 : i32 to vector<16x1xi32>
          %parallel_loop3A_461 = vector.shape_cast %parallel_loop3A_460 : vector<16x1xi32> to vector<16xi32>
          %parallel_loop3A_462 = tpu.dynamic_gather %select_n3A_437[%parallel_loop3A_461] in [0] : vector<16xf32>, vector<16xi32> -> vector<16xf32>
          %parallel_loop3A_463 = arith.index_cast %rem3A_214 : i32 to index
          %parallel_loop3A_464 = arith.index_cast %parallel_loop3A_459 : i32 to index
          %parallel_loop3A_465 = arith.constant 0 : index
          %parallel_loop3A_466 = tpu.vector_load %arg15[%parallel_loop3A_463, %parallel_loop3A_464, %parallel_loop3A_465] {strides = array<i32>} : memref<2x64x128xf32, #tpu.memory_space<vmem>>, vector<16xf32>,
          %parallel_loop3A_467 = arith.mulf %parallel_loop3A_466, %parallel_loop3A_462 : vector<16xf32>
          %parallel_loop3A_468 = arith.index_cast %rem3A_214 : i32 to index
          %parallel_loop3A_469 = arith.index_cast %parallel_loop3A_459 : i32 to index
          %parallel_loop3A_470 = arith.constant 0 : index
          %parallel_loop3A_471 = tpu.vector_load %arg16[%parallel_loop3A_468, %parallel_loop3A_469, %parallel_loop3A_470] {strides = array<i32>} : memref<2x64x152xf32, #tpu.memory_space<vmem>>, vector<16xf32>,
          tpu.vector_store %arg16[%parallel_loop3A_468, %parallel_loop3A_469, %parallel_loop3A_470], %parallel_loop3A_467 {strides = array<i32>} : memref<2x64x152xf32, #tpu.memory_space<vmem>>, vector<16xf32>,
          %parallel_loop3A_472 = arith.index_cast %rem3A_214 : i32 to index
          %parallel_loop3A_473 = arith.index_cast %parallel_loop3A_459 : i32 to index
          %parallel_loop3A_474 = arith.constant 16 : index
          %parallel_loop3A_475 = tpu.vector_load %arg15[%parallel_loop3A_472, %parallel_loop3A_473, %parallel_loop3A_474] {strides = array<i32>} : memref<2x64x128xf32, #tpu.memory_space<vmem>>, vector<16xf32>,
          %parallel_loop3A_476 = arith.mulf %parallel_loop3A_475, %parallel_loop3A_462 : vector<16xf32>
          %parallel_loop3A_477 = arith.index_cast %rem3A_214 : i32 to index
          %parallel_loop3A_478 = arith.index_cast %parallel_loop3A_459 : i32 to index
          %parallel_loop3A_479 = arith.constant 16 : index
          %parallel_loop3A_480 = tpu.vector_load %arg16[%parallel_loop3A_477, %parallel_loop3A_478, %parallel_loop3A_479] {strides = array<i32>} : memref<2x64x152xf32, #tpu.memory_space<vmem>>, vector<16xf32>,
          tpu.vector_store %arg16[%parallel_loop3A_477, %parallel_loop3A_478, %parallel_loop3A_479], %parallel_loop3A_476 {strides = array<i32>} : memref<2x64x152xf32, #tpu.memory_space<vmem>>, vector<16xf32>,
          %parallel_loop3A_481 = arith.index_cast %rem3A_214 : i32 to index
          %parallel_loop3A_482 = arith.index_cast %parallel_loop3A_459 : i32 to index
          %parallel_loop3A_483 = arith.constant 32 : index
          %parallel_loop3A_484 = tpu.vector_load %arg15[%parallel_loop3A_481, %parallel_loop3A_482, %parallel_loop3A_483] {strides = array<i32>} : memref<2x64x128xf32, #tpu.memory_space<vmem>>, vector<16xf32>,
          %parallel_loop3A_485 = arith.mulf %parallel_loop3A_484, %parallel_loop3A_462 : vector<16xf32>
          %parallel_loop3A_486 = arith.index_cast %rem3A_214 : i32 to index
          %parallel_loop3A_487 = arith.index_cast %parallel_loop3A_459 : i32 to index
          %parallel_loop3A_488 = arith.constant 32 : index
          %parallel_loop3A_489 = tpu.vector_load %arg16[%parallel_loop3A_486, %parallel_loop3A_487, %parallel_loop3A_488] {strides = array<i32>} : memref<2x64x152xf32, #tpu.memory_space<vmem>>, vector<16xf32>,
          tpu.vector_store %arg16[%parallel_loop3A_486, %parallel_loop3A_487, %parallel_loop3A_488], %parallel_loop3A_485 {strides = array<i32>} : memref<2x64x152xf32, #tpu.memory_space<vmem>>, vector<16xf32>,
          %parallel_loop3A_490 = arith.index_cast %rem3A_214 : i32 to index
          %parallel_loop3A_491 = arith.index_cast %parallel_loop3A_459 : i32 to index
          %parallel_loop3A_492 = arith.constant 48 : index
          %parallel_loop3A_493 = tpu.vector_load %arg15[%parallel_loop3A_490, %parallel_loop3A_491, %parallel_loop3A_492] {strides = array<i32>} : memref<2x64x128xf32, #tpu.memory_space<vmem>>, vector<16xf32>,
          %parallel_loop3A_494 = arith.mulf %parallel_loop3A_493, %parallel_loop3A_462 : vector<16xf32>
          %parallel_loop3A_495 = arith.index_cast %rem3A_214 : i32 to index
          %parallel_loop3A_496 = arith.index_cast %parallel_loop3A_459 : i32 to index
          %parallel_loop3A_497 = arith.constant 48 : index
          %parallel_loop3A_498 = tpu.vector_load %arg16[%parallel_loop3A_495, %parallel_loop3A_496, %parallel_loop3A_497] {strides = array<i32>} : memref<2x64x152xf32, #tpu.memory_space<vmem>>, vector<16xf32>,
          tpu.vector_store %arg16[%parallel_loop3A_495, %parallel_loop3A_496, %parallel_loop3A_497], %parallel_loop3A_494 {strides = array<i32>} : memref<2x64x152xf32, #tpu.memory_space<vmem>>, vector<16xf32>,
          %parallel_loop3A_499 = arith.index_cast %rem3A_214 : i32 to index
          %parallel_loop3A_500 = arith.index_cast %parallel_loop3A_459 : i32 to index
          %parallel_loop3A_501 = arith.constant 64 : index
          %parallel_loop3A_502 = tpu.vector_load %arg15[%parallel_loop3A_499, %parallel_loop3A_500, %parallel_loop3A_501] {strides = array<i32>} : memref<2x64x128xf32, #tpu.memory_space<vmem>>, vector<16xf32>,
          %parallel_loop3A_503 = arith.mulf %parallel_loop3A_502, %parallel_loop3A_462 : vector<16xf32>
          %parallel_loop3A_504 = arith.index_cast %rem3A_214 : i32 to index
          %parallel_loop3A_505 = arith.index_cast %parallel_loop3A_459 : i32 to index
          %parallel_loop3A_506 = arith.constant 64 : index
          %parallel_loop3A_507 = tpu.vector_load %arg16[%parallel_loop3A_504, %parallel_loop3A_505, %parallel_loop3A_506] {strides = array<i32>} : memref<2x64x152xf32, #tpu.memory_space<vmem>>, vector<16xf32>,
          tpu.vector_store %arg16[%parallel_loop3A_504, %parallel_loop3A_505, %parallel_loop3A_506], %parallel_loop3A_503 {strides = array<i32>} : memref<2x64x152xf32, #tpu.memory_space<vmem>>, vector<16xf32>,
          %parallel_loop3A_508 = arith.index_cast %rem3A_214 : i32 to index
          %parallel_loop3A_509 = arith.index_cast %parallel_loop3A_459 : i32 to index
          %parallel_loop3A_510 = arith.constant 80 : index
          %parallel_loop3A_511 = tpu.vector_load %arg15[%parallel_loop3A_508, %parallel_loop3A_509, %parallel_loop3A_510] {strides = array<i32>} : memref<2x64x128xf32, #tpu.memory_space<vmem>>, vector<16xf32>,
          %parallel_loop3A_512 = arith.mulf %parallel_loop3A_511, %parallel_loop3A_462 : vector<16xf32>
          %parallel_loop3A_513 = arith.index_cast %rem3A_214 : i32 to index
          %parallel_loop3A_514 = arith.index_cast %parallel_loop3A_459 : i32 to index
          %parallel_loop3A_515 = arith.constant 80 : index
          %parallel_loop3A_516 = tpu.vector_load %arg16[%parallel_loop3A_513, %parallel_loop3A_514, %parallel_loop3A_515] {strides = array<i32>} : memref<2x64x152xf32, #tpu.memory_space<vmem>>, vector<16xf32>,
          tpu.vector_store %arg16[%parallel_loop3A_513, %parallel_loop3A_514, %parallel_loop3A_515], %parallel_loop3A_512 {strides = array<i32>} : memref<2x64x152xf32, #tpu.memory_space<vmem>>, vector<16xf32>,
          %parallel_loop3A_517 = arith.index_cast %rem3A_214 : i32 to index
          %parallel_loop3A_518 = arith.index_cast %parallel_loop3A_459 : i32 to index
          %parallel_loop3A_519 = arith.constant 96 : index
          %parallel_loop3A_520 = tpu.vector_load %arg15[%parallel_loop3A_517, %parallel_loop3A_518, %parallel_loop3A_519] {strides = array<i32>} : memref<2x64x128xf32, #tpu.memory_space<vmem>>, vector<16xf32>,
          %parallel_loop3A_521 = arith.mulf %parallel_loop3A_520, %parallel_loop3A_462 : vector<16xf32>
          %parallel_loop3A_522 = arith.index_cast %rem3A_214 : i32 to index
          %parallel_loop3A_523 = arith.index_cast %parallel_loop3A_459 : i32 to index
          %parallel_loop3A_524 = arith.constant 96 : index
          %parallel_loop3A_525 = tpu.vector_load %arg16[%parallel_loop3A_522, %parallel_loop3A_523, %parallel_loop3A_524] {strides = array<i32>} : memref<2x64x152xf32, #tpu.memory_space<vmem>>, vector<16xf32>,
          tpu.vector_store %arg16[%parallel_loop3A_522, %parallel_loop3A_523, %parallel_loop3A_524], %parallel_loop3A_521 {strides = array<i32>} : memref<2x64x152xf32, #tpu.memory_space<vmem>>, vector<16xf32>,
          %parallel_loop3A_526 = arith.index_cast %rem3A_214 : i32 to index
          %parallel_loop3A_527 = arith.index_cast %parallel_loop3A_459 : i32 to index
          %parallel_loop3A_528 = arith.constant 112 : index
          %parallel_loop3A_529 = tpu.vector_load %arg15[%parallel_loop3A_526, %parallel_loop3A_527, %parallel_loop3A_528] {strides = array<i32>} : memref<2x64x128xf32, #tpu.memory_space<vmem>>, vector<16xf32>,
          %parallel_loop3A_530 = arith.mulf %parallel_loop3A_529, %parallel_loop3A_462 : vector<16xf32>
          %parallel_loop3A_531 = arith.index_cast %rem3A_214 : i32 to index
          %parallel_loop3A_532 = arith.index_cast %parallel_loop3A_459 : i32 to index
          %parallel_loop3A_533 = arith.constant 112 : index
          %parallel_loop3A_534 = tpu.vector_load %arg16[%parallel_loop3A_531, %parallel_loop3A_532, %parallel_loop3A_533] {strides = array<i32>} : memref<2x64x152xf32, #tpu.memory_space<vmem>>, vector<16xf32>,
          tpu.vector_store %arg16[%parallel_loop3A_531, %parallel_loop3A_532, %parallel_loop3A_533], %parallel_loop3A_530 {strides = array<i32>} : memref<2x64x152xf32, #tpu.memory_space<vmem>>, vector<16xf32>,
          %parallel_loop3A_535 = arith.index_cast %rem3A_214 : i32 to index
          %parallel_loop3A_536 = arith.index_cast %parallel_loop3A_459 : i32 to index
          %parallel_loop3A_537 = arith.constant 128 : index
          %parallel_loop3A_538 = tpu.vector_load %arg16[%parallel_loop3A_535, %parallel_loop3A_536, %parallel_loop3A_537] {strides = array<i32>} : memref<2x64x152xf32, #tpu.memory_space<vmem>>, vector<16xf32>,
          %parallel_loop3A_539 = arith.mulf %parallel_loop3A_538, %parallel_loop3A_462 : vector<16xf32>
          %parallel_loop3A_540 = arith.index_cast %rem3A_214 : i32 to index
          %parallel_loop3A_541 = arith.index_cast %parallel_loop3A_459 : i32 to index
          %parallel_loop3A_542 = arith.constant 128 : index
          %parallel_loop3A_543 = tpu.vector_load %arg16[%parallel_loop3A_540, %parallel_loop3A_541, %parallel_loop3A_542] {strides = array<i32>} : memref<2x64x152xf32, #tpu.memory_space<vmem>>, vector<16xf32>,
          tpu.vector_store %arg16[%parallel_loop3A_540, %parallel_loop3A_541, %parallel_loop3A_542], %parallel_loop3A_539 {strides = array<i32>} : memref<2x64x152xf32, #tpu.memory_space<vmem>>, vector<16xf32>,
          %parallel_loop3A_544 = arith.constant 1 : i32
          %parallel_loop3A_545 = arith.addi %parallel_loop3A_455, %parallel_loop3A_544 : i32
          %parallel_loop3A_546 = arith.addi %mul3A_340, %parallel_loop3A_545 : i32
          %parallel_loop3A_547 = vector.broadcast %parallel_loop3A_545 : i32 to vector<16x1xi32>
          %parallel_loop3A_548 = vector.shape_cast %parallel_loop3A_547 : vector<16x1xi32> to vector<16xi32>
          %parallel_loop3A_549 = tpu.dynamic_gather %select_n3A_437[%parallel_loop3A_548] in [0] : vector<16xf32>, vector<16xi32> -> vector<16xf32>
          %parallel_loop3A_550 = arith.index_cast %rem3A_214 : i32 to index
          %parallel_loop3A_551 = arith.index_cast %parallel_loop3A_546 : i32 to index
          %parallel_loop3A_552 = arith.constant 0 : index
          %parallel_loop3A_553 = tpu.vector_load %arg15[%parallel_loop3A_550, %parallel_loop3A_551, %parallel_loop3A_552] {strides = array<i32>} : memref<2x64x128xf32, #tpu.memory_space<vmem>>, vector<16xf32>,
          %parallel_loop3A_554 = arith.mulf %parallel_loop3A_553, %parallel_loop3A_549 : vector<16xf32>
          %parallel_loop3A_555 = arith.index_cast %rem3A_214 : i32 to index
          %parallel_loop3A_556 = arith.index_cast %parallel_loop3A_546 : i32 to index
          %parallel_loop3A_557 = arith.constant 0 : index
          %parallel_loop3A_558 = tpu.vector_load %arg16[%parallel_loop3A_555, %parallel_loop3A_556, %parallel_loop3A_557] {strides = array<i32>} : memref<2x64x152xf32, #tpu.memory_space<vmem>>, vector<16xf32>,
          tpu.vector_store %arg16[%parallel_loop3A_555, %parallel_loop3A_556, %parallel_loop3A_557], %parallel_loop3A_554 {strides = array<i32>} : memref<2x64x152xf32, #tpu.memory_space<vmem>>, vector<16xf32>,
          %parallel_loop3A_559 = arith.index_cast %rem3A_214 : i32 to index
          %parallel_loop3A_560 = arith.index_cast %parallel_loop3A_546 : i32 to index
          %parallel_loop3A_561 = arith.constant 16 : index
          %parallel_loop3A_562 = tpu.vector_load %arg15[%parallel_loop3A_559, %parallel_loop3A_560, %parallel_loop3A_561] {strides = array<i32>} : memref<2x64x128xf32, #tpu.memory_space<vmem>>, vector<16xf32>,
          %parallel_loop3A_563 = arith.mulf %parallel_loop3A_562, %parallel_loop3A_549 : vector<16xf32>
          %parallel_loop3A_564 = arith.index_cast %rem3A_214 : i32 to index
          %parallel_loop3A_565 = arith.index_cast %parallel_loop3A_546 : i32 to index
          %parallel_loop3A_566 = arith.constant 16 : index
          %parallel_loop3A_567 = tpu.vector_load %arg16[%parallel_loop3A_564, %parallel_loop3A_565, %parallel_loop3A_566] {strides = array<i32>} : memref<2x64x152xf32, #tpu.memory_space<vmem>>, vector<16xf32>,
          tpu.vector_store %arg16[%parallel_loop3A_564, %parallel_loop3A_565, %parallel_loop3A_566], %parallel_loop3A_563 {strides = array<i32>} : memref<2x64x152xf32, #tpu.memory_space<vmem>>, vector<16xf32>,
          %parallel_loop3A_568 = arith.index_cast %rem3A_214 : i32 to index
          %parallel_loop3A_569 = arith.index_cast %parallel_loop3A_546 : i32 to index
          %parallel_loop3A_570 = arith.constant 32 : index
          %parallel_loop3A_571 = tpu.vector_load %arg15[%parallel_loop3A_568, %parallel_loop3A_569, %parallel_loop3A_570] {strides = array<i32>} : memref<2x64x128xf32, #tpu.memory_space<vmem>>, vector<16xf32>,
          %parallel_loop3A_572 = arith.mulf %parallel_loop3A_571, %parallel_loop3A_549 : vector<16xf32>
          %parallel_loop3A_573 = arith.index_cast %rem3A_214 : i32 to index
          %parallel_loop3A_574 = arith.index_cast %parallel_loop3A_546 : i32 to index
          %parallel_loop3A_575 = arith.constant 32 : index
          %parallel_loop3A_576 = tpu.vector_load %arg16[%parallel_loop3A_573, %parallel_loop3A_574, %parallel_loop3A_575] {strides = array<i32>} : memref<2x64x152xf32, #tpu.memory_space<vmem>>, vector<16xf32>,
          tpu.vector_store %arg16[%parallel_loop3A_573, %parallel_loop3A_574, %parallel_loop3A_575], %parallel_loop3A_572 {strides = array<i32>} : memref<2x64x152xf32, #tpu.memory_space<vmem>>, vector<16xf32>,
          %parallel_loop3A_577 = arith.index_cast %rem3A_214 : i32 to index
          %parallel_loop3A_578 = arith.index_cast %parallel_loop3A_546 : i32 to index
          %parallel_loop3A_579 = arith.constant 48 : index
          %parallel_loop3A_580 = tpu.vector_load %arg15[%parallel_loop3A_577, %parallel_loop3A_578, %parallel_loop3A_579] {strides = array<i32>} : memref<2x64x128xf32, #tpu.memory_space<vmem>>, vector<16xf32>,
          %parallel_loop3A_581 = arith.mulf %parallel_loop3A_580, %parallel_loop3A_549 : vector<16xf32>
          %parallel_loop3A_582 = arith.index_cast %rem3A_214 : i32 to index
          %parallel_loop3A_583 = arith.index_cast %parallel_loop3A_546 : i32 to index
          %parallel_loop3A_584 = arith.constant 48 : index
          %parallel_loop3A_585 = tpu.vector_load %arg16[%parallel_loop3A_582, %parallel_loop3A_583, %parallel_loop3A_584] {strides = array<i32>} : memref<2x64x152xf32, #tpu.memory_space<vmem>>, vector<16xf32>,
          tpu.vector_store %arg16[%parallel_loop3A_582, %parallel_loop3A_583, %parallel_loop3A_584], %parallel_loop3A_581 {strides = array<i32>} : memref<2x64x152xf32, #tpu.memory_space<vmem>>, vector<16xf32>,
          %parallel_loop3A_586 = arith.index_cast %rem3A_214 : i32 to index
          %parallel_loop3A_587 = arith.index_cast %parallel_loop3A_546 : i32 to index
          %parallel_loop3A_588 = arith.constant 64 : index
          %parallel_loop3A_589 = tpu.vector_load %arg15[%parallel_loop3A_586, %parallel_loop3A_587, %parallel_loop3A_588] {strides = array<i32>} : memref<2x64x128xf32, #tpu.memory_space<vmem>>, vector<16xf32>,
          %parallel_loop3A_590 = arith.mulf %parallel_loop3A_589, %parallel_loop3A_549 : vector<16xf32>
          %parallel_loop3A_591 = arith.index_cast %rem3A_214 : i32 to index
          %parallel_loop3A_592 = arith.index_cast %parallel_loop3A_546 : i32 to index
          %parallel_loop3A_593 = arith.constant 64 : index
          %parallel_loop3A_594 = tpu.vector_load %arg16[%parallel_loop3A_591, %parallel_loop3A_592, %parallel_loop3A_593] {strides = array<i32>} : memref<2x64x152xf32, #tpu.memory_space<vmem>>, vector<16xf32>,
          tpu.vector_store %arg16[%parallel_loop3A_591, %parallel_loop3A_592, %parallel_loop3A_593], %parallel_loop3A_590 {strides = array<i32>} : memref<2x64x152xf32, #tpu.memory_space<vmem>>, vector<16xf32>,
          %parallel_loop3A_595 = arith.index_cast %rem3A_214 : i32 to index
          %parallel_loop3A_596 = arith.index_cast %parallel_loop3A_546 : i32 to index
          %parallel_loop3A_597 = arith.constant 80 : index
          %parallel_loop3A_598 = tpu.vector_load %arg15[%parallel_loop3A_595, %parallel_loop3A_596, %parallel_loop3A_597] {strides = array<i32>} : memref<2x64x128xf32, #tpu.memory_space<vmem>>, vector<16xf32>,
          %parallel_loop3A_599 = arith.mulf %parallel_loop3A_598, %parallel_loop3A_549 : vector<16xf32>
          %parallel_loop3A_600 = arith.index_cast %rem3A_214 : i32 to index
          %parallel_loop3A_601 = arith.index_cast %parallel_loop3A_546 : i32 to index
          %parallel_loop3A_602 = arith.constant 80 : index
          %parallel_loop3A_603 = tpu.vector_load %arg16[%parallel_loop3A_600, %parallel_loop3A_601, %parallel_loop3A_602] {strides = array<i32>} : memref<2x64x152xf32, #tpu.memory_space<vmem>>, vector<16xf32>,
          tpu.vector_store %arg16[%parallel_loop3A_600, %parallel_loop3A_601, %parallel_loop3A_602], %parallel_loop3A_599 {strides = array<i32>} : memref<2x64x152xf32, #tpu.memory_space<vmem>>, vector<16xf32>,
          %parallel_loop3A_604 = arith.index_cast %rem3A_214 : i32 to index
          %parallel_loop3A_605 = arith.index_cast %parallel_loop3A_546 : i32 to index
          %parallel_loop3A_606 = arith.constant 96 : index
          %parallel_loop3A_607 = tpu.vector_load %arg15[%parallel_loop3A_604, %parallel_loop3A_605, %parallel_loop3A_606] {strides = array<i32>} : memref<2x64x128xf32, #tpu.memory_space<vmem>>, vector<16xf32>,
          %parallel_loop3A_608 = arith.mulf %parallel_loop3A_607, %parallel_loop3A_549 : vector<16xf32>
          %parallel_loop3A_609 = arith.index_cast %rem3A_214 : i32 to index
          %parallel_loop3A_610 = arith.index_cast %parallel_loop3A_546 : i32 to index
          %parallel_loop3A_611 = arith.constant 96 : index
          %parallel_loop3A_612 = tpu.vector_load %arg16[%parallel_loop3A_609, %parallel_loop3A_610, %parallel_loop3A_611] {strides = array<i32>} : memref<2x64x152xf32, #tpu.memory_space<vmem>>, vector<16xf32>,
          tpu.vector_store %arg16[%parallel_loop3A_609, %parallel_loop3A_610, %parallel_loop3A_611], %parallel_loop3A_608 {strides = array<i32>} : memref<2x64x152xf32, #tpu.memory_space<vmem>>, vector<16xf32>,
          %parallel_loop3A_613 = arith.index_cast %rem3A_214 : i32 to index
          %parallel_loop3A_614 = arith.index_cast %parallel_loop3A_546 : i32 to index
          %parallel_loop3A_615 = arith.constant 112 : index
          %parallel_loop3A_616 = tpu.vector_load %arg15[%parallel_loop3A_613, %parallel_loop3A_614, %parallel_loop3A_615] {strides = array<i32>} : memref<2x64x128xf32, #tpu.memory_space<vmem>>, vector<16xf32>,
          %parallel_loop3A_617 = arith.mulf %parallel_loop3A_616, %parallel_loop3A_549 : vector<16xf32>
          %parallel_loop3A_618 = arith.index_cast %rem3A_214 : i32 to index
          %parallel_loop3A_619 = arith.index_cast %parallel_loop3A_546 : i32 to index
          %parallel_loop3A_620 = arith.constant 112 : index
          %parallel_loop3A_621 = tpu.vector_load %arg16[%parallel_loop3A_618, %parallel_loop3A_619, %parallel_loop3A_620] {strides = array<i32>} : memref<2x64x152xf32, #tpu.memory_space<vmem>>, vector<16xf32>,
          tpu.vector_store %arg16[%parallel_loop3A_618, %parallel_loop3A_619, %parallel_loop3A_620], %parallel_loop3A_617 {strides = array<i32>} : memref<2x64x152xf32, #tpu.memory_space<vmem>>, vector<16xf32>,
          %parallel_loop3A_622 = arith.index_cast %rem3A_214 : i32 to index
          %parallel_loop3A_623 = arith.index_cast %parallel_loop3A_546 : i32 to index
          %parallel_loop3A_624 = arith.constant 128 : index
          %parallel_loop3A_625 = tpu.vector_load %arg16[%parallel_loop3A_622, %parallel_loop3A_623, %parallel_loop3A_624] {strides = array<i32>} : memref<2x64x152xf32, #tpu.memory_space<vmem>>, vector<16xf32>,
          %parallel_loop3A_626 = arith.mulf %parallel_loop3A_625, %parallel_loop3A_549 : vector<16xf32>
          %parallel_loop3A_627 = arith.index_cast %rem3A_214 : i32 to index
          %parallel_loop3A_628 = arith.index_cast %parallel_loop3A_546 : i32 to index
          %parallel_loop3A_629 = arith.constant 128 : index
          %parallel_loop3A_630 = tpu.vector_load %arg16[%parallel_loop3A_627, %parallel_loop3A_628, %parallel_loop3A_629] {strides = array<i32>} : memref<2x64x152xf32, #tpu.memory_space<vmem>>, vector<16xf32>,
          tpu.vector_store %arg16[%parallel_loop3A_627, %parallel_loop3A_628, %parallel_loop3A_629], %parallel_loop3A_626 {strides = array<i32>} : memref<2x64x152xf32, #tpu.memory_space<vmem>>, vector<16xf32>,
          scf.yield %parallel_loop3A_456 : i32
        } {sc.loop_unroll_factor = 1 : i64, sc.parallel_access}
        %broadcast_in_dim3A_453 = arith.constant 144 : i32
        %broadcast_in_dim3A_454 = vector.broadcast %broadcast_in_dim3A_453 : i32 to vector<16xi32>
        tpu.vector_store_idx %arg16[%broadcast_in_dim3A_215, %add3A_342, %broadcast_in_dim3A_454], %select_n3A_437 : memref<2x64x152xf32, #tpu.memory_space<vmem>>[vector<16xi32>, vector<16xi32>, vector<16xi32>], vector<16xf32>,
      }
      %scan3A_318 = arith.constant 4 : i32
      %add3A_319 = arith.constant 6 : i32
      %add3A_320 = arith.addi %add3A_319, %rem3A_214 : i32
      %dma_start3A_321 = arith.constant 0 : i32
      %dma_start3A_322 = arith.constant 0 : i32
      %dma_start3A_323 = tpu.memref_slice %arg16[%rem3A_214, %dma_start3A_321, %dma_start3A_322] : memref<2x64x152xf32, #tpu.memory_space<vmem>> -> memref<1x64x152xf32, #tpu.memory_space<vmem>>
      %dma_start3A_324 = tpu.memref_squeeze %dma_start3A_323 : memref<1x64x152xf32, #tpu.memory_space<vmem>> -> memref<64x152xf32, #tpu.memory_space<vmem>>
      %dma_start3A_325 = arith.constant 0 : i32
      %dma_start3A_326 = tpu.memref_slice %arg11[%add3A_320, %dma_start3A_325] : memref<8x64xi32, #tpu.memory_space<vmem>> -> memref<1x64xi32, #tpu.memory_space<vmem>>
      %dma_start3A_327 = tpu.memref_squeeze %dma_start3A_326 : memref<1x64xi32, #tpu.memory_space<vmem>> -> memref<64xi32, #tpu.memory_space<vmem>>
      %dma_start3A_328 = arith.constant 0 : i32
      %dma_start3A_329 = arith.constant 0 : i32
      %dma_start3A_330 = tpu.memref_slice %arg19[%dma_start3A_328, %dma_start3A_329] : memref<5000x152xf32, #tpu.memory_space<vmem_shared>> -> memref<5000x152xf32, #tpu.memory_space<vmem_shared>>
      tpu.enqueue_indirect_dma source(%dma_start3A_324 : memref<64x152xf32, #tpu.memory_space<vmem>>) target(%dma_start3A_330 : memref<5000x152xf32, #tpu.memory_space<vmem_shared>>) offsets(%dma_start3A_327 : memref<64xi32, #tpu.memory_space<vmem>>) semaphore(%arg24 : memref<!tpu.dma_semaphore, #tpu.memory_space<semaphore_mem>>) {add = true}
      %add3A_331 = arith.constant 3 : i32
      %add3A_332 = arith.addi %scan3A_212, %add3A_331 : i32
      %lt3A_333 = arith.constant 158 : i32
      %lt3A_334 = arith.cmpi slt, %add3A_332, %lt3A_333 : i32
      %convert_element_type3A_335 = arith.extui %lt3A_334 : i1 to i32
      %cond3A_336 = arith.constant 0 : i32
      %cond3A_337 = arith.cmpi ne, %convert_element_type3A_335, %cond3A_336 : i32
      scf.if %cond3A_337 {
        %rem3A_338 = arith.constant 3 : i32
        %rem3A_339 = arith.remsi %scan3A_212, %rem3A_338 : i32
        %add3A_340 = arith.constant 3 : i32
        %add3A_341 = arith.addi %scan3A_212, %add3A_340 : i32
        %dma_start3A_342 = arith.constant 0 : i32
        %dma_start3A_343 = tpu.memref_slice %arg11[%rem3A_339, %dma_start3A_342] : memref<8x64xi32, #tpu.memory_space<vmem>> -> memref<1x64xi32, #tpu.memory_space<vmem>>
        %dma_start3A_344 = tpu.memref_squeeze %dma_start3A_343 : memref<1x64xi32, #tpu.memory_space<vmem>> -> memref<64xi32, #tpu.memory_space<vmem>>
        %dma_start3A_345 = arith.constant 0 : i32
        %dma_start3A_346 = tpu.memref_slice %arg7[%add3A, %add3A_341, %dma_start3A_345] : memref<32x158x64xi32, #tpu.memory_space<hbm>> -> memref<1x1x64xi32, #tpu.memory_space<hbm>>
        %dma_start3A_347 = tpu.memref_squeeze %dma_start3A_346 : memref<1x1x64xi32, #tpu.memory_space<hbm>> -> memref<64xi32, #tpu.memory_space<hbm>>
        %dma_start3A_348 = arith.constant 0 : i32
        %dma_start3A_349 = tpu.memref_slice %arg11[%rem3A_339, %dma_start3A_348] : memref<8x64xi32, #tpu.memory_space<vmem>> -> memref<1x64xi32, #tpu.memory_space<vmem>>
        %dma_start3A_350 = tpu.memref_squeeze %dma_start3A_349 : memref<1x64xi32, #tpu.memory_space<vmem>> -> memref<64xi32, #tpu.memory_space<vmem>>
        %dma_start3A_351 = arith.constant 0 : i32
        %dma_start3A_352 = tpu.memref_slice %arg7[%add3A, %add3A_341, %dma_start3A_351] : memref<32x158x64xi32, #tpu.memory_space<hbm>> -> memref<1x1x64xi32, #tpu.memory_space<hbm>>
        %dma_start3A_353 = tpu.memref_squeeze %dma_start3A_352 : memref<1x1x64xi32, #tpu.memory_space<hbm>> -> memref<64xi32, #tpu.memory_space<hbm>>
        tpu.enqueue_dma source(%dma_start3A_353 : memref<64xi32, #tpu.memory_space<hbm>>) target(%dma_start3A_350 : memref<64xi32, #tpu.memory_space<vmem>>) target_semaphore(%arg25 : memref<!tpu.dma_semaphore, #tpu.memory_space<semaphore_mem>>)
        %add3A_354 = arith.constant 3 : i32
        %add3A_355 = arith.addi %scan3A_212, %add3A_354 : i32
        %add3A_356 = arith.constant 3 : i32
        %add3A_357 = arith.addi %add3A_356, %rem3A_339 : i32
        %dma_start3A_358 = arith.constant 0 : i32
        %dma_start3A_359 = tpu.memref_slice %arg11[%add3A_357, %dma_start3A_358] : memref<8x64xi32, #tpu.memory_space<vmem>> -> memref<1x64xi32, #tpu.memory_space<vmem>>
        %dma_start3A_360 = tpu.memref_squeeze %dma_start3A_359 : memref<1x64xi32, #tpu.memory_space<vmem>> -> memref<64xi32, #tpu.memory_space<vmem>>
        %dma_start3A_361 = arith.constant 0 : i32
        %dma_start3A_362 = tpu.memref_slice %arg8[%add3A, %add3A_355, %dma_start3A_361] : memref<32x158x64xi32, #tpu.memory_space<hbm>> -> memref<1x1x64xi32, #tpu.memory_space<hbm>>
        %dma_start3A_363 = tpu.memref_squeeze %dma_start3A_362 : memref<1x1x64xi32, #tpu.memory_space<hbm>> -> memref<64xi32, #tpu.memory_space<hbm>>
        %dma_start3A_364 = arith.constant 0 : i32
        %dma_start3A_365 = tpu.memref_slice %arg11[%add3A_357, %dma_start3A_364] : memref<8x64xi32, #tpu.memory_space<vmem>> -> memref<1x64xi32, #tpu.memory_space<vmem>>
        %dma_start3A_366 = tpu.memref_squeeze %dma_start3A_365 : memref<1x64xi32, #tpu.memory_space<vmem>> -> memref<64xi32, #tpu.memory_space<vmem>>
        %dma_start3A_367 = arith.constant 0 : i32
        %dma_start3A_368 = tpu.memref_slice %arg8[%add3A, %add3A_355, %dma_start3A_367] : memref<32x158x64xi32, #tpu.memory_space<hbm>> -> memref<1x1x64xi32, #tpu.memory_space<hbm>>
        %dma_start3A_369 = tpu.memref_squeeze %dma_start3A_368 : memref<1x1x64xi32, #tpu.memory_space<hbm>> -> memref<64xi32, #tpu.memory_space<hbm>>
        tpu.enqueue_dma source(%dma_start3A_369 : memref<64xi32, #tpu.memory_space<hbm>>) target(%dma_start3A_366 : memref<64xi32, #tpu.memory_space<vmem>>) target_semaphore(%arg26 : memref<!tpu.dma_semaphore, #tpu.memory_space<semaphore_mem>>)
      } else {
      }
    }
    %scan3A_82 = arith.constant 158 : i32
    %dma_wait3A = arith.constant 0 : i32
    %dma_wait3A_83 = arith.constant 0 : i32
    %dma_wait3A_84 = arith.constant 0 : i32
    %dma_wait3A_85 = tpu.memref_slice %arg16[%dma_wait3A, %dma_wait3A_83, %dma_wait3A_84] : memref<2x64x152xf32, #tpu.memory_space<vmem>> -> memref<1x64x152xf32, #tpu.memory_space<vmem>>
    %dma_wait3A_86 = tpu.memref_squeeze %dma_wait3A_85 : memref<1x64x152xf32, #tpu.memory_space<vmem>> -> memref<64x152xf32, #tpu.memory_space<vmem>>
    %dma_wait3A_87 = arith.constant 0 : i32
    %dma_wait3A_88 = arith.constant 0 : i32
    %dma_wait3A_89 = tpu.memref_slice %arg9[%dma_wait3A_87, %dma_wait3A_88] : memref<10000x152xf32, #tpu.memory_space<hbm>> -> memref<64x152xf32, #tpu.memory_space<hbm>>
    %dma_wait3A_90 = arith.constant 0 : i32
    %dma_wait3A_91 = arith.constant 0 : i32
    %dma_wait3A_92 = tpu.memref_slice %arg16[%dma_wait3A, %dma_wait3A_90, %dma_wait3A_91] : memref<2x64x152xf32, #tpu.memory_space<vmem>> -> memref<1x64x152xf32, #tpu.memory_space<vmem>>
    %dma_wait3A_93 = tpu.memref_squeeze %dma_wait3A_92 : memref<1x64x152xf32, #tpu.memory_space<vmem>> -> memref<64x152xf32, #tpu.memory_space<vmem>>
    %dma_wait3A_94 = arith.constant 0 : i32
    %dma_wait3A_95 = arith.constant 0 : i32
    %dma_wait3A_96 = tpu.memref_slice %arg9[%dma_wait3A_94, %dma_wait3A_95] : memref<10000x152xf32, #tpu.memory_space<hbm>> -> memref<64x152xf32, #tpu.memory_space<hbm>>
    tpu.wait_dma2 semaphore(%arg24 : memref<!tpu.dma_semaphore, #tpu.memory_space<semaphore_mem>>) src(%dma_wait3A_96 : memref<64x152xf32, #tpu.memory_space<hbm>>) dst(%dma_wait3A_93 : memref<64x152xf32, #tpu.memory_space<vmem>>)
    %dma_wait3A_97 = arith.constant 0 : i32
    %dma_wait3A_98 = arith.constant 0 : i32
    %dma_wait3A_99 = arith.constant 0 : i32
    %dma_wait3A_100 = tpu.memref_slice %arg16[%dma_wait3A_97, %dma_wait3A_98, %dma_wait3A_99] : memref<2x64x152xf32, #tpu.memory_space<vmem>> -> memref<1x64x152xf32, #tpu.memory_space<vmem>>
    %dma_wait3A_101 = tpu.memref_squeeze %dma_wait3A_100 : memref<1x64x152xf32, #tpu.memory_space<vmem>> -> memref<64x152xf32, #tpu.memory_space<vmem>>
    %dma_wait3A_102 = arith.constant 0 : i32
    %dma_wait3A_103 = arith.constant 0 : i32
    %dma_wait3A_104 = tpu.memref_slice %arg9[%dma_wait3A_102, %dma_wait3A_103] : memref<10000x152xf32, #tpu.memory_space<hbm>> -> memref<64x152xf32, #tpu.memory_space<hbm>>
    %dma_wait3A_105 = arith.constant 0 : i32
    %dma_wait3A_106 = arith.constant 0 : i32
    %dma_wait3A_107 = tpu.memref_slice %arg16[%dma_wait3A_97, %dma_wait3A_105, %dma_wait3A_106] : memref<2x64x152xf32, #tpu.memory_space<vmem>> -> memref<1x64x152xf32, #tpu.memory_space<vmem>>
    %dma_wait3A_108 = tpu.memref_squeeze %dma_wait3A_107 : memref<1x64x152xf32, #tpu.memory_space<vmem>> -> memref<64x152xf32, #tpu.memory_space<vmem>>
    %dma_wait3A_109 = arith.constant 0 : i32
    %dma_wait3A_110 = arith.constant 0 : i32
    %dma_wait3A_111 = tpu.memref_slice %arg9[%dma_wait3A_109, %dma_wait3A_110] : memref<10000x152xf32, #tpu.memory_space<hbm>> -> memref<64x152xf32, #tpu.memory_space<hbm>>
    tpu.wait_dma2 semaphore(%arg24 : memref<!tpu.dma_semaphore, #tpu.memory_space<semaphore_mem>>) src(%dma_wait3A_111 : memref<64x152xf32, #tpu.memory_space<hbm>>) dst(%dma_wait3A_108 : memref<64x152xf32, #tpu.memory_space<vmem>>)
    %barrier3A_112 = arith.constant 0 : index
    tpu.barrier barrier_id(%barrier3A_112)
    %mul3A_113 = arith.constant 312 : i32
    %mul3A_114 = arith.muli %arg1, %mul3A_113 : i32
    %mul3A_115 = arith.constant 312 : i32
    %mul3A_116 = arith.muli %arg1, %mul3A_115 : i32
    %add3A_117 = arith.constant 0 : i32
    %add3A_118 = arith.addi %add3A_117, %mul3A_116 : i32
    "tpu.region"() ({
      %run_scoped3A = tpu.sem_alloc : memref<!tpu.dma_semaphore, #tpu.memory_space<semaphore_mem>>
      %dma_start3A_212 = arith.constant 0 : i32
      %dma_start3A_213 = tpu.memref_slice %arg10[%arg0, %add3A_118, %dma_start3A_212] : memref<2x10000x152xf32, #tpu.memory_space<hbm>> -> memref<1x312x152xf32, #tpu.memory_space<hbm>>
      %dma_start3A_214 = tpu.memref_squeeze %dma_start3A_213 : memref<1x312x152xf32, #tpu.memory_space<hbm>> -> memref<312x152xf32, #tpu.memory_space<hbm>>
      %dma_start3A_215 = arith.constant 0 : i32
      %dma_start3A_216 = tpu.memref_slice %arg19[%mul3A_114, %dma_start3A_215] : memref<5000x152xf32, #tpu.memory_space<vmem_shared>> -> memref<312x152xf32, #tpu.memory_space<vmem_shared>>
      tpu.enqueue_dma source(%dma_start3A_216 : memref<312x152xf32, #tpu.memory_space<vmem_shared>>) target(%dma_start3A_214 : memref<312x152xf32, #tpu.memory_space<hbm>>) target_semaphore(%run_scoped3A : memref<!tpu.dma_semaphore, #tpu.memory_space<semaphore_mem>>)
      %dma_wait3A_217 = arith.constant 0 : i32
      %dma_wait3A_218 = tpu.memref_slice %arg10[%arg0, %add3A_118, %dma_wait3A_217] : memref<2x10000x152xf32, #tpu.memory_space<hbm>> -> memref<1x312x152xf32, #tpu.memory_space<hbm>>
      %dma_wait3A_219 = tpu.memref_squeeze %dma_wait3A_218 : memref<1x312x152xf32, #tpu.memory_space<hbm>> -> memref<312x152xf32, #tpu.memory_space<hbm>>
      %dma_wait3A_220 = arith.constant 0 : i32
      %dma_wait3A_221 = tpu.memref_slice %arg19[%mul3A_114, %dma_wait3A_220] : memref<5000x152xf32, #tpu.memory_space<vmem_shared>> -> memref<312x152xf32, #tpu.memory_space<vmem_shared>>
      tpu.wait_dma2 semaphore(%run_scoped3A : memref<!tpu.dma_semaphore, #tpu.memory_space<semaphore_mem>>) src(%dma_wait3A_221 : memref<312x152xf32, #tpu.memory_space<vmem_shared>>) dst(%dma_wait3A_219 : memref<312x152xf32, #tpu.memory_space<hbm>>)
      tpu.yield
    }) : () -> ()
    %eq3A_119 = arith.constant 15 : i32
    %eq3A_120 = arith.cmpi eq, %arg1, %eq3A_119 : i32
    %convert_element_type3A_121 = arith.extui %eq3A_120 : i1 to i32
    %cond3A_122 = arith.constant 0 : i32
    %cond3A_123 = arith.cmpi ne, %convert_element_type3A_121, %cond3A_122 : i32
    scf.if %cond3A_123 {
      "tpu.region"() ({
        %run_scoped3A = tpu.sem_alloc : memref<!tpu.dma_semaphore, #tpu.memory_space<semaphore_mem>>
        %dma_start3A_212 = arith.constant 4992 : i32
        %dma_start3A_213 = arith.constant 0 : i32
        %dma_start3A_214 = tpu.memref_slice %arg10[%arg0, %dma_start3A_212, %dma_start3A_213] : memref<2x10000x152xf32, #tpu.memory_space<hbm>> -> memref<1x8x152xf32, #tpu.memory_space<hbm>>
        %dma_start3A_215 = tpu.memref_squeeze %dma_start3A_214 : memref<1x8x152xf32, #tpu.memory_space<hbm>> -> memref<8x152xf32, #tpu.memory_space<hbm>>
        %dma_start3A_216 = arith.constant 4992 : i32
        %dma_start3A_217 = arith.constant 0 : i32
        %dma_start3A_218 = tpu.memref_slice %arg19[%dma_start3A_216, %dma_start3A_217] : memref<5000x152xf32, #tpu.memory_space<vmem_shared>> -> memref<8x152xf32, #tpu.memory_space<vmem_shared>>
        tpu.enqueue_dma source(%dma_start3A_218 : memref<8x152xf32, #tpu.memory_space<vmem_shared>>) target(%dma_start3A_215 : memref<8x152xf32, #tpu.memory_space<hbm>>) target_semaphore(%run_scoped3A : memref<!tpu.dma_semaphore, #tpu.memory_space<semaphore_mem>>)
        %dma_wait3A_219 = arith.constant 4992 : i32
        %dma_wait3A_220 = arith.constant 0 : i32
        %dma_wait3A_221 = tpu.memref_slice %arg10[%arg0, %dma_wait3A_219, %dma_wait3A_220] : memref<2x10000x152xf32, #tpu.memory_space<hbm>> -> memref<1x8x152xf32, #tpu.memory_space<hbm>>
        %dma_wait3A_222 = tpu.memref_squeeze %dma_wait3A_221 : memref<1x8x152xf32, #tpu.memory_space<hbm>> -> memref<8x152xf32, #tpu.memory_space<hbm>>
        %dma_wait3A_223 = arith.constant 4992 : i32
        %dma_wait3A_224 = arith.constant 0 : i32
        %dma_wait3A_225 = tpu.memref_slice %arg19[%dma_wait3A_223, %dma_wait3A_224] : memref<5000x152xf32, #tpu.memory_space<vmem_shared>> -> memref<8x152xf32, #tpu.memory_space<vmem_shared>>
        tpu.wait_dma2 semaphore(%run_scoped3A : memref<!tpu.dma_semaphore, #tpu.memory_space<semaphore_mem>>) src(%dma_wait3A_225 : memref<8x152xf32, #tpu.memory_space<vmem_shared>>) dst(%dma_wait3A_222 : memref<8x152xf32, #tpu.memory_space<hbm>>)
        tpu.yield
      }) : () -> ()
    } else {
    }
    %mul3A_124 = arith.constant 312 : i32
    %mul3A_125 = arith.muli %arg1, %mul3A_124 : i32
    %mul3A_126 = arith.constant 312 : i32
    %mul3A_127 = arith.muli %arg1, %mul3A_126 : i32
    "tpu.region"() ({
      %run_scoped3A = tpu.sem_alloc : memref<!tpu.dma_semaphore, #tpu.memory_space<semaphore_mem>>
      %dma_start3A_212 = arith.constant 0 : i32
      %dma_start3A_213 = tpu.memref_slice %arg19[%mul3A_127, %dma_start3A_212] : memref<5000x152xf32, #tpu.memory_space<vmem_shared>> -> memref<312x152xf32, #tpu.memory_space<vmem_shared>>
      %dma_start3A_214 = arith.constant 0 : i32
      %dma_start3A_215 = tpu.memref_slice %arg9[%mul3A_125, %dma_start3A_214] : memref<10000x152xf32, #tpu.memory_space<hbm>> -> memref<312x152xf32, #tpu.memory_space<hbm>>
      tpu.enqueue_dma source(%dma_start3A_215 : memref<312x152xf32, #tpu.memory_space<hbm>>) target(%dma_start3A_213 : memref<312x152xf32, #tpu.memory_space<vmem_shared>>) target_semaphore(%run_scoped3A : memref<!tpu.dma_semaphore, #tpu.memory_space<semaphore_mem>>)
      %dma_wait3A_216 = arith.constant 0 : i32
      %dma_wait3A_217 = tpu.memref_slice %arg19[%mul3A_127, %dma_wait3A_216] : memref<5000x152xf32, #tpu.memory_space<vmem_shared>> -> memref<312x152xf32, #tpu.memory_space<vmem_shared>>
      %dma_wait3A_218 = arith.constant 0 : i32
      %dma_wait3A_219 = tpu.memref_slice %arg9[%mul3A_125, %dma_wait3A_218] : memref<10000x152xf32, #tpu.memory_space<hbm>> -> memref<312x152xf32, #tpu.memory_space<hbm>>
      tpu.wait_dma2 semaphore(%run_scoped3A : memref<!tpu.dma_semaphore, #tpu.memory_space<semaphore_mem>>) src(%dma_wait3A_219 : memref<312x152xf32, #tpu.memory_space<hbm>>) dst(%dma_wait3A_217 : memref<312x152xf32, #tpu.memory_space<vmem_shared>>)
      tpu.yield
    }) : () -> ()
    %eq3A_128 = arith.constant 15 : i32
    %eq3A_129 = arith.cmpi eq, %arg1, %eq3A_128 : i32
    %convert_element_type3A_130 = arith.extui %eq3A_129 : i1 to i32
    %cond3A_131 = arith.constant 0 : i32
    %cond3A_132 = arith.cmpi ne, %convert_element_type3A_130, %cond3A_131 : i32
    scf.if %cond3A_132 {
      "tpu.region"() ({
        %run_scoped3A = tpu.sem_alloc : memref<!tpu.dma_semaphore, #tpu.memory_space<semaphore_mem>>
        %dma_start3A_212 = arith.constant 4992 : i32
        %dma_start3A_213 = arith.constant 0 : i32
        %dma_start3A_214 = tpu.memref_slice %arg19[%dma_start3A_212, %dma_start3A_213] : memref<5000x152xf32, #tpu.memory_space<vmem_shared>> -> memref<8x152xf32, #tpu.memory_space<vmem_shared>>
        %dma_start3A_215 = arith.constant 4992 : i32
        %dma_start3A_216 = arith.constant 0 : i32
        %dma_start3A_217 = tpu.memref_slice %arg9[%dma_start3A_215, %dma_start3A_216] : memref<10000x152xf32, #tpu.memory_space<hbm>> -> memref<8x152xf32, #tpu.memory_space<hbm>>
        tpu.enqueue_dma source(%dma_start3A_217 : memref<8x152xf32, #tpu.memory_space<hbm>>) target(%dma_start3A_214 : memref<8x152xf32, #tpu.memory_space<vmem_shared>>) target_semaphore(%run_scoped3A : memref<!tpu.dma_semaphore, #tpu.memory_space<semaphore_mem>>)
        %dma_wait3A_218 = arith.constant 4992 : i32
        %dma_wait3A_219 = arith.constant 0 : i32
        %dma_wait3A_220 = tpu.memref_slice %arg19[%dma_wait3A_218, %dma_wait3A_219] : memref<5000x152xf32, #tpu.memory_space<vmem_shared>> -> memref<8x152xf32, #tpu.memory_space<vmem_shared>>
        %dma_wait3A_221 = arith.constant 4992 : i32
        %dma_wait3A_222 = arith.constant 0 : i32
        %dma_wait3A_223 = tpu.memref_slice %arg9[%dma_wait3A_221, %dma_wait3A_222] : memref<10000x152xf32, #tpu.memory_space<hbm>> -> memref<8x152xf32, #tpu.memory_space<hbm>>
        tpu.wait_dma2 semaphore(%run_scoped3A : memref<!tpu.dma_semaphore, #tpu.memory_space<semaphore_mem>>) src(%dma_wait3A_223 : memref<8x152xf32, #tpu.memory_space<hbm>>) dst(%dma_wait3A_220 : memref<8x152xf32, #tpu.memory_space<vmem_shared>>)
        tpu.yield
      }) : () -> ()
    } else {
    }
    %barrier3A_133 = arith.constant 0 : index
    tpu.barrier barrier_id(%barrier3A_133)
    "tpu.region"() ({
      %run_scoped3A = tpu.sem_alloc : memref<!tpu.dma_semaphore, #tpu.memory_space<semaphore_mem>>
      %dma_start3A_212 = arith.constant 0 : i32
      %dma_start3A_213 = arith.constant 0 : i32
      %dma_start3A_214 = tpu.memref_slice %arg11[%dma_start3A_212, %dma_start3A_213] : memref<8x64xi32, #tpu.memory_space<vmem>> -> memref<3x64xi32, #tpu.memory_space<vmem>>
      %dma_start3A_215 = arith.constant 0 : i32
      %dma_start3A_216 = arith.constant 0 : i32
      %dma_start3A_217 = tpu.memref_slice %arg7[%add3A, %dma_start3A_215, %dma_start3A_216] : memref<32x158x64xi32, #tpu.memory_space<hbm>> -> memref<1x3x64xi32, #tpu.memory_space<hbm>>
      %dma_start3A_218 = tpu.memref_squeeze %dma_start3A_217 : memref<1x3x64xi32, #tpu.memory_space<hbm>> -> memref<3x64xi32, #tpu.memory_space<hbm>>
      %dma_start3A_219 = arith.constant 0 : i32
      %dma_start3A_220 = arith.constant 0 : i32
      %dma_start3A_221 = tpu.memref_slice %arg11[%dma_start3A_219, %dma_start3A_220] : memref<8x64xi32, #tpu.memory_space<vmem>> -> memref<3x64xi32, #tpu.memory_space<vmem>>
      %dma_start3A_222 = arith.constant 0 : i32
      %dma_start3A_223 = arith.constant 0 : i32
      %dma_start3A_224 = tpu.memref_slice %arg7[%add3A, %dma_start3A_222, %dma_start3A_223] : memref<32x158x64xi32, #tpu.memory_space<hbm>> -> memref<1x3x64xi32, #tpu.memory_space<hbm>>
      %dma_start3A_225 = tpu.memref_squeeze %dma_start3A_224 : memref<1x3x64xi32, #tpu.memory_space<hbm>> -> memref<3x64xi32, #tpu.memory_space<hbm>>
      tpu.enqueue_dma source(%dma_start3A_225 : memref<3x64xi32, #tpu.memory_space<hbm>>) target(%dma_start3A_221 : memref<3x64xi32, #tpu.memory_space<vmem>>) target_semaphore(%run_scoped3A : memref<!tpu.dma_semaphore, #tpu.memory_space<semaphore_mem>>)
      %dma_wait3A_226 = arith.constant 0 : i32
      %dma_wait3A_227 = arith.constant 0 : i32
      %dma_wait3A_228 = tpu.memref_slice %arg11[%dma_wait3A_226, %dma_wait3A_227] : memref<8x64xi32, #tpu.memory_space<vmem>> -> memref<3x64xi32, #tpu.memory_space<vmem>>
      %dma_wait3A_229 = arith.constant 0 : i32
      %dma_wait3A_230 = arith.constant 0 : i32
      %dma_wait3A_231 = tpu.memref_slice %arg7[%add3A, %dma_wait3A_229, %dma_wait3A_230] : memref<32x158x64xi32, #tpu.memory_space<hbm>> -> memref<1x3x64xi32, #tpu.memory_space<hbm>>
      %dma_wait3A_232 = tpu.memref_squeeze %dma_wait3A_231 : memref<1x3x64xi32, #tpu.memory_space<hbm>> -> memref<3x64xi32, #tpu.memory_space<hbm>>
      %dma_wait3A_233 = arith.constant 0 : i32
      %dma_wait3A_234 = arith.constant 0 : i32
      %dma_wait3A_235 = tpu.memref_slice %arg11[%dma_wait3A_233, %dma_wait3A_234] : memref<8x64xi32, #tpu.memory_space<vmem>> -> memref<3x64xi32, #tpu.memory_space<vmem>>
      %dma_wait3A_236 = arith.constant 0 : i32
      %dma_wait3A_237 = arith.constant 0 : i32
      %dma_wait3A_238 = tpu.memref_slice %arg7[%add3A, %dma_wait3A_236, %dma_wait3A_237] : memref<32x158x64xi32, #tpu.memory_space<hbm>> -> memref<1x3x64xi32, #tpu.memory_space<hbm>>
      %dma_wait3A_239 = tpu.memref_squeeze %dma_wait3A_238 : memref<1x3x64xi32, #tpu.memory_space<hbm>> -> memref<3x64xi32, #tpu.memory_space<hbm>>
      tpu.wait_dma2 semaphore(%run_scoped3A : memref<!tpu.dma_semaphore, #tpu.memory_space<semaphore_mem>>) src(%dma_wait3A_239 : memref<3x64xi32, #tpu.memory_space<hbm>>) dst(%dma_wait3A_235 : memref<3x64xi32, #tpu.memory_space<vmem>>)
      tpu.yield
    }) : () -> ()
    "tpu.region"() ({
      %run_scoped3A = tpu.sem_alloc : memref<!tpu.dma_semaphore, #tpu.memory_space<semaphore_mem>>
      %dma_start3A_212 = arith.constant 3 : i32
      %dma_start3A_213 = arith.constant 0 : i32
      %dma_start3A_214 = tpu.memref_slice %arg11[%dma_start3A_212, %dma_start3A_213] : memref<8x64xi32, #tpu.memory_space<vmem>> -> memref<3x64xi32, #tpu.memory_space<vmem>>
      %dma_start3A_215 = arith.constant 0 : i32
      %dma_start3A_216 = arith.constant 0 : i32
      %dma_start3A_217 = tpu.memref_slice %arg8[%add3A, %dma_start3A_215, %dma_start3A_216] : memref<32x158x64xi32, #tpu.memory_space<hbm>> -> memref<1x3x64xi32, #tpu.memory_space<hbm>>
      %dma_start3A_218 = tpu.memref_squeeze %dma_start3A_217 : memref<1x3x64xi32, #tpu.memory_space<hbm>> -> memref<3x64xi32, #tpu.memory_space<hbm>>
      %dma_start3A_219 = arith.constant 3 : i32
      %dma_start3A_220 = arith.constant 0 : i32
      %dma_start3A_221 = tpu.memref_slice %arg11[%dma_start3A_219, %dma_start3A_220] : memref<8x64xi32, #tpu.memory_space<vmem>> -> memref<3x64xi32, #tpu.memory_space<vmem>>
      %dma_start3A_222 = arith.constant 0 : i32
      %dma_start3A_223 = arith.constant 0 : i32
      %dma_start3A_224 = tpu.memref_slice %arg8[%add3A, %dma_start3A_222, %dma_start3A_223] : memref<32x158x64xi32, #tpu.memory_space<hbm>> -> memref<1x3x64xi32, #tpu.memory_space<hbm>>
      %dma_start3A_225 = tpu.memref_squeeze %dma_start3A_224 : memref<1x3x64xi32, #tpu.memory_space<hbm>> -> memref<3x64xi32, #tpu.memory_space<hbm>>
      tpu.enqueue_dma source(%dma_start3A_225 : memref<3x64xi32, #tpu.memory_space<hbm>>) target(%dma_start3A_221 : memref<3x64xi32, #tpu.memory_space<vmem>>) target_semaphore(%run_scoped3A : memref<!tpu.dma_semaphore, #tpu.memory_space<semaphore_mem>>)
      %dma_wait3A_226 = arith.constant 3 : i32
      %dma_wait3A_227 = arith.constant 0 : i32
      %dma_wait3A_228 = tpu.memref_slice %arg11[%dma_wait3A_226, %dma_wait3A_227] : memref<8x64xi32, #tpu.memory_space<vmem>> -> memref<3x64xi32, #tpu.memory_space<vmem>>
      %dma_wait3A_229 = arith.constant 0 : i32
      %dma_wait3A_230 = arith.constant 0 : i32
      %dma_wait3A_231 = tpu.memref_slice %arg8[%add3A, %dma_wait3A_229, %dma_wait3A_230] : memref<32x158x64xi32, #tpu.memory_space<hbm>> -> memref<1x3x64xi32, #tpu.memory_space<hbm>>
      %dma_wait3A_232 = tpu.memref_squeeze %dma_wait3A_231 : memref<1x3x64xi32, #tpu.memory_space<hbm>> -> memref<3x64xi32, #tpu.memory_space<hbm>>
      %dma_wait3A_233 = arith.constant 3 : i32
      %dma_wait3A_234 = arith.constant 0 : i32
      %dma_wait3A_235 = tpu.memref_slice %arg11[%dma_wait3A_233, %dma_wait3A_234] : memref<8x64xi32, #tpu.memory_space<vmem>> -> memref<3x64xi32, #tpu.memory_space<vmem>>
      %dma_wait3A_236 = arith.constant 0 : i32
      %dma_wait3A_237 = arith.constant 0 : i32
      %dma_wait3A_238 = tpu.memref_slice %arg8[%add3A, %dma_wait3A_236, %dma_wait3A_237] : memref<32x158x64xi32, #tpu.memory_space<hbm>> -> memref<1x3x64xi32, #tpu.memory_space<hbm>>
      %dma_wait3A_239 = tpu.memref_squeeze %dma_wait3A_238 : memref<1x3x64xi32, #tpu.memory_space<hbm>> -> memref<3x64xi32, #tpu.memory_space<hbm>>
      tpu.wait_dma2 semaphore(%run_scoped3A : memref<!tpu.dma_semaphore, #tpu.memory_space<semaphore_mem>>) src(%dma_wait3A_239 : memref<3x64xi32, #tpu.memory_space<hbm>>) dst(%dma_wait3A_235 : memref<3x64xi32, #tpu.memory_space<vmem>>)
      tpu.yield
    }) : () -> ()
    %rem3A_134 = arith.constant 0 : i32
    %rem3A_135 = arith.constant 2 : i32
    %rem3A_136 = arith.remsi %rem3A_134, %rem3A_135 : i32
    %rem3A_137 = arith.constant 0 : i32
    %rem3A_138 = arith.constant 3 : i32
    %rem3A_139 = arith.remsi %rem3A_137, %rem3A_138 : i32
    %dma_start3A_140 = arith.constant 0 : i32
    %dma_start3A_141 = arith.constant 0 : i32
    %dma_start3A_142 = tpu.memref_slice %arg15[%rem3A_136, %dma_start3A_140, %dma_start3A_141] : memref<2x64x128xf32, #tpu.memory_space<vmem>> -> memref<1x64x128xf32, #tpu.memory_space<vmem>>
    %dma_start3A_143 = tpu.memref_squeeze %dma_start3A_142 : memref<1x64x128xf32, #tpu.memory_space<vmem>> -> memref<64x128xf32, #tpu.memory_space<vmem>>
    %dma_start3A_144 = arith.constant 0 : i32
    %dma_start3A_145 = tpu.memref_slice %arg11[%rem3A_139, %dma_start3A_144] : memref<8x64xi32, #tpu.memory_space<vmem>> -> memref<1x64xi32, #tpu.memory_space<vmem>>
    %dma_start3A_146 = tpu.memref_squeeze %dma_start3A_145 : memref<1x64xi32, #tpu.memory_space<vmem>> -> memref<64xi32, #tpu.memory_space<vmem>>
    %dma_start3A_147 = arith.constant 0 : i32
    %dma_start3A_148 = arith.constant 0 : i32
    %dma_start3A_149 = tpu.memref_slice %arg5[%dma_start3A_147, %dma_start3A_148] : memref<10000x128xf32, #tpu.memory_space<hbm>> -> memref<10000x128xf32, #tpu.memory_space<hbm>>
    tpu.enqueue_indirect_dma source(%dma_start3A_149 : memref<10000x128xf32, #tpu.memory_space<hbm>>) target(%dma_start3A_143 : memref<64x128xf32, #tpu.memory_space<vmem>>) offsets(%dma_start3A_146 : memref<64xi32, #tpu.memory_space<vmem>>) semaphore(%arg22 : memref<!tpu.dma_semaphore, #tpu.memory_space<semaphore_mem>>)
    %add3A_150 = arith.constant 0 : i32
    %add3A_151 = arith.addi %mul3A_2, %add3A_150 : i32
    %dma_start3A_152 = arith.constant 0 : i32
    %dma_start3A_153 = arith.constant 128 : i32
    %dma_start3A_154 = tpu.memref_slice %arg16[%rem3A_136, %dma_start3A_152, %dma_start3A_153] : memref<2x64x152xf32, #tpu.memory_space<vmem>> -> memref<1x64x16xf32, #tpu.memory_space<vmem>>
    %dma_start3A_155 = tpu.memref_squeeze %dma_start3A_154 : memref<1x64x16xf32, #tpu.memory_space<vmem>> -> memref<64x16xf32, #tpu.memory_space<vmem>>
    %dma_start3A_156 = arith.constant 0 : i32
    %dma_start3A_157 = tpu.memref_slice %arg6[%add3A_151, %dma_start3A_156] : memref<323584x16xf32, #tpu.memory_space<hbm>> -> memref<64x16xf32, #tpu.memory_space<hbm>>
    %dma_start3A_158 = arith.constant 0 : i32
    %dma_start3A_159 = arith.constant 128 : i32
    %dma_start3A_160 = tpu.memref_slice %arg16[%rem3A_136, %dma_start3A_158, %dma_start3A_159] : memref<2x64x152xf32, #tpu.memory_space<vmem>> -> memref<1x64x16xf32, #tpu.memory_space<vmem>>
    %dma_start3A_161 = tpu.memref_squeeze %dma_start3A_160 : memref<1x64x16xf32, #tpu.memory_space<vmem>> -> memref<64x16xf32, #tpu.memory_space<vmem>>
    %dma_start3A_162 = arith.constant 0 : i32
    %dma_start3A_163 = tpu.memref_slice %arg6[%add3A_151, %dma_start3A_162] : memref<323584x16xf32, #tpu.memory_space<hbm>> -> memref<64x16xf32, #tpu.memory_space<hbm>>
    tpu.enqueue_dma source(%dma_start3A_163 : memref<64x16xf32, #tpu.memory_space<hbm>>) target(%dma_start3A_161 : memref<64x16xf32, #tpu.memory_space<vmem>>) target_semaphore(%arg23 : memref<!tpu.dma_semaphore, #tpu.memory_space<semaphore_mem>>)
    %scan3A_164 = arith.constant 0 : i32
    %scan3A_165 = arith.constant 0 : i32
    %scan3A_166 = arith.constant 158 : i32
    %scan3A_167 = arith.addi %scan3A_165, %scan3A_166 : i32
    %scan3A_168 = arith.constant 1 : i32
    scf.for %scan3A_212 = %scan3A_165 to %scan3A_167 step %scan3A_168  : i32 {
      %rem3A_213 = arith.constant 2 : i32
      %rem3A_214 = arith.remsi %scan3A_212, %rem3A_213 : i32
      %broadcast_in_dim3A_215 = vector.broadcast %rem3A_214 : i32 to vector<16xi32>
      %dma_wait3A_216 = arith.constant 0 : i32
      %dma_wait3A_217 = arith.constant 0 : i32
      %dma_wait3A_218 = arith.constant 0 : i32
      %dma_wait3A_219 = tpu.memref_slice %arg15[%dma_wait3A_216, %dma_wait3A_217, %dma_wait3A_218] : memref<2x64x128xf32, #tpu.memory_space<vmem>> -> memref<1x64x128xf32, #tpu.memory_space<vmem>>
      %dma_wait3A_220 = tpu.memref_squeeze %dma_wait3A_219 : memref<1x64x128xf32, #tpu.memory_space<vmem>> -> memref<64x128xf32, #tpu.memory_space<vmem>>
      %dma_wait3A_221 = arith.constant 0 : i32
      %dma_wait3A_222 = arith.constant 0 : i32
      %dma_wait3A_223 = tpu.memref_slice %arg5[%dma_wait3A_221, %dma_wait3A_222] : memref<10000x128xf32, #tpu.memory_space<hbm>> -> memref<64x128xf32, #tpu.memory_space<hbm>>
      %dma_wait3A_224 = arith.constant 0 : i32
      %dma_wait3A_225 = arith.constant 0 : i32
      %dma_wait3A_226 = tpu.memref_slice %arg15[%dma_wait3A_216, %dma_wait3A_224, %dma_wait3A_225] : memref<2x64x128xf32, #tpu.memory_space<vmem>> -> memref<1x64x128xf32, #tpu.memory_space<vmem>>
      %dma_wait3A_227 = tpu.memref_squeeze %dma_wait3A_226 : memref<1x64x128xf32, #tpu.memory_space<vmem>> -> memref<64x128xf32, #tpu.memory_space<vmem>>
      %dma_wait3A_228 = arith.constant 0 : i32
      %dma_wait3A_229 = arith.constant 0 : i32
      %dma_wait3A_230 = tpu.memref_slice %arg5[%dma_wait3A_228, %dma_wait3A_229] : memref<10000x128xf32, #tpu.memory_space<hbm>> -> memref<64x128xf32, #tpu.memory_space<hbm>>
      tpu.wait_dma2 semaphore(%arg22 : memref<!tpu.dma_semaphore, #tpu.memory_space<semaphore_mem>>) src(%dma_wait3A_230 : memref<64x128xf32, #tpu.memory_space<hbm>>) dst(%dma_wait3A_227 : memref<64x128xf32, #tpu.memory_space<vmem>>)
      %dma_wait3A_231 = arith.constant 0 : i32
      %dma_wait3A_232 = arith.constant 0 : i32
      %dma_wait3A_233 = arith.constant 128 : i32
      %dma_wait3A_234 = tpu.memref_slice %arg16[%dma_wait3A_231, %dma_wait3A_232, %dma_wait3A_233] : memref<2x64x152xf32, #tpu.memory_space<vmem>> -> memref<1x64x16xf32, #tpu.memory_space<vmem>>
      %dma_wait3A_235 = tpu.memref_squeeze %dma_wait3A_234 : memref<1x64x16xf32, #tpu.memory_space<vmem>> -> memref<64x16xf32, #tpu.memory_space<vmem>>
      %dma_wait3A_236 = arith.constant 0 : i32
      %dma_wait3A_237 = arith.constant 0 : i32
      %dma_wait3A_238 = tpu.memref_slice %arg6[%dma_wait3A_236, %dma_wait3A_237] : memref<323584x16xf32, #tpu.memory_space<hbm>> -> memref<64x16xf32, #tpu.memory_space<hbm>>
      %dma_wait3A_239 = arith.constant 0 : i32
      %dma_wait3A_240 = arith.constant 128 : i32
      %dma_wait3A_241 = tpu.memref_slice %arg16[%dma_wait3A_231, %dma_wait3A_239, %dma_wait3A_240] : memref<2x64x152xf32, #tpu.memory_space<vmem>> -> memref<1x64x16xf32, #tpu.memory_space<vmem>>
      %dma_wait3A_242 = tpu.memref_squeeze %dma_wait3A_241 : memref<1x64x16xf32, #tpu.memory_space<vmem>> -> memref<64x16xf32, #tpu.memory_space<vmem>>
      %dma_wait3A_243 = arith.constant 0 : i32
      %dma_wait3A_244 = arith.constant 0 : i32
      %dma_wait3A_245 = tpu.memref_slice %arg6[%dma_wait3A_243, %dma_wait3A_244] : memref<323584x16xf32, #tpu.memory_space<hbm>> -> memref<64x16xf32, #tpu.memory_space<hbm>>
      tpu.wait_dma2 semaphore(%arg23 : memref<!tpu.dma_semaphore, #tpu.memory_space<semaphore_mem>>) src(%dma_wait3A_245 : memref<64x16xf32, #tpu.memory_space<hbm>>) dst(%dma_wait3A_242 : memref<64x16xf32, #tpu.memory_space<vmem>>)
      %ge3A = arith.constant 2 : i32
      %ge3A_246 = arith.cmpi sge, %scan3A_212, %ge3A : i32
      %convert_element_type3A_247 = arith.extui %ge3A_246 : i1 to i32
      %cond3A_248 = arith.constant 0 : i32
      %cond3A_249 = arith.cmpi ne, %convert_element_type3A_247, %cond3A_248 : i32
      scf.if %cond3A_249 {
        %dma_wait3A_293 = arith.constant 0 : i32
        %dma_wait3A_294 = arith.constant 0 : i32
        %dma_wait3A_295 = arith.constant 0 : i32
        %dma_wait3A_296 = tpu.memref_slice %arg16[%dma_wait3A_293, %dma_wait3A_294, %dma_wait3A_295] : memref<2x64x152xf32, #tpu.memory_space<vmem>> -> memref<1x64x152xf32, #tpu.memory_space<vmem>>
        %dma_wait3A_297 = tpu.memref_squeeze %dma_wait3A_296 : memref<1x64x152xf32, #tpu.memory_space<vmem>> -> memref<64x152xf32, #tpu.memory_space<vmem>>
        %dma_wait3A_298 = arith.constant 0 : i32
        %dma_wait3A_299 = arith.constant 0 : i32
        %dma_wait3A_300 = tpu.memref_slice %arg9[%dma_wait3A_298, %dma_wait3A_299] : memref<10000x152xf32, #tpu.memory_space<hbm>> -> memref<64x152xf32, #tpu.memory_space<hbm>>
        %dma_wait3A_301 = arith.constant 0 : i32
        %dma_wait3A_302 = arith.constant 0 : i32
        %dma_wait3A_303 = tpu.memref_slice %arg16[%dma_wait3A_293, %dma_wait3A_301, %dma_wait3A_302] : memref<2x64x152xf32, #tpu.memory_space<vmem>> -> memref<1x64x152xf32, #tpu.memory_space<vmem>>
        %dma_wait3A_304 = tpu.memref_squeeze %dma_wait3A_303 : memref<1x64x152xf32, #tpu.memory_space<vmem>> -> memref<64x152xf32, #tpu.memory_space<vmem>>
        %dma_wait3A_305 = arith.constant 0 : i32
        %dma_wait3A_306 = arith.constant 0 : i32
        %dma_wait3A_307 = tpu.memref_slice %arg9[%dma_wait3A_305, %dma_wait3A_306] : memref<10000x152xf32, #tpu.memory_space<hbm>> -> memref<64x152xf32, #tpu.memory_space<hbm>>
        tpu.wait_dma2 semaphore(%arg24 : memref<!tpu.dma_semaphore, #tpu.memory_space<semaphore_mem>>) src(%dma_wait3A_307 : memref<64x152xf32, #tpu.memory_space<hbm>>) dst(%dma_wait3A_304 : memref<64x152xf32, #tpu.memory_space<vmem>>)
      } else {
      }
      %ge3A_250 = arith.constant 2 : i32
      %ge3A_251 = arith.cmpi sge, %scan3A_212, %ge3A_250 : i32
      %add3A_252 = arith.constant 1 : i32
      %add3A_253 = arith.addi %scan3A_212, %add3A_252 : i32
      %lt3A = arith.constant 158 : i32
      %lt3A_254 = arith.cmpi slt, %add3A_253, %lt3A : i32
      %and3A = arith.andi %ge3A_251, %lt3A_254 : i1
      %convert_element_type3A_255 = arith.extui %and3A : i1 to i32
      %cond3A_256 = arith.constant 0 : i32
      %cond3A_257 = arith.cmpi ne, %convert_element_type3A_255, %cond3A_256 : i32
      scf.if %cond3A_257 {
        %dma_wait3A_293 = arith.constant 0 : i32
        %dma_wait3A_294 = arith.constant 0 : i32
        %dma_wait3A_295 = arith.constant 0 : i32
        %dma_wait3A_296 = tpu.memref_slice %arg11[%dma_wait3A_294, %dma_wait3A_295] : memref<8x64xi32, #tpu.memory_space<vmem>> -> memref<1x64xi32, #tpu.memory_space<vmem>>
        %dma_wait3A_297 = tpu.memref_squeeze %dma_wait3A_296 : memref<1x64xi32, #tpu.memory_space<vmem>> -> memref<64xi32, #tpu.memory_space<vmem>>
        %dma_wait3A_298 = arith.constant 0 : i32
        %dma_wait3A_299 = tpu.memref_slice %arg7[%add3A, %dma_wait3A_293, %dma_wait3A_298] : memref<32x158x64xi32, #tpu.memory_space<hbm>> -> memref<1x1x64xi32, #tpu.memory_space<hbm>>
        %dma_wait3A_300 = tpu.memref_squeeze %dma_wait3A_299 : memref<1x1x64xi32, #tpu.memory_space<hbm>> -> memref<64xi32, #tpu.memory_space<hbm>>
        %dma_wait3A_301 = arith.constant 0 : i32
        %dma_wait3A_302 = tpu.memref_slice %arg11[%dma_wait3A_294, %dma_wait3A_301] : memref<8x64xi32, #tpu.memory_space<vmem>> -> memref<1x64xi32, #tpu.memory_space<vmem>>
        %dma_wait3A_303 = tpu.memref_squeeze %dma_wait3A_302 : memref<1x64xi32, #tpu.memory_space<vmem>> -> memref<64xi32, #tpu.memory_space<vmem>>
        %dma_wait3A_304 = arith.constant 0 : i32
        %dma_wait3A_305 = tpu.memref_slice %arg7[%add3A, %dma_wait3A_293, %dma_wait3A_304] : memref<32x158x64xi32, #tpu.memory_space<hbm>> -> memref<1x1x64xi32, #tpu.memory_space<hbm>>
        %dma_wait3A_306 = tpu.memref_squeeze %dma_wait3A_305 : memref<1x1x64xi32, #tpu.memory_space<hbm>> -> memref<64xi32, #tpu.memory_space<hbm>>
        tpu.wait_dma2 semaphore(%arg25 : memref<!tpu.dma_semaphore, #tpu.memory_space<semaphore_mem>>) src(%dma_wait3A_306 : memref<64xi32, #tpu.memory_space<hbm>>) dst(%dma_wait3A_303 : memref<64xi32, #tpu.memory_space<vmem>>)
        %dma_wait3A_307 = arith.constant 0 : i32
        %dma_wait3A_308 = arith.constant 0 : i32
        %dma_wait3A_309 = arith.constant 0 : i32
        %dma_wait3A_310 = tpu.memref_slice %arg11[%dma_wait3A_308, %dma_wait3A_309] : memref<8x64xi32, #tpu.memory_space<vmem>> -> memref<1x64xi32, #tpu.memory_space<vmem>>
        %dma_wait3A_311 = tpu.memref_squeeze %dma_wait3A_310 : memref<1x64xi32, #tpu.memory_space<vmem>> -> memref<64xi32, #tpu.memory_space<vmem>>
        %dma_wait3A_312 = arith.constant 0 : i32
        %dma_wait3A_313 = tpu.memref_slice %arg8[%add3A, %dma_wait3A_307, %dma_wait3A_312] : memref<32x158x64xi32, #tpu.memory_space<hbm>> -> memref<1x1x64xi32, #tpu.memory_space<hbm>>
        %dma_wait3A_314 = tpu.memref_squeeze %dma_wait3A_313 : memref<1x1x64xi32, #tpu.memory_space<hbm>> -> memref<64xi32, #tpu.memory_space<hbm>>
        %dma_wait3A_315 = arith.constant 0 : i32
        %dma_wait3A_316 = tpu.memref_slice %arg11[%dma_wait3A_308, %dma_wait3A_315] : memref<8x64xi32, #tpu.memory_space<vmem>> -> memref<1x64xi32, #tpu.memory_space<vmem>>
        %dma_wait3A_317 = tpu.memref_squeeze %dma_wait3A_316 : memref<1x64xi32, #tpu.memory_space<vmem>> -> memref<64xi32, #tpu.memory_space<vmem>>
        %dma_wait3A_318 = arith.constant 0 : i32
        %dma_wait3A_319 = tpu.memref_slice %arg8[%add3A, %dma_wait3A_307, %dma_wait3A_318] : memref<32x158x64xi32, #tpu.memory_space<hbm>> -> memref<1x1x64xi32, #tpu.memory_space<hbm>>
        %dma_wait3A_320 = tpu.memref_squeeze %dma_wait3A_319 : memref<1x1x64xi32, #tpu.memory_space<hbm>> -> memref<64xi32, #tpu.memory_space<hbm>>
        tpu.wait_dma2 semaphore(%arg26 : memref<!tpu.dma_semaphore, #tpu.memory_space<semaphore_mem>>) src(%dma_wait3A_320 : memref<64xi32, #tpu.memory_space<hbm>>) dst(%dma_wait3A_317 : memref<64xi32, #tpu.memory_space<vmem>>)
      } else {
      }
      %add3A_258 = arith.constant 1 : i32
      %add3A_259 = arith.addi %scan3A_212, %add3A_258 : i32
      %lt3A_260 = arith.constant 158 : i32
      %lt3A_261 = arith.cmpi slt, %add3A_259, %lt3A_260 : i32
      %convert_element_type3A_262 = arith.extui %lt3A_261 : i1 to i32
      %cond3A_263 = arith.constant 0 : i32
      %cond3A_264 = arith.cmpi ne, %convert_element_type3A_262, %cond3A_263 : i32
      scf.if %cond3A_264 {
        %add3A_293 = arith.constant 1 : i32
        %add3A_294 = arith.addi %scan3A_212, %add3A_293 : i32
        %rem3A_295 = arith.constant 2 : i32
        %rem3A_296 = arith.remsi %add3A_294, %rem3A_295 : i32
        %rem3A_297 = arith.constant 3 : i32
        %rem3A_298 = arith.remsi %add3A_294, %rem3A_297 : i32
        %dma_start3A_299 = arith.constant 0 : i32
        %dma_start3A_300 = arith.constant 0 : i32
        %dma_start3A_301 = tpu.memref_slice %arg15[%rem3A_296, %dma_start3A_299, %dma_start3A_300] : memref<2x64x128xf32, #tpu.memory_space<vmem>> -> memref<1x64x128xf32, #tpu.memory_space<vmem>>
        %dma_start3A_302 = tpu.memref_squeeze %dma_start3A_301 : memref<1x64x128xf32, #tpu.memory_space<vmem>> -> memref<64x128xf32, #tpu.memory_space<vmem>>
        %dma_start3A_303 = arith.constant 0 : i32
        %dma_start3A_304 = tpu.memref_slice %arg11[%rem3A_298, %dma_start3A_303] : memref<8x64xi32, #tpu.memory_space<vmem>> -> memref<1x64xi32, #tpu.memory_space<vmem>>
        %dma_start3A_305 = tpu.memref_squeeze %dma_start3A_304 : memref<1x64xi32, #tpu.memory_space<vmem>> -> memref<64xi32, #tpu.memory_space<vmem>>
        %dma_start3A_306 = arith.constant 0 : i32
        %dma_start3A_307 = arith.constant 0 : i32
        %dma_start3A_308 = tpu.memref_slice %arg5[%dma_start3A_306, %dma_start3A_307] : memref<10000x128xf32, #tpu.memory_space<hbm>> -> memref<10000x128xf32, #tpu.memory_space<hbm>>
        tpu.enqueue_indirect_dma source(%dma_start3A_308 : memref<10000x128xf32, #tpu.memory_space<hbm>>) target(%dma_start3A_302 : memref<64x128xf32, #tpu.memory_space<vmem>>) offsets(%dma_start3A_305 : memref<64xi32, #tpu.memory_space<vmem>>) semaphore(%arg22 : memref<!tpu.dma_semaphore, #tpu.memory_space<semaphore_mem>>)
        %mul3A_309 = arith.constant 64 : i32
        %mul3A_310 = arith.muli %add3A_294, %mul3A_309 : i32
        %add3A_311 = arith.addi %mul3A_2, %mul3A_310 : i32
        %dma_start3A_312 = arith.constant 0 : i32
        %dma_start3A_313 = arith.constant 128 : i32
        %dma_start3A_314 = tpu.memref_slice %arg16[%rem3A_296, %dma_start3A_312, %dma_start3A_313] : memref<2x64x152xf32, #tpu.memory_space<vmem>> -> memref<1x64x16xf32, #tpu.memory_space<vmem>>
        %dma_start3A_315 = tpu.memref_squeeze %dma_start3A_314 : memref<1x64x16xf32, #tpu.memory_space<vmem>> -> memref<64x16xf32, #tpu.memory_space<vmem>>
        %dma_start3A_316 = arith.constant 0 : i32
        %dma_start3A_317 = tpu.memref_slice %arg6[%add3A_311, %dma_start3A_316] : memref<323584x16xf32, #tpu.memory_space<hbm>> -> memref<64x16xf32, #tpu.memory_space<hbm>>
        %dma_start3A_318 = arith.constant 0 : i32
        %dma_start3A_319 = arith.constant 128 : i32
        %dma_start3A_320 = tpu.memref_slice %arg16[%rem3A_296, %dma_start3A_318, %dma_start3A_319] : memref<2x64x152xf32, #tpu.memory_space<vmem>> -> memref<1x64x16xf32, #tpu.memory_space<vmem>>
        %dma_start3A_321 = tpu.memref_squeeze %dma_start3A_320 : memref<1x64x16xf32, #tpu.memory_space<vmem>> -> memref<64x16xf32, #tpu.memory_space<vmem>>
        %dma_start3A_322 = arith.constant 0 : i32
        %dma_start3A_323 = tpu.memref_slice %arg6[%add3A_311, %dma_start3A_322] : memref<323584x16xf32, #tpu.memory_space<hbm>> -> memref<64x16xf32, #tpu.memory_space<hbm>>
        tpu.enqueue_dma source(%dma_start3A_323 : memref<64x16xf32, #tpu.memory_space<hbm>>) target(%dma_start3A_321 : memref<64x16xf32, #tpu.memory_space<vmem>>) target_semaphore(%arg23 : memref<!tpu.dma_semaphore, #tpu.memory_space<semaphore_mem>>)
      } else {
      }
      %mul3A_265 = arith.constant 64 : i32
      %mul3A_266 = arith.muli %scan3A_212, %mul3A_265 : i32
      %add3A_267 = arith.addi %mul3A_2, %mul3A_266 : i32
      %scan3A_268 = arith.constant 0 : i32
      %scan3A_269 = arith.constant 0 : i32
      %scan3A_270 = arith.constant 4 : i32
      %scan3A_271 = arith.addi %scan3A_269, %scan3A_270 : i32
      %scan3A_272 = arith.constant 1 : i32
      scf.for %scan3A_293 = %scan3A_269 to %scan3A_271 step %scan3A_272  : i32 {
        %mul3A_294 = arith.constant 16 : i32
        %mul3A_295 = arith.muli %scan3A_293, %mul3A_294 : i32
        %add3A_296 = vector.broadcast %mul3A_295 : i32 to vector<16xi32>
        %add3A_297 = arith.addi %add3A_296, %iota3A : vector<16xi32>
        %rem3A_298 = arith.constant 3 : i32
        %rem3A_299 = arith.remsi %scan3A_212, %rem3A_298 : i32
        %add3A_300 = arith.constant 3 : i32
        %add3A_301 = arith.addi %add3A_300, %rem3A_299 : i32
        %get3A = arith.index_cast %add3A_301 : i32 to index
        %get3A_302 = arith.index_cast %mul3A_295 : i32 to index
        %get3A_303 = tpu.vector_load %arg11[%get3A, %get3A_302] {strides = array<i32>} : memref<8x64xi32, #tpu.memory_space<vmem>>, vector<16xi32>,
        %get3A_304 = arith.index_cast %scan3A_212 : i32 to index
        %get3A_305 = arith.index_cast %mul3A_295 : i32 to index
        %get3A_306 = tpu.vector_load %arg17[%get3A_304, %get3A_305] {strides = array<i32>} : memref<158x64xf32, #tpu.memory_space<vmem>>, vector<16xf32>,
        %ge3A_307 = arith.constant 5000 : i32
        %ge3A_308 = vector.broadcast %ge3A_307 : i32 to vector<16xi32>
        %ge3A_309 = arith.cmpi sge, %get3A_303, %ge3A_308 : vector<16xi32>
        %lt3A_310 = arith.constant 10000 : i32
        %lt3A_311 = vector.broadcast %lt3A_310 : i32 to vector<16xi32>
        %lt3A_312 = arith.cmpi slt, %get3A_303, %lt3A_311 : vector<16xi32>
        %and3A_313 = arith.andi %ge3A_309, %lt3A_312 : vector<16xi1>
        %jit3A = arith.constant 0.000000e+00 : f32
        %broadcast_in_dim3A_314 = vector.broadcast %jit3A : f32 to vector<16xf32>
        %select_n3A = arith.select %and3A_313, %get3A_306, %broadcast_in_dim3A_314 : vector<16xi1>, vector<16xf32>
        %sub3A = arith.constant 5000 : i32
        %sub3A_315 = vector.broadcast %sub3A : i32 to vector<16xi32>
        %sub3A_316 = arith.subi %get3A_303, %sub3A_315 : vector<16xi32>
        %jit3A_317 = arith.constant 0 : i32
        %broadcast_in_dim3A_318 = vector.broadcast %jit3A_317 : i32 to vector<16xi32>
        %select_n3A_319 = arith.select %and3A_313, %sub3A_316, %broadcast_in_dim3A_318 : vector<16xi1>, vector<16xi32>
        %add3A_320 = arith.constant 6 : i32
        %add3A_321 = arith.addi %add3A_320, %rem3A_214 : i32
        %swap3A = arith.index_cast %add3A_321 : i32 to index
        %swap3A_322 = arith.index_cast %mul3A_295 : i32 to index
        %swap3A_323 = tpu.vector_load %arg11[%swap3A, %swap3A_322] {strides = array<i32>} : memref<8x64xi32, #tpu.memory_space<vmem>>, vector<16xi32>,
        tpu.vector_store %arg11[%swap3A, %swap3A_322], %select_n3A_319 {strides = array<i32>} : memref<8x64xi32, #tpu.memory_space<vmem>>, vector<16xi32>,
        %parallel_loop3A = arith.constant 0 : i32
        %parallel_loop3A_324 = arith.constant 16 : i32
        %parallel_loop3A_325 = arith.constant 2 : i32
        %parallel_loop3A_326 = arith.constant 0 : i32
        %parallel_loop3A_327 = scf.for %parallel_loop3A_330 = %parallel_loop3A to %parallel_loop3A_324 step %parallel_loop3A_325 iter_args(%parallel_loop3A_331 = %parallel_loop3A_326) -> (i32)  : i32 {
          %parallel_loop3A_332 = arith.constant 0 : i32
          %parallel_loop3A_333 = arith.addi %parallel_loop3A_330, %parallel_loop3A_332 : i32
          %parallel_loop3A_334 = arith.addi %mul3A_295, %parallel_loop3A_333 : i32
          %parallel_loop3A_335 = vector.broadcast %parallel_loop3A_333 : i32 to vector<16x1xi32>
          %parallel_loop3A_336 = vector.shape_cast %parallel_loop3A_335 : vector<16x1xi32> to vector<16xi32>
          %parallel_loop3A_337 = tpu.dynamic_gather %select_n3A[%parallel_loop3A_336] in [0] : vector<16xf32>, vector<16xi32> -> vector<16xf32>
          %parallel_loop3A_338 = arith.index_cast %rem3A_214 : i32 to index
          %parallel_loop3A_339 = arith.index_cast %parallel_loop3A_334 : i32 to index
          %parallel_loop3A_340 = arith.constant 0 : index
          %parallel_loop3A_341 = tpu.vector_load %arg15[%parallel_loop3A_338, %parallel_loop3A_339, %parallel_loop3A_340] {strides = array<i32>} : memref<2x64x128xf32, #tpu.memory_space<vmem>>, vector<16xf32>,
          %parallel_loop3A_342 = arith.mulf %parallel_loop3A_341, %parallel_loop3A_337 : vector<16xf32>
          %parallel_loop3A_343 = arith.index_cast %rem3A_214 : i32 to index
          %parallel_loop3A_344 = arith.index_cast %parallel_loop3A_334 : i32 to index
          %parallel_loop3A_345 = arith.constant 0 : index
          %parallel_loop3A_346 = tpu.vector_load %arg16[%parallel_loop3A_343, %parallel_loop3A_344, %parallel_loop3A_345] {strides = array<i32>} : memref<2x64x152xf32, #tpu.memory_space<vmem>>, vector<16xf32>,
          tpu.vector_store %arg16[%parallel_loop3A_343, %parallel_loop3A_344, %parallel_loop3A_345], %parallel_loop3A_342 {strides = array<i32>} : memref<2x64x152xf32, #tpu.memory_space<vmem>>, vector<16xf32>,
          %parallel_loop3A_347 = arith.index_cast %rem3A_214 : i32 to index
          %parallel_loop3A_348 = arith.index_cast %parallel_loop3A_334 : i32 to index
          %parallel_loop3A_349 = arith.constant 16 : index
          %parallel_loop3A_350 = tpu.vector_load %arg15[%parallel_loop3A_347, %parallel_loop3A_348, %parallel_loop3A_349] {strides = array<i32>} : memref<2x64x128xf32, #tpu.memory_space<vmem>>, vector<16xf32>,
          %parallel_loop3A_351 = arith.mulf %parallel_loop3A_350, %parallel_loop3A_337 : vector<16xf32>
          %parallel_loop3A_352 = arith.index_cast %rem3A_214 : i32 to index
          %parallel_loop3A_353 = arith.index_cast %parallel_loop3A_334 : i32 to index
          %parallel_loop3A_354 = arith.constant 16 : index
          %parallel_loop3A_355 = tpu.vector_load %arg16[%parallel_loop3A_352, %parallel_loop3A_353, %parallel_loop3A_354] {strides = array<i32>} : memref<2x64x152xf32, #tpu.memory_space<vmem>>, vector<16xf32>,
          tpu.vector_store %arg16[%parallel_loop3A_352, %parallel_loop3A_353, %parallel_loop3A_354], %parallel_loop3A_351 {strides = array<i32>} : memref<2x64x152xf32, #tpu.memory_space<vmem>>, vector<16xf32>,
          %parallel_loop3A_356 = arith.index_cast %rem3A_214 : i32 to index
          %parallel_loop3A_357 = arith.index_cast %parallel_loop3A_334 : i32 to index
          %parallel_loop3A_358 = arith.constant 32 : index
          %parallel_loop3A_359 = tpu.vector_load %arg15[%parallel_loop3A_356, %parallel_loop3A_357, %parallel_loop3A_358] {strides = array<i32>} : memref<2x64x128xf32, #tpu.memory_space<vmem>>, vector<16xf32>,
          %parallel_loop3A_360 = arith.mulf %parallel_loop3A_359, %parallel_loop3A_337 : vector<16xf32>
          %parallel_loop3A_361 = arith.index_cast %rem3A_214 : i32 to index
          %parallel_loop3A_362 = arith.index_cast %parallel_loop3A_334 : i32 to index
          %parallel_loop3A_363 = arith.constant 32 : index
          %parallel_loop3A_364 = tpu.vector_load %arg16[%parallel_loop3A_361, %parallel_loop3A_362, %parallel_loop3A_363] {strides = array<i32>} : memref<2x64x152xf32, #tpu.memory_space<vmem>>, vector<16xf32>,
          tpu.vector_store %arg16[%parallel_loop3A_361, %parallel_loop3A_362, %parallel_loop3A_363], %parallel_loop3A_360 {strides = array<i32>} : memref<2x64x152xf32, #tpu.memory_space<vmem>>, vector<16xf32>,
          %parallel_loop3A_365 = arith.index_cast %rem3A_214 : i32 to index
          %parallel_loop3A_366 = arith.index_cast %parallel_loop3A_334 : i32 to index
          %parallel_loop3A_367 = arith.constant 48 : index
          %parallel_loop3A_368 = tpu.vector_load %arg15[%parallel_loop3A_365, %parallel_loop3A_366, %parallel_loop3A_367] {strides = array<i32>} : memref<2x64x128xf32, #tpu.memory_space<vmem>>, vector<16xf32>,
          %parallel_loop3A_369 = arith.mulf %parallel_loop3A_368, %parallel_loop3A_337 : vector<16xf32>
          %parallel_loop3A_370 = arith.index_cast %rem3A_214 : i32 to index
          %parallel_loop3A_371 = arith.index_cast %parallel_loop3A_334 : i32 to index
          %parallel_loop3A_372 = arith.constant 48 : index
          %parallel_loop3A_373 = tpu.vector_load %arg16[%parallel_loop3A_370, %parallel_loop3A_371, %parallel_loop3A_372] {strides = array<i32>} : memref<2x64x152xf32, #tpu.memory_space<vmem>>, vector<16xf32>,
          tpu.vector_store %arg16[%parallel_loop3A_370, %parallel_loop3A_371, %parallel_loop3A_372], %parallel_loop3A_369 {strides = array<i32>} : memref<2x64x152xf32, #tpu.memory_space<vmem>>, vector<16xf32>,
          %parallel_loop3A_374 = arith.index_cast %rem3A_214 : i32 to index
          %parallel_loop3A_375 = arith.index_cast %parallel_loop3A_334 : i32 to index
          %parallel_loop3A_376 = arith.constant 64 : index
          %parallel_loop3A_377 = tpu.vector_load %arg15[%parallel_loop3A_374, %parallel_loop3A_375, %parallel_loop3A_376] {strides = array<i32>} : memref<2x64x128xf32, #tpu.memory_space<vmem>>, vector<16xf32>,
          %parallel_loop3A_378 = arith.mulf %parallel_loop3A_377, %parallel_loop3A_337 : vector<16xf32>
          %parallel_loop3A_379 = arith.index_cast %rem3A_214 : i32 to index
          %parallel_loop3A_380 = arith.index_cast %parallel_loop3A_334 : i32 to index
          %parallel_loop3A_381 = arith.constant 64 : index
          %parallel_loop3A_382 = tpu.vector_load %arg16[%parallel_loop3A_379, %parallel_loop3A_380, %parallel_loop3A_381] {strides = array<i32>} : memref<2x64x152xf32, #tpu.memory_space<vmem>>, vector<16xf32>,
          tpu.vector_store %arg16[%parallel_loop3A_379, %parallel_loop3A_380, %parallel_loop3A_381], %parallel_loop3A_378 {strides = array<i32>} : memref<2x64x152xf32, #tpu.memory_space<vmem>>, vector<16xf32>,
          %parallel_loop3A_383 = arith.index_cast %rem3A_214 : i32 to index
          %parallel_loop3A_384 = arith.index_cast %parallel_loop3A_334 : i32 to index
          %parallel_loop3A_385 = arith.constant 80 : index
          %parallel_loop3A_386 = tpu.vector_load %arg15[%parallel_loop3A_383, %parallel_loop3A_384, %parallel_loop3A_385] {strides = array<i32>} : memref<2x64x128xf32, #tpu.memory_space<vmem>>, vector<16xf32>,
          %parallel_loop3A_387 = arith.mulf %parallel_loop3A_386, %parallel_loop3A_337 : vector<16xf32>
          %parallel_loop3A_388 = arith.index_cast %rem3A_214 : i32 to index
          %parallel_loop3A_389 = arith.index_cast %parallel_loop3A_334 : i32 to index
          %parallel_loop3A_390 = arith.constant 80 : index
          %parallel_loop3A_391 = tpu.vector_load %arg16[%parallel_loop3A_388, %parallel_loop3A_389, %parallel_loop3A_390] {strides = array<i32>} : memref<2x64x152xf32, #tpu.memory_space<vmem>>, vector<16xf32>,
          tpu.vector_store %arg16[%parallel_loop3A_388, %parallel_loop3A_389, %parallel_loop3A_390], %parallel_loop3A_387 {strides = array<i32>} : memref<2x64x152xf32, #tpu.memory_space<vmem>>, vector<16xf32>,
          %parallel_loop3A_392 = arith.index_cast %rem3A_214 : i32 to index
          %parallel_loop3A_393 = arith.index_cast %parallel_loop3A_334 : i32 to index
          %parallel_loop3A_394 = arith.constant 96 : index
          %parallel_loop3A_395 = tpu.vector_load %arg15[%parallel_loop3A_392, %parallel_loop3A_393, %parallel_loop3A_394] {strides = array<i32>} : memref<2x64x128xf32, #tpu.memory_space<vmem>>, vector<16xf32>,
          %parallel_loop3A_396 = arith.mulf %parallel_loop3A_395, %parallel_loop3A_337 : vector<16xf32>
          %parallel_loop3A_397 = arith.index_cast %rem3A_214 : i32 to index
          %parallel_loop3A_398 = arith.index_cast %parallel_loop3A_334 : i32 to index
          %parallel_loop3A_399 = arith.constant 96 : index
          %parallel_loop3A_400 = tpu.vector_load %arg16[%parallel_loop3A_397, %parallel_loop3A_398, %parallel_loop3A_399] {strides = array<i32>} : memref<2x64x152xf32, #tpu.memory_space<vmem>>, vector<16xf32>,
          tpu.vector_store %arg16[%parallel_loop3A_397, %parallel_loop3A_398, %parallel_loop3A_399], %parallel_loop3A_396 {strides = array<i32>} : memref<2x64x152xf32, #tpu.memory_space<vmem>>, vector<16xf32>,
          %parallel_loop3A_401 = arith.index_cast %rem3A_214 : i32 to index
          %parallel_loop3A_402 = arith.index_cast %parallel_loop3A_334 : i32 to index
          %parallel_loop3A_403 = arith.constant 112 : index
          %parallel_loop3A_404 = tpu.vector_load %arg15[%parallel_loop3A_401, %parallel_loop3A_402, %parallel_loop3A_403] {strides = array<i32>} : memref<2x64x128xf32, #tpu.memory_space<vmem>>, vector<16xf32>,
          %parallel_loop3A_405 = arith.mulf %parallel_loop3A_404, %parallel_loop3A_337 : vector<16xf32>
          %parallel_loop3A_406 = arith.index_cast %rem3A_214 : i32 to index
          %parallel_loop3A_407 = arith.index_cast %parallel_loop3A_334 : i32 to index
          %parallel_loop3A_408 = arith.constant 112 : index
          %parallel_loop3A_409 = tpu.vector_load %arg16[%parallel_loop3A_406, %parallel_loop3A_407, %parallel_loop3A_408] {strides = array<i32>} : memref<2x64x152xf32, #tpu.memory_space<vmem>>, vector<16xf32>,
          tpu.vector_store %arg16[%parallel_loop3A_406, %parallel_loop3A_407, %parallel_loop3A_408], %parallel_loop3A_405 {strides = array<i32>} : memref<2x64x152xf32, #tpu.memory_space<vmem>>, vector<16xf32>,
          %parallel_loop3A_410 = arith.index_cast %rem3A_214 : i32 to index
          %parallel_loop3A_411 = arith.index_cast %parallel_loop3A_334 : i32 to index
          %parallel_loop3A_412 = arith.constant 128 : index
          %parallel_loop3A_413 = tpu.vector_load %arg16[%parallel_loop3A_410, %parallel_loop3A_411, %parallel_loop3A_412] {strides = array<i32>} : memref<2x64x152xf32, #tpu.memory_space<vmem>>, vector<16xf32>,
          %parallel_loop3A_414 = arith.mulf %parallel_loop3A_413, %parallel_loop3A_337 : vector<16xf32>
          %parallel_loop3A_415 = arith.index_cast %rem3A_214 : i32 to index
          %parallel_loop3A_416 = arith.index_cast %parallel_loop3A_334 : i32 to index
          %parallel_loop3A_417 = arith.constant 128 : index
          %parallel_loop3A_418 = tpu.vector_load %arg16[%parallel_loop3A_415, %parallel_loop3A_416, %parallel_loop3A_417] {strides = array<i32>} : memref<2x64x152xf32, #tpu.memory_space<vmem>>, vector<16xf32>,
          tpu.vector_store %arg16[%parallel_loop3A_415, %parallel_loop3A_416, %parallel_loop3A_417], %parallel_loop3A_414 {strides = array<i32>} : memref<2x64x152xf32, #tpu.memory_space<vmem>>, vector<16xf32>,
          %parallel_loop3A_419 = arith.constant 1 : i32
          %parallel_loop3A_420 = arith.addi %parallel_loop3A_330, %parallel_loop3A_419 : i32
          %parallel_loop3A_421 = arith.addi %mul3A_295, %parallel_loop3A_420 : i32
          %parallel_loop3A_422 = vector.broadcast %parallel_loop3A_420 : i32 to vector<16x1xi32>
          %parallel_loop3A_423 = vector.shape_cast %parallel_loop3A_422 : vector<16x1xi32> to vector<16xi32>
          %parallel_loop3A_424 = tpu.dynamic_gather %select_n3A[%parallel_loop3A_423] in [0] : vector<16xf32>, vector<16xi32> -> vector<16xf32>
          %parallel_loop3A_425 = arith.index_cast %rem3A_214 : i32 to index
          %parallel_loop3A_426 = arith.index_cast %parallel_loop3A_421 : i32 to index
          %parallel_loop3A_427 = arith.constant 0 : index
          %parallel_loop3A_428 = tpu.vector_load %arg15[%parallel_loop3A_425, %parallel_loop3A_426, %parallel_loop3A_427] {strides = array<i32>} : memref<2x64x128xf32, #tpu.memory_space<vmem>>, vector<16xf32>,
          %parallel_loop3A_429 = arith.mulf %parallel_loop3A_428, %parallel_loop3A_424 : vector<16xf32>
          %parallel_loop3A_430 = arith.index_cast %rem3A_214 : i32 to index
          %parallel_loop3A_431 = arith.index_cast %parallel_loop3A_421 : i32 to index
          %parallel_loop3A_432 = arith.constant 0 : index
          %parallel_loop3A_433 = tpu.vector_load %arg16[%parallel_loop3A_430, %parallel_loop3A_431, %parallel_loop3A_432] {strides = array<i32>} : memref<2x64x152xf32, #tpu.memory_space<vmem>>, vector<16xf32>,
          tpu.vector_store %arg16[%parallel_loop3A_430, %parallel_loop3A_431, %parallel_loop3A_432], %parallel_loop3A_429 {strides = array<i32>} : memref<2x64x152xf32, #tpu.memory_space<vmem>>, vector<16xf32>,
          %parallel_loop3A_434 = arith.index_cast %rem3A_214 : i32 to index
          %parallel_loop3A_435 = arith.index_cast %parallel_loop3A_421 : i32 to index
          %parallel_loop3A_436 = arith.constant 16 : index
          %parallel_loop3A_437 = tpu.vector_load %arg15[%parallel_loop3A_434, %parallel_loop3A_435, %parallel_loop3A_436] {strides = array<i32>} : memref<2x64x128xf32, #tpu.memory_space<vmem>>, vector<16xf32>,
          %parallel_loop3A_438 = arith.mulf %parallel_loop3A_437, %parallel_loop3A_424 : vector<16xf32>
          %parallel_loop3A_439 = arith.index_cast %rem3A_214 : i32 to index
          %parallel_loop3A_440 = arith.index_cast %parallel_loop3A_421 : i32 to index
          %parallel_loop3A_441 = arith.constant 16 : index
          %parallel_loop3A_442 = tpu.vector_load %arg16[%parallel_loop3A_439, %parallel_loop3A_440, %parallel_loop3A_441] {strides = array<i32>} : memref<2x64x152xf32, #tpu.memory_space<vmem>>, vector<16xf32>,
          tpu.vector_store %arg16[%parallel_loop3A_439, %parallel_loop3A_440, %parallel_loop3A_441], %parallel_loop3A_438 {strides = array<i32>} : memref<2x64x152xf32, #tpu.memory_space<vmem>>, vector<16xf32>,
          %parallel_loop3A_443 = arith.index_cast %rem3A_214 : i32 to index
          %parallel_loop3A_444 = arith.index_cast %parallel_loop3A_421 : i32 to index
          %parallel_loop3A_445 = arith.constant 32 : index
          %parallel_loop3A_446 = tpu.vector_load %arg15[%parallel_loop3A_443, %parallel_loop3A_444, %parallel_loop3A_445] {strides = array<i32>} : memref<2x64x128xf32, #tpu.memory_space<vmem>>, vector<16xf32>,
          %parallel_loop3A_447 = arith.mulf %parallel_loop3A_446, %parallel_loop3A_424 : vector<16xf32>
          %parallel_loop3A_448 = arith.index_cast %rem3A_214 : i32 to index
          %parallel_loop3A_449 = arith.index_cast %parallel_loop3A_421 : i32 to index
          %parallel_loop3A_450 = arith.constant 32 : index
          %parallel_loop3A_451 = tpu.vector_load %arg16[%parallel_loop3A_448, %parallel_loop3A_449, %parallel_loop3A_450] {strides = array<i32>} : memref<2x64x152xf32, #tpu.memory_space<vmem>>, vector<16xf32>,
          tpu.vector_store %arg16[%parallel_loop3A_448, %parallel_loop3A_449, %parallel_loop3A_450], %parallel_loop3A_447 {strides = array<i32>} : memref<2x64x152xf32, #tpu.memory_space<vmem>>, vector<16xf32>,
          %parallel_loop3A_452 = arith.index_cast %rem3A_214 : i32 to index
          %parallel_loop3A_453 = arith.index_cast %parallel_loop3A_421 : i32 to index
          %parallel_loop3A_454 = arith.constant 48 : index
          %parallel_loop3A_455 = tpu.vector_load %arg15[%parallel_loop3A_452, %parallel_loop3A_453, %parallel_loop3A_454] {strides = array<i32>} : memref<2x64x128xf32, #tpu.memory_space<vmem>>, vector<16xf32>,
          %parallel_loop3A_456 = arith.mulf %parallel_loop3A_455, %parallel_loop3A_424 : vector<16xf32>
          %parallel_loop3A_457 = arith.index_cast %rem3A_214 : i32 to index
          %parallel_loop3A_458 = arith.index_cast %parallel_loop3A_421 : i32 to index
          %parallel_loop3A_459 = arith.constant 48 : index
          %parallel_loop3A_460 = tpu.vector_load %arg16[%parallel_loop3A_457, %parallel_loop3A_458, %parallel_loop3A_459] {strides = array<i32>} : memref<2x64x152xf32, #tpu.memory_space<vmem>>, vector<16xf32>,
          tpu.vector_store %arg16[%parallel_loop3A_457, %parallel_loop3A_458, %parallel_loop3A_459], %parallel_loop3A_456 {strides = array<i32>} : memref<2x64x152xf32, #tpu.memory_space<vmem>>, vector<16xf32>,
          %parallel_loop3A_461 = arith.index_cast %rem3A_214 : i32 to index
          %parallel_loop3A_462 = arith.index_cast %parallel_loop3A_421 : i32 to index
          %parallel_loop3A_463 = arith.constant 64 : index
          %parallel_loop3A_464 = tpu.vector_load %arg15[%parallel_loop3A_461, %parallel_loop3A_462, %parallel_loop3A_463] {strides = array<i32>} : memref<2x64x128xf32, #tpu.memory_space<vmem>>, vector<16xf32>,
          %parallel_loop3A_465 = arith.mulf %parallel_loop3A_464, %parallel_loop3A_424 : vector<16xf32>
          %parallel_loop3A_466 = arith.index_cast %rem3A_214 : i32 to index
          %parallel_loop3A_467 = arith.index_cast %parallel_loop3A_421 : i32 to index
          %parallel_loop3A_468 = arith.constant 64 : index
          %parallel_loop3A_469 = tpu.vector_load %arg16[%parallel_loop3A_466, %parallel_loop3A_467, %parallel_loop3A_468] {strides = array<i32>} : memref<2x64x152xf32, #tpu.memory_space<vmem>>, vector<16xf32>,
          tpu.vector_store %arg16[%parallel_loop3A_466, %parallel_loop3A_467, %parallel_loop3A_468], %parallel_loop3A_465 {strides = array<i32>} : memref<2x64x152xf32, #tpu.memory_space<vmem>>, vector<16xf32>,
          %parallel_loop3A_470 = arith.index_cast %rem3A_214 : i32 to index
          %parallel_loop3A_471 = arith.index_cast %parallel_loop3A_421 : i32 to index
          %parallel_loop3A_472 = arith.constant 80 : index
          %parallel_loop3A_473 = tpu.vector_load %arg15[%parallel_loop3A_470, %parallel_loop3A_471, %parallel_loop3A_472] {strides = array<i32>} : memref<2x64x128xf32, #tpu.memory_space<vmem>>, vector<16xf32>,
          %parallel_loop3A_474 = arith.mulf %parallel_loop3A_473, %parallel_loop3A_424 : vector<16xf32>
          %parallel_loop3A_475 = arith.index_cast %rem3A_214 : i32 to index
          %parallel_loop3A_476 = arith.index_cast %parallel_loop3A_421 : i32 to index
          %parallel_loop3A_477 = arith.constant 80 : index
          %parallel_loop3A_478 = tpu.vector_load %arg16[%parallel_loop3A_475, %parallel_loop3A_476, %parallel_loop3A_477] {strides = array<i32>} : memref<2x64x152xf32, #tpu.memory_space<vmem>>, vector<16xf32>,
          tpu.vector_store %arg16[%parallel_loop3A_475, %parallel_loop3A_476, %parallel_loop3A_477], %parallel_loop3A_474 {strides = array<i32>} : memref<2x64x152xf32, #tpu.memory_space<vmem>>, vector<16xf32>,
          %parallel_loop3A_479 = arith.index_cast %rem3A_214 : i32 to index
          %parallel_loop3A_480 = arith.index_cast %parallel_loop3A_421 : i32 to index
          %parallel_loop3A_481 = arith.constant 96 : index
          %parallel_loop3A_482 = tpu.vector_load %arg15[%parallel_loop3A_479, %parallel_loop3A_480, %parallel_loop3A_481] {strides = array<i32>} : memref<2x64x128xf32, #tpu.memory_space<vmem>>, vector<16xf32>,
          %parallel_loop3A_483 = arith.mulf %parallel_loop3A_482, %parallel_loop3A_424 : vector<16xf32>
          %parallel_loop3A_484 = arith.index_cast %rem3A_214 : i32 to index
          %parallel_loop3A_485 = arith.index_cast %parallel_loop3A_421 : i32 to index
          %parallel_loop3A_486 = arith.constant 96 : index
          %parallel_loop3A_487 = tpu.vector_load %arg16[%parallel_loop3A_484, %parallel_loop3A_485, %parallel_loop3A_486] {strides = array<i32>} : memref<2x64x152xf32, #tpu.memory_space<vmem>>, vector<16xf32>,
          tpu.vector_store %arg16[%parallel_loop3A_484, %parallel_loop3A_485, %parallel_loop3A_486], %parallel_loop3A_483 {strides = array<i32>} : memref<2x64x152xf32, #tpu.memory_space<vmem>>, vector<16xf32>,
          %parallel_loop3A_488 = arith.index_cast %rem3A_214 : i32 to index
          %parallel_loop3A_489 = arith.index_cast %parallel_loop3A_421 : i32 to index
          %parallel_loop3A_490 = arith.constant 112 : index
          %parallel_loop3A_491 = tpu.vector_load %arg15[%parallel_loop3A_488, %parallel_loop3A_489, %parallel_loop3A_490] {strides = array<i32>} : memref<2x64x128xf32, #tpu.memory_space<vmem>>, vector<16xf32>,
          %parallel_loop3A_492 = arith.mulf %parallel_loop3A_491, %parallel_loop3A_424 : vector<16xf32>
          %parallel_loop3A_493 = arith.index_cast %rem3A_214 : i32 to index
          %parallel_loop3A_494 = arith.index_cast %parallel_loop3A_421 : i32 to index
          %parallel_loop3A_495 = arith.constant 112 : index
          %parallel_loop3A_496 = tpu.vector_load %arg16[%parallel_loop3A_493, %parallel_loop3A_494, %parallel_loop3A_495] {strides = array<i32>} : memref<2x64x152xf32, #tpu.memory_space<vmem>>, vector<16xf32>,
          tpu.vector_store %arg16[%parallel_loop3A_493, %parallel_loop3A_494, %parallel_loop3A_495], %parallel_loop3A_492 {strides = array<i32>} : memref<2x64x152xf32, #tpu.memory_space<vmem>>, vector<16xf32>,
          %parallel_loop3A_497 = arith.index_cast %rem3A_214 : i32 to index
          %parallel_loop3A_498 = arith.index_cast %parallel_loop3A_421 : i32 to index
          %parallel_loop3A_499 = arith.constant 128 : index
          %parallel_loop3A_500 = tpu.vector_load %arg16[%parallel_loop3A_497, %parallel_loop3A_498, %parallel_loop3A_499] {strides = array<i32>} : memref<2x64x152xf32, #tpu.memory_space<vmem>>, vector<16xf32>,
          %parallel_loop3A_501 = arith.mulf %parallel_loop3A_500, %parallel_loop3A_424 : vector<16xf32>
          %parallel_loop3A_502 = arith.index_cast %rem3A_214 : i32 to index
          %parallel_loop3A_503 = arith.index_cast %parallel_loop3A_421 : i32 to index
          %parallel_loop3A_504 = arith.constant 128 : index
          %parallel_loop3A_505 = tpu.vector_load %arg16[%parallel_loop3A_502, %parallel_loop3A_503, %parallel_loop3A_504] {strides = array<i32>} : memref<2x64x152xf32, #tpu.memory_space<vmem>>, vector<16xf32>,
          tpu.vector_store %arg16[%parallel_loop3A_502, %parallel_loop3A_503, %parallel_loop3A_504], %parallel_loop3A_501 {strides = array<i32>} : memref<2x64x152xf32, #tpu.memory_space<vmem>>, vector<16xf32>,
          scf.yield %parallel_loop3A_331 : i32
        } {sc.loop_unroll_factor = 1 : i64, sc.parallel_access}
        %broadcast_in_dim3A_328 = arith.constant 144 : i32
        %broadcast_in_dim3A_329 = vector.broadcast %broadcast_in_dim3A_328 : i32 to vector<16xi32>
        tpu.vector_store_idx %arg16[%broadcast_in_dim3A_215, %add3A_297, %broadcast_in_dim3A_329], %select_n3A : memref<2x64x152xf32, #tpu.memory_space<vmem>>[vector<16xi32>, vector<16xi32>, vector<16xi32>], vector<16xf32>,
      }
      %scan3A_273 = arith.constant 4 : i32
      %add3A_274 = arith.constant 6 : i32
      %add3A_275 = arith.addi %add3A_274, %rem3A_214 : i32
      %dma_start3A_276 = arith.constant 0 : i32
      %dma_start3A_277 = arith.constant 0 : i32
      %dma_start3A_278 = tpu.memref_slice %arg16[%rem3A_214, %dma_start3A_276, %dma_start3A_277] : memref<2x64x152xf32, #tpu.memory_space<vmem>> -> memref<1x64x152xf32, #tpu.memory_space<vmem>>
      %dma_start3A_279 = tpu.memref_squeeze %dma_start3A_278 : memref<1x64x152xf32, #tpu.memory_space<vmem>> -> memref<64x152xf32, #tpu.memory_space<vmem>>
      %dma_start3A_280 = arith.constant 0 : i32
      %dma_start3A_281 = tpu.memref_slice %arg11[%add3A_275, %dma_start3A_280] : memref<8x64xi32, #tpu.memory_space<vmem>> -> memref<1x64xi32, #tpu.memory_space<vmem>>
      %dma_start3A_282 = tpu.memref_squeeze %dma_start3A_281 : memref<1x64xi32, #tpu.memory_space<vmem>> -> memref<64xi32, #tpu.memory_space<vmem>>
      %dma_start3A_283 = arith.constant 0 : i32
      %dma_start3A_284 = arith.constant 0 : i32
      %dma_start3A_285 = tpu.memref_slice %arg19[%dma_start3A_283, %dma_start3A_284] : memref<5000x152xf32, #tpu.memory_space<vmem_shared>> -> memref<5000x152xf32, #tpu.memory_space<vmem_shared>>
      tpu.enqueue_indirect_dma source(%dma_start3A_279 : memref<64x152xf32, #tpu.memory_space<vmem>>) target(%dma_start3A_285 : memref<5000x152xf32, #tpu.memory_space<vmem_shared>>) offsets(%dma_start3A_282 : memref<64xi32, #tpu.memory_space<vmem>>) semaphore(%arg24 : memref<!tpu.dma_semaphore, #tpu.memory_space<semaphore_mem>>) {add = true}
      %add3A_286 = arith.constant 3 : i32
      %add3A_287 = arith.addi %scan3A_212, %add3A_286 : i32
      %lt3A_288 = arith.constant 158 : i32
      %lt3A_289 = arith.cmpi slt, %add3A_287, %lt3A_288 : i32
      %convert_element_type3A_290 = arith.extui %lt3A_289 : i1 to i32
      %cond3A_291 = arith.constant 0 : i32
      %cond3A_292 = arith.cmpi ne, %convert_element_type3A_290, %cond3A_291 : i32
      scf.if %cond3A_292 {
        %rem3A_293 = arith.constant 3 : i32
        %rem3A_294 = arith.remsi %scan3A_212, %rem3A_293 : i32
        %add3A_295 = arith.constant 3 : i32
        %add3A_296 = arith.addi %scan3A_212, %add3A_295 : i32
        %dma_start3A_297 = arith.constant 0 : i32
        %dma_start3A_298 = tpu.memref_slice %arg11[%rem3A_294, %dma_start3A_297] : memref<8x64xi32, #tpu.memory_space<vmem>> -> memref<1x64xi32, #tpu.memory_space<vmem>>
        %dma_start3A_299 = tpu.memref_squeeze %dma_start3A_298 : memref<1x64xi32, #tpu.memory_space<vmem>> -> memref<64xi32, #tpu.memory_space<vmem>>
        %dma_start3A_300 = arith.constant 0 : i32
        %dma_start3A_301 = tpu.memref_slice %arg7[%add3A, %add3A_296, %dma_start3A_300] : memref<32x158x64xi32, #tpu.memory_space<hbm>> -> memref<1x1x64xi32, #tpu.memory_space<hbm>>
        %dma_start3A_302 = tpu.memref_squeeze %dma_start3A_301 : memref<1x1x64xi32, #tpu.memory_space<hbm>> -> memref<64xi32, #tpu.memory_space<hbm>>
        %dma_start3A_303 = arith.constant 0 : i32
        %dma_start3A_304 = tpu.memref_slice %arg11[%rem3A_294, %dma_start3A_303] : memref<8x64xi32, #tpu.memory_space<vmem>> -> memref<1x64xi32, #tpu.memory_space<vmem>>
        %dma_start3A_305 = tpu.memref_squeeze %dma_start3A_304 : memref<1x64xi32, #tpu.memory_space<vmem>> -> memref<64xi32, #tpu.memory_space<vmem>>
        %dma_start3A_306 = arith.constant 0 : i32
        %dma_start3A_307 = tpu.memref_slice %arg7[%add3A, %add3A_296, %dma_start3A_306] : memref<32x158x64xi32, #tpu.memory_space<hbm>> -> memref<1x1x64xi32, #tpu.memory_space<hbm>>
        %dma_start3A_308 = tpu.memref_squeeze %dma_start3A_307 : memref<1x1x64xi32, #tpu.memory_space<hbm>> -> memref<64xi32, #tpu.memory_space<hbm>>
        tpu.enqueue_dma source(%dma_start3A_308 : memref<64xi32, #tpu.memory_space<hbm>>) target(%dma_start3A_305 : memref<64xi32, #tpu.memory_space<vmem>>) target_semaphore(%arg25 : memref<!tpu.dma_semaphore, #tpu.memory_space<semaphore_mem>>)
        %add3A_309 = arith.constant 3 : i32
        %add3A_310 = arith.addi %scan3A_212, %add3A_309 : i32
        %add3A_311 = arith.constant 3 : i32
        %add3A_312 = arith.addi %add3A_311, %rem3A_294 : i32
        %dma_start3A_313 = arith.constant 0 : i32
        %dma_start3A_314 = tpu.memref_slice %arg11[%add3A_312, %dma_start3A_313] : memref<8x64xi32, #tpu.memory_space<vmem>> -> memref<1x64xi32, #tpu.memory_space<vmem>>
        %dma_start3A_315 = tpu.memref_squeeze %dma_start3A_314 : memref<1x64xi32, #tpu.memory_space<vmem>> -> memref<64xi32, #tpu.memory_space<vmem>>
        %dma_start3A_316 = arith.constant 0 : i32
        %dma_start3A_317 = tpu.memref_slice %arg8[%add3A, %add3A_310, %dma_start3A_316] : memref<32x158x64xi32, #tpu.memory_space<hbm>> -> memref<1x1x64xi32, #tpu.memory_space<hbm>>
        %dma_start3A_318 = tpu.memref_squeeze %dma_start3A_317 : memref<1x1x64xi32, #tpu.memory_space<hbm>> -> memref<64xi32, #tpu.memory_space<hbm>>
        %dma_start3A_319 = arith.constant 0 : i32
        %dma_start3A_320 = tpu.memref_slice %arg11[%add3A_312, %dma_start3A_319] : memref<8x64xi32, #tpu.memory_space<vmem>> -> memref<1x64xi32, #tpu.memory_space<vmem>>
        %dma_start3A_321 = tpu.memref_squeeze %dma_start3A_320 : memref<1x64xi32, #tpu.memory_space<vmem>> -> memref<64xi32, #tpu.memory_space<vmem>>
        %dma_start3A_322 = arith.constant 0 : i32
        %dma_start3A_323 = tpu.memref_slice %arg8[%add3A, %add3A_310, %dma_start3A_322] : memref<32x158x64xi32, #tpu.memory_space<hbm>> -> memref<1x1x64xi32, #tpu.memory_space<hbm>>
        %dma_start3A_324 = tpu.memref_squeeze %dma_start3A_323 : memref<1x1x64xi32, #tpu.memory_space<hbm>> -> memref<64xi32, #tpu.memory_space<hbm>>
        tpu.enqueue_dma source(%dma_start3A_324 : memref<64xi32, #tpu.memory_space<hbm>>) target(%dma_start3A_321 : memref<64xi32, #tpu.memory_space<vmem>>) target_semaphore(%arg26 : memref<!tpu.dma_semaphore, #tpu.memory_space<semaphore_mem>>)
      } else {
      }
    }
    %scan3A_169 = arith.constant 158 : i32
    %dma_wait3A_170 = arith.constant 0 : i32
    %dma_wait3A_171 = arith.constant 0 : i32
    %dma_wait3A_172 = arith.constant 0 : i32
    %dma_wait3A_173 = tpu.memref_slice %arg16[%dma_wait3A_170, %dma_wait3A_171, %dma_wait3A_172] : memref<2x64x152xf32, #tpu.memory_space<vmem>> -> memref<1x64x152xf32, #tpu.memory_space<vmem>>
    %dma_wait3A_174 = tpu.memref_squeeze %dma_wait3A_173 : memref<1x64x152xf32, #tpu.memory_space<vmem>> -> memref<64x152xf32, #tpu.memory_space<vmem>>
    %dma_wait3A_175 = arith.constant 0 : i32
    %dma_wait3A_176 = arith.constant 0 : i32
    %dma_wait3A_177 = tpu.memref_slice %arg9[%dma_wait3A_175, %dma_wait3A_176] : memref<10000x152xf32, #tpu.memory_space<hbm>> -> memref<64x152xf32, #tpu.memory_space<hbm>>
    %dma_wait3A_178 = arith.constant 0 : i32
    %dma_wait3A_179 = arith.constant 0 : i32
    %dma_wait3A_180 = tpu.memref_slice %arg16[%dma_wait3A_170, %dma_wait3A_178, %dma_wait3A_179] : memref<2x64x152xf32, #tpu.memory_space<vmem>> -> memref<1x64x152xf32, #tpu.memory_space<vmem>>
    %dma_wait3A_181 = tpu.memref_squeeze %dma_wait3A_180 : memref<1x64x152xf32, #tpu.memory_space<vmem>> -> memref<64x152xf32, #tpu.memory_space<vmem>>
    %dma_wait3A_182 = arith.constant 0 : i32
    %dma_wait3A_183 = arith.constant 0 : i32
    %dma_wait3A_184 = tpu.memref_slice %arg9[%dma_wait3A_182, %dma_wait3A_183] : memref<10000x152xf32, #tpu.memory_space<hbm>> -> memref<64x152xf32, #tpu.memory_space<hbm>>
    tpu.wait_dma2 semaphore(%arg24 : memref<!tpu.dma_semaphore, #tpu.memory_space<semaphore_mem>>) src(%dma_wait3A_184 : memref<64x152xf32, #tpu.memory_space<hbm>>) dst(%dma_wait3A_181 : memref<64x152xf32, #tpu.memory_space<vmem>>)
    %dma_wait3A_185 = arith.constant 0 : i32
    %dma_wait3A_186 = arith.constant 0 : i32
    %dma_wait3A_187 = arith.constant 0 : i32
    %dma_wait3A_188 = tpu.memref_slice %arg16[%dma_wait3A_185, %dma_wait3A_186, %dma_wait3A_187] : memref<2x64x152xf32, #tpu.memory_space<vmem>> -> memref<1x64x152xf32, #tpu.memory_space<vmem>>
    %dma_wait3A_189 = tpu.memref_squeeze %dma_wait3A_188 : memref<1x64x152xf32, #tpu.memory_space<vmem>> -> memref<64x152xf32, #tpu.memory_space<vmem>>
    %dma_wait3A_190 = arith.constant 0 : i32
    %dma_wait3A_191 = arith.constant 0 : i32
    %dma_wait3A_192 = tpu.memref_slice %arg9[%dma_wait3A_190, %dma_wait3A_191] : memref<10000x152xf32, #tpu.memory_space<hbm>> -> memref<64x152xf32, #tpu.memory_space<hbm>>
    %dma_wait3A_193 = arith.constant 0 : i32
    %dma_wait3A_194 = arith.constant 0 : i32
    %dma_wait3A_195 = tpu.memref_slice %arg16[%dma_wait3A_185, %dma_wait3A_193, %dma_wait3A_194] : memref<2x64x152xf32, #tpu.memory_space<vmem>> -> memref<1x64x152xf32, #tpu.memory_space<vmem>>
    %dma_wait3A_196 = tpu.memref_squeeze %dma_wait3A_195 : memref<1x64x152xf32, #tpu.memory_space<vmem>> -> memref<64x152xf32, #tpu.memory_space<vmem>>
    %dma_wait3A_197 = arith.constant 0 : i32
    %dma_wait3A_198 = arith.constant 0 : i32
    %dma_wait3A_199 = tpu.memref_slice %arg9[%dma_wait3A_197, %dma_wait3A_198] : memref<10000x152xf32, #tpu.memory_space<hbm>> -> memref<64x152xf32, #tpu.memory_space<hbm>>
    tpu.wait_dma2 semaphore(%arg24 : memref<!tpu.dma_semaphore, #tpu.memory_space<semaphore_mem>>) src(%dma_wait3A_199 : memref<64x152xf32, #tpu.memory_space<hbm>>) dst(%dma_wait3A_196 : memref<64x152xf32, #tpu.memory_space<vmem>>)
    %barrier3A_200 = arith.constant 0 : index
    tpu.barrier barrier_id(%barrier3A_200)
    %mul3A_201 = arith.constant 312 : i32
    %mul3A_202 = arith.muli %arg1, %mul3A_201 : i32
    %mul3A_203 = arith.constant 312 : i32
    %mul3A_204 = arith.muli %arg1, %mul3A_203 : i32
    %add3A_205 = arith.constant 5000 : i32
    %add3A_206 = arith.addi %add3A_205, %mul3A_204 : i32
    "tpu.region"() ({
      %run_scoped3A = tpu.sem_alloc : memref<!tpu.dma_semaphore, #tpu.memory_space<semaphore_mem>>
      %dma_start3A_212 = arith.constant 0 : i32
      %dma_start3A_213 = tpu.memref_slice %arg10[%arg0, %add3A_206, %dma_start3A_212] : memref<2x10000x152xf32, #tpu.memory_space<hbm>> -> memref<1x312x152xf32, #tpu.memory_space<hbm>>
      %dma_start3A_214 = tpu.memref_squeeze %dma_start3A_213 : memref<1x312x152xf32, #tpu.memory_space<hbm>> -> memref<312x152xf32, #tpu.memory_space<hbm>>
      %dma_start3A_215 = arith.constant 0 : i32
      %dma_start3A_216 = tpu.memref_slice %arg19[%mul3A_202, %dma_start3A_215] : memref<5000x152xf32, #tpu.memory_space<vmem_shared>> -> memref<312x152xf32, #tpu.memory_space<vmem_shared>>
      tpu.enqueue_dma source(%dma_start3A_216 : memref<312x152xf32, #tpu.memory_space<vmem_shared>>) target(%dma_start3A_214 : memref<312x152xf32, #tpu.memory_space<hbm>>) target_semaphore(%run_scoped3A : memref<!tpu.dma_semaphore, #tpu.memory_space<semaphore_mem>>)
      %dma_wait3A_217 = arith.constant 0 : i32
      %dma_wait3A_218 = tpu.memref_slice %arg10[%arg0, %add3A_206, %dma_wait3A_217] : memref<2x10000x152xf32, #tpu.memory_space<hbm>> -> memref<1x312x152xf32, #tpu.memory_space<hbm>>
      %dma_wait3A_219 = tpu.memref_squeeze %dma_wait3A_218 : memref<1x312x152xf32, #tpu.memory_space<hbm>> -> memref<312x152xf32, #tpu.memory_space<hbm>>
      %dma_wait3A_220 = arith.constant 0 : i32
      %dma_wait3A_221 = tpu.memref_slice %arg19[%mul3A_202, %dma_wait3A_220] : memref<5000x152xf32, #tpu.memory_space<vmem_shared>> -> memref<312x152xf32, #tpu.memory_space<vmem_shared>>
      tpu.wait_dma2 semaphore(%run_scoped3A : memref<!tpu.dma_semaphore, #tpu.memory_space<semaphore_mem>>) src(%dma_wait3A_221 : memref<312x152xf32, #tpu.memory_space<vmem_shared>>) dst(%dma_wait3A_219 : memref<312x152xf32, #tpu.memory_space<hbm>>)
      tpu.yield
    }) : () -> ()
    %eq3A_207 = arith.constant 15 : i32
    %eq3A_208 = arith.cmpi eq, %arg1, %eq3A_207 : i32
    %convert_element_type3A_209 = arith.extui %eq3A_208 : i1 to i32
    %cond3A_210 = arith.constant 0 : i32
    %cond3A_211 = arith.cmpi ne, %convert_element_type3A_209, %cond3A_210 : i32
    scf.if %cond3A_211 {
      "tpu.region"() ({
        %run_scoped3A = tpu.sem_alloc : memref<!tpu.dma_semaphore, #tpu.memory_space<semaphore_mem>>
        %dma_start3A_212 = arith.constant 9992 : i32
        %dma_start3A_213 = arith.constant 0 : i32
        %dma_start3A_214 = tpu.memref_slice %arg10[%arg0, %dma_start3A_212, %dma_start3A_213] : memref<2x10000x152xf32, #tpu.memory_space<hbm>> -> memref<1x8x152xf32, #tpu.memory_space<hbm>>
        %dma_start3A_215 = tpu.memref_squeeze %dma_start3A_214 : memref<1x8x152xf32, #tpu.memory_space<hbm>> -> memref<8x152xf32, #tpu.memory_space<hbm>>
        %dma_start3A_216 = arith.constant 4992 : i32
        %dma_start3A_217 = arith.constant 0 : i32
        %dma_start3A_218 = tpu.memref_slice %arg19[%dma_start3A_216, %dma_start3A_217] : memref<5000x152xf32, #tpu.memory_space<vmem_shared>> -> memref<8x152xf32, #tpu.memory_space<vmem_shared>>
        tpu.enqueue_dma source(%dma_start3A_218 : memref<8x152xf32, #tpu.memory_space<vmem_shared>>) target(%dma_start3A_215 : memref<8x152xf32, #tpu.memory_space<hbm>>) target_semaphore(%run_scoped3A : memref<!tpu.dma_semaphore, #tpu.memory_space<semaphore_mem>>)
        %dma_wait3A_219 = arith.constant 9992 : i32
        %dma_wait3A_220 = arith.constant 0 : i32
        %dma_wait3A_221 = tpu.memref_slice %arg10[%arg0, %dma_wait3A_219, %dma_wait3A_220] : memref<2x10000x152xf32, #tpu.memory_space<hbm>> -> memref<1x8x152xf32, #tpu.memory_space<hbm>>
        %dma_wait3A_222 = tpu.memref_squeeze %dma_wait3A_221 : memref<1x8x152xf32, #tpu.memory_space<hbm>> -> memref<8x152xf32, #tpu.memory_space<hbm>>
        %dma_wait3A_223 = arith.constant 4992 : i32
        %dma_wait3A_224 = arith.constant 0 : i32
        %dma_wait3A_225 = tpu.memref_slice %arg19[%dma_wait3A_223, %dma_wait3A_224] : memref<5000x152xf32, #tpu.memory_space<vmem_shared>> -> memref<8x152xf32, #tpu.memory_space<vmem_shared>>
        tpu.wait_dma2 semaphore(%run_scoped3A : memref<!tpu.dma_semaphore, #tpu.memory_space<semaphore_mem>>) src(%dma_wait3A_225 : memref<8x152xf32, #tpu.memory_space<vmem_shared>>) dst(%dma_wait3A_222 : memref<8x152xf32, #tpu.memory_space<hbm>>)
        tpu.yield
      }) : () -> ()
    } else {
    }
    return
  }
}

module attributes {stable_mosaic.version = 14 : i64} {
  func.func @_tc_pre_body(%arg0: i32, %arg1: memref<1000x128xf32, #tpu.memory_space<vmem>>, %arg2: memref<128x128xf32, #tpu.memory_space<vmem>>, %arg3: memref<1x128xf32, #tpu.memory_space<vmem>>, %arg4: memref<128x128xf32, #tpu.memory_space<vmem>>, %arg5: memref<1x128xf32, #tpu.memory_space<vmem>>, %arg6: memref<128x128xf32, #tpu.memory_space<vmem>>, %arg7: memref<1x128xf32, #tpu.memory_space<vmem>>, %arg8: memref<128x128xf32, #tpu.memory_space<vmem>>, %arg9: memref<1x128xf32, #tpu.memory_space<vmem>>, %arg10: memref<16x128xf32, #tpu.memory_space<vmem>>, %arg11: memref<1000x128xbf16, #tpu.memory_space<vmem>>, %arg12: memref<1000x16xf32, #tpu.memory_space<vmem>>, %arg13: memref<1000x128xbf16, #tpu.memory_space<vmem>>, %arg14: memref<1000x128xf32, #tpu.memory_space<vmem>>, %arg15: memref<1000x128xf32, #tpu.memory_space<vmem>>) attributes {dimension_semantics = [#tpu.dimension_semantics<arbitrary>], iteration_bounds = array<i64: 10>, scalar_prefetch = 0 : i64, scratch_operands = 0 : i64, tpu.core_type = #tpu.core_type<tc>, window_params = [{transform_indices = @transform_0, window_bounds = array<i64: 1000, 128>}, {pipeline_mode = #tpu.pipeline_mode<synchronous>, transform_indices = @transform_1, window_bounds = array<i64: 128, 128>}, {pipeline_mode = #tpu.pipeline_mode<synchronous>, transform_indices = @transform_2, window_bounds = array<i64: 1, 128>}, {pipeline_mode = #tpu.pipeline_mode<synchronous>, transform_indices = @transform_3, window_bounds = array<i64: 128, 128>}, {pipeline_mode = #tpu.pipeline_mode<synchronous>, transform_indices = @transform_4, window_bounds = array<i64: 1, 128>}, {pipeline_mode = #tpu.pipeline_mode<synchronous>, transform_indices = @transform_5, window_bounds = array<i64: 128, 128>}, {pipeline_mode = #tpu.pipeline_mode<synchronous>, transform_indices = @transform_6, window_bounds = array<i64: 1, 128>}, {pipeline_mode = #tpu.pipeline_mode<synchronous>, transform_indices = @transform_7, window_bounds = array<i64: 128, 128>}, {pipeline_mode = #tpu.pipeline_mode<synchronous>, transform_indices = @transform_8, window_bounds = array<i64: 1, 128>}, {pipeline_mode = #tpu.pipeline_mode<synchronous>, transform_indices = @transform_9, window_bounds = array<i64: 16, 128>}, {transform_indices = @transform_10, window_bounds = array<i64: 1000, 128>}, {transform_indices = @transform_11, window_bounds = array<i64: 1000, 16>}, {transform_indices = @transform_12, window_bounds = array<i64: 1000, 128>}, {transform_indices = @transform_13, window_bounds = array<i64: 1000, 128>}, {transform_indices = @transform_14, window_bounds = array<i64: 1000, 128>}]} {
    %get3A = arith.constant 0 : index
    %get3A_0 = arith.constant 0 : index
    %get3A_1 = vector.load %arg1[%get3A, %get3A_0] : memref<1000x128xf32, #tpu.memory_space<vmem>>, vector<1000x128xf32>
    %get3A_2 = arith.constant 0 : index
    %get3A_3 = arith.constant 0 : index
    %get3A_4 = vector.load %arg2[%get3A_2, %get3A_3] : memref<128x128xf32, #tpu.memory_space<vmem>>, vector<128x128xf32>
    %dot_general3A = arith.constant dense<0.000000e+00> : vector<1000x128xf32>
    %dot_general3A_5 = tpu.matmul %get3A_1, %get3A_4, %dot_general3A {dimension_numbers = #tpu.dot_dimension_numbers<[1], [0], [0], [1], [0, 0, 1, 1], [], []>, transpose_lhs_hint = false} : vector<1000x128xf32>, vector<128x128xf32>, vector<1000x128xf32> -> vector<1000x128xf32>
    %get3A_6 = arith.constant 0 : index
    %get3A_7 = arith.constant 0 : index
    %get3A_8 = vector.load %arg3[%get3A_6, %get3A_7] : memref<1x128xf32, #tpu.memory_space<vmem>>, vector<1x128xf32>
    %add3A = vector.broadcast %get3A_8 : vector<1x128xf32> to vector<1000x128xf32>
    %add3A_9 = arith.addf %dot_general3A_5, %add3A : vector<1000x128xf32>
    %convert_element_type3A = arith.truncf %add3A_9 : vector<1000x128xf32> to vector<1000x128xbf16>
    %swap3A = arith.constant 0 : index
    %swap3A_10 = arith.constant 0 : index
    %swap3A_11 = vector.load %arg11[%swap3A, %swap3A_10] : memref<1000x128xbf16, #tpu.memory_space<vmem>>, vector<1000x128xbf16>
    tpu.vector_store %arg11[%swap3A, %swap3A_10], %convert_element_type3A {strides = array<i32>} : memref<1000x128xbf16, #tpu.memory_space<vmem>>, vector<1000x128xbf16>,
    %get3A_12 = arith.constant 0 : index
    %get3A_13 = arith.constant 0 : index
    %get3A_14 = vector.load %arg10[%get3A_12, %get3A_13] : memref<16x128xf32, #tpu.memory_space<vmem>>, vector<16x128xf32>
    %dot_general3A_15 = arith.constant dense<0.000000e+00> : vector<1000x16xf32>
    %dot_general3A_16 = tpu.matmul %add3A_9, %get3A_14, %dot_general3A_15 {dimension_numbers = #tpu.dot_dimension_numbers<[1], [1], [0], [0], [0, 0, 1, 0], [], []>, transpose_lhs_hint = false} : vector<1000x128xf32>, vector<16x128xf32>, vector<1000x16xf32> -> vector<1000x16xf32>
    %swap3A_17 = arith.constant 0 : index
    %swap3A_18 = arith.constant 0 : index
    %swap3A_19 = vector.load %arg12[%swap3A_17, %swap3A_18] : memref<1000x16xf32, #tpu.memory_space<vmem>>, vector<1000x16xf32>
    tpu.vector_store %arg12[%swap3A_17, %swap3A_18], %dot_general3A_16 {strides = array<i32>} : memref<1000x16xf32, #tpu.memory_space<vmem>>, vector<1000x16xf32>,
    %get3A_20 = arith.constant 0 : index
    %get3A_21 = arith.constant 0 : index
    %get3A_22 = vector.load %arg4[%get3A_20, %get3A_21] : memref<128x128xf32, #tpu.memory_space<vmem>>, vector<128x128xf32>
    %dot_general3A_23 = arith.constant dense<0.000000e+00> : vector<1000x128xf32>
    %dot_general3A_24 = tpu.matmul %get3A_1, %get3A_22, %dot_general3A_23 {dimension_numbers = #tpu.dot_dimension_numbers<[1], [0], [0], [1], [0, 0, 1, 1], [], []>, transpose_lhs_hint = false} : vector<1000x128xf32>, vector<128x128xf32>, vector<1000x128xf32> -> vector<1000x128xf32>
    %get3A_25 = arith.constant 0 : index
    %get3A_26 = arith.constant 0 : index
    %get3A_27 = vector.load %arg5[%get3A_25, %get3A_26] : memref<1x128xf32, #tpu.memory_space<vmem>>, vector<1x128xf32>
    %add3A_28 = vector.broadcast %get3A_27 : vector<1x128xf32> to vector<1000x128xf32>
    %add3A_29 = arith.addf %dot_general3A_24, %add3A_28 : vector<1000x128xf32>
    %convert_element_type3A_30 = arith.truncf %add3A_29 : vector<1000x128xf32> to vector<1000x128xbf16>
    %swap3A_31 = arith.constant 0 : index
    %swap3A_32 = arith.constant 0 : index
    %swap3A_33 = vector.load %arg13[%swap3A_31, %swap3A_32] : memref<1000x128xbf16, #tpu.memory_space<vmem>>, vector<1000x128xbf16>
    tpu.vector_store %arg13[%swap3A_31, %swap3A_32], %convert_element_type3A_30 {strides = array<i32>} : memref<1000x128xbf16, #tpu.memory_space<vmem>>, vector<1000x128xbf16>,
    %get3A_34 = arith.constant 0 : index
    %get3A_35 = arith.constant 0 : index
    %get3A_36 = vector.load %arg6[%get3A_34, %get3A_35] : memref<128x128xf32, #tpu.memory_space<vmem>>, vector<128x128xf32>
    %dot_general3A_37 = arith.constant dense<0.000000e+00> : vector<1000x128xf32>
    %dot_general3A_38 = tpu.matmul %get3A_1, %get3A_36, %dot_general3A_37 {dimension_numbers = #tpu.dot_dimension_numbers<[1], [0], [0], [1], [0, 0, 1, 1], [], []>, transpose_lhs_hint = false} : vector<1000x128xf32>, vector<128x128xf32>, vector<1000x128xf32> -> vector<1000x128xf32>
    %get3A_39 = arith.constant 0 : index
    %get3A_40 = arith.constant 0 : index
    %get3A_41 = vector.load %arg7[%get3A_39, %get3A_40] : memref<1x128xf32, #tpu.memory_space<vmem>>, vector<1x128xf32>
    %add3A_42 = vector.broadcast %get3A_41 : vector<1x128xf32> to vector<1000x128xf32>
    %add3A_43 = arith.addf %dot_general3A_38, %add3A_42 : vector<1000x128xf32>
    %swap3A_44 = arith.constant 0 : index
    %swap3A_45 = arith.constant 0 : index
    %swap3A_46 = vector.load %arg14[%swap3A_44, %swap3A_45] : memref<1000x128xf32, #tpu.memory_space<vmem>>, vector<1000x128xf32>
    tpu.vector_store %arg14[%swap3A_44, %swap3A_45], %add3A_43 {strides = array<i32>} : memref<1000x128xf32, #tpu.memory_space<vmem>>, vector<1000x128xf32>,
    %get3A_47 = arith.constant 0 : index
    %get3A_48 = arith.constant 0 : index
    %get3A_49 = vector.load %arg8[%get3A_47, %get3A_48] : memref<128x128xf32, #tpu.memory_space<vmem>>, vector<128x128xf32>
    %dot_general3A_50 = arith.constant dense<0.000000e+00> : vector<1000x128xf32>
    %dot_general3A_51 = tpu.matmul %get3A_1, %get3A_49, %dot_general3A_50 {dimension_numbers = #tpu.dot_dimension_numbers<[1], [0], [0], [1], [0, 0, 1, 1], [], []>, transpose_lhs_hint = false} : vector<1000x128xf32>, vector<128x128xf32>, vector<1000x128xf32> -> vector<1000x128xf32>
    %get3A_52 = arith.constant 0 : index
    %get3A_53 = arith.constant 0 : index
    %get3A_54 = vector.load %arg9[%get3A_52, %get3A_53] : memref<1x128xf32, #tpu.memory_space<vmem>>, vector<1x128xf32>
    %add3A_55 = vector.broadcast %get3A_54 : vector<1x128xf32> to vector<1000x128xf32>
    %add3A_56 = arith.addf %dot_general3A_51, %add3A_55 : vector<1000x128xf32>
    %swap3A_57 = arith.constant 0 : index
    %swap3A_58 = arith.constant 0 : index
    %swap3A_59 = vector.load %arg15[%swap3A_57, %swap3A_58] : memref<1000x128xf32, #tpu.memory_space<vmem>>, vector<1000x128xf32>
    tpu.vector_store %arg15[%swap3A_57, %swap3A_58], %add3A_56 {strides = array<i32>} : memref<1000x128xf32, #tpu.memory_space<vmem>>, vector<1000x128xf32>,
    return
  }
  func.func @transform_0(%arg0: i32) -> (i32, i32) {
    %c0_i32 = arith.constant 0 : i32
    %c0_i32_0 = arith.constant 0 : i32
    return %arg0, %c0_i32 : i32, i32
  }
  func.func @transform_1(%arg0: i32) -> (i32, i32) {
    %c0_i32 = arith.constant 0 : i32
    %c0_i32_0 = arith.constant 0 : i32
    %c0_i32_1 = arith.constant 0 : i32
    return %c0_i32, %c0_i32_0 : i32, i32
  }
  func.func @transform_2(%arg0: i32) -> (i32, i32) {
    %c0_i32 = arith.constant 0 : i32
    %c0_i32_0 = arith.constant 0 : i32
    %c0_i32_1 = arith.constant 0 : i32
    return %c0_i32, %c0_i32_0 : i32, i32
  }
  func.func @transform_3(%arg0: i32) -> (i32, i32) {
    %c0_i32 = arith.constant 0 : i32
    %c0_i32_0 = arith.constant 0 : i32
    %c0_i32_1 = arith.constant 0 : i32
    return %c0_i32, %c0_i32_0 : i32, i32
  }
  func.func @transform_4(%arg0: i32) -> (i32, i32) {
    %c0_i32 = arith.constant 0 : i32
    %c0_i32_0 = arith.constant 0 : i32
    %c0_i32_1 = arith.constant 0 : i32
    return %c0_i32, %c0_i32_0 : i32, i32
  }
  func.func @transform_5(%arg0: i32) -> (i32, i32) {
    %c0_i32 = arith.constant 0 : i32
    %c0_i32_0 = arith.constant 0 : i32
    %c0_i32_1 = arith.constant 0 : i32
    return %c0_i32, %c0_i32_0 : i32, i32
  }
  func.func @transform_6(%arg0: i32) -> (i32, i32) {
    %c0_i32 = arith.constant 0 : i32
    %c0_i32_0 = arith.constant 0 : i32
    %c0_i32_1 = arith.constant 0 : i32
    return %c0_i32, %c0_i32_0 : i32, i32
  }
  func.func @transform_7(%arg0: i32) -> (i32, i32) {
    %c0_i32 = arith.constant 0 : i32
    %c0_i32_0 = arith.constant 0 : i32
    %c0_i32_1 = arith.constant 0 : i32
    return %c0_i32, %c0_i32_0 : i32, i32
  }
  func.func @transform_8(%arg0: i32) -> (i32, i32) {
    %c0_i32 = arith.constant 0 : i32
    %c0_i32_0 = arith.constant 0 : i32
    %c0_i32_1 = arith.constant 0 : i32
    return %c0_i32, %c0_i32_0 : i32, i32
  }
  func.func @transform_9(%arg0: i32) -> (i32, i32) {
    %c0_i32 = arith.constant 0 : i32
    %c0_i32_0 = arith.constant 0 : i32
    %c0_i32_1 = arith.constant 0 : i32
    return %c0_i32, %c0_i32_0 : i32, i32
  }
  func.func @transform_10(%arg0: i32) -> (i32, i32) {
    %c0_i32 = arith.constant 0 : i32
    %c0_i32_0 = arith.constant 0 : i32
    return %arg0, %c0_i32 : i32, i32
  }
  func.func @transform_11(%arg0: i32) -> (i32, i32) {
    %c0_i32 = arith.constant 0 : i32
    %c0_i32_0 = arith.constant 0 : i32
    return %arg0, %c0_i32 : i32, i32
  }
  func.func @transform_12(%arg0: i32) -> (i32, i32) {
    %c0_i32 = arith.constant 0 : i32
    %c0_i32_0 = arith.constant 0 : i32
    return %arg0, %c0_i32 : i32, i32
  }
  func.func @transform_13(%arg0: i32) -> (i32, i32) {
    %c0_i32 = arith.constant 0 : i32
    %c0_i32_0 = arith.constant 0 : i32
    return %arg0, %c0_i32 : i32, i32
  }
  func.func @transform_14(%arg0: i32) -> (i32, i32) {
    %c0_i32 = arith.constant 0 : i32
    %c0_i32_0 = arith.constant 0 : i32
    return %arg0, %c0_i32 : i32, i32
  }
}

module attributes {stable_mosaic.version = 14 : i64} {
  func.func @_tc_mid_body(%arg0: i32, %arg1: memref<2x1000x152xf32, #tpu.memory_space<vmem>>, %arg2: memref<1000x128xf32, #tpu.memory_space<vmem>>, %arg3: memref<16x128xf32, #tpu.memory_space<vmem>>, %arg4: memref<128x128xf32, #tpu.memory_space<vmem>>, %arg5: memref<1x128xf32, #tpu.memory_space<vmem>>, %arg6: memref<128x128xf32, #tpu.memory_space<vmem>>, %arg7: memref<1x128xf32, #tpu.memory_space<vmem>>, %arg8: memref<128x128xf32, #tpu.memory_space<vmem>>, %arg9: memref<1x128xf32, #tpu.memory_space<vmem>>, %arg10: memref<128x128xf32, #tpu.memory_space<vmem>>, %arg11: memref<1x128xf32, #tpu.memory_space<vmem>>, %arg12: memref<16x128xf32, #tpu.memory_space<vmem>>, %arg13: memref<1000x128xf32, #tpu.memory_space<vmem>>, %arg14: memref<1000x128xbf16, #tpu.memory_space<vmem>>, %arg15: memref<1000x16xf32, #tpu.memory_space<vmem>>, %arg16: memref<1000x128xbf16, #tpu.memory_space<vmem>>, %arg17: memref<1000x128xf32, #tpu.memory_space<vmem>>, %arg18: memref<1000x128xf32, #tpu.memory_space<vmem>>) attributes {dimension_semantics = [#tpu.dimension_semantics<arbitrary>], iteration_bounds = array<i64: 10>, scalar_prefetch = 0 : i64, scratch_operands = 0 : i64, tpu.core_type = #tpu.core_type<tc>, window_params = [{transform_indices = @transform_0, window_bounds = array<i64: 2, 1000, 152>}, {transform_indices = @transform_1, window_bounds = array<i64: 1000, 128>}, {pipeline_mode = #tpu.pipeline_mode<synchronous>, transform_indices = @transform_2, window_bounds = array<i64: 16, 128>}, {pipeline_mode = #tpu.pipeline_mode<synchronous>, transform_indices = @transform_3, window_bounds = array<i64: 128, 128>}, {pipeline_mode = #tpu.pipeline_mode<synchronous>, transform_indices = @transform_4, window_bounds = array<i64: 1, 128>}, {pipeline_mode = #tpu.pipeline_mode<synchronous>, transform_indices = @transform_5, window_bounds = array<i64: 128, 128>}, {pipeline_mode = #tpu.pipeline_mode<synchronous>, transform_indices = @transform_6, window_bounds = array<i64: 1, 128>}, {pipeline_mode = #tpu.pipeline_mode<synchronous>, transform_indices = @transform_7, window_bounds = array<i64: 128, 128>}, {pipeline_mode = #tpu.pipeline_mode<synchronous>, transform_indices = @transform_8, window_bounds = array<i64: 1, 128>}, {pipeline_mode = #tpu.pipeline_mode<synchronous>, transform_indices = @transform_9, window_bounds = array<i64: 128, 128>}, {pipeline_mode = #tpu.pipeline_mode<synchronous>, transform_indices = @transform_10, window_bounds = array<i64: 1, 128>}, {pipeline_mode = #tpu.pipeline_mode<synchronous>, transform_indices = @transform_11, window_bounds = array<i64: 16, 128>}, {transform_indices = @transform_12, window_bounds = array<i64: 1000, 128>}, {transform_indices = @transform_13, window_bounds = array<i64: 1000, 128>}, {transform_indices = @transform_14, window_bounds = array<i64: 1000, 16>}, {transform_indices = @transform_15, window_bounds = array<i64: 1000, 128>}, {transform_indices = @transform_16, window_bounds = array<i64: 1000, 128>}, {transform_indices = @transform_17, window_bounds = array<i64: 1000, 128>}]} {
    %get3A = arith.constant 0 : index
    %get3A_0 = arith.constant 0 : index
    %get3A_1 = arith.constant 0 : index
    %get3A_2 = vector.load %arg1[%get3A, %get3A_0, %get3A_1] : memref<2x1000x152xf32, #tpu.memory_space<vmem>>, vector<1x1000x152xf32>
    %get3A_3 = vector.shape_cast %get3A_2 : vector<1x1000x152xf32> to vector<1000x152xf32>
    %get3A_4 = arith.constant 1 : index
    %get3A_5 = arith.constant 0 : index
    %get3A_6 = arith.constant 0 : index
    %get3A_7 = vector.load %arg1[%get3A_4, %get3A_5, %get3A_6] : memref<2x1000x152xf32, #tpu.memory_space<vmem>>, vector<1x1000x152xf32>
    %get3A_8 = vector.shape_cast %get3A_7 : vector<1x1000x152xf32> to vector<1000x152xf32>
    %add3A = arith.addf %get3A_3, %get3A_8 : vector<1000x152xf32>
    %slice3A = vector.extract_strided_slice %add3A {offsets = [0, 144], sizes = [1000, 1], strides = [1, 1]} : vector<1000x152xf32> to vector<1000x1xf32>
    %add3A_9 = arith.constant 1.000000e-16 : f32
    %add3A_10 = vector.broadcast %add3A_9 : f32 to vector<1000x1xf32>
    %add3A_11 = arith.addf %slice3A, %add3A_10 : vector<1000x1xf32>
    %slice3A_12 = vector.extract_strided_slice %add3A {offsets = [0, 0], sizes = [1000, 128], strides = [1, 1]} : vector<1000x152xf32> to vector<1000x128xf32>
    %slice3A_13 = vector.extract_strided_slice %add3A {offsets = [0, 128], sizes = [1000, 16], strides = [1, 1]} : vector<1000x152xf32> to vector<1000x16xf32>
    %get3A_14 = arith.constant 0 : index
    %get3A_15 = arith.constant 0 : index
    %get3A_16 = vector.load %arg3[%get3A_14, %get3A_15] : memref<16x128xf32, #tpu.memory_space<vmem>>, vector<16x128xf32>
    %dot_general3A = arith.constant dense<0.000000e+00> : vector<1000x128xf32>
    %dot_general3A_17 = tpu.matmul %slice3A_13, %get3A_16, %dot_general3A {dimension_numbers = #tpu.dot_dimension_numbers<[1], [0], [0], [1], [0, 0, 1, 1], [], []>, transpose_lhs_hint = false} : vector<1000x16xf32>, vector<16x128xf32>, vector<1000x128xf32> -> vector<1000x128xf32>
    %add3A_18 = arith.addf %slice3A_12, %dot_general3A_17 : vector<1000x128xf32>
    %div3A = vector.broadcast %add3A_11 : vector<1000x1xf32> to vector<1000x128xf32>
    %div3A_19 = arith.divf %add3A_18, %div3A : vector<1000x128xf32>
    %get3A_20 = arith.constant 0 : index
    %get3A_21 = arith.constant 0 : index
    %get3A_22 = vector.load %arg2[%get3A_20, %get3A_21] : memref<1000x128xf32, #tpu.memory_space<vmem>>, vector<1000x128xf32>
    %add3A_23 = arith.addf %div3A_19, %get3A_22 : vector<1000x128xf32>
    %ge3A = arith.constant 0.000000e+00 : f32
    %ge3A_24 = vector.broadcast %ge3A : f32 to vector<1000x128xf32>
    %ge3A_25 = arith.cmpf oge, %add3A_23, %ge3A_24 : vector<1000x128xf32>
    %mul3A = arith.constant 0.00999999977 : f32
    %mul3A_26 = vector.broadcast %mul3A : f32 to vector<1000x128xf32>
    %mul3A_27 = arith.mulf %mul3A_26, %add3A_23 : vector<1000x128xf32>
    %select_n3A = arith.select %ge3A_25, %add3A_23, %mul3A_27 : vector<1000x128xi1>, vector<1000x128xf32>
    %swap3A = arith.constant 0 : index
    %swap3A_28 = arith.constant 0 : index
    %swap3A_29 = vector.load %arg13[%swap3A, %swap3A_28] : memref<1000x128xf32, #tpu.memory_space<vmem>>, vector<1000x128xf32>
    tpu.vector_store %arg13[%swap3A, %swap3A_28], %select_n3A {strides = array<i32>} : memref<1000x128xf32, #tpu.memory_space<vmem>>, vector<1000x128xf32>,
    %get3A_30 = arith.constant 0 : index
    %get3A_31 = arith.constant 0 : index
    %get3A_32 = vector.load %arg4[%get3A_30, %get3A_31] : memref<128x128xf32, #tpu.memory_space<vmem>>, vector<128x128xf32>
    %dot_general3A_33 = arith.constant dense<0.000000e+00> : vector<1000x128xf32>
    %dot_general3A_34 = tpu.matmul %select_n3A, %get3A_32, %dot_general3A_33 {dimension_numbers = #tpu.dot_dimension_numbers<[1], [0], [0], [1], [0, 0, 1, 1], [], []>, transpose_lhs_hint = false} : vector<1000x128xf32>, vector<128x128xf32>, vector<1000x128xf32> -> vector<1000x128xf32>
    %get3A_35 = arith.constant 0 : index
    %get3A_36 = arith.constant 0 : index
    %get3A_37 = vector.load %arg5[%get3A_35, %get3A_36] : memref<1x128xf32, #tpu.memory_space<vmem>>, vector<1x128xf32>
    %add3A_38 = vector.broadcast %get3A_37 : vector<1x128xf32> to vector<1000x128xf32>
    %add3A_39 = arith.addf %dot_general3A_34, %add3A_38 : vector<1000x128xf32>
    %convert_element_type3A = arith.truncf %add3A_39 : vector<1000x128xf32> to vector<1000x128xbf16>
    %swap3A_40 = arith.constant 0 : index
    %swap3A_41 = arith.constant 0 : index
    %swap3A_42 = vector.load %arg14[%swap3A_40, %swap3A_41] : memref<1000x128xbf16, #tpu.memory_space<vmem>>, vector<1000x128xbf16>
    tpu.vector_store %arg14[%swap3A_40, %swap3A_41], %convert_element_type3A {strides = array<i32>} : memref<1000x128xbf16, #tpu.memory_space<vmem>>, vector<1000x128xbf16>,
    %get3A_43 = arith.constant 0 : index
    %get3A_44 = arith.constant 0 : index
    %get3A_45 = vector.load %arg12[%get3A_43, %get3A_44] : memref<16x128xf32, #tpu.memory_space<vmem>>, vector<16x128xf32>
    %dot_general3A_46 = arith.constant dense<0.000000e+00> : vector<1000x16xf32>
    %dot_general3A_47 = tpu.matmul %add3A_39, %get3A_45, %dot_general3A_46 {dimension_numbers = #tpu.dot_dimension_numbers<[1], [1], [0], [0], [0, 0, 1, 0], [], []>, transpose_lhs_hint = false} : vector<1000x128xf32>, vector<16x128xf32>, vector<1000x16xf32> -> vector<1000x16xf32>
    %swap3A_48 = arith.constant 0 : index
    %swap3A_49 = arith.constant 0 : index
    %swap3A_50 = vector.load %arg15[%swap3A_48, %swap3A_49] : memref<1000x16xf32, #tpu.memory_space<vmem>>, vector<1000x16xf32>
    tpu.vector_store %arg15[%swap3A_48, %swap3A_49], %dot_general3A_47 {strides = array<i32>} : memref<1000x16xf32, #tpu.memory_space<vmem>>, vector<1000x16xf32>,
    %get3A_51 = arith.constant 0 : index
    %get3A_52 = arith.constant 0 : index
    %get3A_53 = vector.load %arg6[%get3A_51, %get3A_52] : memref<128x128xf32, #tpu.memory_space<vmem>>, vector<128x128xf32>
    %dot_general3A_54 = arith.constant dense<0.000000e+00> : vector<1000x128xf32>
    %dot_general3A_55 = tpu.matmul %select_n3A, %get3A_53, %dot_general3A_54 {dimension_numbers = #tpu.dot_dimension_numbers<[1], [0], [0], [1], [0, 0, 1, 1], [], []>, transpose_lhs_hint = false} : vector<1000x128xf32>, vector<128x128xf32>, vector<1000x128xf32> -> vector<1000x128xf32>
    %get3A_56 = arith.constant 0 : index
    %get3A_57 = arith.constant 0 : index
    %get3A_58 = vector.load %arg7[%get3A_56, %get3A_57] : memref<1x128xf32, #tpu.memory_space<vmem>>, vector<1x128xf32>
    %add3A_59 = vector.broadcast %get3A_58 : vector<1x128xf32> to vector<1000x128xf32>
    %add3A_60 = arith.addf %dot_general3A_55, %add3A_59 : vector<1000x128xf32>
    %convert_element_type3A_61 = arith.truncf %add3A_60 : vector<1000x128xf32> to vector<1000x128xbf16>
    %swap3A_62 = arith.constant 0 : index
    %swap3A_63 = arith.constant 0 : index
    %swap3A_64 = vector.load %arg16[%swap3A_62, %swap3A_63] : memref<1000x128xbf16, #tpu.memory_space<vmem>>, vector<1000x128xbf16>
    tpu.vector_store %arg16[%swap3A_62, %swap3A_63], %convert_element_type3A_61 {strides = array<i32>} : memref<1000x128xbf16, #tpu.memory_space<vmem>>, vector<1000x128xbf16>,
    %get3A_65 = arith.constant 0 : index
    %get3A_66 = arith.constant 0 : index
    %get3A_67 = vector.load %arg8[%get3A_65, %get3A_66] : memref<128x128xf32, #tpu.memory_space<vmem>>, vector<128x128xf32>
    %dot_general3A_68 = arith.constant dense<0.000000e+00> : vector<1000x128xf32>
    %dot_general3A_69 = tpu.matmul %select_n3A, %get3A_67, %dot_general3A_68 {dimension_numbers = #tpu.dot_dimension_numbers<[1], [0], [0], [1], [0, 0, 1, 1], [], []>, transpose_lhs_hint = false} : vector<1000x128xf32>, vector<128x128xf32>, vector<1000x128xf32> -> vector<1000x128xf32>
    %get3A_70 = arith.constant 0 : index
    %get3A_71 = arith.constant 0 : index
    %get3A_72 = vector.load %arg9[%get3A_70, %get3A_71] : memref<1x128xf32, #tpu.memory_space<vmem>>, vector<1x128xf32>
    %add3A_73 = vector.broadcast %get3A_72 : vector<1x128xf32> to vector<1000x128xf32>
    %add3A_74 = arith.addf %dot_general3A_69, %add3A_73 : vector<1000x128xf32>
    %swap3A_75 = arith.constant 0 : index
    %swap3A_76 = arith.constant 0 : index
    %swap3A_77 = vector.load %arg17[%swap3A_75, %swap3A_76] : memref<1000x128xf32, #tpu.memory_space<vmem>>, vector<1000x128xf32>
    tpu.vector_store %arg17[%swap3A_75, %swap3A_76], %add3A_74 {strides = array<i32>} : memref<1000x128xf32, #tpu.memory_space<vmem>>, vector<1000x128xf32>,
    %get3A_78 = arith.constant 0 : index
    %get3A_79 = arith.constant 0 : index
    %get3A_80 = vector.load %arg10[%get3A_78, %get3A_79] : memref<128x128xf32, #tpu.memory_space<vmem>>, vector<128x128xf32>
    %dot_general3A_81 = arith.constant dense<0.000000e+00> : vector<1000x128xf32>
    %dot_general3A_82 = tpu.matmul %select_n3A, %get3A_80, %dot_general3A_81 {dimension_numbers = #tpu.dot_dimension_numbers<[1], [0], [0], [1], [0, 0, 1, 1], [], []>, transpose_lhs_hint = false} : vector<1000x128xf32>, vector<128x128xf32>, vector<1000x128xf32> -> vector<1000x128xf32>
    %get3A_83 = arith.constant 0 : index
    %get3A_84 = arith.constant 0 : index
    %get3A_85 = vector.load %arg11[%get3A_83, %get3A_84] : memref<1x128xf32, #tpu.memory_space<vmem>>, vector<1x128xf32>
    %add3A_86 = vector.broadcast %get3A_85 : vector<1x128xf32> to vector<1000x128xf32>
    %add3A_87 = arith.addf %dot_general3A_82, %add3A_86 : vector<1000x128xf32>
    %swap3A_88 = arith.constant 0 : index
    %swap3A_89 = arith.constant 0 : index
    %swap3A_90 = vector.load %arg18[%swap3A_88, %swap3A_89] : memref<1000x128xf32, #tpu.memory_space<vmem>>, vector<1000x128xf32>
    tpu.vector_store %arg18[%swap3A_88, %swap3A_89], %add3A_87 {strides = array<i32>} : memref<1000x128xf32, #tpu.memory_space<vmem>>, vector<1000x128xf32>,
    return
  }
  func.func @transform_0(%arg0: i32) -> (i32, i32, i32) {
    %c0_i32 = arith.constant 0 : i32
    %c0_i32_0 = arith.constant 0 : i32
    %c0_i32_1 = arith.constant 0 : i32
    return %c0_i32, %arg0, %c0_i32_0 : i32, i32, i32
  }
  func.func @transform_1(%arg0: i32) -> (i32, i32) {
    %c0_i32 = arith.constant 0 : i32
    %c0_i32_0 = arith.constant 0 : i32
    return %arg0, %c0_i32 : i32, i32
  }
  func.func @transform_2(%arg0: i32) -> (i32, i32) {
    %c0_i32 = arith.constant 0 : i32
    %c0_i32_0 = arith.constant 0 : i32
    %c0_i32_1 = arith.constant 0 : i32
    return %c0_i32, %c0_i32_0 : i32, i32
  }
  func.func @transform_3(%arg0: i32) -> (i32, i32) {
    %c0_i32 = arith.constant 0 : i32
    %c0_i32_0 = arith.constant 0 : i32
    %c0_i32_1 = arith.constant 0 : i32
    return %c0_i32, %c0_i32_0 : i32, i32
  }
  func.func @transform_4(%arg0: i32) -> (i32, i32) {
    %c0_i32 = arith.constant 0 : i32
    %c0_i32_0 = arith.constant 0 : i32
    %c0_i32_1 = arith.constant 0 : i32
    return %c0_i32, %c0_i32_0 : i32, i32
  }
  func.func @transform_5(%arg0: i32) -> (i32, i32) {
    %c0_i32 = arith.constant 0 : i32
    %c0_i32_0 = arith.constant 0 : i32
    %c0_i32_1 = arith.constant 0 : i32
    return %c0_i32, %c0_i32_0 : i32, i32
  }
  func.func @transform_6(%arg0: i32) -> (i32, i32) {
    %c0_i32 = arith.constant 0 : i32
    %c0_i32_0 = arith.constant 0 : i32
    %c0_i32_1 = arith.constant 0 : i32
    return %c0_i32, %c0_i32_0 : i32, i32
  }
  func.func @transform_7(%arg0: i32) -> (i32, i32) {
    %c0_i32 = arith.constant 0 : i32
    %c0_i32_0 = arith.constant 0 : i32
    %c0_i32_1 = arith.constant 0 : i32
    return %c0_i32, %c0_i32_0 : i32, i32
  }
  func.func @transform_8(%arg0: i32) -> (i32, i32) {
    %c0_i32 = arith.constant 0 : i32
    %c0_i32_0 = arith.constant 0 : i32
    %c0_i32_1 = arith.constant 0 : i32
    return %c0_i32, %c0_i32_0 : i32, i32
  }
  func.func @transform_9(%arg0: i32) -> (i32, i32) {
    %c0_i32 = arith.constant 0 : i32
    %c0_i32_0 = arith.constant 0 : i32
    %c0_i32_1 = arith.constant 0 : i32
    return %c0_i32, %c0_i32_0 : i32, i32
  }
  func.func @transform_10(%arg0: i32) -> (i32, i32) {
    %c0_i32 = arith.constant 0 : i32
    %c0_i32_0 = arith.constant 0 : i32
    %c0_i32_1 = arith.constant 0 : i32
    return %c0_i32, %c0_i32_0 : i32, i32
  }
  func.func @transform_11(%arg0: i32) -> (i32, i32) {
    %c0_i32 = arith.constant 0 : i32
    %c0_i32_0 = arith.constant 0 : i32
    %c0_i32_1 = arith.constant 0 : i32
    return %c0_i32, %c0_i32_0 : i32, i32
  }
  func.func @transform_12(%arg0: i32) -> (i32, i32) {
    %c0_i32 = arith.constant 0 : i32
    %c0_i32_0 = arith.constant 0 : i32
    return %arg0, %c0_i32 : i32, i32
  }
  func.func @transform_13(%arg0: i32) -> (i32, i32) {
    %c0_i32 = arith.constant 0 : i32
    %c0_i32_0 = arith.constant 0 : i32
    return %arg0, %c0_i32 : i32, i32
  }
  func.func @transform_14(%arg0: i32) -> (i32, i32) {
    %c0_i32 = arith.constant 0 : i32
    %c0_i32_0 = arith.constant 0 : i32
    return %arg0, %c0_i32 : i32, i32
  }
  func.func @transform_15(%arg0: i32) -> (i32, i32) {
    %c0_i32 = arith.constant 0 : i32
    %c0_i32_0 = arith.constant 0 : i32
    return %arg0, %c0_i32 : i32, i32
  }
  func.func @transform_16(%arg0: i32) -> (i32, i32) {
    %c0_i32 = arith.constant 0 : i32
    %c0_i32_0 = arith.constant 0 : i32
    return %arg0, %c0_i32 : i32, i32
  }
  func.func @transform_17(%arg0: i32) -> (i32, i32) {
    %c0_i32 = arith.constant 0 : i32
    %c0_i32_0 = arith.constant 0 : i32
    return %arg0, %c0_i32 : i32, i32
  }
}

module attributes {stable_mosaic.version = 14 : i64} {
  func.func @_tc_mlp_body(%arg0: i32, %arg1: memref<1000x128xf32, #tpu.memory_space<vmem>>, %arg2: memref<128x128xf32, #tpu.memory_space<vmem>>, %arg3: memref<1x128xf32, #tpu.memory_space<vmem>>, %arg4: memref<128x128xf32, #tpu.memory_space<vmem>>, %arg5: memref<1x128xf32, #tpu.memory_space<vmem>>, %arg6: memref<1000x128xf32, #tpu.memory_space<vmem>>) attributes {dimension_semantics = [#tpu.dimension_semantics<arbitrary>], iteration_bounds = array<i64: 10>, scalar_prefetch = 0 : i64, scratch_operands = 0 : i64, tpu.core_type = #tpu.core_type<tc>, window_params = [{transform_indices = @transform_0, window_bounds = array<i64: 1000, 128>}, {pipeline_mode = #tpu.pipeline_mode<synchronous>, transform_indices = @transform_1, window_bounds = array<i64: 128, 128>}, {pipeline_mode = #tpu.pipeline_mode<synchronous>, transform_indices = @transform_2, window_bounds = array<i64: 1, 128>}, {pipeline_mode = #tpu.pipeline_mode<synchronous>, transform_indices = @transform_3, window_bounds = array<i64: 128, 128>}, {pipeline_mode = #tpu.pipeline_mode<synchronous>, transform_indices = @transform_4, window_bounds = array<i64: 1, 128>}, {transform_indices = @transform_5, window_bounds = array<i64: 1000, 128>}]} {
    %get3A = arith.constant 0 : index
    %get3A_0 = arith.constant 0 : index
    %get3A_1 = vector.load %arg1[%get3A, %get3A_0] : memref<1000x128xf32, #tpu.memory_space<vmem>>, vector<1000x128xf32>
    %get3A_2 = arith.constant 0 : index
    %get3A_3 = arith.constant 0 : index
    %get3A_4 = vector.load %arg2[%get3A_2, %get3A_3] : memref<128x128xf32, #tpu.memory_space<vmem>>, vector<128x128xf32>
    %dot_general3A = arith.constant dense<0.000000e+00> : vector<1000x128xf32>
    %dot_general3A_5 = tpu.matmul %get3A_1, %get3A_4, %dot_general3A {dimension_numbers = #tpu.dot_dimension_numbers<[1], [0], [0], [1], [0, 0, 1, 1], [], []>, transpose_lhs_hint = false} : vector<1000x128xf32>, vector<128x128xf32>, vector<1000x128xf32> -> vector<1000x128xf32>
    %get3A_6 = arith.constant 0 : index
    %get3A_7 = arith.constant 0 : index
    %get3A_8 = vector.load %arg3[%get3A_6, %get3A_7] : memref<1x128xf32, #tpu.memory_space<vmem>>, vector<1x128xf32>
    %add3A = vector.broadcast %get3A_8 : vector<1x128xf32> to vector<1000x128xf32>
    %add3A_9 = arith.addf %dot_general3A_5, %add3A : vector<1000x128xf32>
    %ge3A = arith.constant 0.000000e+00 : f32
    %ge3A_10 = vector.broadcast %ge3A : f32 to vector<1000x128xf32>
    %ge3A_11 = arith.cmpf oge, %add3A_9, %ge3A_10 : vector<1000x128xf32>
    %mul3A = arith.constant 0.00999999977 : f32
    %mul3A_12 = vector.broadcast %mul3A : f32 to vector<1000x128xf32>
    %mul3A_13 = arith.mulf %mul3A_12, %add3A_9 : vector<1000x128xf32>
    %select_n3A = arith.select %ge3A_11, %add3A_9, %mul3A_13 : vector<1000x128xi1>, vector<1000x128xf32>
    %get3A_14 = arith.constant 0 : index
    %get3A_15 = arith.constant 0 : index
    %get3A_16 = vector.load %arg4[%get3A_14, %get3A_15] : memref<128x128xf32, #tpu.memory_space<vmem>>, vector<128x128xf32>
    %dot_general3A_17 = arith.constant dense<0.000000e+00> : vector<1000x128xf32>
    %dot_general3A_18 = tpu.matmul %select_n3A, %get3A_16, %dot_general3A_17 {dimension_numbers = #tpu.dot_dimension_numbers<[1], [0], [0], [1], [0, 0, 1, 1], [], []>, transpose_lhs_hint = false} : vector<1000x128xf32>, vector<128x128xf32>, vector<1000x128xf32> -> vector<1000x128xf32>
    %get3A_19 = arith.constant 0 : index
    %get3A_20 = arith.constant 0 : index
    %get3A_21 = vector.load %arg5[%get3A_19, %get3A_20] : memref<1x128xf32, #tpu.memory_space<vmem>>, vector<1x128xf32>
    %add3A_22 = vector.broadcast %get3A_21 : vector<1x128xf32> to vector<1000x128xf32>
    %add3A_23 = arith.addf %dot_general3A_18, %add3A_22 : vector<1000x128xf32>
    %swap3A = arith.constant 0 : index
    %swap3A_24 = arith.constant 0 : index
    %swap3A_25 = vector.load %arg6[%swap3A, %swap3A_24] : memref<1000x128xf32, #tpu.memory_space<vmem>>, vector<1000x128xf32>
    tpu.vector_store %arg6[%swap3A, %swap3A_24], %add3A_23 {strides = array<i32>} : memref<1000x128xf32, #tpu.memory_space<vmem>>, vector<1000x128xf32>,
    return
  }
  func.func @transform_0(%arg0: i32) -> (i32, i32) {
    %c0_i32 = arith.constant 0 : i32
    %c0_i32_0 = arith.constant 0 : i32
    return %arg0, %c0_i32 : i32, i32
  }
  func.func @transform_1(%arg0: i32) -> (i32, i32) {
    %c0_i32 = arith.constant 0 : i32
    %c0_i32_0 = arith.constant 0 : i32
    %c0_i32_1 = arith.constant 0 : i32
    return %c0_i32, %c0_i32_0 : i32, i32
  }
  func.func @transform_2(%arg0: i32) -> (i32, i32) {
    %c0_i32 = arith.constant 0 : i32
    %c0_i32_0 = arith.constant 0 : i32
    %c0_i32_1 = arith.constant 0 : i32
    return %c0_i32, %c0_i32_0 : i32, i32
  }
  func.func @transform_3(%arg0: i32) -> (i32, i32) {
    %c0_i32 = arith.constant 0 : i32
    %c0_i32_0 = arith.constant 0 : i32
    %c0_i32_1 = arith.constant 0 : i32
    return %c0_i32, %c0_i32_0 : i32, i32
  }
  func.func @transform_4(%arg0: i32) -> (i32, i32) {
    %c0_i32 = arith.constant 0 : i32
    %c0_i32_0 = arith.constant 0 : i32
    %c0_i32_1 = arith.constant 0 : i32
    return %c0_i32, %c0_i32_0 : i32, i32
  }
  func.func @transform_5(%arg0: i32) -> (i32, i32) {
    %c0_i32 = arith.constant 0 : i32
    %c0_i32_0 = arith.constant 0 : i32
    return %arg0, %c0_i32 : i32, i32
  }
}

</mosaic_0001>

<sc_bundles>
// kernel: closed_call.23.cloned.1.call-start
scs
__scs_entry_jumppad:
0x0: {  	(pc) =	sbr.rel $0x88, $3  }
0x1: {  	(tag) =	ssettag $0x0;
	lr =	simm.s32 $0x1  }
0x2: {  	[smem:$0x3F88] =	sst lr;
	_ =	strace $0xD0000000  }
0x3: {  	_ = 	snop  }
0x4: {  	_ = 	snop  }
0x5: {  	_ = 	snop  }
0x6: {  	_ = 	snop  }
0x7: {  	_ = 	snop  }
__scs_overlays_trampoline_lowered:
0x8: {  	[smem:$0x3F97] =	sst s0  }
0x9: {  	[smem:$0x3F98] =	sst s1  }
0xa: {  	[smem:$0x3F99] =	sst s2  }
0xb: {  	[smem:$0x3F9A] =	sst s3  }
0xc: {  	[smem:$0x3F9B] =	sst s4  }
0xd: {  	[smem:$0x3F9C] =	sst s5  }
0xe: {  	[smem:$0x3F9D] =	sst s6  }
0xf: {  	[smem:$0x3F9E] =	sst s7  }
0x10: {  	[smem:$0x3F9F] =	sst s8  }
0x11: {  	[smem:$0x3FA0] =	sst s9;
	s0 =	simm.s32 @!p0 $0x0  }
0x12: {  	s1 =	sld [smem:$0x3F86];
	s0 =	simm.s32 @p0 $0x1  }
0x13: {  	[smem:$0x3FA1] =	sst s0;
	s0 =	simm.s32 @!p1 $0x0  }
0x14: {  	s2 =	sld [smem:$0x3F85];
	s0 =	simm.s32 @p1 $0x1  }
0x15: {  	[smem:$0x3FA2] =	sst s0;
	s0 =	simm.s32 @!p2 $0x0  }
0x16: {  	s3 =	sld [smem:$0x3FDB];
	s0 =	simm.s32 @p2 $0x1  }
0x17: {  	s4 =	simm.s32 $0x1BF5;
	[smem:$0x3FA4] =	sst s0  }
0x18: {  	s0 =	sld [smem:$0x3F87];
	_ =	swait.ge [sflag:s4], $0x0  }
0x19: {  	s7 =	sld [smem:$0x3F88]  }
0x1a: {  	s8 =	sadd.s32 $0xFFFFE003, lr  }
0x1b: {  	s9 =	sadd.s32 $0xFFFFFEF7, lr;
	s5 =	simm.s32 $0xFFFFFFFF;
	p2 =	slt.u32 s8, $0xFFFFF086  }
0x1c: {  	p1 =	slt.u32 s9, $0xF7A;
	s5 =	simm.s32 @!p2 $0x0  }
0x1d: {  	s5 =	simm.s32 @p1 $0x1;
	p0 =	seq.s32 s7, s2  }
0x1e: {  	s7 =	smul.u32 @!p0 $0xF7A, s2;
	p2 =	seq.s32 @!p0 s5, $0x0  }
0x1f: {  	s9 =	smul.u32 $0xF7A, s1;
	s8 =	simm.s32 @!p0 $0x1BF5;
	p2 =	por !p2, p0  }
0x20: {  	[sflag:s8] =	ssyncset.s32 @!p0 $0xFFFFF086;
	s6 =	sadd.s32 @!p0 s3, s7;
	s7 =	simm.s32 @!p0 $0x108  }
0x21: {  	s3 =	sadd.s32 s3, s9;
	s6 =	sadd.s32 @!p0 $0x88, s6;
	s7 =	simm.s32 @p2 $0x1082  }
0x22: {  	[simem:s7], [sflag:s8] =	dma.local @!p0 [hbm:s6], $0xF7A  }
0x23: {  	s9 =	sor.u32 $0xD0000000, s2;
	s6 =	simm.s32 $0x108;
	_ =	swait.ge @!p0 [sflag:s8], $0x0  }
0x24: {  	s3 =	sadd.s32 $0x88, s3;
	s6 =	simm.s32 @!p1 $0x1082;
	[sflag:s4] =	ssyncset.s32 $0xFFFFF086  }
0x25: {  	[simem:s6], [sflag:s4] =	dma.local [hbm:s3], $0xF7A  }
0x26: {  	[smem:$0x3F88] =	sst s1;
	(tag) =	ssettag s2;
	_ =	strace s9  }
0x27: {  	s1 =	sld [smem:$0x3F98]  }
0x28: {  	s2 =	sld [smem:$0x3F99]  }
0x29: {  	s4 =	sld [smem:$0x3F9B]  }
0x2a: {  	p0 =	seq.s32 s5, $0x0;
	s5 =	sld [smem:$0x3F9C]  }
0x2b: {  	s6 =	sld [smem:$0x3F9D]  }
0x2c: {  	s7 =	sld [smem:$0x3F9E]  }
0x2d: {  	s3 =	simm.s32 $0x108;
	s8 =	sld [smem:$0x3F9F]  }
0x2e: {  	s3 =	simm.s32 @!p0 $0x1082;
	s9 =	sld [smem:$0x3FA0]  }
0x2f: {  	lr =	sadd.s32 s0, s3;
	s0 =	sld [smem:$0x3F97]  }
0x30: {  	s3 =	sld [smem:$0x3F9A]  }
0x31: {  	[smem:$0x3FA3] =	sst s10  }
0x32: {  	s10 =	sld [smem:$0x3FA1];
	_ =	sdelay $0x3  }
0x33: {  	p0 =	seq.s32 s10, $0x1;
	s10 =	sld [smem:$0x3FA3];
	_ =	sdelay $0x3  }
0x34: {  	[smem:$0x3FA3] =	sst s10  }
0x35: {  	s10 =	sld [smem:$0x3FA2];
	_ =	sdelay $0x3  }
0x36: {  	p1 =	seq.s32 s10, $0x1;
	s10 =	sld [smem:$0x3FA3];
	_ =	sdelay $0x3  }
0x37: {  	[smem:$0x3FA3] =	sst s10  }
0x38: {  	s10 =	sld [smem:$0x3FA4]  }
0x39: {  	_ = 	snop;
	(pc) =	sbr.ind lr, $3  }
0x3a: {  	_ = 	snop  }
0x3b: {  	_ = 	snop  }
0x3c: {  	p2 =	seq.s32 s10, $0x1;
	s10 =	sld [smem:$0x3FA3]  }
0x3d: {  	_ =	shalt  }
0x3e: {  	_ =	shalt  }
0x3f: {  	_ =	shalt  }
0x40: {  	_ =	shalt  }
0x41: {  	_ =	shalt  }
0x42: {  	_ =	shalt  }
0x43: {  	_ =	shalt  }
0x44: {  	_ =	shalt  }
0x45: {  	_ =	shalt  }
0x46: {  	_ =	shalt  }
0x47: {  	_ =	shalt  }
0x48: {  	_ =	shalt  }
0x49: {  	_ =	shalt  }
0x4a: {  	_ =	shalt  }
0x4b: {  	_ =	shalt  }
0x4c: {  	_ =	shalt  }
0x4d: {  	_ =	shalt  }
0x4e: {  	_ =	shalt  }
0x4f: {  	_ =	shalt  }
0x50: {  	_ =	shalt  }
0x51: {  	_ =	shalt  }
0x52: {  	_ =	shalt  }
0x53: {  	_ =	shalt  }
0x54: {  	_ =	shalt  }
0x55: {  	_ =	shalt  }
0x56: {  	_ =	shalt  }
0x57: {  	_ =	shalt  }
0x58: {  	_ =	shalt  }
0x59: {  	_ =	shalt  }
0x5a: {  	_ =	shalt  }
0x5b: {  	_ =	shalt  }
0x5c: {  	_ =	shalt  }
0x5d: {  	_ =	shalt  }
0x5e: {  	_ =	shalt  }
0x5f: {  	_ =	shalt  }
0x60: {  	_ =	shalt  }
0x61: {  	_ =	shalt  }
0x62: {  	_ =	shalt  }
0x63: {  	_ =	shalt  }
0x64: {  	_ =	shalt  }
0x65: {  	_ =	shalt  }
0x66: {  	_ =	shalt  }
0x67: {  	_ =	shalt  }
0x68: {  	_ =	shalt  }
0x69: {  	_ =	shalt  }
0x6a: {  	_ =	shalt  }
0x6b: {  	_ =	shalt  }
0x6c: {  	_ =	shalt  }
0x6d: {  	_ =	shalt  }
0x6e: {  	_ =	shalt  }
0x6f: {  	_ =	shalt  }
0x70: {  	_ =	shalt  }
0x71: {  	_ =	shalt  }
0x72: {  	_ =	shalt  }
0x73: {  	_ =	shalt  }
0x74: {  	_ =	shalt  }
0x75: {  	_ =	shalt  }
0x76: {  	_ =	shalt  }
0x77: {  	_ =	shalt  }
0x78: {  	_ =	shalt  }
0x79: {  	_ =	shalt  }
0x7a: {  	_ =	shalt  }
0x7b: {  	_ =	shalt  }
0x7c: {  	_ =	shalt  }
0x7d: {  	_ =	shalt  }
0x7e: {  	_ =	shalt  }
0x7f: {  	_ =	shalt  }
0x80: {  	_ =	shalt  }
0x81: {  	_ =	shalt  }
0x82: {  	_ =	shalt  }
0x83: {  	_ =	shalt  }
0x84: {  	_ =	shalt  }
0x85: {  	_ =	shalt  }
0x86: {  	_ =	shalt  }
0x87: {  	_ =	shalt  }
.Lfunc_end0:
.L_simem_size_0:
called_computation_lowered:
.L_overlay_start_0:
0x88: {  	s2 =	sld [smem:$0x3FD9]  }
0x89: {  	s3 =	sld [smem:$0x3FFE];
	_ =	sdelay $0x1  }
0x8a: {  	s1 =	srdreg.scid  }
0x8b: {  	s0 =	sand.u32 $0x1, s1  }
0x8c: {  	s17 =	sshll.u32 s0, $0xA;
	s2 =	sadd.s32 s3, s2  }
0x8d: {  	s2 =	sadd.s32 s2, s17  }
0x8e: {  	[smem:$0x3FAF] =	sst s2  }
0x8f: {  	_ = 	snop  }
0x90: {  	s2 =	sld [smem:$0x3FD0];
	(tm) =	ssettm $0x1  }
0x91: {  	s18 =	sld [smem:$0x3FFB];
	_ =	sdelay $0x3  }
0x92: {  	_ =	strace s18  }
0x93: {  	s3 =	sld [smem:$0x3FFC];
	_ =	sdelay $0x3  }
0x94: {  	_ =	strace s3  }
0x95: {  	s3 =	sld [smem:$0x3FFD];
	_ =	sdelay $0x3  }
0x96: {  	_ =	strace s3  }
0x97: {  	_ =	strace $0x8FFFFFFF  }
0x98: {  	s19 =	sld [smem:$0x3FDB];
	_ =	sdelay $0x1  }
0x99: {  	s4 =	simm.s32 $_scs_section_size  }
0x9a: {  	s5 =	simm.s32 $_size__tile_overlayer_lowered;
	s6 =	simm.s32 $_tile_overlayer_lowered  }
0x9b: {  	s22 =	simm.s32 $0x1BFF;
	s21 =	sshll.u32 s6, $0x1;
	s3 =	sadd.s32 s4, s19  }
0x9c: {  	s7 =	simm.s32 $0x0;
	s20 =	sshll.u32 s5, $0x1;
	s5 =	sadd.s32 s21, s3  }
0x9d: {  	[timem:s7], [sflag:s22] =	dma.local [hbm:s5], s20  }
0x9e: {  	_ =	swait.ge [sflag:s22], s20  }
0x9f: {  	s4 =	ssub.s32 $0x0, s20;
	[sflag:s22] =	ssyncset.done $0x0  }
0xa0: {  	[sflag:s22] =	ssyncadd.s32 s4;
	_ =	sdelay $0x1  }
0xa1: {  	s23 =	simm.s32 $0x1B8B  }
0xa2: {  	_ =	swait.ge [sflag:s23], $0x1  }
0xa3: {  	[sflag:s23] =	ssyncset.done $0x0  }
0xa4: {  	s25 =	simm.s32 $0x1B8E;
	s24 =	sld [smem:$0x3FFE];
	[sflag:s23] =	ssyncadd.s32 $0xFFFFFFFF  }
0xa5: {  	s26 =	simm.s32 $execute0_lowered;
	[smem:$0x3FD2] =	sst s25  }
0xa6: {  	s5 =	sshll.u32 s26, $0x1;
	_ =	strace $0x80000046;
	[dreg:$0x1] =	wrdreg $0xFFFFFFFF  }
0xa7: {  	s28 =	simm.s32 $_size_execute0_lowered;
	s3 =	sadd.s32 s3, s5;
	[dreg:$0x0] =	wrdreg $0x0  }
0xa8: {  	s5 =	sshll.u32 s28, $0x1;
	[dreg:$0x2] =	wrdreg s3  }
0xa9: {  	[dreg:$0x3] =	wrdreg s5  }
0xaa: {  	[dreg:$0x4] =	wrdreg $0xC0  }
0xab: {  	_ =	task [dreg:s7], $0x5FFFF  }
0xac: {  	[dreg:$0x1] =	wrdreg $0xFFFFFFFF  }
0xad: {  	[dreg:$0x0] =	wrdreg $0x60  }
0xae: {  	[dreg:$0x2] =	wrdreg s24  }
0xaf: {  	[dreg:$0x3] =	wrdreg s2  }
0xb0: {  	[dreg:$0x4] =	wrdreg $0xFF000  }
0xb1: {  	[dreg:$0x5] =	wrdreg $0x9  }
0xb2: {  	_ =	task.clear_ibuf [dreg:s7], $0x6FFFF;
	_ =	strace $0x90000046  }
0xb3: {  	s29 =	simm.s32 $0x9;
	_ =	strace $0x80000048  }
0xb4: {  	_ =	swait.ge [sflag:s29], $0x1  }
0xb5: {  	[sflag:s29] =	ssyncadd.s32 $0xFFFFFFFF  }
0xb6: {  	_ =	strace $0x90000048  }
0xb7: {  	_ =	sfence  }
0xb8: {  	s30 =	sld [smem:$0x0];
	_ =	sdelay $0x2  }
0xb9: {  	s31 =	sshll.u32 s1, $0xD;
	s1 =	sshrl.u32 s1, $0x2  }
0xba: {  	s3 =	sand.u32 $0x4000, s31;
	s1 =	sadd.s32 s1, s30  }
0xbb: {  	s0 =	sor.u32 s3, s0;
	s1 =	sshll.u32 s1, $0x11  }
0xbc: {  	s0 =	sor.u32 s1, s0  }
0xbd: {  	s0 =	sadd.s32 $0x8F2B, s0  }
0xbe: {  	[sflag:s0] =	ssyncadd.remote.s32 $0x1  }
0xbf: {  	_ =	sfence.sel $0xFFFF  }
0xc0: {  	[dreg:$0x0] =	wrdreg $0xFFFFFFFF;
	(pc) =	sbr.abs _section_cstart, $3  }
0xc1: {  	[dreg:$0x1] =	wrdreg $0xFFFFFFFF  }
0xc2: {  	_ =	task.clear_ibuf [dreg:s7], $0x2FFFF;
	_ =	strace $0x9FFFFFFF  }
0xc3: {  	(tm) =	ssettm $0x7FFFFFFF  }
tec
execute0_lowered:
.L_overlay_start_1:
0x0: {  	(tag) =	ssettag $0x1  }
0x1: {  	s0 =	rddreg [dreg:$0x0]  }
0x2: {  	s9 =	rddreg [dreg:$0x2];
	s3 =	simm.s32 $0x0  }
0x3: {  	s10 =	stileid.u32;
	[smem:$0x7FF] =	sst s3;
	s1 =	sadd.s32 $0x179C00, s0  }
0x4: {  	s14 =	sadd.s32 $0x39800, s0;
	_ =	strace $0x80000047;
	[dreg:$0x4] =	wrdreg s1  }
0x5: {  	s2 =	srdreg.scid;
	s15 =	sadd.s32 $0x56E00, s0;
	[dreg:$0x5] =	wrdreg s14  }
0x6: {  	s11 =	sadd.s32 $0xDBC00, s0;
	s19 =	sadd.s32 $0xB9400, s9;
	[dreg:$0x6] =	wrdreg s15  }
0x7: {  	s16 =	smul.u32 $0xB940, s10;
	s12 =	sadd.s32 $0xD1E00, s0;
	[dreg:$0xd] =	wrdreg s19  }
0x8: {  	s31 =	sadd.s32 $0x2FA00, s0;
	s2 =	sand.u32 $0x1, s2;
	[dreg:$0x9] =	wrdreg s12  }
0x9: {  	s8 =	sadd.s32 $0x1BBE00, s0;
	s5 =	ssub.s32 $0x2, s2;
	[dreg:$0x7] =	wrdreg s11  }
0xa: {  	s6 =	sshll.u32 s2, $0x4;
	s2 =	smul.u32 $0x173180, s2;
	[dreg:$0x8] =	wrdreg s31  }
0xb: {  	s4 =	sshrl.u32 s16, $0x3;
	s6 =	sor.u32 s10, s6;
	s17 =	sadd.s32 s16, s9  }
0xc: {  	s4 =	sadd.s32 s4, s0;
	[dreg:$0xb] =	wrdreg s17;
	s0 =	sadd.s32 $0x1A4880, s0  }
0xd: {  	s25 =	smul.u32 $0x27800, s6;
	s4 =	sadd.s32 $0x18D600, s4;
	[dreg:$0xe] =	wrdreg s0  }
0xe: {  	s7 =	sshrl.u32 s5, $0x1;
	s13 =	smul.u32 $0x2780, s6;
	[dreg:$0xc] =	wrdreg s4  }
0xf: {  	v3 =	vlaneseq.u32;
	s5 =	ssub.s32 s5, s7;
	s23 =	sadd.s32 s16, s2;
	[dreg:$0x12] =	wrdreg s25  }
0x10: {  	v24 =	vmul.u32 $0x98, v3;
	s24 =	sshrl.u32 s2, $0x3;
	s30 =	smax.u32 s5, $0x1;
	[dreg:$0xa] =	wrdreg s13  }
0x11: {  	v1 =	vimm.f32 $0.0e+00;
	s1 =	sadd.s32 s8, s24;
	s26 =	sadd.s32 $0xC0, s13;
	[dreg:$0x18] =	wrdreg s30  }
0x12: {  	v3 =	vmul.u32 $0x18, v3;
	v0 =	vadd.s32 $0x91, v24;
	v2 =	vadd.s32 $0x92, v24;
	s0 =	sshrl.u32 s23, $0x3;
	s28 =	sadd.s32 $0x17280, s1;
	[dreg:$0x13] =	wrdreg s26  }
0x13: {  	v4 =	vadd.s32 $0x93, v24;
	v5 =	vadd.s32 $0x94, v24;
	v6 =	vadd.s32 $0x95, v24;
	s18 =	smul.u32 $0x4F00, s6;
	s0 =	sadd.s32 s8, s0;
	[dreg:$0x15] =	wrdreg s28  }
0x14: {  	v7 =	vadd.s32 $0x96, v24;
	v8 =	vadd.s32 $0x97, v24;
	v9 =	vor.u32 $0x1, v3;
	s29 =	sadd.s32 $0x2E598, s1;
	[dreg:$0x14] =	wrdreg s0  }
0x15: {  	v10 =	vor.u32 $0x2, v3;
	v11 =	vor.u32 $0x3, v3;
	v12 =	vor.u32 $0x4, v3;
	s20 =	sshrl.u32 s13, $0x3;
	s7 =	sadd.s32 s11, s18;
	[dreg:$0x17] =	wrdreg s29  }
0x16: {  	v13 =	vor.u32 $0x5, v3;
	v14 =	vor.u32 $0x6, v3;
	v15 =	vor.u32 $0x7, v3;
	s21 =	sadd.s32 s31, s20;
	[dreg:$0x11] =	wrdreg s7  }
0x17: {  	p0 =	sne.s32 s10, $0xF;
	v16 =	vadd.s32 $0x8, v3;
	v17 =	vadd.s32 $0x9, v3;
	v18 =	vadd.s32 $0xA, v3;
	s22 =	sadd.s32 s12, s20;
	[dreg:$0xf] =	wrdreg s21  }
0x18: {  	v19 =	vadd.s32 $0xB, v3;
	v20 =	vadd.s32 $0xC, v3;
	v21 =	vadd.s32 $0xD, v3;
	s2 =	simm.s32 $0x0;
	s0 =	sadd.s32 $0x17318, s0;
	[dreg:$0x10] =	wrdreg s22  }
0x19: {  	v22 =	vadd.s32 $0xE, v3;
	v23 =	vadd.s32 $0xF, v3;
	v24 =	vadd.s32 $0x90, v24;
	s26 =	simm.s32 $0x8A00;
	[dreg:$0x16] =	wrdreg s0;
	s22 =	simm.s32 $0xFD80  }
.LBB2_1:
0x1a: {  	s0 =	simm.s32 $0x0;
	s1 =	sand.u32 $0x30, s3  }
0x1b: {  	v25 =	vmov s0;
	v26 =	vmov s1  }
0x1c: {  	v25 =	vmul.u32 $0x2600, v25;
	v26 =	vmul.u32 $0x98, v26;
	_ =	sdelay $0x1  }
0x1d: {  	v25 =	vadd.s32 v25, v26  }
0x1e: {  	v28 =	vbroadcast v25, $0x0;
	_ =	sdelay $0x1  }
0x1f: {  	s30 =	simm.s32 $0x10;
	v27 =	vadd.s32 v0, v28  }
0x20: {  	s31 =	simm.s32 $0x0;
	s0 =	sand.u32 $0x30, s30;
	v31 =	vadd.s32 v2, v28  }
0x21: {  	v26 =	vmov s0;
	v25 =	vmov s31  }
0x22: {  	v30 =	vmul.u32 $0x98, v26;
	v25 =	vmul.u32 $0x2600, v25;
	v29 =	vadd.s32 v4, v28  }
0x23: {  	v26 =	vadd.s32 v5, v28  }
0x24: {  	v30 =	vadd.s32 v25, v30;
	v25 =	vadd.s32 v6, v28;
	[tilespmem:v27+s26+$0x0] =	vst.idx.msk $0xffff, v1  }
0x25: {  	[dreg:$0x19] =	wrdreg s2;
	s1 =	simm.s32 $0x2;
	s0 =	simm.s32 $0x20;
	v30 =	vbroadcast v30, $0x0;
	v27 =	vadd.s32 v7, v28;
	v28 =	vadd.s32 v8, v28;
	[tilespmem:v31+s26+$0x0] =	vst.idx.msk $0xffff, v1  }
.LBB2_2:
0x26: {  	s5 =	smov.u32 s1  }
0x27: {  	s2 =	sshrl.u32 s1, $0x2;
	s4 =	sand.u32 $0x30, s0;
	v31 =	vadd.s32 v0, v30;
	[tilespmem:v29+s26+$0x0] =	vst.idx.msk $0xffff, v1;
	v32 =	vmov v30;
	s5 =	sadd.s32 $0x1, s1  }
0x28: {  	p1 =	sne.s32 s1, $0x7;
	v29 =	vmov s2;
	v30 =	vmov s4;
	v33 =	vadd.s32 v2, v32;
	[tilespmem:v26+s26+$0x0] =	vst.idx.msk $0xffff, v1  }
.Ltmp0:
0x29: {  	v34 =	vmul.u32 $0x2600, v29;
	v30 =	vmul.u32 $0x98, v30;
	v29 =	vadd.s32 v4, v32;
	[tilespmem:v25+s26+$0x0] =	vst.idx.msk $0xffff, v1;
	(pc) =	sbr.rel @p1 .LBB2_2-.Ltmp0, $4  }
0x2a: {  	v26 =	vadd.s32 v5, v32;
	[tilespmem:v27+s26+$0x0] =	vst.idx.msk $0xffff, v1  }
0x2b: {  	v25 =	vadd.s32 v6, v32;
	v27 =	vadd.s32 v34, v30;
	[tilespmem:v28+s26+$0x0] =	vst.idx.msk $0xffff, v1  }
0x2c: {  	v30 =	vbroadcast v27, $0x0;
	v27 =	vadd.s32 v7, v32;
	[tilespmem:v31+s26+$0x0] =	vst.idx.msk $0xffff, v1  }
0x2d: {  	s0 =	sadd.s32 $0x10, s0;
	s1 =	smov.u32 s5;
	v28 =	vadd.s32 v8, v32;
	[tilespmem:v33+s26+$0x0] =	vst.idx.msk $0xffff, v1  }
0x2e: {  	_ =	sdelay $0x3  }
0x2f: {  	v31 =	vadd.s32 v0, v30;
	[tilespmem:v29+s26+$0x0] =	vst.idx.msk $0xffff, v1  }
0x30: {  	v61 =	vadd.s32 v2, v30;
	[tilespmem:v26+s26+$0x0] =	vst.idx.msk $0xffff, v1  }
0x31: {  	v26 =	vadd.s32 v4, v30;
	[tilespmem:v25+s26+$0x0] =	vst.idx.msk $0xffff, v1  }
0x32: {  	v25 =	vadd.s32 v5, v30;
	[tilespmem:v27+s26+$0x0] =	vst.idx.msk $0xffff, v1  }
0x33: {  	v27 =	vadd.s32 v6, v30;
	[tilespmem:v28+s26+$0x0] =	vst.idx.msk $0xffff, v1  }
0x34: {  	v62 =	vadd.s32 v7, v30;
	[tilespmem:v31+s26+$0x0] =	vst.idx.msk $0xffff, v1  }
0x35: {  	v63 =	vadd.s32 v8, v30;
	[tilespmem:v61+s26+$0x0] =	vst.idx.msk $0xffff, v1  }
0x36: {  	[tilespmem:v26+s26+$0x0] =	vst.idx.msk $0xffff, v1  }
0x37: {  	[tilespmem:v25+s26+$0x0] =	vst.idx.msk $0xffff, v1  }
0x38: {  	s0 =	stileid.u32;
	s13 =	rddreg [dreg:$0xb];
	[tilespmem:v27+s26+$0x0] =	vst.idx.msk $0xffff, v1  }
0x39: {  	s14 =	rddreg [dreg:$0xc];
	s0 =	sshll.u32 s0, $0x6;
	s1 =	sshrl.u32 s13, $0x3;
	[tilespmem:v62+s26+$0x0] =	vst.idx.msk $0xffff, v1  }
0x3a: {  	s15 =	simm.s32 $0x8;
	s2 =	sor.u32 $0x1C08, s0;
	[dreg:$0x1b] =	wrdreg s1;
	[tilespmem:v63+s26+$0x0] =	vst.idx.msk $0xffff, v1  }
0x3b: {  	[spmem:s1], [sflag:s2] =	dma.local [hbm:s14], $0x1728  }
0x3c: {  	_ =	swait.ge [sflag:s15], $0x1728;
	[dreg:$0x1a] =	wrdreg s2  }
0x3d: {  	s0 =	rddreg [dreg:$0xd]  }
0x3e: {  	[sflag:s15] =	ssyncset.done $0x0;
	s4 =	sshrl.u32 @!p0 s0, $0x3;
	s0 =	rddreg [dreg:$0xe]  }
0x3f: {  	[sflag:s15] =	ssyncadd.s32 $0xFFFFE8D8;
	[dreg:$0x1c] =	wrdreg s4  }
0x40: {  	[spmem:s4], [sflag:s2] =	dma.local @!p0 [hbm:s0], $0x98  }
0x41: {  	s0 =	simm.s32 @!p0 $0x8  }
0x42: {  	_ =	swait.ge @!p0 [sflag:s0], $0x98  }
0x43: {  	[sflag:s0] =	ssyncset.done @!p0 $0x0  }
0x44: {  	[sflag:s0] =	ssyncadd.s32 @!p0 $0xFFFFFF68  }
0x45: {  	[bflag:$0x0] =	sbarrier.arrive $0xFFFF  }
0x46: {  	s29 =	simm.s32 $0x0;
	s16 =	rddreg [dreg:$0xf]  }
0x47: {  	[tilespmem:s29], [sflag:$0x8] =	stream.linear.gather [hbm4b:s16+s29], $0xC0, $0x38;
	[tilespmem:$0x1B890] =	vst v63  }
0x48: {  	_ =	swait.ge [sflag:s15], $0xC0  }
0x49: {  	[sflag:s15] =	ssyncset.done $0x0  }
0x4a: {  	s18 =	simm.s32 $0xC0;
	s17 =	rddreg [dreg:$0x10];
	[sflag:s15] =	ssyncadd.s32 $0xFFFFFF40  }
0x4b: {  	[tilespmem:s18], [sflag:$0x8] =	stream.linear.gather [hbm4b:s17+s29], $0xC0, $0x38;
	[tilespmem:$0x1B890] =	vst v63  }
0x4c: {  	_ =	swait.ge [sflag:s15], $0xC0  }
0x4d: {  	s20 =	simm.s32 $0x40;
	[sflag:s15] =	ssyncset.done $0x0  }
0x4e: {  	s21 =	simm.s32 $0x4A00;
	s19 =	rddreg [dreg:$0x6];
	[sflag:s15] =	ssyncadd.s32 $0xFFFFFF40  }
0x4f: {  	[tilespmem:s21], [sflag:$0x3] =	stream.indirect.gather [hbm4b:s19+s20], $0x80, s29, s20, $0xb8;
	[tilespmem:$0x1B890] =	vst v63  }
0x50: {  	s24 =	simm.s32 $0x200;
	s23 =	rddreg [dreg:$0x4]  }
0x51: {  	[tilespmem:s24], [sflag:$0x1] =	stream.indirect.gather [hbm4b:s23+s20], $0x40, s18, s20, $0xb8;
	[tilespmem:$0x1B890] =	vst v63  }
0x52: {  	s28 =	simm.s32 $0x2200;
	s31 =	simm.s32 $0x2A00;
	s25 =	rddreg [dreg:$0x5]  }
0x53: {  	[tilespmem:s28], [sflag:$0x1] =	stream.indirect.gather [hbm4b:s25+s20], $0x10, s18, s20, $0xb8;
	[tilespmem:$0x1B890] =	vst v63  }
0x54: {  	s1 =	simm.s32 $0x0;
	s0 =	simm.s32 $0x8A80;
	s30 =	rddreg [dreg:$0x1]  }
0x55: {  	[tilespmem:s31], [sflag:$0x2] =	stream.indirect.gather [hbm4b:s30+s20], $0x40, s29, s20, $0xb8;
	[tilespmem:$0x1B890] =	vst v63  }
.LBB2_4:
0x56: {  	p1 =	sne.s32 s1, $0x7E  }
.Ltmp1:
0x57: {  	_ = 	snop;
	(pc) =	sbr.rel @p1 .LBB2_4-.Ltmp1, $4  }
0x58: {  	_ = 	snop  }
0x59: {  	s2 =	sadd.s32 s1, s7  }
0x5a: {  	[tilespmem:s0], [sflag:$0x4] =	stream.linear.gather [hbm4b:s2+s29], $0x10, $0x38;
	[tilespmem:$0x1B890] =	vst v63  }
0x5b: {  	s1 =	sadd.s32 $0x2, s1;
	s0 =	sadd.s32 $0x98, s0  }
0x5c: {  	p1 =	por $0x1, $0x1;
	p2 =	por $0x0, $0x0  }
.LBB2_6:
0x5d: {  	s0 =	simm.s32 $0x3  }
0x5e: {  	_ =	swait.ge [sflag:s0], $0x2000  }
0x5f: {  	[sflag:s0] =	ssyncset.done $0x0  }
0x60: {  	s28 =	simm.s32 $0x1;
	[sflag:s0] =	ssyncadd.s32 $0xFFFFE000  }
0x61: {  	_ =	swait.ge [sflag:s28], $0x1000  }
0x62: {  	[sflag:s28] =	ssyncset.done $0x0  }
0x63: {  	[sflag:s28] =	ssyncadd.s32 $0xFFFFF000  }
0x64: {  	_ =	swait.ge [sflag:s28], $0x400  }
0x65: {  	[sflag:s28] =	ssyncset.done $0x0  }
0x66: {  	s30 =	simm.s32 $0x2;
	[sflag:s28] =	ssyncadd.s32 $0xFFFFFC00  }
0x67: {  	_ =	swait.ge [sflag:s30], $0x1000  }
0x68: {  	[sflag:s30] =	ssyncset.done $0x0  }
0x69: {  	s31 =	simm.s32 $0x4;
	[sflag:s30] =	ssyncadd.s32 $0xFFFFF000  }
0x6a: {  	p3 =	slt.u32 s29, $0x2;
	_ =	swait.ge [sflag:s31], $0x400  }
.Ltmp2:
0x6b: {  	[sflag:s31] =	ssyncset.done $0x0;
	(pc) =	sbr.rel @p3 .LBB2_9-.Ltmp2, $4  }
0x6c: {  	s0 =	simm.s32 @!p3 $0x5;
	[sflag:s31] =	ssyncadd.s32 $0xFFFFFC00  }
0x6d: {  	_ =	swait.ge @!p3 [sflag:s0], $0x2600  }
0x6e: {  	[sflag:s0] =	ssyncset.done @!p3 $0x0  }
0x6f: {  	s12 =	sadd.s32 $0x1, s29;
	[sflag:s0] =	ssyncadd.s32 @!p3 $0xFFFFDA00  }
0x70: {  	p3 =	seq.s32 s29, $0x9D  }
.Ltmp3:
0x71: {  	_ = 	snop;
	(pc) =	sbr.rel @p3 .LBB2_12-.Ltmp3, $1  }
0x72: {  	_ =	sdelay $0x3  }
0x73: {  	s0 =	simm.s32 $0x6  }
0x74: {  	_ =	swait.ge [sflag:s0], $0x40  }
0x75: {  	[sflag:s0] =	ssyncset.done $0x0  }
0x76: {  	s31 =	simm.s32 $0x7;
	[sflag:s0] =	ssyncadd.s32 $0xFFFFFFC0  }
0x77: {  	_ =	swait.ge [sflag:s31], $0x40  }
0x78: {  	[sflag:s31] =	ssyncset.done $0x0  }
0x79: {  	[sflag:s31] =	ssyncadd.s32 $0xFFFFFFC0  }
.LBB2_9:
0x7a: {  	s0 =	sand.u32 $0xFF, s12  }
0x7b: {  	s0 =	smul.u32 $0xAB, s0;
	_ =	sdelay $0x1  }
0x7c: {  	s5 =	rddreg [dreg:$0x6];
	s0 =	sshrl.u32 s0, $0x9  }
0x7d: {  	s6 =	rddreg [dreg:$0x4];
	s0 =	smul.u32 $0x3, s0  }
0x7e: {  	s1 =	sand.u32 $0x1, s12;
	s7 =	simm.s32 $0x40;
	s21 =	rddreg [dreg:$0x5]  }
0x7f: {  	s24 =	rddreg [dreg:$0x1];
	s28 =	sshll.u32 s12, $0xA;
	s0 =	ssub.s32 s12, s0  }
0x80: {  	s2 =	sshll.u32 s1, $0xD;
	s1 =	sshll.u32 s1, $0xA;
	s0 =	sand.u32 $0xFF, s0  }
0x81: {  	s4 =	sor.u32 $0x4A00, s2;
	s2 =	sshrl.u32 s2, $0x1;
	s0 =	sshll.u32 s0, $0x6  }
0x82: {  	[tilespmem:s4], [sflag:$0x3] =	stream.indirect.gather [hbm4b:s5+s7], $0x80, s0, s7, $0xb8;
	[tilespmem:$0x1B890] =	vst v63  }
0x83: {  	s19 =	sor.u32 $0x200, s2;
	s20 =	sadd.s32 $0xC0, s0;
	s4 =	simm.s32 $0x1  }
0x84: {  	[tilespmem:s19], [sflag:$0x1] =	stream.indirect.gather [hbm4b:s6+s7], $0x40, s20, s7, $0xb8;
	[tilespmem:$0x1B890] =	vst v63  }
0x85: {  	s30 =	rddreg [dreg:$0x12];
	s1 =	sor.u32 $0x2200, s1;
	s4 =	simm.s32 @!p1 $0x0  }
0x86: {  	[tilespmem:s1], [sflag:$0x1] =	stream.indirect.gather [hbm4b:s21+s7], $0x10, s20, s7, $0xb8;
	[tilespmem:$0x1B890] =	vst v63  }
0x87: {  	s23 =	sor.u32 $0x2A00, s2;
	s25 =	smul.u32 $0x9800, s4;
	s1 =	sadd.s32 s30, s28  }
0x88: {  	[tilespmem:s23], [sflag:$0x2] =	stream.indirect.gather [hbm4b:s24+s7], $0x40, s0, s7, $0xb8;
	[tilespmem:$0x1B890] =	vst v63  }
0x89: {  	s31 =	rddreg [dreg:$0x7];
	s1 =	sshrl.u32 s1, $0x3;
	s0 =	sshrl.u32 s25, $0x2  }
0x8a: {  	s1 =	sadd.s32 s31, s1;
	s0 =	sadd.s32 $0x8A80, s0  }
0x8b: {  	s2 =	simm.s32 $0x2;
	s5 =	sadd.s32 $0x0, s1;
	s4 =	sadd.s32 $0x98, s0  }
.LBB2_10:
0x8c: {  	[tilespmem:s0], [sflag:$0x4] =	stream.linear.gather [hbm4b:s5+s3], $0x10, $0x38;
	[tilespmem:$0x1B890] =	vst v63  }
0x8d: {  	s5 =	smov.u32 s2;
	s0 =	smov.u32 s4;
	p3 =	sne.s32 s2, $0x7E  }
.Ltmp4:
0x8e: {  	s2 =	sadd.s32 $0x2, s2;
	(pc) =	sbr.rel @p3 .LBB2_10-.Ltmp4, $2  }
0x8f: {  	_ =	sdelay $0x2  }
0x90: {  	s4 =	sadd.s32 $0x98, s4;
	s5 =	sadd.s32 s5, s1  }
0x91: {  	[tilespmem:s0], [sflag:$0x4] =	stream.linear.gather [hbm4b:s5+s3], $0x10, $0x38;
	[tilespmem:$0x1B890] =	vst v63  }
.LBB2_12:
0x92: {  	s0 =	simm.s32 $0x1;
	s1 =	smulhi.u32 $0xAAAAAAAB, s29  }
0x93: {  	s16 =	sand.u32 $0x1, s29;
	s21 =	sshll.u32 s29, $0x6;
	s25 =	rddreg [dreg:$0xa]  }
0x94: {  	s0 =	simm.s32 @!p2 $0x0;
	s20 =	smul.u32 $0x9800, s16;
	s5 =	sadd.s32 $0xD600, s21  }
0x95: {  	s6 =	sadd.s32 s25, s21;
	s2 =	sshll.u32 s0, $0xD;
	s4 =	smul.u32 $0x9800, s0  }
0x96: {  	s0 =	sshll.u32 s0, $0xC;
	s1 =	sshrl.u32 s1, $0x1;
	s30 =	sor.u32 $0x4A80, s2  }
0x97: {  	s15 =	sshrl.u32 s0, $0x2;
	s1 =	smul.u32 $0x3, s1;
	s28 =	sor.u32 $0x240, s0  }
0x98: {  	s2 =	sshll.u32 s16, $0x6;
	s24 =	sshrl.u32 s20, $0x2;
	s14 =	sshrl.u32 s4, $0x2  }
0x99: {  	s23 =	sor.u32 $0x2210, s15;
	s15 =	sor.u32 $0x2A40, s0;
	s1 =	ssub.s32 s29, s1  }
0x9a: {  	v25 =	vmov s16;
	s2 =	sor.u32 $0x180, s2;
	s31 =	sadd.s32 $0x8A00, s24;
	s19 =	sshll.u32 s1, $0x6  }
0x9b: {  	v25 =	vmul.u32 $0x2600, v25;
	s24 =	simm.s32 $0x0;
	[dreg:$0x1e] =	wrdreg s31;
	s0 =	sadd.s32 $0xC0, s19  }
0x9c: {  	v27 =	vmov s5;
	s18 =	sadd.s32 $0x8A98, s14;
	s17 =	sadd.s32 $0x8B18, s14;
	[dreg:$0x1d] =	wrdreg s2;
	v28 =	vmov s2;
	v26 =	vmov s0  }
.LBB2_13:
0x9d: {  	v29 =	vld [tilespmem:s28+$0xFFFFFFC0]  }
0x9e: {  	v30 =	vld [tilespmem:s15+$0xFFFFFFC0]  }
0x9f: {  	v31 =	vld [tilespmem:s28+$0xFFFFFFD0]  }
0xa0: {  	v32 =	vld [tilespmem:s15+$0xFFFFFFD0]  }
0xa1: {  	v33 =	vld [tilespmem:s28+$0xFFFFFFE0]  }
0xa2: {  	v34 =	vld [tilespmem:s15+$0xFFFFFFE0]  }
0xa3: {  	v35 =	vld [tilespmem:s28+$0xFFFFFFF0];
	v29 =	vmul.bf16 v30, v29  }
0xa4: {  	v30 =	vld [tilespmem:s15+$0xFFFFFFF0]  }
0xa5: {  	v31 =	vmul.bf16 v32, v31;
	v48 =	vunpack.i.l.bf16.f32 v29  }
0xa6: {  	v36 =	vld [tilespmem:s23+$0xFFFFFFF0];
	v32 =	vadd.f32 $0.0e+00, v48  }
0xa7: {  	v37 =	vld [tilespmem:s17+$0xFFFFFF68];
	s7 =	sadd.s32 $0x80, s28;
	v33 =	vmul.bf16 v34, v33;
	v38 =	vunpack.i.u.bf16.f32 v29;
	v49 =	vunpack.i.l.bf16.f32 v31  }
0xa8: {  	v39 =	vld [tilespmem:s7+$0xFFFFFFF0];
	v38 =	vadd.f32 $0.0e+00, v38;
	v32 =	vadd.f32 v49, v32  }
0xa9: {  	s8 =	sadd.s32 $0x80, s15;
	v53 =	vld [tilespmem:s7+$0xFFFFFFC0];
	v50 =	vunpack.i.u.bf16.f32 v31;
	v35 =	vmul.bf16 v30, v35;
	v30 =	vunpack.i.l.bf16.f32 v33  }
0xaa: {  	v54 =	vld [tilespmem:s8+$0xFFFFFFC0];
	v34 =	vadd.f32 v50, v38;
	v32 =	vadd.f32 v30, v32  }
0xab: {  	v55 =	vld [tilespmem:s7+$0xFFFFFFD0];
	v33 =	vunpack.i.u.bf16.f32 v33;
	v51 =	vunpack.i.l.bf16.f32 v35  }
0xac: {  	v56 =	vld [tilespmem:s8+$0xFFFFFFD0];
	v52 =	vmul.f32 v37, v36;
	v33 =	vadd.f32 v33, v34;
	v32 =	vadd.f32 v51, v32  }
0xad: {  	v57 =	vld [tilespmem:s7+$0xFFFFFFE0];
	v35 =	vunpack.i.u.bf16.f32 v35  }
0xae: {  	v40 =	vld [tilespmem:s8+$0xFFFFFFE0];
	v33 =	vadd.f32 v35, v33;
	v32 =	vadd.f32 v52, v32  }
0xaf: {  	s25 =	sshll.u32 s24, $0x4;
	v59 =	vld [tilespmem:s8+$0xFFFFFFF0]  }
0xb0: {  	s0 =	sadd.s32 $0x20, s23;
	v29 =	vld.idx.msk [tilespmem:v26+s25+$0x0 ss:$0x1], $0xffff;
	v32 =	vadd.f32 v32, v33  }
0xb1: {  	s2 =	sadd.s32 $0x130, s17;
	s9 =	simm.s32 $0xFD98;
	v31 =	vld [tilespmem:s0+$0xFFFFFFF0]  }
0xb2: {  	v58 =	vmul.bf16 v54, v53;
	v30 =	vld [tilespmem:s2+$0xFFFFFF68];
	[tilespmem:s9+$0xFFFFFFE8] =	vst v32  }
0xb3: {  	v32 =	vld [tilespmem:s28+$0x0]  }
0xb4: {  	v37 =	vunpack.i.u.bf16.f32 v58;
	v34 =	vmul.bf16 v56, v55;
	v41 =	vld [tilespmem:s15+$0x0]  }
0xb5: {  	v60 =	vunpack.i.l.bf16.f32 v58;
	v37 =	vadd.f32 $0.0e+00, v37;
	v33 =	vld [tilespmem:s28+$0x10]  }
0xb6: {  	v42 =	vadd.f32 $0.0e+00, v60;
	v38 =	vmul.bf16 v40, v57;
	v43 =	vunpack.i.u.bf16.f32 v34;
	v35 =	vld [tilespmem:s15+$0x10]  }
0xb7: {  	v61 =	vunpack.i.l.bf16.f32 v34;
	v37 =	vadd.f32 v43, v37;
	v34 =	vld [tilespmem:s28+$0x20]  }
0xb8: {  	s16 =	simm.s32 $0x2;
	v63 =	vmul.bf16 v59, v39;
	v62 =	vunpack.i.u.bf16.f32 v38;
	v40 =	vadd.f32 v61, v42;
	v36 =	vld [tilespmem:s15+$0x20]  }
0xb9: {  	s14 =	smov.u32 s23;
	s10 =	smov.u32 s17;
	s4 =	simm.s32 $0xFD98;
	v44 =	vunpack.i.l.bf16.f32 v38;
	v39 =	vadd.f32 v62, v37;
	v37 =	vld [tilespmem:s15+$0x30];
	v38 =	vmul.bf16 v41, v32  }
0xba: {  	s5 =	sadd.s32 $0x20, s0;
	s13 =	smov.u32 s7;
	s11 =	smov.u32 s8;
	v42 =	vunpack.i.l.bf16.f32 v63;
	v40 =	vadd.f32 v44, v40;
	v32 =	vld [tilespmem:s28+$0x30];
	v41 =	vunpack.i.u.bf16.f32 v63  }
.LBB2_14:
0xbb: {  	v43 =	vld [tilespmem:s5+$0xFFFFFFF0];
	v39 =	vadd.f32 v41, v39;
	v41 =	vunpack.i.l.bf16.f32 v38;
	v33 =	vmul.bf16 v35, v33  }
0xbc: {  	v35 =	vadd.f32 v42, v40;
	v40 =	vadd.f32 $0.0e+00, v41;
	v41 =	vld [tilespmem:s14+$0x0];
	s14 =	smov.u32 s0;
	s0 =	smov.u32 s5  }
0xbd: {  	v38 =	vunpack.i.u.bf16.f32 v38;
	v42 =	vunpack.i.l.bf16.f32 v33;
	v34 =	vmul.bf16 v36, v34;
	v36 =	vld [tilespmem:s10+$0x0];
	s10 =	smov.u32 s2;
	s2 =	sadd.s32 $0x130, s2  }
0xbe: {  	v44 =	vmul.f32 v30, v31;
	s7 =	sadd.s32 $0x80, s7;
	v45 =	vadd.f32 $0.0e+00, v38;
	v30 =	vld [tilespmem:s2+$0xFFFFFF68];
	v38 =	vadd.f32 v42, v40  }
0xbf: {  	v33 =	vunpack.i.u.bf16.f32 v33;
	v40 =	vld [tilespmem:s7+$0xFFFFFFF0];
	v42 =	vunpack.i.l.bf16.f32 v34;
	v32 =	vmul.bf16 v37, v32  }
0xc0: {  	s8 =	sadd.s32 $0x80, s8;
	v33 =	vadd.f32 v33, v45;
	v37 =	vld [tilespmem:s7+$0xFFFFFFC0];
	v38 =	vadd.f32 v42, v38;
	v31 =	vmov v43  }
0xc1: {  	v35 =	vadd.f32 v44, v35;
	v34 =	vunpack.i.u.bf16.f32 v34;
	v42 =	vld [tilespmem:s8+$0xFFFFFFC0];
	v43 =	vunpack.i.l.bf16.f32 v32  }
0xc2: {  	v33 =	vadd.f32 v34, v33;
	v44 =	vld [tilespmem:s7+$0xFFFFFFD0];
	v34 =	vadd.f32 v43, v38;
	v36 =	vmul.f32 v36, v41  }
0xc3: {  	v35 =	vadd.f32 v35, v39;
	v32 =	vunpack.i.u.bf16.f32 v32;
	v38 =	vld [tilespmem:s8+$0xFFFFFFD0]  }
0xc4: {  	v32 =	vadd.f32 v32, v33;
	v39 =	vld [tilespmem:s7+$0xFFFFFFE0];
	v33 =	vadd.f32 v36, v34  }
0xc5: {  	s9 =	sadd.s32 $0x30, s9;
	v34 =	vld [tilespmem:s8+$0xFFFFFFE0]  }
0xc6: {  	v36 =	vmul.bf16 v42, v37;
	v37 =	vld [tilespmem:s8+$0xFFFFFFF0];
	[tilespmem:s9+$0xFFFFFFE8] =	vst v35;
	v32 =	vadd.f32 v33, v32  }
0xc7: {  	s16 =	sadd.s32 $0x2, s16;
	v41 =	vld [tilespmem:s13+$0x0]  }
0xc8: {  	p3 =	slt.u32 s16, $0xE;
	v33 =	vunpack.i.u.bf16.f32 v36;
	v38 =	vmul.bf16 v38, v44;
	v42 =	vld [tilespmem:s11+$0x0];
	[tilespmem:s4+$0x0] =	vst v32;
	s4 =	smov.u32 s9  }
0xc9: {  	v32 =	vunpack.i.l.bf16.f32 v36;
	v36 =	vadd.f32 $0.0e+00, v33;
	v33 =	vld [tilespmem:s13+$0x10]  }
.Ltmp5:
0xca: {  	v32 =	vadd.f32 $0.0e+00, v32;
	v43 =	vunpack.i.u.bf16.f32 v38;
	v39 =	vmul.bf16 v34, v39;
	v35 =	vld [tilespmem:s11+$0x10];
	(pc) =	sbr.rel @p3 .LBB2_14-.Ltmp5, $4  }
0xcb: {  	v38 =	vunpack.i.l.bf16.f32 v38;
	v43 =	vadd.f32 v43, v36;
	v34 =	vld [tilespmem:s13+$0x20]  }
0xcc: {  	v44 =	vadd.f32 v38, v32;
	v37 =	vmul.bf16 v37, v40;
	v32 =	vunpack.i.u.bf16.f32 v39;
	v36 =	vld [tilespmem:s11+$0x20]  }
0xcd: {  	v40 =	vunpack.i.l.bf16.f32 v39;
	v39 =	vadd.f32 v32, v43;
	v38 =	vmul.bf16 v42, v41;
	v32 =	vld [tilespmem:s13+$0x30];
	s13 =	smov.u32 s7  }
0xce: {  	s5 =	sadd.s32 $0x20, s5;
	v40 =	vadd.f32 v40, v44;
	v41 =	vunpack.i.u.bf16.f32 v37;
	v42 =	vunpack.i.l.bf16.f32 v37;
	v37 =	vld [tilespmem:s11+$0x30];
	s11 =	smov.u32 s8  }
0xcf: {  	_ = 	snop  }
0xd0: {  	v30 =	vmul.f32 v30, v31;
	v40 =	vadd.f32 v42, v40;
	_ =	sdelay $0x1  }
0xd1: {  	v31 =	vadd.f32 v41, v39;
	v30 =	vadd.f32 v30, v40;
	_ =	sdelay $0x1  }
0xd2: {  	v30 =	vadd.f32 v30, v31  }
0xd3: {  	s5 =	sadd.s32 $0x30, s9  }
0xd4: {  	v43 =	vld [tilespmem:s10+$0x0];
	[tilespmem:s5+$0xFFFFFFE8] =	vst v30  }
0xd5: {  	v30 =	vld [tilespmem:s13+$0x0]  }
0xd6: {  	v59 =	vld [tilespmem:s11+$0x0]  }
0xd7: {  	v60 =	vunpack.i.l.bf16.f32 v38;
	v33 =	vmul.bf16 v35, v33;
	v62 =	vunpack.i.u.bf16.f32 v38;
	v61 =	vld [tilespmem:s13+$0x10]  }
0xd8: {  	v46 =	vadd.f32 $0.0e+00, v62;
	v40 =	vadd.f32 $0.0e+00, v60;
	v63 =	vld [tilespmem:s11+$0x10]  }
0xd9: {  	v45 =	vunpack.i.l.bf16.f32 v33;
	v34 =	vmul.bf16 v36, v34;
	v33 =	vunpack.i.u.bf16.f32 v33;
	v47 =	vld [tilespmem:s13+$0x20]  }
0xda: {  	v33 =	vadd.f32 v33, v46;
	v32 =	vmul.bf16 v37, v32;
	v40 =	vadd.f32 v45, v40;
	v48 =	vld [tilespmem:s11+$0x20]  }
0xdb: {  	v49 =	vunpack.i.l.bf16.f32 v34;
	v34 =	vunpack.i.u.bf16.f32 v34;
	v50 =	vld [tilespmem:s13+$0x30];
	v30 =	vmul.bf16 v59, v30  }
0xdc: {  	v33 =	vadd.f32 v34, v33;
	v51 =	vadd.f32 v49, v40;
	v53 =	vld [tilespmem:s11+$0x30]  }
0xdd: {  	v31 =	vld [tilespmem:s14+$0x0];
	v52 =	vunpack.i.l.bf16.f32 v32;
	v35 =	vmul.bf16 v63, v61;
	v54 =	vunpack.i.l.bf16.f32 v30  }
0xde: {  	v55 =	vld [tilespmem:s0+$0x0];
	v39 =	vadd.f32 v52, v51;
	v34 =	vadd.f32 $0.0e+00, v54  }
0xdf: {  	v56 =	vld [tilespmem:s2+$0x0];
	v37 =	vmul.bf16 v48, v47;
	v30 =	vunpack.i.u.bf16.f32 v30;
	v41 =	vunpack.i.l.bf16.f32 v35  }
0xe0: {  	v30 =	vadd.f32 $0.0e+00, v30;
	v34 =	vadd.f32 v41, v34  }
0xe1: {  	v36 =	vmul.bf16 v53, v50;
	v35 =	vunpack.i.u.bf16.f32 v35;
	v57 =	vunpack.i.l.bf16.f32 v37  }
0xe2: {  	v32 =	vunpack.i.u.bf16.f32 v32;
	v30 =	vadd.f32 v35, v30;
	v34 =	vadd.f32 v57, v34  }
0xe3: {  	v31 =	vmul.f32 v43, v31;
	v58 =	vunpack.i.u.bf16.f32 v37;
	v59 =	vunpack.i.l.bf16.f32 v36  }
0xe4: {  	v60 =	vmul.f32 v56, v55;
	v30 =	vadd.f32 v58, v30;
	v34 =	vadd.f32 v59, v34  }
0xe5: {  	v32 =	vadd.f32 v32, v33;
	v31 =	vadd.f32 v31, v39;
	v61 =	vunpack.i.u.bf16.f32 v36  }
0xe6: {  	v30 =	vadd.f32 v61, v30;
	v62 =	vadd.f32 v60, v34  }
0xe7: {  	v31 =	vadd.f32 v31, v32  }
0xe8: {  	v30 =	vadd.f32 v62, v30  }
0xe9: {  	[tilespmem:s4+$0x0] =	vst v31  }
0xea: {  	[tilespmem:s5+$0x0] =	vst v30  }
0xeb: {  	v30 =	vld.idx.msk [tilespmem:v3+s22+$0x0], $0xffff  }
0xec: {  	v31 =	vld.idx.msk [tilespmem:v9+s22+$0x0], $0xffff  }
0xed: {  	v63 =	vld.idx.msk [tilespmem:v10+s22+$0x0], $0xffff  }
0xee: {  	v40 =	vld.idx.msk [tilespmem:v11+s22+$0x0], $0xffff  }
0xef: {  	v41 =	vld.idx.msk [tilespmem:v12+s22+$0x0], $0xffff  }
0xf0: {  	v42 =	vld.idx.msk [tilespmem:v13+s22+$0x0], $0xffff  }
0xf1: {  	v43 =	vld.idx.msk [tilespmem:v14+s22+$0x0], $0xffff;
	v30 =	vadd.f32 $0.0e+00, v30;
	v31 =	vadd.f32 $0.0e+00, v31  }
0xf2: {  	v44 =	vld.idx.msk [tilespmem:v15+s22+$0x0], $0xffff  }
0xf3: {  	v45 =	vld.idx.msk [tilespmem:v16+s22+$0x0], $0xffff;
	v30 =	vadd.f32 v63, v30;
	v31 =	vadd.f32 v40, v31  }
0xf4: {  	v46 =	vld.idx.msk [tilespmem:v17+s22+$0x0], $0xffff  }
0xf5: {  	v47 =	vld.idx.msk [tilespmem:v18+s22+$0x0], $0xffff;
	v30 =	vadd.f32 v41, v30;
	v31 =	vadd.f32 v42, v31  }
0xf6: {  	v48 =	vld.idx.msk [tilespmem:v19+s22+$0x0], $0xffff  }
0xf7: {  	v49 =	vld.idx.msk [tilespmem:v20+s22+$0x0], $0xffff;
	v30 =	vadd.f32 v43, v30;
	v31 =	vadd.f32 v44, v31  }
0xf8: {  	v50 =	vld.idx.msk [tilespmem:v21+s22+$0x0], $0xffff  }
0xf9: {  	v51 =	vld.idx.msk [tilespmem:v22+s22+$0x0], $0xffff;
	v30 =	vadd.f32 v45, v30;
	v31 =	vadd.f32 v46, v31  }
0xfa: {  	v52 =	vld.idx.msk [tilespmem:v23+s22+$0x0], $0xffff  }
0xfb: {  	v30 =	vadd.f32 v47, v30;
	v31 =	vadd.f32 v48, v31;
	_ =	sdelay $0x1  }
0xfc: {  	v30 =	vadd.f32 v49, v30;
	v31 =	vadd.f32 v50, v31;
	_ =	sdelay $0x1  }
0xfd: {  	v30 =	vadd.f32 v51, v30;
	v31 =	vadd.f32 v52, v31;
	_ =	sdelay $0x1  }
0xfe: {  	v30 =	vadd.f32 v31, v30;
	_ =	sdelay $0x1  }
0xff: {  	v30 =	vmul.f32 $8.838834610e-02, v30;
	_ =	sdelay $0x1  }
0x100: {  	v30 =	vmul.f32 $1.442695020e+00, v30;
	_ =	sdelay $0x1  }
0x101: {  	(erf) = vpow2.f32 v30;
	_ =	sdelay $0x7  }
0x102: {  	s8 =	sor.u32 s6, s25  }
0x103: {  	p3 =	slt.u32 s8, $0x4E200;
	v30 =	vpop (erf)  }
0x104: {  	vm0 =	vlt.u32 v29, $0x1388;
	v30 =	vpsel !p3, $0x0, v30  }
0x105: {  	v29 =	vnsel vm0, $0x0, v29;
	[tilespmem:v27+s25+$0x0 ss:$0x1] =	vst.idx.msk $0xffff, v30  }
0x106: {  	[tilespmem:v28+s25+$0x0 ss:$0x1] =	vst.idx.msk $0xffff, v29  }
0x107: {  	v31 =	vld [tilespmem:s30+$0xFFFFFF80]  }
0x108: {  	s9 =	simm.s32 $0x0  }
0x109: {  	v29 =	vnsel vm0, $0x0, v30;
	v30 =	vmov s9  }
0x10a: {  	v53 =	vperm.xlane v29, v30;
	_ =	sdelay $0x1  }
0x10b: {  	v30 =	vmul.f32 v31, v53;
	_ =	sdelay $0x1  }
0x10c: {  	[tilespmem:s18+$0xFFFFFF68] =	vst v30  }
0x10d: {  	v30 =	vld [tilespmem:s30+$0xFFFFFF90];
	_ =	sdelay $0x4  }
0x10e: {  	v30 =	vmul.f32 v30, v53;
	_ =	sdelay $0x1  }
0x10f: {  	[tilespmem:s18+$0xFFFFFF78] =	vst v30  }
0x110: {  	v30 =	vld [tilespmem:s30+$0xFFFFFFA0];
	_ =	sdelay $0x3  }
0x111: {  	s11 =	sadd.s32 $0x100, s30  }
0x112: {  	v31 =	vld [tilespmem:s11+$0xFFFFFF80];
	v30 =	vmul.f32 v30, v53  }
0x113: {  	s10 =	simm.s32 $0x2  }
0x114: {  	[tilespmem:s18+$0xFFFFFF88] =	vst v30;
	v30 =	vmov s10  }
0x115: {  	v54 =	vld [tilespmem:s30+$0xFFFFFFB0];
	v55 =	vperm.xlane v29, v30;
	_ =	sdelay $0x1  }
0x116: {  	v30 =	vmul.f32 v31, v55  }
0x117: {  	s2 =	sadd.s32 $0x130, s18  }
0x118: {  	[tilespmem:s2+$0xFFFFFF68] =	vst v30  }
0x119: {  	v30 =	vmul.f32 v54, v53;
	v31 =	vld [tilespmem:s11+$0xFFFFFF90];
	_ =	sdelay $0x1  }
0x11a: {  	[tilespmem:s18+$0xFFFFFF98] =	vst v30  }
0x11b: {  	v30 =	vld [tilespmem:s30+$0xFFFFFFC0];
	_ =	sdelay $0x1  }
0x11c: {  	v31 =	vmul.f32 v31, v55;
	_ =	sdelay $0x1  }
0x11d: {  	[tilespmem:s2+$0xFFFFFF78] =	vst v31  }
0x11e: {  	v30 =	vmul.f32 v30, v53;
	v31 =	vld [tilespmem:s11+$0xFFFFFFA0];
	_ =	sdelay $0x1  }
0x11f: {  	[tilespmem:s18+$0xFFFFFFA8] =	vst v30  }
0x120: {  	v30 =	vld [tilespmem:s30+$0xFFFFFFD0];
	_ =	sdelay $0x1  }
0x121: {  	s19 =	sadd.s32 $0x100, s11;
	v31 =	vmul.f32 v31, v55  }
0x122: {  	v56 =	vld [tilespmem:s19+$0xFFFFFF80]  }
0x123: {  	s13 =	simm.s32 $0x4;
	[tilespmem:s2+$0xFFFFFF88] =	vst v31  }
0x124: {  	v31 =	vmov s13;
	v30 =	vmul.f32 v30, v53;
	v57 =	vld [tilespmem:s11+$0xFFFFFFB0]  }
0x125: {  	v37 =	vperm.xlane v29, v31  }
0x126: {  	[tilespmem:s18+$0xFFFFFFB8] =	vst v30  }
0x127: {  	v31 =	vmul.f32 v56, v37;
	v30 =	vld [tilespmem:s30+$0xFFFFFFE0]  }
0x128: {  	s8 =	sadd.s32 $0x130, s2  }
0x129: {  	[tilespmem:s8+$0xFFFFFF68] =	vst v31;
	v31 =	vmul.f32 v57, v55;
	_ =	sdelay $0x1  }
0x12a: {  	v58 =	vld [tilespmem:s19+$0xFFFFFF90];
	[tilespmem:s2+$0xFFFFFF98] =	vst v31  }
0x12b: {  	v30 =	vmul.f32 v30, v53;
	v31 =	vld [tilespmem:s11+$0xFFFFFFC0];
	_ =	sdelay $0x1  }
0x12c: {  	v59 =	vld [tilespmem:s18+$0xFFFFFFE8];
	[tilespmem:s18+$0xFFFFFFC8] =	vst v30  }
0x12d: {  	v60 =	vld [tilespmem:s30+$0xFFFFFFF0]  }
0x12e: {  	v33 =	vmul.f32 v58, v37  }
0x12f: {  	v31 =	vmul.f32 v31, v55  }
0x130: {  	[tilespmem:s8+$0xFFFFFF78] =	vst v33  }
0x131: {  	v33 =	vld [tilespmem:s19+$0xFFFFFFA0];
	[tilespmem:s2+$0xFFFFFFA8] =	vst v31;
	v31 =	vmul.f32 v59, v53  }
0x132: {  	v32 =	vmul.f32 v60, v53  }
0x133: {  	v61 =	vld [tilespmem:s11+$0xFFFFFFD0];
	[tilespmem:s18+$0xFFFFFFE8] =	vst v31  }
0x134: {  	[tilespmem:s18+$0xFFFFFFD8] =	vst v32  }
0x135: {  	v62 =	vld [tilespmem:s30+$0x0]  }
0x136: {  	s14 =	simm.s32 $0x1;
	s7 =	sadd.s32 $0x100, s19;
	v31 =	vmul.f32 v33, v37  }
0x137: {  	v41 =	vmov s14;
	v63 =	vld [tilespmem:s7+$0xFFFFFF80]  }
0x138: {  	s20 =	simm.s32 $0x6;
	v32 =	vperm.xlane v29, v41;
	[tilespmem:s8+$0xFFFFFF88] =	vst v31;
	v31 =	vmul.f32 v61, v55  }
0x139: {  	v43 =	vmov s20;
	v42 =	vld [tilespmem:s19+$0xFFFFFFB0]  }
0x13a: {  	v38 =	vperm.xlane v29, v43;
	[tilespmem:s2+$0xFFFFFFB8] =	vst v31;
	v33 =	vmul.f32 v62, v32  }
0x13b: {  	v31 =	vld [tilespmem:s11+$0xFFFFFFE0]  }
0x13c: {  	v39 =	vmul.f32 v63, v38;
	[tilespmem:s18+$0x0] =	vst v33  }
0x13d: {  	s14 =	sadd.s32 $0x130, s8;
	v45 =	vld [tilespmem:s30+$0x10]  }
0x13e: {  	[tilespmem:s14+$0xFFFFFF68] =	vst v39;
	v44 =	vmul.f32 v42, v37  }
0x13f: {  	v39 =	vld [tilespmem:s7+$0xFFFFFF90]  }
0x140: {  	[tilespmem:s8+$0xFFFFFF98] =	vst v44;
	v31 =	vmul.f32 v31, v55  }
0x141: {  	v33 =	vld [tilespmem:s19+$0xFFFFFFC0]  }
0x142: {  	v46 =	vld [tilespmem:s2+$0xFFFFFFE8];
	[tilespmem:s2+$0xFFFFFFC8] =	vst v31;
	v35 =	vmul.f32 v45, v32  }
0x143: {  	v47 =	vld [tilespmem:s11+$0xFFFFFFF0]  }
0x144: {  	v39 =	vmul.f32 v39, v38;
	[tilespmem:s18+$0x10] =	vst v35  }
0x145: {  	v35 =	vld [tilespmem:s30+$0x20]  }
0x146: {  	[tilespmem:s14+$0xFFFFFF78] =	vst v39;
	v33 =	vmul.f32 v33, v37  }
0x147: {  	v39 =	vld [tilespmem:s7+$0xFFFFFFA0];
	v48 =	vmul.f32 v46, v55  }
0x148: {  	[tilespmem:s8+$0xFFFFFFA8] =	vst v33;
	v34 =	vmul.f32 v47, v55  }
0x149: {  	[tilespmem:s2+$0xFFFFFFE8] =	vst v48;
	v49 =	vld [tilespmem:s19+$0xFFFFFFD0]  }
0x14a: {  	[tilespmem:s2+$0xFFFFFFD8] =	vst v34;
	v50 =	vmul.f32 v35, v32  }
0x14b: {  	s9 =	sadd.s32 $0x100, s7;
	v34 =	vld [tilespmem:s11+$0x0]  }
0x14c: {  	s16 =	simm.s32 $0x3;
	v52 =	vld [tilespmem:s9+$0xFFFFFF80];
	v51 =	vmul.f32 v39, v38;
	[tilespmem:s18+$0x20] =	vst v50  }
0x14d: {  	s0 =	simm.s32 $0x8;
	v53 =	vmov s16;
	v54 =	vld [tilespmem:s30+$0x30]  }
0x14e: {  	[tilespmem:s14+$0xFFFFFF88] =	vst v51;
	v33 =	vperm.xlane v29, v53;
	v55 =	vmov s0;
	v41 =	vmul.f32 v49, v37  }
0x14f: {  	v56 =	vld [tilespmem:s7+$0xFFFFFFB0];
	v39 =	vperm.xlane v29, v55  }
0x150: {  	[tilespmem:s8+$0xFFFFFFB8] =	vst v41;
	v34 =	vmul.f32 v34, v33  }
0x151: {  	v42 =	vmul.f32 v52, v39;
	v41 =	vld [tilespmem:s19+$0xFFFFFFE0]  }
0x152: {  	s4 =	sadd.s32 $0x130, s14;
	v36 =	vld [tilespmem:s18+$0x80];
	[tilespmem:s2+$0x0] =	vst v34;
	v57 =	vmul.f32 v54, v32  }
0x153: {  	[tilespmem:s4+$0xFFFFFF68] =	vst v42;
	v58 =	vld [tilespmem:s11+$0x10]  }
0x154: {  	v59 =	vmul.f32 v56, v38;
	v60 =	vld [tilespmem:s9+$0xFFFFFF90];
	[tilespmem:s18+$0x30] =	vst v57  }
0x155: {  	v62 =	vld [tilespmem:s30+$0x40]  }
0x156: {  	v40 =	vld [tilespmem:s2+$0x80];
	[tilespmem:s14+$0xFFFFFF98] =	vst v59;
	v61 =	vmul.f32 v41, v37  }
0x157: {  	v42 =	vld [tilespmem:s7+$0xFFFFFFC0]  }
0x158: {  	v63 =	vld [tilespmem:s8+$0xFFFFFFE8];
	[tilespmem:s8+$0xFFFFFFC8] =	vst v61;
	v44 =	vmul.f32 v58, v33  }
0x159: {  	v43 =	vmul.f32 v60, v39;
	v45 =	vld [tilespmem:s19+$0xFFFFFFF0]  }
0x15a: {  	v30 =	vld [tilespmem:s8+$0x80];
	[tilespmem:s2+$0x10] =	vst v44;
	v41 =	vmul.f32 v62, v32  }
0x15b: {  	[tilespmem:s4+$0xFFFFFF78] =	vst v43;
	v44 =	vld [tilespmem:s11+$0x20]  }
0x15c: {  	v42 =	vmul.f32 v42, v38;
	v46 =	vld [tilespmem:s9+$0xFFFFFFA0];
	[tilespmem:s18+$0x40] =	vst v41  }
0x15d: {  	v34 =	vmul.f32 v63, v37;
	v41 =	vld [tilespmem:s30+$0x50]  }
0x15e: {  	v31 =	vld [tilespmem:s14+$0x80];
	[tilespmem:s14+$0xFFFFFFA8] =	vst v42;
	v37 =	vmul.f32 v45, v37  }
0x15f: {  	v43 =	vld [tilespmem:s7+$0xFFFFFFD0];
	[tilespmem:s8+$0xFFFFFFE8] =	vst v34  }
0x160: {  	v35 =	vld [tilespmem:s4+$0x80];
	[tilespmem:s8+$0xFFFFFFD8] =	vst v37;
	v44 =	vmul.f32 v44, v33  }
0x161: {  	s10 =	sadd.s32 $0x100, s9;
	v46 =	vmul.f32 v46, v39;
	v37 =	vmul.f32 v36, v32;
	v42 =	vld [tilespmem:s19+$0x0]  }
0x162: {  	s31 =	simm.s32 $0xA;
	s5 =	simm.s32 $0xC;
	v34 =	vmov s25;
	s25 =	simm.s32 $0x5;
	v45 =	vld [tilespmem:s10+$0xFFFFFF80];
	v36 =	vmul.f32 v40, v33;
	[tilespmem:s2+$0x20] =	vst v44;
	v40 =	vmul.f32 v41, v32  }
0x163: {  	s13 =	smov.u32 s30;
	s16 =	smov.u32 s18;
	[tilespmem:s4+$0xFFFFFF88] =	vst v46;
	v44 =	vmov s25;
	s25 =	smov.u32 s4;
	v41 =	vld [tilespmem:s11+$0x30]  }
.LBB2_16:
0x164: {  	p3 =	slt.u32 s5, $0xE;
	v46 =	vmov s31;
	v47 =	vld [tilespmem:s9+$0xFFFFFFB0];
	v43 =	vmul.f32 v43, v38;
	v44 =	vperm.xlane v29, v44;
	[tilespmem:s16+$0x50] =	vst v40  }
0x165: {  	v40 =	vperm.xlane v29, v46;
	v46 =	vld [tilespmem:s13+$0x60]  }
0x166: {  	[tilespmem:s14+$0xFFFFFFB8] =	vst v43;
	v42 =	vmul.f32 v42, v44;
	v43 =	vmul.f32 v30, v44;
	v30 =	vmovc v31;
	v31 =	vmov v35  }
0x167: {  	v35 =	vmul.f32 v45, v40;
	v45 =	vld [tilespmem:s7+$0xFFFFFFE0]  }
0x168: {  	s4 =	sadd.s32 $0x130, s4;
	[tilespmem:s8+$0x0] =	vst v42;
	v41 =	vmul.f32 v41, v33  }
0x169: {  	[tilespmem:s4+$0xFFFFFF68] =	vst v35;
	v35 =	vmul.f32 v47, v39;
	v42 =	vld [tilespmem:s19+$0x10]  }
0x16a: {  	v47 =	vld [tilespmem:s10+$0xFFFFFF90];
	[tilespmem:s2+$0x30] =	vst v41;
	v41 =	vmul.f32 v46, v32  }
0x16b: {  	[tilespmem:s25+$0xFFFFFF98] =	vst v35;
	v46 =	vld [tilespmem:s11+$0x40]  }
0x16c: {  	v48 =	vld [tilespmem:s9+$0xFFFFFFC0];
	v35 =	vmul.f32 v45, v38;
	[tilespmem:s16+$0x60] =	vst v41  }
0x16d: {  	v41 =	vld [tilespmem:s13+$0x70];
	[tilespmem:s16+$0x80] =	vst v37;
	v37 =	vmov v36;
	v36 =	vmov v43;
	s13 =	smov.u32 s11;
	s11 =	smov.u32 s19;
	s19 =	smov.u32 s7  }
0x16e: {  	s7 =	smov.u32 s9;
	s9 =	smov.u32 s10;
	[tilespmem:s14+$0xFFFFFFC8] =	vst v35;
	v43 =	vld [tilespmem:s14+$0xFFFFFFE8];
	v42 =	vmul.f32 v42, v44  }
0x16f: {  	v45 =	vmul.f32 v47, v40;
	v47 =	vld [tilespmem:s19+$0xFFFFFFF0]  }
0x170: {  	v35 =	vld [tilespmem:s4+$0x80];
	[tilespmem:s8+$0x10] =	vst v42;
	v42 =	vmul.f32 v46, v33  }
0x171: {  	[tilespmem:s4+$0xFFFFFF78] =	vst v45;
	v45 =	vmul.f32 v48, v39;
	v46 =	vld [tilespmem:s11+$0x20]  }
0x172: {  	v48 =	vld [tilespmem:s10+$0xFFFFFFA0];
	[tilespmem:s2+$0x40] =	vst v42;
	v41 =	vmul.f32 v41, v32;
	v32 =	vmov v33;
	v33 =	vmov v44  }
0x173: {  	[tilespmem:s25+$0xFFFFFFA8] =	vst v45;
	v42 =	vmul.f32 v43, v38;
	v44 =	vld [tilespmem:s13+$0x50]  }
0x174: {  	v45 =	vmul.f32 v47, v38;
	[tilespmem:s16+$0x70] =	vst v41;
	v38 =	vmov v39;
	v39 =	vmov v40;
	s16 =	smov.u32 s2;
	s2 =	smov.u32 s8;
	s8 =	smov.u32 s14  }
.Ltmp6:
0x175: {  	s14 =	smov.u32 s25;
	s25 =	smov.u32 s4;
	v43 =	vld [tilespmem:s7+$0xFFFFFFD0];
	[tilespmem:s8+$0xFFFFFFE8] =	vst v42;
	(pc) =	sbr.rel @p3 .LBB2_16-.Ltmp6, $4  }
0x176: {  	[tilespmem:s8+$0xFFFFFFD8] =	vst v45;
	v40 =	vmul.f32 v46, v33  }
0x177: {  	s10 =	sadd.s32 $0x100, s10;
	v41 =	vmul.f32 v48, v39;
	v42 =	vld [tilespmem:s19+$0x0]  }
0x178: {  	s1 =	sadd.s32 $0x1, s20;
	s20 =	smov.u32 s0;
	s0 =	smov.u32 s31;
	v45 =	vld [tilespmem:s10+$0xFFFFFF80];
	[tilespmem:s2+$0x20] =	vst v40;
	v40 =	vmul.f32 v44, v32  }
0x179: {  	s31 =	smov.u32 s5;
	s5 =	sadd.s32 $0x2, s5;
	v44 =	vmov s1;
	[tilespmem:s4+$0xFFFFFF88] =	vst v41;
	v41 =	vld [tilespmem:s11+$0x30]  }
0x17a: {  	v46 =	vmov s31  }
0x17b: {  	v46 =	vperm.xlane v29, v46;
	_ =	sdelay $0x1  }
0x17c: {  	v45 =	vmul.f32 v45, v46  }
0x17d: {  	s4 =	sadd.s32 $0x130, s4  }
0x17e: {  	[tilespmem:s4+$0xFFFFFF68] =	vst v45  }
0x17f: {  	v45 =	vld [tilespmem:s10+$0xFFFFFF90];
	_ =	sdelay $0x4  }
0x180: {  	v45 =	vmul.f32 v45, v46;
	_ =	sdelay $0x1  }
0x181: {  	[tilespmem:s4+$0xFFFFFF78] =	vst v45  }
0x182: {  	v45 =	vld [tilespmem:s10+$0xFFFFFFA0];
	_ =	sdelay $0x3  }
0x183: {  	v47 =	vld [tilespmem:s9+$0xFFFFFFB0]  }
0x184: {  	v45 =	vmul.f32 v45, v46;
	_ =	sdelay $0x1  }
0x185: {  	[tilespmem:s4+$0xFFFFFF88] =	vst v45  }
0x186: {  	v45 =	vld [tilespmem:s10+$0xFFFFFFB0]  }
0x187: {  	v47 =	vmul.f32 v47, v39;
	_ =	sdelay $0x1  }
0x188: {  	[tilespmem:s25+$0xFFFFFF98] =	vst v47  }
0x189: {  	v47 =	vld [tilespmem:s9+$0xFFFFFFC0]  }
0x18a: {  	v45 =	vmul.f32 v45, v46;
	_ =	sdelay $0x1  }
0x18b: {  	[tilespmem:s4+$0xFFFFFF98] =	vst v45  }
0x18c: {  	v45 =	vld [tilespmem:s10+$0xFFFFFFC0]  }
0x18d: {  	v47 =	vmul.f32 v47, v39;
	_ =	sdelay $0x1  }
0x18e: {  	[tilespmem:s25+$0xFFFFFFA8] =	vst v47  }
0x18f: {  	v47 =	vld [tilespmem:s9+$0xFFFFFFD0]  }
0x190: {  	v45 =	vmul.f32 v45, v46;
	_ =	sdelay $0x1  }
0x191: {  	[tilespmem:s4+$0xFFFFFFA8] =	vst v45  }
0x192: {  	v45 =	vld [tilespmem:s10+$0xFFFFFFD0]  }
0x193: {  	v57 =	vmul.f32 v47, v39  }
0x194: {  	v43 =	vmul.f32 v43, v38  }
0x195: {  	[tilespmem:s25+$0xFFFFFFB8] =	vst v57  }
0x196: {  	[tilespmem:s14+$0xFFFFFFB8] =	vst v43;
	v43 =	vld [tilespmem:s9+$0xFFFFFFE0]  }
0x197: {  	v58 =	vld [tilespmem:s7+$0xFFFFFFE0];
	v45 =	vmul.f32 v45, v46;
	_ =	sdelay $0x1  }
0x198: {  	[tilespmem:s4+$0xFFFFFFB8] =	vst v45  }
0x199: {  	v60 =	vld [tilespmem:s10+$0xFFFFFFE0]  }
0x19a: {  	v43 =	vmul.f32 v43, v39  }
0x19b: {  	v59 =	vmul.f32 v58, v38  }
0x19c: {  	v62 =	vld [tilespmem:s25+$0xFFFFFFE8];
	[tilespmem:s25+$0xFFFFFFC8] =	vst v43  }
0x19d: {  	[tilespmem:s14+$0xFFFFFFC8] =	vst v59;
	v49 =	vld [tilespmem:s9+$0xFFFFFFF0]  }
0x19e: {  	v48 =	vld [tilespmem:s7+$0xFFFFFFF0];
	v47 =	vmul.f32 v60, v46  }
0x19f: {  	v61 =	vld [tilespmem:s14+$0xFFFFFFE8]  }
0x1a0: {  	v63 =	vld [tilespmem:s4+$0xFFFFFFE8];
	[tilespmem:s4+$0xFFFFFFC8] =	vst v47  }
0x1a1: {  	v43 =	vmul.f32 v62, v39;
	v50 =	vld [tilespmem:s10+$0xFFFFFFF0]  }
0x1a2: {  	v52 =	vmul.f32 v49, v39  }
0x1a3: {  	v51 =	vmul.f32 v48, v38;
	[tilespmem:s25+$0xFFFFFFE8] =	vst v43  }
0x1a4: {  	[tilespmem:s25+$0xFFFFFFD8] =	vst v52;
	v45 =	vmul.f32 v61, v38  }
0x1a5: {  	v54 =	vmul.f32 v63, v46;
	[tilespmem:s14+$0xFFFFFFD8] =	vst v51;
	v57 =	vld [tilespmem:s9+$0x0]  }
0x1a6: {  	s0 =	sadd.s32 $0x1, s0;
	[tilespmem:s14+$0xFFFFFFE8] =	vst v45;
	v55 =	vmul.f32 v50, v46  }
0x1a7: {  	v58 =	vmov s0;
	v53 =	vld [tilespmem:s7+$0x0];
	[tilespmem:s4+$0xFFFFFFE8] =	vst v54  }
0x1a8: {  	s1 =	sadd.s32 $0x1, s20;
	v38 =	vperm.xlane v29, v58;
	[tilespmem:s4+$0xFFFFFFD8] =	vst v55  }
0x1a9: {  	v44 =	vperm.xlane v29, v44;
	v56 =	vmov s1;
	v59 =	vld [tilespmem:s10+$0x0]  }
0x1aa: {  	s31 =	sadd.s32 $0x1, s31;
	v43 =	vperm.xlane v29, v56;
	v61 =	vmul.f32 v57, v38  }
0x1ab: {  	v42 =	vmul.f32 v42, v44;
	v60 =	vmov s31  }
0x1ac: {  	[tilespmem:s25+$0x0] =	vst v61;
	v39 =	vmul.f32 v53, v43;
	v46 =	vperm.xlane v29, v60  }
0x1ad: {  	[tilespmem:s8+$0x0] =	vst v42;
	v48 =	vld [tilespmem:s9+$0x10]  }
0x1ae: {  	v42 =	vld [tilespmem:s19+$0x10];
	[tilespmem:s14+$0x0] =	vst v39;
	v63 =	vmul.f32 v59, v46  }
0x1af: {  	v62 =	vld [tilespmem:s7+$0x10]  }
0x1b0: {  	[tilespmem:s4+$0x0] =	vst v63  }
0x1b1: {  	v39 =	vld [tilespmem:s10+$0x10]  }
0x1b2: {  	v51 =	vmul.f32 v48, v38  }
0x1b3: {  	v42 =	vmul.f32 v42, v44  }
0x1b4: {  	[tilespmem:s25+$0x10] =	vst v51;
	v49 =	vmul.f32 v62, v43  }
0x1b5: {  	[tilespmem:s8+$0x10] =	vst v42;
	v42 =	vld [tilespmem:s9+$0x20]  }
0x1b6: {  	v50 =	vld [tilespmem:s19+$0x20];
	[tilespmem:s14+$0x10] =	vst v49;
	v39 =	vmul.f32 v39, v46  }
0x1b7: {  	v52 =	vld [tilespmem:s7+$0x20]  }
0x1b8: {  	[tilespmem:s4+$0x10] =	vst v39  }
0x1b9: {  	v39 =	vld [tilespmem:s10+$0x20]  }
0x1ba: {  	v42 =	vmul.f32 v42, v38  }
0x1bb: {  	v47 =	vmul.f32 v50, v44  }
0x1bc: {  	[tilespmem:s25+$0x20] =	vst v42;
	v45 =	vmul.f32 v52, v43  }
0x1bd: {  	v41 =	vmul.f32 v41, v33;
	[tilespmem:s8+$0x20] =	vst v47;
	v53 =	vld [tilespmem:s9+$0x30]  }
0x1be: {  	v47 =	vld [tilespmem:s19+$0x30];
	[tilespmem:s14+$0x20] =	vst v45;
	v39 =	vmul.f32 v39, v46  }
0x1bf: {  	[tilespmem:s2+$0x30] =	vst v41;
	v45 =	vld [tilespmem:s7+$0x30]  }
0x1c0: {  	v54 =	vld [tilespmem:s11+$0x40];
	[tilespmem:s4+$0x20] =	vst v39  }
0x1c1: {  	v39 =	vld [tilespmem:s10+$0x30]  }
0x1c2: {  	v41 =	vmul.f32 v53, v38  }
0x1c3: {  	v47 =	vmul.f32 v47, v44  }
0x1c4: {  	[tilespmem:s25+$0x30] =	vst v41;
	v45 =	vmul.f32 v45, v43  }
0x1c5: {  	v42 =	vmul.f32 v54, v33;
	[tilespmem:s8+$0x30] =	vst v47;
	v41 =	vld [tilespmem:s9+$0x40]  }
0x1c6: {  	v47 =	vld [tilespmem:s19+$0x40];
	[tilespmem:s14+$0x30] =	vst v45;
	v39 =	vmul.f32 v39, v46  }
0x1c7: {  	[tilespmem:s2+$0x40] =	vst v42;
	v45 =	vld [tilespmem:s7+$0x40]  }
0x1c8: {  	v42 =	vld [tilespmem:s11+$0x50];
	[tilespmem:s4+$0x30] =	vst v39  }
0x1c9: {  	v39 =	vld [tilespmem:s10+$0x40]  }
0x1ca: {  	[tilespmem:s16+$0x50] =	vst v40;
	v41 =	vmul.f32 v41, v38  }
0x1cb: {  	v56 =	vld [tilespmem:s13+$0x60];
	v47 =	vmul.f32 v47, v44  }
0x1cc: {  	[tilespmem:s25+$0x40] =	vst v41;
	v45 =	vmul.f32 v45, v43  }
0x1cd: {  	v42 =	vmul.f32 v42, v33;
	[tilespmem:s8+$0x40] =	vst v47;
	v41 =	vld [tilespmem:s9+$0x50]  }
0x1ce: {  	v55 =	vld [tilespmem:s19+$0x50];
	[tilespmem:s14+$0x40] =	vst v45;
	v39 =	vmul.f32 v39, v46  }
0x1cf: {  	[tilespmem:s2+$0x50] =	vst v42;
	v45 =	vld [tilespmem:s7+$0x50]  }
0x1d0: {  	v57 =	vmul.f32 v56, v32;
	v42 =	vld [tilespmem:s11+$0x60];
	[tilespmem:s4+$0x40] =	vst v39  }
0x1d1: {  	v58 =	vld [tilespmem:s10+$0x50]  }
0x1d2: {  	[tilespmem:s16+$0x60] =	vst v57;
	v62 =	vmul.f32 v41, v38  }
0x1d3: {  	v61 =	vld [tilespmem:s13+$0x70];
	v40 =	vmul.f32 v55, v44  }
0x1d4: {  	[tilespmem:s25+$0x50] =	vst v62;
	v59 =	vmul.f32 v45, v43  }
0x1d5: {  	v63 =	vmul.f32 v42, v33;
	[tilespmem:s8+$0x50] =	vst v40;
	v50 =	vld [tilespmem:s9+$0x60]  }
0x1d6: {  	v60 =	vld [tilespmem:s19+$0x60];
	[tilespmem:s14+$0x50] =	vst v59;
	v49 =	vmul.f32 v58, v46  }
0x1d7: {  	[tilespmem:s2+$0x60] =	vst v63;
	v48 =	vld [tilespmem:s7+$0x60]  }
0x1d8: {  	v52 =	vmul.f32 v61, v32;
	v51 =	vld [tilespmem:s11+$0x70];
	[tilespmem:s4+$0x50] =	vst v49  }
0x1d9: {  	[tilespmem:s16+$0x80] =	vst v37;
	v53 =	vld [tilespmem:s10+$0x60]  }
0x1da: {  	[tilespmem:s16+$0x70] =	vst v52;
	v56 =	vmul.f32 v50, v38  }
0x1db: {  	[tilespmem:s2+$0x80] =	vst v36;
	v39 =	vmul.f32 v60, v44  }
0x1dc: {  	[tilespmem:s25+$0x60] =	vst v56;
	v54 =	vmul.f32 v48, v43  }
0x1dd: {  	v57 =	vmul.f32 v51, v33;
	v59 =	vld [tilespmem:s9+$0x70];
	[tilespmem:s8+$0x60] =	vst v39  }
0x1de: {  	[tilespmem:s14+$0x60] =	vst v54;
	v55 =	vld [tilespmem:s19+$0x70];
	v37 =	vmul.f32 v53, v46  }
0x1df: {  	v34 =	vmul.u32 $0x98, v34;
	v30 =	vmul.f32 v30, v44;
	[tilespmem:s2+$0x70] =	vst v57;
	v58 =	vld [tilespmem:s7+$0x70]  }
0x1e0: {  	v31 =	vmul.f32 v31, v43;
	v60 =	vld [tilespmem:s4+$0x80];
	[tilespmem:s4+$0x60] =	vst v37  }
0x1e1: {  	v34 =	vadd.s32 v25, v34;
	v35 =	vmul.f32 v35, v38;
	[tilespmem:s8+$0x80] =	vst v30;
	v30 =	vld [tilespmem:s10+$0x70]  }
0x1e2: {  	v34 =	vbroadcast v34, $0x0;
	[tilespmem:s14+$0x80] =	vst v31;
	v31 =	vmul.f32 v59, v38  }
0x1e3: {  	s24 =	sadd.s32 $0x1, s24;
	[tilespmem:s25+$0x80] =	vst v35;
	v32 =	vmul.f32 v55, v44  }
0x1e4: {  	p3 =	sne.s32 s24, $0x4;
	v62 =	vadd.s32 v24, v34;
	[tilespmem:s25+$0x70] =	vst v31;
	v61 =	vmul.f32 v58, v43  }
.Ltmp7:
0x1e5: {  	v63 =	vmul.f32 v60, v46;
	[tilespmem:s8+$0x70] =	vst v32;
	(pc) =	sbr.rel @p3 .LBB2_13-.Ltmp7, $4  }
0x1e6: {  	[tilespmem:s14+$0x70] =	vst v61;
	v30 =	vmul.f32 v30, v46  }
0x1e7: {  	[tilespmem:s4+$0x80] =	vst v63  }
0x1e8: {  	s17 =	sadd.s32 $0x980, s17;
	s23 =	sadd.s32 $0x100, s23;
	s28 =	sadd.s32 $0x400, s28;
	[tilespmem:s4+$0x70] =	vst v30  }
0x1e9: {  	s15 =	sadd.s32 $0x400, s15;
	s30 =	sadd.s32 $0x800, s30;
	s18 =	sadd.s32 $0x980, s18;
	[tilespmem:v62+s26+$0x0] =	vst.idx.msk $0xffff, v29  }
0x1ea: {  	s30 =	rddreg [dreg:$0x2]  }
0x1eb: {  	p3 =	sgt.u32 s29, $0x9A;
	s2 =	rddreg [dreg:$0x1d]  }
0x1ec: {  	s1 =	simm.s32 $0x40;
	s4 =	rddreg [dreg:$0x1e];
	s0 =	smul.u32 @!p3 $0xAB, s29  }
0x1ed: {  	[spmem:s30] =	stream.indirect.scatter.add.f32 [tilespmem:s4], [sflag:$0x5], $0x98, s2, s1, $0xb8;
	[tilespmem:$0x1B890] =	vst v63  }
0x1ee: {  	s0 =	sshrl.u32 @!p3 s0, $0x9  }
0x1ef: {  	s0 =	sand.u32 @!p3 $0x7F, s0  }
0x1f0: {  	s0 =	smul.u32 @!p3 $0x3, s0  }
0x1f1: {  	s1 =	rddreg [dreg:$0x13]  }
0x1f2: {  	s1 =	sadd.s32 @!p3 s21, s1;
	s0 =	ssub.s32 @!p3 s29, s0  }
0x1f3: {  	s31 =	rddreg [dreg:$0x8];
	s1 =	sshrl.u32 @!p3 s1, $0x3;
	s0 =	sand.u32 @!p3 $0xFF, s0  }
0x1f4: {  	s4 =	simm.s32 @!p3 $0x0;
	s2 =	sadd.s32 @!p3 s31, s1;
	s0 =	sshll.u32 @!p3 s0, $0x6  }
0x1f5: {  	[tilespmem:s0], [sflag:$0x6] =	stream.linear.gather @!p3 [hbm4b:s2+s4], $0x40, $0x38;
	[tilespmem:$0x1B890] =	vst v63  }
0x1f6: {  	s2 =	rddreg [dreg:$0x9]  }
0x1f7: {  	s0 =	sadd.s32 @!p3 $0xC0, s0;
	s1 =	sadd.s32 @!p3 s2, s1  }
0x1f8: {  	[tilespmem:s0], [sflag:$0x7] =	stream.linear.gather @!p3 [hbm4b:s1+s4], $0x40, $0x38;
	[tilespmem:$0x1B890] =	vst v63  }
0x1f9: {  	p3 =	sne.s32 s12, $0x9E  }
.Ltmp8:
0x1fa: {  	_ = 	snop;
	(pc) =	sbr.rel @p3 .LBB2_6-.Ltmp8, $2  }
0x1fb: {  	_ =	sdelay $0x2  }
0x1fc: {  	p1 =	por !p1, !p1;
	p2 =	por !p2, !p2;
	s29 =	smov.u32 s12  }
0x1fd: {  	s0 =	simm.s32 $0x5  }
0x1fe: {  	_ =	swait.ge [sflag:s0], $0x2600  }
0x1ff: {  	[sflag:s0] =	ssyncset.done $0x0  }
0x200: {  	[sflag:s0] =	ssyncadd.s32 $0xFFFFDA00  }
0x201: {  	_ =	swait.ge [sflag:s0], $0x2600  }
0x202: {  	[sflag:s0] =	ssyncset.done $0x0  }
0x203: {  	[sflag:s0] =	ssyncadd.s32 $0xFFFFDA00  }
0x204: {  	[bflag:$0x0] =	sbarrier.arrive $0xFFFF  }
0x205: {  	s20 =	rddreg [dreg:$0x14]  }
0x206: {  	s5 =	rddreg [dreg:$0x1a]  }
0x207: {  	s4 =	simm.s32 $0x8;
	s1 =	rddreg [dreg:$0x1b]  }
0x208: {  	[hbm:s20], [sflag:s5] =	dma.local [spmem:s1], $0x1728  }
0x209: {  	_ =	swait.ge [sflag:s4], $0x1728  }
0x20a: {  	[sflag:s4] =	ssyncset.done $0x0;
	s1 =	rddreg [dreg:$0xb]  }
0x20b: {  	s2 =	rddreg [dreg:$0xc];
	[sflag:s4] =	ssyncadd.s32 $0xFFFFE8D8;
	s0 =	sshrl.u32 @p0 s1, $0x3  }
0x20c: {  	[spmem:s0], [sflag:s5] =	dma.local @p0 [hbm:s2], $0x1728  }
0x20d: {  	s0 =	simm.s32 @p0 $0x8  }
0x20e: {  	_ =	swait.ge @p0 [sflag:s0], $0x1728  }
0x20f: {  	[sflag:s0] =	ssyncset.done @p0 $0x0;
	s6 =	rddreg [dreg:$0x1c]  }
0x210: {  	[sflag:s0] =	ssyncadd.s32 @p0 $0xFFFFE8D8;
	s0 =	rddreg [dreg:$0x15]  }
0x211: {  	[hbm:s0], [sflag:s5] =	dma.local @!p0 [spmem:s6], $0x98  }
0x212: {  	s0 =	simm.s32 @!p0 $0x8  }
0x213: {  	_ =	swait.ge @!p0 [sflag:s0], $0x98  }
0x214: {  	[sflag:s0] =	ssyncset.done @!p0 $0x0  }
0x215: {  	s1 =	sshrl.u32 @!p0 s1, $0x3;
	[sflag:s0] =	ssyncadd.s32 @!p0 $0xFFFFFF68  }
0x216: {  	[spmem:s1], [sflag:s5] =	dma.local @!p0 [hbm:s2], $0x1728  }
0x217: {  	_ =	swait.ge @!p0 [sflag:s0], $0x1728  }
0x218: {  	[sflag:s0] =	ssyncset.done @!p0 $0x0  }
0x219: {  	s1 =	rddreg [dreg:$0xe];
	[sflag:s0] =	ssyncadd.s32 @!p0 $0xFFFFE8D8  }
0x21a: {  	[spmem:s6], [sflag:s5] =	dma.local @!p0 [hbm:s1], $0x98  }
0x21b: {  	_ =	swait.ge @!p0 [sflag:s0], $0x98  }
0x21c: {  	[sflag:s0] =	ssyncset.done @!p0 $0x0  }
0x21d: {  	[sflag:s0] =	ssyncadd.s32 @!p0 $0xFFFFFF68  }
0x21e: {  	[bflag:$0x0] =	sbarrier.arrive $0xFFFF  }
0x21f: {  	s1 =	simm.s32 $0x0;
	s21 =	rddreg [dreg:$0xf]  }
0x220: {  	[tilespmem:s1], [sflag:$0x8] =	stream.linear.gather [hbm4b:s21+s1], $0xC0, $0x38;
	[tilespmem:$0x1B890] =	vst v63  }
0x221: {  	_ =	swait.ge [sflag:s4], $0xC0  }
0x222: {  	[sflag:s4] =	ssyncset.done $0x0  }
0x223: {  	s24 =	simm.s32 $0xC0;
	s23 =	rddreg [dreg:$0x10];
	[sflag:s4] =	ssyncadd.s32 $0xFFFFFF40  }
0x224: {  	[tilespmem:s24], [sflag:$0x8] =	stream.linear.gather [hbm4b:s23+s1], $0xC0, $0x38;
	[tilespmem:$0x1B890] =	vst v63  }
0x225: {  	s28 =	simm.s32 $0x40;
	s29 =	simm.s32 $0x4A00;
	_ =	swait.ge [sflag:s4], $0xC0  }
0x226: {  	s2 =	simm.s32 $0x0;
	[sflag:s4] =	ssyncset.done $0x0;
	s25 =	rddreg [dreg:$0x6]  }
0x227: {  	s0 =	simm.s32 $0x8A80;
	s5 =	rddreg [dreg:$0x11];
	[sflag:s4] =	ssyncadd.s32 $0xFFFFFF40  }
0x228: {  	[tilespmem:s29], [sflag:$0x3] =	stream.indirect.gather [hbm4b:s25+s28], $0x80, s1, s28, $0xb8;
	[tilespmem:$0x1B890] =	vst v63  }
.LBB2_20:
0x229: {  	p1 =	sne.s32 s2, $0x7E  }
.Ltmp9:
0x22a: {  	_ = 	snop;
	(pc) =	sbr.rel @p1 .LBB2_20-.Ltmp9, $4  }
0x22b: {  	_ = 	snop  }
0x22c: {  	s4 =	sadd.s32 s2, s5  }
0x22d: {  	[tilespmem:s0], [sflag:$0x4] =	stream.linear.gather [hbm4b:s4+s1], $0x10, $0x38;
	[tilespmem:$0x1B890] =	vst v63  }
0x22e: {  	s2 =	sadd.s32 $0x2, s2;
	s0 =	sadd.s32 $0x98, s0  }
0x22f: {  	p1 =	por $0x1, $0x1;
	p2 =	por $0x0, $0x0  }
.LBB2_22:
0x230: {  	s0 =	simm.s32 $0x3  }
0x231: {  	_ =	swait.ge [sflag:s0], $0x2000  }
0x232: {  	[sflag:s0] =	ssyncset.done $0x0  }
0x233: {  	s29 =	simm.s32 $0x4;
	[sflag:s0] =	ssyncadd.s32 $0xFFFFE000  }
0x234: {  	p3 =	slt.u32 s1, $0x2;
	_ =	swait.ge [sflag:s29], $0x400  }
.Ltmp10:
0x235: {  	[sflag:s29] =	ssyncset.done $0x0;
	(pc) =	sbr.rel @p3 .LBB2_25-.Ltmp10, $4  }
0x236: {  	s0 =	simm.s32 @!p3 $0x5;
	[sflag:s29] =	ssyncadd.s32 $0xFFFFFC00  }
0x237: {  	_ =	swait.ge @!p3 [sflag:s0], $0x2600  }
0x238: {  	[sflag:s0] =	ssyncset.done @!p3 $0x0  }
0x239: {  	s5 =	sadd.s32 $0x1, s1;
	[sflag:s0] =	ssyncadd.s32 @!p3 $0xFFFFDA00  }
0x23a: {  	p3 =	seq.s32 s1, $0x9D  }
.Ltmp11:
0x23b: {  	_ = 	snop;
	(pc) =	sbr.rel @p3 .LBB2_28-.Ltmp11, $1  }
0x23c: {  	_ =	sdelay $0x3  }
0x23d: {  	s0 =	simm.s32 $0x6  }
0x23e: {  	_ =	swait.ge [sflag:s0], $0x40  }
0x23f: {  	[sflag:s0] =	ssyncset.done $0x0  }
0x240: {  	s29 =	simm.s32 $0x7;
	[sflag:s0] =	ssyncadd.s32 $0xFFFFFFC0  }
0x241: {  	_ =	swait.ge [sflag:s29], $0x40  }
0x242: {  	[sflag:s29] =	ssyncset.done $0x0  }
0x243: {  	[sflag:s29] =	ssyncadd.s32 $0xFFFFFFC0  }
.LBB2_25:
0x244: {  	s0 =	sand.u32 $0xFF, s5  }
0x245: {  	s0 =	smul.u32 $0xAB, s0;
	_ =	sdelay $0x1  }
0x246: {  	s0 =	sshrl.u32 s0, $0x9  }
0x247: {  	s2 =	sand.u32 $0x1, s5;
	s0 =	smul.u32 $0x3, s0  }
0x248: {  	s4 =	simm.s32 $0x1;
	s6 =	rddreg [dreg:$0x6];
	s7 =	simm.s32 $0x40  }
0x249: {  	s25 =	sshll.u32 s5, $0xA;
	s28 =	rddreg [dreg:$0x12];
	s0 =	ssub.s32 s5, s0  }
0x24a: {  	s2 =	sshll.u32 s2, $0xD;
	s4 =	simm.s32 @!p1 $0x0;
	s0 =	sand.u32 $0xFF, s0  }
0x24b: {  	s2 =	sor.u32 $0x4A00, s2;
	s24 =	smul.u32 $0x9800, s4;
	s0 =	sshll.u32 s0, $0x6  }
0x24c: {  	[tilespmem:s2], [sflag:$0x3] =	stream.indirect.gather [hbm4b:s6+s7], $0x80, s0, s7, $0xb8;
	[tilespmem:$0x1B890] =	vst v63  }
0x24d: {  	s2 =	sadd.s32 s28, s25  }
0x24e: {  	s29 =	rddreg [dreg:$0x7];
	s0 =	sshrl.u32 s24, $0x2;
	s2 =	sshrl.u32 s2, $0x3  }
0x24f: {  	s0 =	sadd.s32 $0x8A80, s0;
	s2 =	sadd.s32 s29, s2  }
0x250: {  	s4 =	simm.s32 $0x2;
	s6 =	sadd.s32 $0x98, s0;
	s7 =	sadd.s32 $0x0, s2  }
.LBB2_26:
0x251: {  	[tilespmem:s0], [sflag:$0x4] =	stream.linear.gather [hbm4b:s7+s3], $0x10, $0x38;
	[tilespmem:$0x1B890] =	vst v63  }
0x252: {  	s7 =	smov.u32 s4;
	s0 =	smov.u32 s6;
	p3 =	sne.s32 s4, $0x7E  }
.Ltmp12:
0x253: {  	s4 =	sadd.s32 $0x2, s4;
	(pc) =	sbr.rel @p3 .LBB2_26-.Ltmp12, $2  }
0x254: {  	_ =	sdelay $0x2  }
0x255: {  	s6 =	sadd.s32 $0x98, s6;
	s7 =	sadd.s32 s7, s2  }
0x256: {  	[tilespmem:s0], [sflag:$0x4] =	stream.linear.gather [hbm4b:s7+s3], $0x10, $0x38;
	[tilespmem:$0x1B890] =	vst v63  }
.LBB2_28:
0x257: {  	s0 =	simm.s32 $0x1;
	s2 =	smulhi.u32 $0xAAAAAAAB, s1;
	s25 =	sand.u32 $0x1, s1  }
0x258: {  	s0 =	simm.s32 @!p2 $0x0;
	s7 =	smul.u32 $0x9800, s25  }
0x259: {  	s4 =	smul.u32 $0x9800, s0;
	s2 =	sshrl.u32 s2, $0x1  }
0x25a: {  	s0 =	sshll.u32 s0, $0xD;
	s2 =	smul.u32 $0x3, s2  }
0x25b: {  	s28 =	sshll.u32 s1, $0x6;
	s16 =	simm.s32 $0x0;
	s6 =	sor.u32 $0x4A80, s0  }
0x25c: {  	s0 =	sshll.u32 s25, $0x6;
	s29 =	sshrl.u32 s7, $0x2;
	s2 =	ssub.s32 s1, s2  }
0x25d: {  	v25 =	vmov s25;
	s24 =	sshrl.u32 s4, $0x2;
	s4 =	sand.u32 $0x3FFFFFC0, s28;
	s2 =	sshll.u32 s2, $0x6  }
0x25e: {  	v25 =	vmul.u32 $0x2600, v25;
	s13 =	sor.u32 $0x180, s0;
	s4 =	sadd.s32 $0xD600, s4;
	s2 =	sadd.s32 $0xC0, s2  }
0x25f: {  	s17 =	simm.s32 $0x0;
	s15 =	sadd.s32 $0x8A00, s29;
	s12 =	sadd.s32 $0x8A98, s24;
	v28 =	vmov s13;
	v27 =	vmov s4;
	v26 =	vmov s2  }
.LBB2_29:
0x260: {  	_ =	sdelay $0x2  }
0x261: {  	s21 =	sshll.u32 s17, $0x4  }
0x262: {  	v29 =	vld.idx.msk [tilespmem:v26+s21+$0x0 ss:$0x1], $0xffff;
	_ =	sdelay $0x4  }
0x263: {  	v29 =	vadd.s32 $0xFFFFEC78, v29  }
0x264: {  	v30 =	vld.idx.msk [tilespmem:v27+s21+$0x0 ss:$0x1], $0xffff;
	vm0 =	vlt.u32 v29, $0x1388  }
0x265: {  	v29 =	vnsel vm0, $0x0, v29  }
0x266: {  	[tilespmem:v28+s21+$0x0 ss:$0x1] =	vst.idx.msk $0xffff, v29  }
0x267: {  	v31 =	vld [tilespmem:s6+$0xFFFFFF80];
	_ =	sdelay $0x1  }
0x268: {  	v29 =	vnsel vm0, $0x0, v30;
	v30 =	vmov s16  }
0x269: {  	v32 =	vperm.xlane v29, v30;
	_ =	sdelay $0x1  }
0x26a: {  	v30 =	vmul.f32 v31, v32;
	_ =	sdelay $0x1  }
0x26b: {  	[tilespmem:s12+$0xFFFFFF68] =	vst v30  }
0x26c: {  	v30 =	vld [tilespmem:s6+$0xFFFFFF90];
	_ =	sdelay $0x4  }
0x26d: {  	v30 =	vmul.f32 v30, v32;
	_ =	sdelay $0x1  }
0x26e: {  	[tilespmem:s12+$0xFFFFFF78] =	vst v30  }
0x26f: {  	v30 =	vld [tilespmem:s6+$0xFFFFFFA0];
	_ =	sdelay $0x3  }
0x270: {  	s11 =	sadd.s32 $0x100, s6  }
0x271: {  	v31 =	vld [tilespmem:s11+$0xFFFFFF80];
	v30 =	vmul.f32 v30, v32  }
0x272: {  	s0 =	simm.s32 $0x2  }
0x273: {  	[tilespmem:s12+$0xFFFFFF88] =	vst v30;
	v30 =	vmov s0  }
0x274: {  	v33 =	vld [tilespmem:s6+$0xFFFFFFB0];
	v34 =	vperm.xlane v29, v30;
	_ =	sdelay $0x1  }
0x275: {  	v30 =	vmul.f32 v31, v34  }
0x276: {  	s2 =	sadd.s32 $0x130, s12  }
0x277: {  	[tilespmem:s2+$0xFFFFFF68] =	vst v30  }
0x278: {  	v30 =	vmul.f32 v33, v32;
	v31 =	vld [tilespmem:s11+$0xFFFFFF90];
	_ =	sdelay $0x1  }
0x279: {  	[tilespmem:s12+$0xFFFFFF98] =	vst v30  }
0x27a: {  	v30 =	vld [tilespmem:s6+$0xFFFFFFC0];
	_ =	sdelay $0x1  }
0x27b: {  	v31 =	vmul.f32 v31, v34;
	_ =	sdelay $0x1  }
0x27c: {  	[tilespmem:s2+$0xFFFFFF78] =	vst v31  }
0x27d: {  	v30 =	vmul.f32 v30, v32;
	v31 =	vld [tilespmem:s11+$0xFFFFFFA0];
	_ =	sdelay $0x1  }
0x27e: {  	[tilespmem:s12+$0xFFFFFFA8] =	vst v30  }
0x27f: {  	v30 =	vld [tilespmem:s6+$0xFFFFFFD0];
	_ =	sdelay $0x1  }
0x280: {  	s19 =	sadd.s32 $0x100, s11;
	v31 =	vmul.f32 v31, v34  }
0x281: {  	v59 =	vld [tilespmem:s19+$0xFFFFFF80]  }
0x282: {  	s25 =	simm.s32 $0x4;
	[tilespmem:s2+$0xFFFFFF88] =	vst v31  }
0x283: {  	v31 =	vmov s25;
	v30 =	vmul.f32 v30, v32;
	v36 =	vld [tilespmem:s11+$0xFFFFFFB0]  }
0x284: {  	v40 =	vperm.xlane v29, v31  }
0x285: {  	[tilespmem:s12+$0xFFFFFFB8] =	vst v30  }
0x286: {  	v31 =	vmul.f32 v59, v40;
	v30 =	vld [tilespmem:s6+$0xFFFFFFE0]  }
0x287: {  	s8 =	sadd.s32 $0x130, s2  }
0x288: {  	[tilespmem:s8+$0xFFFFFF68] =	vst v31;
	v31 =	vmul.f32 v36, v34;
	_ =	sdelay $0x1  }
0x289: {  	v60 =	vld [tilespmem:s19+$0xFFFFFF90];
	[tilespmem:s2+$0xFFFFFF98] =	vst v31  }
0x28a: {  	v30 =	vmul.f32 v30, v32;
	v31 =	vld [tilespmem:s11+$0xFFFFFFC0];
	_ =	sdelay $0x1  }
0x28b: {  	v61 =	vld [tilespmem:s12+$0xFFFFFFE8];
	[tilespmem:s12+$0xFFFFFFC8] =	vst v30  }
0x28c: {  	v37 =	vld [tilespmem:s6+$0xFFFFFFF0]  }
0x28d: {  	v33 =	vmul.f32 v60, v40  }
0x28e: {  	v31 =	vmul.f32 v31, v34  }
0x28f: {  	[tilespmem:s8+$0xFFFFFF78] =	vst v33  }
0x290: {  	v33 =	vld [tilespmem:s19+$0xFFFFFFA0];
	[tilespmem:s2+$0xFFFFFFA8] =	vst v31;
	v31 =	vmul.f32 v61, v32  }
0x291: {  	v32 =	vmul.f32 v37, v32  }
0x292: {  	v62 =	vld [tilespmem:s11+$0xFFFFFFD0];
	[tilespmem:s12+$0xFFFFFFE8] =	vst v31  }
0x293: {  	[tilespmem:s12+$0xFFFFFFD8] =	vst v32  }
0x294: {  	v63 =	vld [tilespmem:s6+$0x0]  }
0x295: {  	s29 =	simm.s32 $0x1;
	s7 =	sadd.s32 $0x100, s19;
	v31 =	vmul.f32 v33, v40  }
0x296: {  	v41 =	vmov s29;
	v38 =	vld [tilespmem:s7+$0xFFFFFF80]  }
0x297: {  	s20 =	simm.s32 $0x6;
	v32 =	vperm.xlane v29, v41;
	[tilespmem:s8+$0xFFFFFF88] =	vst v31;
	v31 =	vmul.f32 v62, v34  }
0x298: {  	v43 =	vmov s20;
	v42 =	vld [tilespmem:s19+$0xFFFFFFB0]  }
0x299: {  	v37 =	vperm.xlane v29, v43;
	[tilespmem:s2+$0xFFFFFFB8] =	vst v31;
	v33 =	vmul.f32 v63, v32  }
0x29a: {  	v31 =	vld [tilespmem:s11+$0xFFFFFFE0]  }
0x29b: {  	v38 =	vmul.f32 v38, v37;
	[tilespmem:s12+$0x0] =	vst v33  }
0x29c: {  	s14 =	sadd.s32 $0x130, s8;
	v45 =	vld [tilespmem:s6+$0x10]  }
0x29d: {  	[tilespmem:s14+$0xFFFFFF68] =	vst v38;
	v44 =	vmul.f32 v42, v40  }
0x29e: {  	v38 =	vld [tilespmem:s7+$0xFFFFFF90]  }
0x29f: {  	[tilespmem:s8+$0xFFFFFF98] =	vst v44;
	v31 =	vmul.f32 v31, v34  }
0x2a0: {  	v33 =	vld [tilespmem:s19+$0xFFFFFFC0]  }
0x2a1: {  	v41 =	vld [tilespmem:s2+$0xFFFFFFE8];
	[tilespmem:s2+$0xFFFFFFC8] =	vst v31;
	v36 =	vmul.f32 v45, v32  }
0x2a2: {  	v42 =	vld [tilespmem:s11+$0xFFFFFFF0]  }
0x2a3: {  	v38 =	vmul.f32 v38, v37;
	[tilespmem:s12+$0x10] =	vst v36  }
0x2a4: {  	v36 =	vld [tilespmem:s6+$0x20]  }
0x2a5: {  	[tilespmem:s14+$0xFFFFFF78] =	vst v38;
	v33 =	vmul.f32 v33, v40  }
0x2a6: {  	v46 =	vmul.f32 v41, v34;
	v38 =	vld [tilespmem:s7+$0xFFFFFFA0]  }
0x2a7: {  	[tilespmem:s8+$0xFFFFFFA8] =	vst v33;
	v34 =	vmul.f32 v42, v34  }
0x2a8: {  	[tilespmem:s2+$0xFFFFFFE8] =	vst v46;
	v47 =	vld [tilespmem:s19+$0xFFFFFFD0]  }
0x2a9: {  	[tilespmem:s2+$0xFFFFFFD8] =	vst v34;
	v48 =	vmul.f32 v36, v32  }
0x2aa: {  	s9 =	sadd.s32 $0x100, s7;
	v34 =	vld [tilespmem:s11+$0x0]  }
0x2ab: {  	s4 =	simm.s32 $0x3;
	v50 =	vld [tilespmem:s9+$0xFFFFFF80];
	v49 =	vmul.f32 v38, v37;
	[tilespmem:s12+$0x20] =	vst v48  }
0x2ac: {  	v51 =	vmov s4;
	s0 =	simm.s32 $0x8;
	v52 =	vld [tilespmem:s6+$0x30]  }
0x2ad: {  	v53 =	vmov s0;
	[tilespmem:s14+$0xFFFFFF88] =	vst v49;
	v33 =	vperm.xlane v29, v51;
	v41 =	vmul.f32 v47, v40  }
0x2ae: {  	v38 =	vperm.xlane v29, v53;
	v43 =	vld [tilespmem:s7+$0xFFFFFFB0]  }
0x2af: {  	[tilespmem:s8+$0xFFFFFFB8] =	vst v41;
	v34 =	vmul.f32 v34, v33  }
0x2b0: {  	v42 =	vmul.f32 v50, v38;
	v41 =	vld [tilespmem:s19+$0xFFFFFFE0]  }
0x2b1: {  	s4 =	sadd.s32 $0x130, s14;
	v35 =	vld [tilespmem:s12+$0x80];
	[tilespmem:s2+$0x0] =	vst v34;
	v54 =	vmul.f32 v52, v32  }
0x2b2: {  	[tilespmem:s4+$0xFFFFFF68] =	vst v42;
	v55 =	vld [tilespmem:s11+$0x10]  }
0x2b3: {  	v57 =	vld [tilespmem:s9+$0xFFFFFF90];
	v56 =	vmul.f32 v43, v37;
	[tilespmem:s12+$0x30] =	vst v54  }
0x2b4: {  	v59 =	vld [tilespmem:s6+$0x40]  }
0x2b5: {  	v39 =	vld [tilespmem:s2+$0x80];
	[tilespmem:s14+$0xFFFFFF98] =	vst v56;
	v58 =	vmul.f32 v41, v40  }
0x2b6: {  	v42 =	vld [tilespmem:s7+$0xFFFFFFC0]  }
0x2b7: {  	v44 =	vld [tilespmem:s8+$0xFFFFFFE8];
	[tilespmem:s8+$0xFFFFFFC8] =	vst v58;
	v36 =	vmul.f32 v55, v33  }
0x2b8: {  	v43 =	vmul.f32 v57, v38;
	v45 =	vld [tilespmem:s19+$0xFFFFFFF0]  }
0x2b9: {  	v30 =	vld [tilespmem:s8+$0x80];
	[tilespmem:s2+$0x10] =	vst v36;
	v60 =	vmul.f32 v59, v32  }
0x2ba: {  	[tilespmem:s4+$0xFFFFFF78] =	vst v43;
	v61 =	vld [tilespmem:s11+$0x20]  }
0x2bb: {  	v43 =	vld [tilespmem:s9+$0xFFFFFFA0];
	v42 =	vmul.f32 v42, v37;
	[tilespmem:s12+$0x40] =	vst v60  }
0x2bc: {  	v62 =	vmul.f32 v44, v40;
	v46 =	vld [tilespmem:s6+$0x50]  }
0x2bd: {  	v31 =	vld [tilespmem:s14+$0x80];
	[tilespmem:s14+$0xFFFFFFA8] =	vst v42;
	v40 =	vmul.f32 v45, v40  }
0x2be: {  	[tilespmem:s8+$0xFFFFFFE8] =	vst v62;
	v42 =	vld [tilespmem:s7+$0xFFFFFFD0]  }
0x2bf: {  	v34 =	vld [tilespmem:s4+$0x80];
	[tilespmem:s8+$0xFFFFFFD8] =	vst v40;
	v63 =	vmul.f32 v61, v33  }
0x2c0: {  	s10 =	sadd.s32 $0x100, s9;
	v43 =	vmul.f32 v43, v38;
	v36 =	vmul.f32 v35, v32;
	v41 =	vld [tilespmem:s19+$0x0]  }
0x2c1: {  	s18 =	simm.s32 $0x5;
	s28 =	simm.s32 $0xC;
	s24 =	smov.u32 s6;
	v44 =	vld [tilespmem:s10+$0xFFFFFF80];
	v35 =	vmul.f32 v39, v33;
	[tilespmem:s2+$0x20] =	vst v63;
	v39 =	vmul.f32 v46, v32  }
0x2c2: {  	s23 =	smov.u32 s4;
	s25 =	simm.s32 $0xA;
	[tilespmem:s4+$0xFFFFFF88] =	vst v43;
	v43 =	vmov s18;
	s18 =	smov.u32 s12;
	v40 =	vld [tilespmem:s11+$0x30]  }
.LBB2_30:
0x2c3: {  	p3 =	slt.u32 s28, $0xE;
	v45 =	vmov s25;
	v46 =	vld [tilespmem:s9+$0xFFFFFFB0];
	v42 =	vmul.f32 v42, v37;
	v43 =	vperm.xlane v29, v43;
	[tilespmem:s18+$0x50] =	vst v39  }
0x2c4: {  	v39 =	vperm.xlane v29, v45;
	v45 =	vld [tilespmem:s24+$0x60]  }
0x2c5: {  	[tilespmem:s14+$0xFFFFFFB8] =	vst v42;
	v41 =	vmul.f32 v41, v43;
	v42 =	vmul.f32 v30, v43;
	v30 =	vmovc v31;
	v31 =	vmov v34  }
0x2c6: {  	v34 =	vmul.f32 v44, v39;
	v44 =	vld [tilespmem:s7+$0xFFFFFFE0]  }
0x2c7: {  	s4 =	sadd.s32 $0x130, s4;
	[tilespmem:s8+$0x0] =	vst v41;
	v40 =	vmul.f32 v40, v33  }
0x2c8: {  	[tilespmem:s4+$0xFFFFFF68] =	vst v34;
	v34 =	vmul.f32 v46, v38;
	v41 =	vld [tilespmem:s19+$0x10]  }
0x2c9: {  	v46 =	vld [tilespmem:s10+$0xFFFFFF90];
	[tilespmem:s2+$0x30] =	vst v40;
	v40 =	vmul.f32 v45, v32  }
0x2ca: {  	[tilespmem:s23+$0xFFFFFF98] =	vst v34;
	v45 =	vld [tilespmem:s11+$0x40]  }
0x2cb: {  	v47 =	vld [tilespmem:s9+$0xFFFFFFC0];
	v34 =	vmul.f32 v44, v37;
	[tilespmem:s18+$0x60] =	vst v40  }
0x2cc: {  	v40 =	vld [tilespmem:s24+$0x70];
	[tilespmem:s18+$0x80] =	vst v36;
	v36 =	vmov v35;
	v35 =	vmov v42;
	s24 =	smov.u32 s11;
	s11 =	smov.u32 s19;
	s19 =	smov.u32 s7  }
0x2cd: {  	s7 =	smov.u32 s9;
	s9 =	smov.u32 s10;
	[tilespmem:s14+$0xFFFFFFC8] =	vst v34;
	v42 =	vld [tilespmem:s14+$0xFFFFFFE8];
	v41 =	vmul.f32 v41, v43  }
0x2ce: {  	v44 =	vmul.f32 v46, v39;
	v46 =	vld [tilespmem:s19+$0xFFFFFFF0]  }
0x2cf: {  	v34 =	vld [tilespmem:s4+$0x80];
	[tilespmem:s8+$0x10] =	vst v41;
	v41 =	vmul.f32 v45, v33  }
0x2d0: {  	[tilespmem:s4+$0xFFFFFF78] =	vst v44;
	v44 =	vmul.f32 v47, v38;
	v45 =	vld [tilespmem:s11+$0x20]  }
0x2d1: {  	v47 =	vld [tilespmem:s10+$0xFFFFFFA0];
	[tilespmem:s2+$0x40] =	vst v41;
	v40 =	vmul.f32 v40, v32;
	v32 =	vmov v33;
	v33 =	vmov v43  }
0x2d2: {  	[tilespmem:s23+$0xFFFFFFA8] =	vst v44;
	v41 =	vmul.f32 v42, v37;
	v43 =	vld [tilespmem:s24+$0x50]  }
0x2d3: {  	v44 =	vmul.f32 v46, v37;
	[tilespmem:s18+$0x70] =	vst v40;
	v37 =	vmov v38;
	v38 =	vmov v39;
	s18 =	smov.u32 s2;
	s2 =	smov.u32 s8;
	s8 =	smov.u32 s14  }
.Ltmp13:
0x2d4: {  	s14 =	smov.u32 s23;
	s23 =	smov.u32 s4;
	v42 =	vld [tilespmem:s7+$0xFFFFFFD0];
	[tilespmem:s8+$0xFFFFFFE8] =	vst v41;
	(pc) =	sbr.rel @p3 .LBB2_30-.Ltmp13, $4  }
0x2d5: {  	[tilespmem:s8+$0xFFFFFFD8] =	vst v44;
	v39 =	vmul.f32 v45, v33  }
0x2d6: {  	s10 =	sadd.s32 $0x100, s10;
	v40 =	vmul.f32 v47, v38;
	v41 =	vld [tilespmem:s19+$0x0]  }
0x2d7: {  	s29 =	sadd.s32 $0x1, s20;
	s20 =	smov.u32 s0;
	s0 =	smov.u32 s25;
	v44 =	vld [tilespmem:s10+$0xFFFFFF80];
	[tilespmem:s2+$0x20] =	vst v39;
	v39 =	vmul.f32 v43, v32  }
0x2d8: {  	s25 =	smov.u32 s28;
	s28 =	sadd.s32 $0x2, s28;
	v43 =	vmov s29;
	[tilespmem:s4+$0xFFFFFF88] =	vst v40;
	v40 =	vld [tilespmem:s11+$0x30]  }
0x2d9: {  	v45 =	vmov s25  }
0x2da: {  	v45 =	vperm.xlane v29, v45;
	_ =	sdelay $0x1  }
0x2db: {  	v44 =	vmul.f32 v44, v45  }
0x2dc: {  	s4 =	sadd.s32 $0x130, s4  }
0x2dd: {  	[tilespmem:s4+$0xFFFFFF68] =	vst v44  }
0x2de: {  	v44 =	vld [tilespmem:s10+$0xFFFFFF90];
	_ =	sdelay $0x4  }
0x2df: {  	v44 =	vmul.f32 v44, v45;
	_ =	sdelay $0x1  }
0x2e0: {  	[tilespmem:s4+$0xFFFFFF78] =	vst v44  }
0x2e1: {  	v44 =	vld [tilespmem:s10+$0xFFFFFFA0];
	_ =	sdelay $0x3  }
0x2e2: {  	v46 =	vld [tilespmem:s9+$0xFFFFFFB0]  }
0x2e3: {  	v44 =	vmul.f32 v44, v45;
	_ =	sdelay $0x1  }
0x2e4: {  	[tilespmem:s4+$0xFFFFFF88] =	vst v44  }
0x2e5: {  	v44 =	vld [tilespmem:s10+$0xFFFFFFB0]  }
0x2e6: {  	v46 =	vmul.f32 v46, v38;
	_ =	sdelay $0x1  }
0x2e7: {  	[tilespmem:s23+$0xFFFFFF98] =	vst v46  }
0x2e8: {  	v46 =	vld [tilespmem:s9+$0xFFFFFFC0]  }
0x2e9: {  	v44 =	vmul.f32 v44, v45;
	_ =	sdelay $0x1  }
0x2ea: {  	[tilespmem:s4+$0xFFFFFF98] =	vst v44  }
0x2eb: {  	v44 =	vld [tilespmem:s10+$0xFFFFFFC0]  }
0x2ec: {  	v46 =	vmul.f32 v46, v38;
	_ =	sdelay $0x1  }
0x2ed: {  	[tilespmem:s23+$0xFFFFFFA8] =	vst v46  }
0x2ee: {  	v46 =	vld [tilespmem:s9+$0xFFFFFFD0]  }
0x2ef: {  	v44 =	vmul.f32 v44, v45;
	_ =	sdelay $0x1  }
0x2f0: {  	[tilespmem:s4+$0xFFFFFFA8] =	vst v44  }
0x2f1: {  	v44 =	vld [tilespmem:s10+$0xFFFFFFD0]  }
0x2f2: {  	v57 =	vmul.f32 v46, v38  }
0x2f3: {  	v42 =	vmul.f32 v42, v37  }
0x2f4: {  	[tilespmem:s23+$0xFFFFFFB8] =	vst v57  }
0x2f5: {  	[tilespmem:s14+$0xFFFFFFB8] =	vst v42;
	v42 =	vld [tilespmem:s9+$0xFFFFFFE0]  }
0x2f6: {  	v58 =	vld [tilespmem:s7+$0xFFFFFFE0];
	v44 =	vmul.f32 v44, v45;
	_ =	sdelay $0x1  }
0x2f7: {  	[tilespmem:s4+$0xFFFFFFB8] =	vst v44  }
0x2f8: {  	v60 =	vld [tilespmem:s10+$0xFFFFFFE0]  }
0x2f9: {  	v42 =	vmul.f32 v42, v38  }
0x2fa: {  	v59 =	vmul.f32 v58, v37  }
0x2fb: {  	v62 =	vld [tilespmem:s23+$0xFFFFFFE8];
	[tilespmem:s23+$0xFFFFFFC8] =	vst v42  }
0x2fc: {  	[tilespmem:s14+$0xFFFFFFC8] =	vst v59;
	v48 =	vld [tilespmem:s9+$0xFFFFFFF0]  }
0x2fd: {  	v47 =	vld [tilespmem:s7+$0xFFFFFFF0];
	v46 =	vmul.f32 v60, v45  }
0x2fe: {  	v61 =	vld [tilespmem:s14+$0xFFFFFFE8]  }
0x2ff: {  	v63 =	vld [tilespmem:s4+$0xFFFFFFE8];
	[tilespmem:s4+$0xFFFFFFC8] =	vst v46  }
0x300: {  	v42 =	vmul.f32 v62, v38;
	v49 =	vld [tilespmem:s10+$0xFFFFFFF0]  }
0x301: {  	v48 =	vmul.f32 v48, v38  }
0x302: {  	v47 =	vmul.f32 v47, v37;
	[tilespmem:s23+$0xFFFFFFE8] =	vst v42  }
0x303: {  	[tilespmem:s23+$0xFFFFFFD8] =	vst v48;
	v44 =	vmul.f32 v61, v37  }
0x304: {  	v51 =	vmul.f32 v63, v45;
	[tilespmem:s14+$0xFFFFFFD8] =	vst v47;
	v54 =	vld [tilespmem:s9+$0x0]  }
0x305: {  	s0 =	sadd.s32 $0x1, s0;
	[tilespmem:s14+$0xFFFFFFE8] =	vst v44;
	v52 =	vmul.f32 v49, v45  }
0x306: {  	v55 =	vmov s0;
	v50 =	vld [tilespmem:s7+$0x0];
	[tilespmem:s4+$0xFFFFFFE8] =	vst v51  }
0x307: {  	s20 =	sadd.s32 $0x1, s20;
	v37 =	vperm.xlane v29, v55;
	[tilespmem:s4+$0xFFFFFFD8] =	vst v52  }
0x308: {  	v43 =	vperm.xlane v29, v43;
	v53 =	vmov s20;
	v56 =	vld [tilespmem:s10+$0x0]  }
0x309: {  	s29 =	sadd.s32 $0x1, s25;
	v42 =	vperm.xlane v29, v53;
	v58 =	vmul.f32 v54, v37  }
0x30a: {  	v41 =	vmul.f32 v41, v43;
	v57 =	vmov s29  }
0x30b: {  	[tilespmem:s23+$0x0] =	vst v58;
	v38 =	vmul.f32 v50, v42;
	v45 =	vperm.xlane v29, v57  }
0x30c: {  	[tilespmem:s8+$0x0] =	vst v41;
	v61 =	vld [tilespmem:s9+$0x10]  }
0x30d: {  	v41 =	vld [tilespmem:s19+$0x10];
	[tilespmem:s14+$0x0] =	vst v38;
	v60 =	vmul.f32 v56, v45  }
0x30e: {  	v59 =	vld [tilespmem:s7+$0x10]  }
0x30f: {  	[tilespmem:s4+$0x0] =	vst v60  }
0x310: {  	v38 =	vld [tilespmem:s10+$0x10]  }
0x311: {  	v48 =	vmul.f32 v61, v37  }
0x312: {  	v41 =	vmul.f32 v41, v43  }
0x313: {  	[tilespmem:s23+$0x10] =	vst v48;
	v62 =	vmul.f32 v59, v42  }
0x314: {  	[tilespmem:s8+$0x10] =	vst v41;
	v41 =	vld [tilespmem:s9+$0x20]  }
0x315: {  	v63 =	vld [tilespmem:s19+$0x20];
	[tilespmem:s14+$0x10] =	vst v62;
	v38 =	vmul.f32 v38, v45  }
0x316: {  	v49 =	vld [tilespmem:s7+$0x20]  }
0x317: {  	[tilespmem:s4+$0x10] =	vst v38  }
0x318: {  	v38 =	vld [tilespmem:s10+$0x20]  }
0x319: {  	v41 =	vmul.f32 v41, v37  }
0x31a: {  	v46 =	vmul.f32 v63, v43  }
0x31b: {  	[tilespmem:s23+$0x20] =	vst v41;
	v44 =	vmul.f32 v49, v42  }
0x31c: {  	v40 =	vmul.f32 v40, v33;
	[tilespmem:s8+$0x20] =	vst v46;
	v50 =	vld [tilespmem:s9+$0x30]  }
0x31d: {  	v46 =	vld [tilespmem:s19+$0x30];
	[tilespmem:s14+$0x20] =	vst v44;
	v38 =	vmul.f32 v38, v45  }
0x31e: {  	[tilespmem:s2+$0x30] =	vst v40;
	v44 =	vld [tilespmem:s7+$0x30]  }
0x31f: {  	v51 =	vld [tilespmem:s11+$0x40];
	[tilespmem:s4+$0x20] =	vst v38  }
0x320: {  	v38 =	vld [tilespmem:s10+$0x30]  }
0x321: {  	v40 =	vmul.f32 v50, v37  }
0x322: {  	v46 =	vmul.f32 v46, v43  }
0x323: {  	[tilespmem:s23+$0x30] =	vst v40;
	v44 =	vmul.f32 v44, v42  }
0x324: {  	[tilespmem:s8+$0x30] =	vst v46;
	v41 =	vmul.f32 v51, v33;
	v40 =	vld [tilespmem:s9+$0x40]  }
0x325: {  	v46 =	vld [tilespmem:s19+$0x40];
	[tilespmem:s14+$0x30] =	vst v44;
	v38 =	vmul.f32 v38, v45  }
0x326: {  	[tilespmem:s2+$0x40] =	vst v41;
	v44 =	vld [tilespmem:s7+$0x40]  }
0x327: {  	v41 =	vld [tilespmem:s11+$0x50];
	[tilespmem:s4+$0x30] =	vst v38  }
0x328: {  	v38 =	vld [tilespmem:s10+$0x40]  }
0x329: {  	[tilespmem:s18+$0x50] =	vst v39;
	v40 =	vmul.f32 v40, v37  }
0x32a: {  	v53 =	vld [tilespmem:s24+$0x60];
	v46 =	vmul.f32 v46, v43  }
0x32b: {  	[tilespmem:s23+$0x40] =	vst v40;
	v44 =	vmul.f32 v44, v42  }
0x32c: {  	[tilespmem:s8+$0x40] =	vst v46;
	v41 =	vmul.f32 v41, v33;
	v40 =	vld [tilespmem:s9+$0x50]  }
0x32d: {  	v52 =	vld [tilespmem:s19+$0x50];
	[tilespmem:s14+$0x40] =	vst v44;
	v38 =	vmul.f32 v38, v45  }
0x32e: {  	[tilespmem:s2+$0x50] =	vst v41;
	v44 =	vld [tilespmem:s7+$0x50]  }
0x32f: {  	v54 =	vmul.f32 v53, v32;
	v41 =	vld [tilespmem:s11+$0x60];
	[tilespmem:s4+$0x40] =	vst v38  }
0x330: {  	v55 =	vld [tilespmem:s10+$0x50]  }
0x331: {  	[tilespmem:s18+$0x60] =	vst v54;
	v59 =	vmul.f32 v40, v37  }
0x332: {  	v58 =	vld [tilespmem:s24+$0x70];
	v39 =	vmul.f32 v52, v43  }
0x333: {  	[tilespmem:s23+$0x50] =	vst v59;
	v56 =	vmul.f32 v44, v42  }
0x334: {  	[tilespmem:s8+$0x50] =	vst v39;
	v60 =	vmul.f32 v41, v33;
	v63 =	vld [tilespmem:s9+$0x60]  }
0x335: {  	v57 =	vld [tilespmem:s19+$0x60];
	[tilespmem:s14+$0x50] =	vst v56;
	v62 =	vmul.f32 v55, v45  }
0x336: {  	[tilespmem:s2+$0x60] =	vst v60;
	v61 =	vld [tilespmem:s7+$0x60]  }
0x337: {  	v49 =	vmul.f32 v58, v32;
	v48 =	vld [tilespmem:s11+$0x70];
	[tilespmem:s4+$0x50] =	vst v62  }
0x338: {  	[tilespmem:s18+$0x80] =	vst v36;
	v50 =	vld [tilespmem:s10+$0x60]  }
0x339: {  	[tilespmem:s18+$0x70] =	vst v49;
	v53 =	vmul.f32 v63, v37  }
0x33a: {  	[tilespmem:s2+$0x80] =	vst v35;
	v38 =	vmul.f32 v57, v43  }
0x33b: {  	[tilespmem:s23+$0x60] =	vst v53;
	v51 =	vmul.f32 v61, v42  }
0x33c: {  	v54 =	vmul.f32 v48, v33;
	v57 =	vld [tilespmem:s9+$0x70];
	[tilespmem:s8+$0x60] =	vst v38  }
0x33d: {  	v56 =	vmov s21;
	[tilespmem:s14+$0x60] =	vst v51;
	v52 =	vld [tilespmem:s19+$0x70];
	v36 =	vmul.f32 v50, v45  }
0x33e: {  	v30 =	vmul.f32 v30, v43;
	[tilespmem:s2+$0x70] =	vst v54;
	v38 =	vmul.u32 $0x98, v56;
	v55 =	vld [tilespmem:s7+$0x70]  }
0x33f: {  	v31 =	vmul.f32 v31, v42;
	v58 =	vld [tilespmem:s4+$0x80];
	[tilespmem:s4+$0x60] =	vst v36  }
0x340: {  	v34 =	vmul.f32 v34, v37;
	[tilespmem:s8+$0x80] =	vst v30;
	v59 =	vadd.s32 v25, v38;
	v30 =	vld [tilespmem:s10+$0x70]  }
0x341: {  	v61 =	vbroadcast v59, $0x0;
	[tilespmem:s14+$0x80] =	vst v31;
	v31 =	vmul.f32 v57, v37  }
0x342: {  	s17 =	sadd.s32 $0x1, s17;
	[tilespmem:s23+$0x80] =	vst v34;
	v32 =	vmul.f32 v52, v43  }
0x343: {  	p3 =	sne.s32 s17, $0x4;
	v62 =	vadd.s32 v24, v61;
	[tilespmem:s23+$0x70] =	vst v31;
	v60 =	vmul.f32 v55, v42  }
.Ltmp14:
0x344: {  	v63 =	vmul.f32 v58, v45;
	[tilespmem:s8+$0x70] =	vst v32;
	(pc) =	sbr.rel @p3 .LBB2_29-.Ltmp14, $4  }
0x345: {  	[tilespmem:s14+$0x70] =	vst v60;
	v30 =	vmul.f32 v30, v45  }
0x346: {  	[tilespmem:s4+$0x80] =	vst v63  }
0x347: {  	[tilespmem:s4+$0x70] =	vst v30  }
0x348: {  	s6 =	sadd.s32 $0x800, s6;
	s12 =	sadd.s32 $0x980, s12;
	[tilespmem:v62+s26+$0x0] =	vst.idx.msk $0xffff, v29  }
0x349: {  	p3 =	sgt.u32 s1, $0x9A  }
0x34a: {  	s2 =	simm.s32 $0x40;
	s0 =	smul.u32 @!p3 $0xAB, s1  }
0x34b: {  	[spmem:s30] =	stream.indirect.scatter.add.f32 [tilespmem:s15], [sflag:$0x5], $0x98, s13, s2, $0xb8;
	[tilespmem:$0x1B890] =	vst v63  }
0x34c: {  	s0 =	sshrl.u32 @!p3 s0, $0x9  }
0x34d: {  	s0 =	sand.u32 @!p3 $0x7F, s0  }
0x34e: {  	s0 =	smul.u32 @!p3 $0x3, s0  }
0x34f: {  	s4 =	rddreg [dreg:$0x13];
	s2 =	sshll.u32 @!p3 s1, $0x6  }
0x350: {  	s2 =	sadd.s32 @!p3 s2, s4;
	s0 =	ssub.s32 @!p3 s1, s0  }
0x351: {  	s1 =	sshrl.u32 @!p3 s2, $0x3;
	s0 =	sand.u32 @!p3 $0xFF, s0  }
0x352: {  	s4 =	simm.s32 @!p3 $0x0;
	s2 =	sadd.s32 @!p3 s31, s1;
	s0 =	sshll.u32 @!p3 s0, $0x6  }
0x353: {  	[tilespmem:s0], [sflag:$0x6] =	stream.linear.gather @!p3 [hbm4b:s2+s4], $0x40, $0x38;
	[tilespmem:$0x1B890] =	vst v63  }
0x354: {  	s2 =	rddreg [dreg:$0x9]  }
0x355: {  	s0 =	sadd.s32 @!p3 $0xC0, s0;
	s1 =	sadd.s32 @!p3 s2, s1  }
0x356: {  	[tilespmem:s0], [sflag:$0x7] =	stream.linear.gather @!p3 [hbm4b:s1+s4], $0x40, $0x38;
	[tilespmem:$0x1B890] =	vst v63  }
0x357: {  	p3 =	sne.s32 s5, $0x9E  }
.Ltmp15:
0x358: {  	_ = 	snop;
	(pc) =	sbr.rel @p3 .LBB2_22-.Ltmp15, $3  }
0x359: {  	_ =	sdelay $0x1  }
0x35a: {  	p1 =	por !p1, !p1  }
0x35b: {  	p2 =	por !p2, !p2;
	s7 =	rddreg [dreg:$0x11];
	s1 =	smov.u32 s5  }
0x35c: {  	s0 =	simm.s32 $0x5  }
0x35d: {  	_ =	swait.ge [sflag:s0], $0x2600  }
0x35e: {  	[sflag:s0] =	ssyncset.done $0x0  }
0x35f: {  	[sflag:s0] =	ssyncadd.s32 $0xFFFFDA00  }
0x360: {  	_ =	swait.ge [sflag:s0], $0x2600  }
0x361: {  	[sflag:s0] =	ssyncset.done $0x0  }
0x362: {  	[sflag:s0] =	ssyncadd.s32 $0xFFFFDA00  }
0x363: {  	[bflag:$0x0] =	sbarrier.arrive $0xFFFF  }
0x364: {  	s28 =	rddreg [dreg:$0x16]  }
0x365: {  	s1 =	rddreg [dreg:$0x1a]  }
0x366: {  	s29 =	simm.s32 $0x8;
	s2 =	rddreg [dreg:$0x1b]  }
0x367: {  	[hbm:s28], [sflag:s1] =	dma.local [spmem:s2], $0x1728  }
0x368: {  	_ =	swait.ge [sflag:s29], $0x1728  }
0x369: {  	[sflag:s29] =	ssyncset.done $0x0;
	s0 =	rddreg [dreg:$0x17]  }
0x36a: {  	s2 =	rddreg [dreg:$0x1c];
	[sflag:s29] =	ssyncadd.s32 $0xFFFFE8D8  }
0x36b: {  	[hbm:s0], [sflag:s1] =	dma.local @!p0 [spmem:s2], $0x98  }
0x36c: {  	s0 =	simm.s32 @!p0 $0x8  }
0x36d: {  	_ =	swait.ge @!p0 [sflag:s0], $0x98  }
0x36e: {  	s30 =	rddreg [dreg:$0x19]  }
0x36f: {  	s31 =	rddreg [dreg:$0x18];
	s2 =	sadd.s32 $0x1, s30  }
0x370: {  	p1 =	sne.s32 s2, s31  }
.Ltmp16:
0x371: {  	_ = 	snop;
	(pc) =	sbr.rel @p1 .LBB2_1-.Ltmp16, $3  }
0x372: {  	_ =	sdelay $0x1  }
0x373: {  	[sflag:s0] =	ssyncset.done @!p0 $0x0  }
0x374: {  	[sflag:s0] =	ssyncadd.s32 @!p0 $0xFFFFFF68  }
0x375: {  	_ =	sfence.sel $0x180000  }
0x376: {  	[bflag:$0x0] =	sbarrier.arrive $0xFFFF  }
0x377: {  	_ =	strace $0x90000047  }
0x378: {  	s0 =	stileid.u32;
	[bflag:$0x2] =	sbarrier.arrive $0xFFFF  }
0x379: {  	p0 =	sne.s32 s0, $0x0;
	s0 =	rddreg [dreg:$0x3]  }
0x37a: {  	s0 =	sadd.s32 @!p0 $0x100000, s0  }
0x37b: {  	[sflag:s0] =	ssyncadd.tile.s32 @!p0 $0x1;
	_ =	shalt  }
.Lfunc_end2:
_tile_overlayer_lowered:
.L_overlay_start_2:
0x37c: {  	(tag) =	ssettag $0x2  }
0x37d: {  	s0 =	rddreg [dreg:$0x0];
	s2 =	stileid.u32  }
0x37e: {  	s1 =	rddreg [dreg:$0x1];
	p0 =	sne.s32 s2, $0x0  }
0x37f: {  	s3 =	rddreg [dreg:$0x2];
	[bflag:$0x3] =	sbarrier.arrive $0xFFFF;
	s2 =	simm.s32 @!p0 $0x1C08  }
0x380: {  	[timem:s3], [sflag:s2] =	dma.local @!p0 [hbm:s0], s1  }
0x381: {  	s0 =	simm.s32 @!p0 $0x8  }
0x382: {  	_ =	swait.ge @!p0 [sflag:s0], s1  }
0x383: {  	s1 =	ssub.s32 @!p0 $0x0, s1;
	[sflag:s0] =	ssyncset.done @!p0 $0x0  }
0x384: {  	[sflag:s0] =	ssyncadd.s32 @!p0 s1  }
0x385: {  	[bflag:$0x3] =	sbarrier.arrive $0xFFFF  }
0x386: {  	_ =	shalt  }

</sc_bundles>
